<compile_context>
chip_gen: v7x
topology: tpu7x:2x2x1
jax: 0.10.2.dev20260603
libtpu: 0.0.44.dev20260713+nightly
codegen_flags: <defaults>
</compile_context>

<pallas_src>
import functools

import jax
import jax.numpy as jnp
from jax import lax
from jax.experimental import pallas as pl
from jax.experimental.pallas import tpu as pltpu
from jax.experimental.pallas import tpu_sc as plsc

N = 10000
E = 640000
FEA = 67
K = 3
H1 = 16
OUT = 2

NP = 10240
NW = 32
CH = 128
SLAB = 1
NB = 8
NCH = 157
TS = NCH // SLAB
NG = TS // NB
NT = TS - NG * NB
EPT = NCH * CH
E2 = NW * EPT
STRIPE = NP // 16

F1 = 48
F2 = 16

BLK = NP
GRID = (NP // BLK,)

_f32 = jnp.float32


def _mesh():
    return plsc.VectorSubcoreMesh(core_axis_name="c", subcore_axis_name="s")


@functools.partial(
    pl.kernel,
    mesh=_mesh(),
    out_type=jax.ShapeDtypeStruct((NW, NP), _f32),
    scratch_types=[
        pltpu.VMEM((EPT,), jnp.int32),
        pltpu.VMEM((NP,), _f32),
    ],
    compiler_params=pltpu.CompilerParams(needs_layout_passes=False),
)
def _sc_degree(dst_flat, zeros_np, deg_out, idx_v, deg_v):
    wid = lax.axis_index("s") * 2 + lax.axis_index("c")
    pltpu.sync_copy(dst_flat.at[wid], idx_v)
    pltpu.sync_copy(zeros_np, deg_v)
    ones = jnp.ones((16,), _f32)

    def body(i, carry):
        dvec = idx_v[pl.ds(i * 16, 16)]
        plsc.addupdate_scatter(deg_v, [dvec], ones)
        return carry

    lax.fori_loop(0, EPT // 16, body, 0)
    pltpu.sync_copy(deg_v, deg_out.at[wid])


def _make_prop(F):
    @functools.partial(
        pl.kernel,
        mesh=_mesh(),
        out_type=jax.ShapeDtypeStruct((2, NP, F), _f32),
        scratch_types=(
            [pltpu.VMEM((NCH // SLAB, SLAB * CH), jnp.int32)] * 2
            + [pltpu.VMEM((SLAB * CH, F), _f32)] * NB
            + [pltpu.VMEM_SHARED((NP, F), _f32)]
            + [pltpu.SemaphoreType.DMA] * NB
        ),
        compiler_params=pltpu.CompilerParams(
            needs_layout_passes=False, use_tc_tiling_on_sc=False),
    )
    def prop(ys, src3, dst3, zeros_npf, out, isrc, idst, *rest):
        bufs = rest[:NB]
        acc = rest[NB]
        gsems = rest[NB + 1:2 * NB + 1]
        c = lax.axis_index("c")
        s = lax.axis_index("s")
        wid = s * 2 + c
        pltpu.sync_copy(zeros_npf.at[pl.ds(s * STRIPE, STRIPE)],
                        acc.at[pl.ds(s * STRIPE, STRIPE)])
        pltpu.sync_copy(src3.at[wid], isrc)
        pltpu.sync_copy(dst3.at[wid], idst)
        plsc.subcore_barrier()

        for b in range(NB):
            pltpu.async_copy(ys.at[isrc.at[b]], bufs[b], gsems[b])

        def body(g, carry):
            base = g * NB
            for b in range(NB):
                t = base + b
                pltpu.make_async_copy(ys.at[isrc.at[t]], bufs[b],
                                      gsems[b]).wait()
                pltpu.sync_copy(bufs[b], acc.at[idst.at[t]], add=True)

                @pl.when(t + NB < TS)
                def _():
                    pltpu.async_copy(ys.at[isrc.at[t + NB]], bufs[b],
                                     gsems[b])
            return carry

        lax.fori_loop(0, NG, body, 0)
        for b in range(NT):
            t = NG * NB + b
            pltpu.make_async_copy(ys.at[isrc.at[t]], bufs[b],
                                  gsems[b]).wait()
            pltpu.sync_copy(bufs[b], acc.at[idst.at[t]], add=True)
        plsc.subcore_barrier()
        pltpu.sync_copy(acc.at[pl.ds(s * STRIPE, STRIPE)],
                        out.at[c, pl.ds(s * STRIPE, STRIPE)])

    return prop


_sc_prop48 = _make_prop(F1)
_sc_prop16 = _make_prop(F2)


def _tc0_body(x_ref, w1r_ref, b1_ref, w1i_ref, root1_ref, xw1i_ref):
    xb = x_ref[...]
    root1_ref[...] = (
        jnp.dot(xb, w1r_ref[...], preferred_element_type=_f32) + b1_ref[...])
    xw1i_ref[...] = jnp.dot(xb, w1i_ref[...], preferred_element_type=_f32)


_tc0 = pl.pallas_call(
    _tc0_body,
    grid=GRID,
    in_specs=[
        pl.BlockSpec((BLK, 128), lambda i: (i, 0)),
        pl.BlockSpec((128, F1), lambda i: (0, 0)),
        pl.BlockSpec((1, F1), lambda i: (0, 0)),
        pl.BlockSpec((128, F1), lambda i: (0, 0)),
    ],
    out_specs=[
        pl.BlockSpec((BLK, F1), lambda i: (i, 0)),
        pl.BlockSpec((BLK, F1), lambda i: (i, 0)),
    ],
    out_shape=[
        jax.ShapeDtypeStruct((NP, F1), _f32),
        jax.ShapeDtypeStruct((NP, F1), _f32),
    ],
)


def _tc1_body(degp_ref, xw1i_ref, dinv_ref, y0s_ref):
    deg = jnp.sum(degp_ref[...], axis=0)
    dinv = jnp.where(deg > 0, lax.rsqrt(deg), 0.0)[:, None]
    dinv_ref[...] = dinv
    y0s_ref[...] = dinv * xw1i_ref[...]


_tc1 = pl.pallas_call(
    _tc1_body,
    grid=GRID,
    in_specs=[
        pl.BlockSpec((NW, BLK), lambda i: (0, i)),
        pl.BlockSpec((BLK, F1), lambda i: (i, 0)),
    ],
    out_specs=[
        pl.BlockSpec((BLK, 1), lambda i: (i, 0)),
        pl.BlockSpec((BLK, F1), lambda i: (i, 0)),
    ],
    out_shape=[
        jax.ShapeDtypeStruct((NP, 1), _f32),
        jax.ShapeDtypeStruct((NP, F1), _f32),
    ],
)


def _tc2_body(agg_ref, dinv_ref, root1_ref, wh_ref, y1s_ref):
    a = agg_ref[0] + agg_ref[1]
    out0 = jnp.maximum(dinv_ref[...] * a + root1_ref[...], 0.0)
    y1s_ref[...] = dinv_ref[...] * jnp.dot(
        out0, wh_ref[...], preferred_element_type=_f32)


_tc2 = pl.pallas_call(
    _tc2_body,
    grid=GRID,
    in_specs=[
        pl.BlockSpec((2, BLK, F1), lambda i: (0, i, 0)),
        pl.BlockSpec((BLK, 1), lambda i: (i, 0)),
        pl.BlockSpec((BLK, F1), lambda i: (i, 0)),
        pl.BlockSpec((F1, F1), lambda i: (0, 0)),
    ],
    out_specs=pl.BlockSpec((BLK, F1), lambda i: (i, 0)),
    out_shape=jax.ShapeDtypeStruct((NP, F1), _f32),
)


def _tc3_body(agg_ref, dinv_ref, root1_ref, w2r_ref, b2_ref, w2i_ref,
              root2_ref, z0s_ref):
    a = agg_ref[0] + agg_ref[1]
    out1 = jnp.maximum(dinv_ref[...] * a + root1_ref[...], 0.0)
    h = (out1[:, 0:16] + out1[:, 16:32] + out1[:, 32:48]) * (1.0 / 3.0)
    h = jnp.maximum(h, 0.0)
    root2_ref[...] = (
        jnp.dot(h, w2r_ref[...], preferred_element_type=_f32) + b2_ref[...])
    z0s_ref[...] = dinv_ref[...] * jnp.dot(
        h, w2i_ref[...], preferred_element_type=_f32)


_tc3 = pl.pallas_call(
    _tc3_body,
    grid=GRID,
    in_specs=[
        pl.BlockSpec((2, BLK, F1), lambda i: (0, i, 0)),
        pl.BlockSpec((BLK, 1), lambda i: (i, 0)),
        pl.BlockSpec((BLK, F1), lambda i: (i, 0)),
        pl.BlockSpec((H1, F2), lambda i: (0, 0)),
        pl.BlockSpec((1, F2), lambda i: (0, 0)),
        pl.BlockSpec((H1, F2), lambda i: (0, 0)),
    ],
    out_specs=[
        pl.BlockSpec((BLK, F2), lambda i: (i, 0)),
        pl.BlockSpec((BLK, F2), lambda i: (i, 0)),
    ],
    out_shape=[
        jax.ShapeDtypeStruct((NP, F2), _f32),
        jax.ShapeDtypeStruct((NP, F2), _f32),
    ],
)


def _tc4_body(agg_ref, dinv_ref, root2_ref, wh_ref, z1s_ref):
    a = agg_ref[0] + agg_ref[1]
    out2 = dinv_ref[...] * a + root2_ref[...]
    z1s_ref[...] = dinv_ref[...] * jnp.dot(
        out2, wh_ref[...], preferred_element_type=_f32)


_tc4 = pl.pallas_call(
    _tc4_body,
    grid=GRID,
    in_specs=[
        pl.BlockSpec((2, BLK, F2), lambda i: (0, i, 0)),
        pl.BlockSpec((BLK, 1), lambda i: (i, 0)),
        pl.BlockSpec((BLK, F2), lambda i: (i, 0)),
        pl.BlockSpec((F2, F2), lambda i: (0, 0)),
    ],
    out_specs=pl.BlockSpec((BLK, F2), lambda i: (i, 0)),
    out_shape=jax.ShapeDtypeStruct((NP, F2), _f32),
)


def _tc5_body(agg_ref, dinv_ref, root2_ref, out_ref):
    a = agg_ref[0] + agg_ref[1]
    o3 = dinv_ref[...] * a + root2_ref[...]
    o = (o3[:, 0:2] + o3[:, 2:4] + o3[:, 4:6]) * (1.0 / 3.0)
    m = jnp.max(o, axis=1, keepdims=True)
    lse = m + jnp.log(jnp.sum(jnp.exp(o - m), axis=1, keepdims=True))
    out_ref[...] = o - lse


_tc5 = pl.pallas_call(
    _tc5_body,
    grid=GRID,
    in_specs=[
        pl.BlockSpec((2, BLK, F2), lambda i: (0, i, 0)),
        pl.BlockSpec((BLK, 1), lambda i: (i, 0)),
        pl.BlockSpec((BLK, F2), lambda i: (i, 0)),
    ],
    out_specs=pl.BlockSpec((BLK, OUT), lambda i: (i, 0)),
    out_shape=jax.ShapeDtypeStruct((NP, OUT), _f32),
)


def kernel(x, edge_index, w1_init, w1_hop, w1_root, b1,
           w2_init, w2_hop, w2_root, b2):
    x_pad = jnp.zeros((NP, 128), _f32).at[:N, :FEA].set(x)
    padi = jnp.full((E2 - E,), N, jnp.int32)
    src_f = jnp.concatenate([edge_index[0], padi]).reshape(NW, EPT)
    dst_f = jnp.concatenate([edge_index[1], padi]).reshape(NW, EPT)
    src3 = src_f.reshape(NW, NCH // SLAB, SLAB * CH)
    dst3 = dst_f.reshape(NW, NCH // SLAB, SLAB * CH)

    w1r = jnp.zeros((128, F1), _f32).at[:FEA].set(
        w1_root.transpose(1, 0, 2).reshape(FEA, F1))
    w1i = jnp.zeros((128, F1), _f32).at[:FEA].set(
        w1_init.transpose(1, 0, 2).reshape(FEA, F1))
    b1f = b1.reshape(1, F1)
    w1h = jax.scipy.linalg.block_diag(w1_hop[0], w1_hop[1], w1_hop[2])

    kout = K * OUT
    w2r = jnp.zeros((H1, F2), _f32).at[:, :kout].set(
        w2_root.transpose(1, 0, 2).reshape(H1, kout))
    w2i = jnp.zeros((H1, F2), _f32).at[:, :kout].set(
        w2_init.transpose(1, 0, 2).reshape(H1, kout))
    b2f = jnp.zeros((1, F2), _f32).at[:, :kout].set(b2.reshape(1, kout))
    w2h = jnp.zeros((F2, F2), _f32).at[:kout, :kout].set(
        jax.scipy.linalg.block_diag(w2_hop[0], w2_hop[1], w2_hop[2]))

    zeros_np = jnp.zeros((NP,), _f32)
    zeros48 = jnp.zeros((NP, F1), _f32)
    zeros16 = jnp.zeros((NP, F2), _f32)

    deg_parts = _sc_degree(dst_f, zeros_np)
    root1, xw1i = _tc0(x_pad, w1r, b1f, w1i)
    dinv, y0s = _tc1(deg_parts, xw1i)
    agg0 = _sc_prop48(y0s, src3, dst3, zeros48)
    y1s = _tc2(agg0, dinv, root1, w1h)
    agg1 = _sc_prop48(y1s, src3, dst3, zeros48)
    root2, z0s = _tc3(agg1, dinv, root1, w2r, b2f, w2i)
    agg2 = _sc_prop16(z0s, src3, dst3, zeros16)
    z1s = _tc4(agg2, dinv, root2, w2h)
    agg3 = _sc_prop16(z1s, src3, dst3, zeros16)
    out = _tc5(agg3, dinv, root2)
    return out[:N]

# --- scband reference (transcript-rebuilt; emitter-appended) ---
"""Pipeline reference for scband-net-59545426592369 (READ-ONLY COPY).

The authoritative reference and input builder live on the scoring server;
editing this copy changes nothing except your own understanding.
"""

import jax, jax.numpy as jnp
import numpy as np

N = 10000
E = 640000
FEA = 67
K = 3
H1 = 16
OUT = 2


def setup_inputs(seed: int = 0) -> dict:
    key = jax.random.key(seed)
    ks = jax.random.split(key, 12)
    x = jax.random.normal(ks[0], (N, FEA), dtype=jnp.float32)
    edge_index = jax.random.randint(ks[1], (2, E), 0, N, dtype=jnp.int32)
    s = 0.1
    w1_init = jax.random.normal(ks[2], (K, FEA, H1), dtype=jnp.float32) * s
    w1_hop = jax.random.normal(ks[3], (K, H1, H1), dtype=jnp.float32) * s
    w1_root = jax.random.normal(ks[4], (K, FEA, H1), dtype=jnp.float32) * s
    b1 = jnp.zeros((K, 1, H1), dtype=jnp.float32)
    w2_init = jax.random.normal(ks[5], (K, H1, OUT), dtype=jnp.float32) * s
    w2_hop = jax.random.normal(ks[6], (K, OUT, OUT), dtype=jnp.float32) * s
    w2_root = jax.random.normal(ks[7], (K, H1, OUT), dtype=jnp.float32) * s
    b2 = jnp.zeros((K, 1, OUT), dtype=jnp.float32)
    return {"x": x, "edge_index": edge_index,
            "w1_init": w1_init, "w1_hop": w1_hop, "w1_root": w1_root, "b1": b1,
            "w2_init": w2_init, "w2_hop": w2_hop, "w2_root": w2_root, "b2": b2}


def _gcn_norm(edge_index, num_nodes):
    # PyG gcn_norm with add_self_loops=False: w_e = deg^{-1/2}[src] * deg^{-1/2}[dst]
    src, dst = edge_index[0], edge_index[1]
    deg = jnp.zeros((num_nodes,), jnp.float32).at[dst].add(1.0)
    dinv = jnp.where(deg > 0, jax.lax.rsqrt(deg), 0.0)
    return dinv[src] * dinv[dst]


def _propagate(xk, src, dst, w, num_nodes):
    # xk: [K, N, F] -> gather source nodes, scale by edge weight, scatter-add to dst
    msg = xk[:, src, :] * w[None, :, None]          # [K, E, F]
    msg = jnp.transpose(msg, (1, 0, 2))              # [E, K, F]
    agg = jax.ops.segment_sum(msg, dst, num_segments=num_nodes)  # [N, K, F]
    return jnp.transpose(agg, (1, 0, 2))             # [K, N, F]


def _arma_conv(x, src, dst, norm_w, w_init, w_hop, w_root, b, use_relu):
    # ARMAConv with num_stacks=K, num_layers=2, shared_weights=True (eval mode: dropout=identity)
    n = x.shape[0]
    root = jnp.einsum('nf,kfo->kno', x, w_root) + b  # shared root term, [K, N, F_out]
    # t = 0
    out = jnp.einsum('nf,kfo->kno', x, w_init)
    out = _propagate(out, src, dst, norm_w, n) + root
    if use_relu:
        out = jax.nn.relu(out)
    # t = 1 (shared weights -> weight[0])
    out = jnp.einsum('kno,kop->knp', out, w_hop)
    out = _propagate(out, src, dst, norm_w, n) + root
    if use_relu:
        out = jax.nn.relu(out)
    return out.mean(axis=0)


def reference(x, edge_index, w1_init, w1_hop, w1_root, b1, w2_init, w2_hop, w2_root, b2):
    src, dst = edge_index[0], edge_index[1]
    norm_w = _gcn_norm(edge_index, x.shape[0])
    h = _arma_conv(x, src, dst, norm_w, w1_init, w1_hop, w1_root, b1, True)   # conv1, act=ReLU
    h = jax.nn.relu(h)                                                         # outer F.relu
    h = _arma_conv(h, src, dst, norm_w, w2_init, w2_hop, w2_root, b2, False)  # conv2, act=None
    return jax.nn.log_softmax(h, axis=1)

if __name__ == "__main__":
    import jax
    _d = setup_inputs()
    print(jax.jit(kernel)(*tuple(_d.values())))

</pallas_src>

<mosaic_0001>
#map = affine_map<(d0, d1) -> (0, 0)>
#map1 = affine_map<(d0, d1) -> (0)>
module attributes {stable_mosaic.version = 14 : i64} {
  func.func @_sc_degree(%arg0: i32, %arg1: i32, %arg2: memref<32x20096xi32, #tpu.memory_space<hbm>>, %arg3: memref<10240xf32, #tpu.memory_space<hbm>>, %arg4: memref<32x10240xf32, #tpu.memory_space<hbm>>, %arg5: memref<20096xi32, #tpu.memory_space<vmem>>, %arg6: memref<10240xf32, #tpu.memory_space<vmem>>) attributes {dimension_semantics = [#tpu.dimension_semantics<core_parallel>, #tpu.dimension_semantics<subcore_parallel>], iteration_bounds = array<i64: 2, 16>, scalar_prefetch = 0 : i64, scratch_operands = 2 : i64, tpu.core_type = #tpu.core_type<sc_vector_subcore>, window_params = [{transform_indices = #map}, {transform_indices = #map1}, {transform_indices = #map}]} {
    %mul3A = arith.constant 2 : i32
    %mul3A_0 = arith.muli %arg1, %mul3A : i32
    %add3A = arith.addi %mul3A_0, %arg0 : i32
    "tpu.region"() ({
      %run_scoped3A = tpu.sem_alloc : memref<!tpu.dma_semaphore, #tpu.memory_space<semaphore_mem>>
      %dma_start3A = arith.constant 0 : i32
      %dma_start3A_7 = tpu.memref_slice %arg2[%add3A, %dma_start3A] : memref<32x20096xi32, #tpu.memory_space<hbm>> -> memref<1x20096xi32, #tpu.memory_space<hbm>>
      %dma_start3A_8 = tpu.memref_squeeze %dma_start3A_7 : memref<1x20096xi32, #tpu.memory_space<hbm>> -> memref<20096xi32, #tpu.memory_space<hbm>>
      %dma_start3A_9 = arith.constant 0 : i32
      %dma_start3A_10 = tpu.memref_slice %arg2[%add3A, %dma_start3A_9] : memref<32x20096xi32, #tpu.memory_space<hbm>> -> memref<1x20096xi32, #tpu.memory_space<hbm>>
      %dma_start3A_11 = tpu.memref_squeeze %dma_start3A_10 : memref<1x20096xi32, #tpu.memory_space<hbm>> -> memref<20096xi32, #tpu.memory_space<hbm>>
      tpu.enqueue_dma source(%dma_start3A_11 : memref<20096xi32, #tpu.memory_space<hbm>>) target(%arg5 : memref<20096xi32, #tpu.memory_space<vmem>>) target_semaphore(%run_scoped3A : memref<!tpu.dma_semaphore, #tpu.memory_space<semaphore_mem>>)
      %dma_wait3A = arith.constant 0 : i32
      %dma_wait3A_12 = tpu.memref_slice %arg2[%add3A, %dma_wait3A] : memref<32x20096xi32, #tpu.memory_space<hbm>> -> memref<1x20096xi32, #tpu.memory_space<hbm>>
      %dma_wait3A_13 = tpu.memref_squeeze %dma_wait3A_12 : memref<1x20096xi32, #tpu.memory_space<hbm>> -> memref<20096xi32, #tpu.memory_space<hbm>>
      %dma_wait3A_14 = arith.constant 0 : i32
      %dma_wait3A_15 = tpu.memref_slice %arg2[%add3A, %dma_wait3A_14] : memref<32x20096xi32, #tpu.memory_space<hbm>> -> memref<1x20096xi32, #tpu.memory_space<hbm>>
      %dma_wait3A_16 = tpu.memref_squeeze %dma_wait3A_15 : memref<1x20096xi32, #tpu.memory_space<hbm>> -> memref<20096xi32, #tpu.memory_space<hbm>>
      tpu.wait_dma2 semaphore(%run_scoped3A : memref<!tpu.dma_semaphore, #tpu.memory_space<semaphore_mem>>) src(%dma_wait3A_16 : memref<20096xi32, #tpu.memory_space<hbm>>) dst(%arg5 : memref<20096xi32, #tpu.memory_space<vmem>>)
      tpu.yield
    }) : () -> ()
    "tpu.region"() ({
      %run_scoped3A = tpu.sem_alloc : memref<!tpu.dma_semaphore, #tpu.memory_space<semaphore_mem>>
      tpu.enqueue_dma source(%arg3 : memref<10240xf32, #tpu.memory_space<hbm>>) target(%arg6 : memref<10240xf32, #tpu.memory_space<vmem>>) target_semaphore(%run_scoped3A : memref<!tpu.dma_semaphore, #tpu.memory_space<semaphore_mem>>)
      tpu.wait_dma2 semaphore(%run_scoped3A : memref<!tpu.dma_semaphore, #tpu.memory_space<semaphore_mem>>) src(%arg3 : memref<10240xf32, #tpu.memory_space<hbm>>) dst(%arg6 : memref<10240xf32, #tpu.memory_space<vmem>>)
      tpu.yield
    }) : () -> ()
    %broadcast_in_dim3A = arith.constant 1.000000e+00 : f32
    %broadcast_in_dim3A_1 = vector.broadcast %broadcast_in_dim3A : f32 to vector<16xf32>
    %scan3A = arith.constant 0 : i32
    %scan3A_2 = arith.constant 0 : i32
    %scan3A_3 = arith.constant 1256 : i32
    %scan3A_4 = arith.addi %scan3A_2, %scan3A_3 : i32
    %scan3A_5 = arith.constant 1 : i32
    scf.for %scan3A_7 = %scan3A_2 to %scan3A_4 step %scan3A_5  : i32 {
      %mul3A_8 = arith.constant 16 : i32
      %mul3A_9 = arith.muli %scan3A_7, %mul3A_8 : i32
      %get3A = arith.index_cast %mul3A_9 : i32 to index
      %get3A_10 = tpu.vector_load %arg5[%get3A] {strides = array<i32>} : memref<20096xi32, #tpu.memory_space<vmem>>, vector<16xi32>,
      tpu.vector_store_idx %arg6[%get3A_10], %broadcast_in_dim3A_1 {add = true} : memref<10240xf32, #tpu.memory_space<vmem>>[vector<16xi32>], vector<16xf32>,
    }
    %scan3A_6 = arith.constant 1256 : i32
    "tpu.region"() ({
      %run_scoped3A = tpu.sem_alloc : memref<!tpu.dma_semaphore, #tpu.memory_space<semaphore_mem>>
      %dma_start3A = arith.constant 0 : i32
      %dma_start3A_7 = tpu.memref_slice %arg4[%add3A, %dma_start3A] : memref<32x10240xf32, #tpu.memory_space<hbm>> -> memref<1x10240xf32, #tpu.memory_space<hbm>>
      %dma_start3A_8 = tpu.memref_squeeze %dma_start3A_7 : memref<1x10240xf32, #tpu.memory_space<hbm>> -> memref<10240xf32, #tpu.memory_space<hbm>>
      %dma_start3A_9 = arith.constant 0 : i32
      %dma_start3A_10 = tpu.memref_slice %arg4[%add3A, %dma_start3A_9] : memref<32x10240xf32, #tpu.memory_space<hbm>> -> memref<1x10240xf32, #tpu.memory_space<hbm>>
      %dma_start3A_11 = tpu.memref_squeeze %dma_start3A_10 : memref<1x10240xf32, #tpu.memory_space<hbm>> -> memref<10240xf32, #tpu.memory_space<hbm>>
      tpu.enqueue_dma source(%arg6 : memref<10240xf32, #tpu.memory_space<vmem>>) target(%dma_start3A_11 : memref<10240xf32, #tpu.memory_space<hbm>>) target_semaphore(%run_scoped3A : memref<!tpu.dma_semaphore, #tpu.memory_space<semaphore_mem>>)
      %dma_wait3A = arith.constant 0 : i32
      %dma_wait3A_12 = tpu.memref_slice %arg4[%add3A, %dma_wait3A] : memref<32x10240xf32, #tpu.memory_space<hbm>> -> memref<1x10240xf32, #tpu.memory_space<hbm>>
      %dma_wait3A_13 = tpu.memref_squeeze %dma_wait3A_12 : memref<1x10240xf32, #tpu.memory_space<hbm>> -> memref<10240xf32, #tpu.memory_space<hbm>>
      %dma_wait3A_14 = arith.constant 0 : i32
      %dma_wait3A_15 = tpu.memref_slice %arg4[%add3A, %dma_wait3A_14] : memref<32x10240xf32, #tpu.memory_space<hbm>> -> memref<1x10240xf32, #tpu.memory_space<hbm>>
      %dma_wait3A_16 = tpu.memref_squeeze %dma_wait3A_15 : memref<1x10240xf32, #tpu.memory_space<hbm>> -> memref<10240xf32, #tpu.memory_space<hbm>>
      tpu.wait_dma2 semaphore(%run_scoped3A : memref<!tpu.dma_semaphore, #tpu.memory_space<semaphore_mem>>) src(%arg6 : memref<10240xf32, #tpu.memory_space<vmem>>) dst(%dma_wait3A_16 : memref<10240xf32, #tpu.memory_space<hbm>>)
      tpu.yield
    }) : () -> ()
    return
  }
}

#map = affine_map<(d0, d1) -> (0, 0)>
#map1 = affine_map<(d0, d1) -> (0, 0, 0)>
module attributes {stable_mosaic.version = 14 : i64} {
  func.func @prop(%arg0: i32, %arg1: i32, %arg2: memref<10240x48xf32, #tpu.memory_space<hbm>>, %arg3: memref<32x157x128xi32, #tpu.memory_space<hbm>>, %arg4: memref<32x157x128xi32, #tpu.memory_space<hbm>>, %arg5: memref<10240x48xf32, #tpu.memory_space<hbm>>, %arg6: memref<2x10240x48xf32, #tpu.memory_space<hbm>>, %arg7: memref<157x128xi32, #tpu.memory_space<vmem>>, %arg8: memref<157x128xi32, #tpu.memory_space<vmem>>, %arg9: memref<128x48xf32, #tpu.memory_space<vmem>>, %arg10: memref<128x48xf32, #tpu.memory_space<vmem>>, %arg11: memref<128x48xf32, #tpu.memory_space<vmem>>, %arg12: memref<128x48xf32, #tpu.memory_space<vmem>>, %arg13: memref<128x48xf32, #tpu.memory_space<vmem>>, %arg14: memref<128x48xf32, #tpu.memory_space<vmem>>, %arg15: memref<128x48xf32, #tpu.memory_space<vmem>>, %arg16: memref<128x48xf32, #tpu.memory_space<vmem>>, %arg17: memref<10240x48xf32, #tpu.memory_space<vmem_shared>>, %arg18: memref<!tpu.dma_semaphore, #tpu.memory_space<semaphore_mem>>, %arg19: memref<!tpu.dma_semaphore, #tpu.memory_space<semaphore_mem>>, %arg20: memref<!tpu.dma_semaphore, #tpu.memory_space<semaphore_mem>>, %arg21: memref<!tpu.dma_semaphore, #tpu.memory_space<semaphore_mem>>, %arg22: memref<!tpu.dma_semaphore, #tpu.memory_space<semaphore_mem>>, %arg23: memref<!tpu.dma_semaphore, #tpu.memory_space<semaphore_mem>>, %arg24: memref<!tpu.dma_semaphore, #tpu.memory_space<semaphore_mem>>, %arg25: memref<!tpu.dma_semaphore, #tpu.memory_space<semaphore_mem>>) attributes {dimension_semantics = [#tpu.dimension_semantics<core_parallel>, #tpu.dimension_semantics<subcore_parallel>], iteration_bounds = array<i64: 2, 16>, scalar_prefetch = 0 : i64, scratch_operands = 19 : i64, tpu.core_type = #tpu.core_type<sc_vector_subcore>, window_params = [{transform_indices = #map}, {transform_indices = #map1}, {transform_indices = #map1}, {transform_indices = #map}, {transform_indices = #map1}]} {
    %mul3A = arith.constant 2 : i32
    %mul3A_0 = arith.muli %arg1, %mul3A : i32
    %add3A = arith.addi %mul3A_0, %arg0 : i32
    %mul3A_1 = arith.constant 640 : i32
    %mul3A_2 = arith.muli %arg1, %mul3A_1 : i32
    %mul3A_3 = arith.constant 640 : i32
    %mul3A_4 = arith.muli %arg1, %mul3A_3 : i32
    "tpu.region"() ({
      %run_scoped3A_108 = tpu.sem_alloc : memref<!tpu.dma_semaphore, #tpu.memory_space<semaphore_mem>>
      %dma_start3A_109 = arith.constant 0 : i32
      %dma_start3A_110 = tpu.memref_slice %arg17[%mul3A_4, %dma_start3A_109] : memref<10240x48xf32, #tpu.memory_space<vmem_shared>> -> memref<640x48xf32, #tpu.memory_space<vmem_shared>>
      %dma_start3A_111 = arith.constant 0 : i32
      %dma_start3A_112 = tpu.memref_slice %arg5[%mul3A_2, %dma_start3A_111] : memref<10240x48xf32, #tpu.memory_space<hbm>> -> memref<640x48xf32, #tpu.memory_space<hbm>>
      tpu.enqueue_dma source(%dma_start3A_112 : memref<640x48xf32, #tpu.memory_space<hbm>>) target(%dma_start3A_110 : memref<640x48xf32, #tpu.memory_space<vmem_shared>>) target_semaphore(%run_scoped3A_108 : memref<!tpu.dma_semaphore, #tpu.memory_space<semaphore_mem>>)
      %dma_wait3A_113 = arith.constant 0 : i32
      %dma_wait3A_114 = tpu.memref_slice %arg17[%mul3A_4, %dma_wait3A_113] : memref<10240x48xf32, #tpu.memory_space<vmem_shared>> -> memref<640x48xf32, #tpu.memory_space<vmem_shared>>
      %dma_wait3A_115 = arith.constant 0 : i32
      %dma_wait3A_116 = tpu.memref_slice %arg5[%mul3A_2, %dma_wait3A_115] : memref<10240x48xf32, #tpu.memory_space<hbm>> -> memref<640x48xf32, #tpu.memory_space<hbm>>
      tpu.wait_dma2 semaphore(%run_scoped3A_108 : memref<!tpu.dma_semaphore, #tpu.memory_space<semaphore_mem>>) src(%dma_wait3A_116 : memref<640x48xf32, #tpu.memory_space<hbm>>) dst(%dma_wait3A_114 : memref<640x48xf32, #tpu.memory_space<vmem_shared>>)
      tpu.yield
    }) : () -> ()
    "tpu.region"() ({
      %run_scoped3A_108 = tpu.sem_alloc : memref<!tpu.dma_semaphore, #tpu.memory_space<semaphore_mem>>
      %dma_start3A_109 = arith.constant 0 : i32
      %dma_start3A_110 = arith.constant 0 : i32
      %dma_start3A_111 = tpu.memref_slice %arg3[%add3A, %dma_start3A_109, %dma_start3A_110] : memref<32x157x128xi32, #tpu.memory_space<hbm>> -> memref<1x157x128xi32, #tpu.memory_space<hbm>>
      %dma_start3A_112 = tpu.memref_squeeze %dma_start3A_111 : memref<1x157x128xi32, #tpu.memory_space<hbm>> -> memref<157x128xi32, #tpu.memory_space<hbm>>
      %dma_start3A_113 = arith.constant 0 : i32
      %dma_start3A_114 = arith.constant 0 : i32
      %dma_start3A_115 = tpu.memref_slice %arg3[%add3A, %dma_start3A_113, %dma_start3A_114] : memref<32x157x128xi32, #tpu.memory_space<hbm>> -> memref<1x157x128xi32, #tpu.memory_space<hbm>>
      %dma_start3A_116 = tpu.memref_squeeze %dma_start3A_115 : memref<1x157x128xi32, #tpu.memory_space<hbm>> -> memref<157x128xi32, #tpu.memory_space<hbm>>
      tpu.enqueue_dma source(%dma_start3A_116 : memref<157x128xi32, #tpu.memory_space<hbm>>) target(%arg7 : memref<157x128xi32, #tpu.memory_space<vmem>>) target_semaphore(%run_scoped3A_108 : memref<!tpu.dma_semaphore, #tpu.memory_space<semaphore_mem>>)
      %dma_wait3A_117 = arith.constant 0 : i32
      %dma_wait3A_118 = arith.constant 0 : i32
      %dma_wait3A_119 = tpu.memref_slice %arg3[%add3A, %dma_wait3A_117, %dma_wait3A_118] : memref<32x157x128xi32, #tpu.memory_space<hbm>> -> memref<1x157x128xi32, #tpu.memory_space<hbm>>
      %dma_wait3A_120 = tpu.memref_squeeze %dma_wait3A_119 : memref<1x157x128xi32, #tpu.memory_space<hbm>> -> memref<157x128xi32, #tpu.memory_space<hbm>>
      %dma_wait3A_121 = arith.constant 0 : i32
      %dma_wait3A_122 = arith.constant 0 : i32
      %dma_wait3A_123 = tpu.memref_slice %arg3[%add3A, %dma_wait3A_121, %dma_wait3A_122] : memref<32x157x128xi32, #tpu.memory_space<hbm>> -> memref<1x157x128xi32, #tpu.memory_space<hbm>>
      %dma_wait3A_124 = tpu.memref_squeeze %dma_wait3A_123 : memref<1x157x128xi32, #tpu.memory_space<hbm>> -> memref<157x128xi32, #tpu.memory_space<hbm>>
      tpu.wait_dma2 semaphore(%run_scoped3A_108 : memref<!tpu.dma_semaphore, #tpu.memory_space<semaphore_mem>>) src(%dma_wait3A_124 : memref<157x128xi32, #tpu.memory_space<hbm>>) dst(%arg7 : memref<157x128xi32, #tpu.memory_space<vmem>>)
      tpu.yield
    }) : () -> ()
    "tpu.region"() ({
      %run_scoped3A_108 = tpu.sem_alloc : memref<!tpu.dma_semaphore, #tpu.memory_space<semaphore_mem>>
      %dma_start3A_109 = arith.constant 0 : i32
      %dma_start3A_110 = arith.constant 0 : i32
      %dma_start3A_111 = tpu.memref_slice %arg4[%add3A, %dma_start3A_109, %dma_start3A_110] : memref<32x157x128xi32, #tpu.memory_space<hbm>> -> memref<1x157x128xi32, #tpu.memory_space<hbm>>
      %dma_start3A_112 = tpu.memref_squeeze %dma_start3A_111 : memref<1x157x128xi32, #tpu.memory_space<hbm>> -> memref<157x128xi32, #tpu.memory_space<hbm>>
      %dma_start3A_113 = arith.constant 0 : i32
      %dma_start3A_114 = arith.constant 0 : i32
      %dma_start3A_115 = tpu.memref_slice %arg4[%add3A, %dma_start3A_113, %dma_start3A_114] : memref<32x157x128xi32, #tpu.memory_space<hbm>> -> memref<1x157x128xi32, #tpu.memory_space<hbm>>
      %dma_start3A_116 = tpu.memref_squeeze %dma_start3A_115 : memref<1x157x128xi32, #tpu.memory_space<hbm>> -> memref<157x128xi32, #tpu.memory_space<hbm>>
      tpu.enqueue_dma source(%dma_start3A_116 : memref<157x128xi32, #tpu.memory_space<hbm>>) target(%arg8 : memref<157x128xi32, #tpu.memory_space<vmem>>) target_semaphore(%run_scoped3A_108 : memref<!tpu.dma_semaphore, #tpu.memory_space<semaphore_mem>>)
      %dma_wait3A_117 = arith.constant 0 : i32
      %dma_wait3A_118 = arith.constant 0 : i32
      %dma_wait3A_119 = tpu.memref_slice %arg4[%add3A, %dma_wait3A_117, %dma_wait3A_118] : memref<32x157x128xi32, #tpu.memory_space<hbm>> -> memref<1x157x128xi32, #tpu.memory_space<hbm>>
      %dma_wait3A_120 = tpu.memref_squeeze %dma_wait3A_119 : memref<1x157x128xi32, #tpu.memory_space<hbm>> -> memref<157x128xi32, #tpu.memory_space<hbm>>
      %dma_wait3A_121 = arith.constant 0 : i32
      %dma_wait3A_122 = arith.constant 0 : i32
      %dma_wait3A_123 = tpu.memref_slice %arg4[%add3A, %dma_wait3A_121, %dma_wait3A_122] : memref<32x157x128xi32, #tpu.memory_space<hbm>> -> memref<1x157x128xi32, #tpu.memory_space<hbm>>
      %dma_wait3A_124 = tpu.memref_squeeze %dma_wait3A_123 : memref<1x157x128xi32, #tpu.memory_space<hbm>> -> memref<157x128xi32, #tpu.memory_space<hbm>>
      tpu.wait_dma2 semaphore(%run_scoped3A_108 : memref<!tpu.dma_semaphore, #tpu.memory_space<semaphore_mem>>) src(%dma_wait3A_124 : memref<157x128xi32, #tpu.memory_space<hbm>>) dst(%arg8 : memref<157x128xi32, #tpu.memory_space<vmem>>)
      tpu.yield
    }) : () -> ()
    %barrier3A = arith.constant 0 : index
    tpu.barrier barrier_id(%barrier3A)
    %dma_start3A = arith.constant 0 : i32
    %dma_start3A_5 = arith.constant 0 : i32
    %dma_start3A_6 = tpu.memref_slice %arg7[%dma_start3A, %dma_start3A_5] : memref<157x128xi32, #tpu.memory_space<vmem>> -> memref<1x128xi32, #tpu.memory_space<vmem>>
    %dma_start3A_7 = tpu.memref_squeeze %dma_start3A_6 : memref<1x128xi32, #tpu.memory_space<vmem>> -> memref<128xi32, #tpu.memory_space<vmem>>
    %dma_start3A_8 = arith.constant 0 : i32
    %dma_start3A_9 = arith.constant 0 : i32
    %dma_start3A_10 = tpu.memref_slice %arg2[%dma_start3A_8, %dma_start3A_9] : memref<10240x48xf32, #tpu.memory_space<hbm>> -> memref<10240x48xf32, #tpu.memory_space<hbm>>
    tpu.enqueue_indirect_dma source(%dma_start3A_10 : memref<10240x48xf32, #tpu.memory_space<hbm>>) target(%arg9 : memref<128x48xf32, #tpu.memory_space<vmem>>) offsets(%dma_start3A_7 : memref<128xi32, #tpu.memory_space<vmem>>) semaphore(%arg18 : memref<!tpu.dma_semaphore, #tpu.memory_space<semaphore_mem>>)
    %dma_start3A_11 = arith.constant 1 : i32
    %dma_start3A_12 = arith.constant 0 : i32
    %dma_start3A_13 = tpu.memref_slice %arg7[%dma_start3A_11, %dma_start3A_12] : memref<157x128xi32, #tpu.memory_space<vmem>> -> memref<1x128xi32, #tpu.memory_space<vmem>>
    %dma_start3A_14 = tpu.memref_squeeze %dma_start3A_13 : memref<1x128xi32, #tpu.memory_space<vmem>> -> memref<128xi32, #tpu.memory_space<vmem>>
    %dma_start3A_15 = arith.constant 0 : i32
    %dma_start3A_16 = arith.constant 0 : i32
    %dma_start3A_17 = tpu.memref_slice %arg2[%dma_start3A_15, %dma_start3A_16] : memref<10240x48xf32, #tpu.memory_space<hbm>> -> memref<10240x48xf32, #tpu.memory_space<hbm>>
    tpu.enqueue_indirect_dma source(%dma_start3A_17 : memref<10240x48xf32, #tpu.memory_space<hbm>>) target(%arg10 : memref<128x48xf32, #tpu.memory_space<vmem>>) offsets(%dma_start3A_14 : memref<128xi32, #tpu.memory_space<vmem>>) semaphore(%arg19 : memref<!tpu.dma_semaphore, #tpu.memory_space<semaphore_mem>>)
    %dma_start3A_18 = arith.constant 2 : i32
    %dma_start3A_19 = arith.constant 0 : i32
    %dma_start3A_20 = tpu.memref_slice %arg7[%dma_start3A_18, %dma_start3A_19] : memref<157x128xi32, #tpu.memory_space<vmem>> -> memref<1x128xi32, #tpu.memory_space<vmem>>
    %dma_start3A_21 = tpu.memref_squeeze %dma_start3A_20 : memref<1x128xi32, #tpu.memory_space<vmem>> -> memref<128xi32, #tpu.memory_space<vmem>>
    %dma_start3A_22 = arith.constant 0 : i32
    %dma_start3A_23 = arith.constant 0 : i32
    %dma_start3A_24 = tpu.memref_slice %arg2[%dma_start3A_22, %dma_start3A_23] : memref<10240x48xf32, #tpu.memory_space<hbm>> -> memref<10240x48xf32, #tpu.memory_space<hbm>>
    tpu.enqueue_indirect_dma source(%dma_start3A_24 : memref<10240x48xf32, #tpu.memory_space<hbm>>) target(%arg11 : memref<128x48xf32, #tpu.memory_space<vmem>>) offsets(%dma_start3A_21 : memref<128xi32, #tpu.memory_space<vmem>>) semaphore(%arg20 : memref<!tpu.dma_semaphore, #tpu.memory_space<semaphore_mem>>)
    %dma_start3A_25 = arith.constant 3 : i32
    %dma_start3A_26 = arith.constant 0 : i32
    %dma_start3A_27 = tpu.memref_slice %arg7[%dma_start3A_25, %dma_start3A_26] : memref<157x128xi32, #tpu.memory_space<vmem>> -> memref<1x128xi32, #tpu.memory_space<vmem>>
    %dma_start3A_28 = tpu.memref_squeeze %dma_start3A_27 : memref<1x128xi32, #tpu.memory_space<vmem>> -> memref<128xi32, #tpu.memory_space<vmem>>
    %dma_start3A_29 = arith.constant 0 : i32
    %dma_start3A_30 = arith.constant 0 : i32
    %dma_start3A_31 = tpu.memref_slice %arg2[%dma_start3A_29, %dma_start3A_30] : memref<10240x48xf32, #tpu.memory_space<hbm>> -> memref<10240x48xf32, #tpu.memory_space<hbm>>
    tpu.enqueue_indirect_dma source(%dma_start3A_31 : memref<10240x48xf32, #tpu.memory_space<hbm>>) target(%arg12 : memref<128x48xf32, #tpu.memory_space<vmem>>) offsets(%dma_start3A_28 : memref<128xi32, #tpu.memory_space<vmem>>) semaphore(%arg21 : memref<!tpu.dma_semaphore, #tpu.memory_space<semaphore_mem>>)
    %dma_start3A_32 = arith.constant 4 : i32
    %dma_start3A_33 = arith.constant 0 : i32
    %dma_start3A_34 = tpu.memref_slice %arg7[%dma_start3A_32, %dma_start3A_33] : memref<157x128xi32, #tpu.memory_space<vmem>> -> memref<1x128xi32, #tpu.memory_space<vmem>>
    %dma_start3A_35 = tpu.memref_squeeze %dma_start3A_34 : memref<1x128xi32, #tpu.memory_space<vmem>> -> memref<128xi32, #tpu.memory_space<vmem>>
    %dma_start3A_36 = arith.constant 0 : i32
    %dma_start3A_37 = arith.constant 0 : i32
    %dma_start3A_38 = tpu.memref_slice %arg2[%dma_start3A_36, %dma_start3A_37] : memref<10240x48xf32, #tpu.memory_space<hbm>> -> memref<10240x48xf32, #tpu.memory_space<hbm>>
    tpu.enqueue_indirect_dma source(%dma_start3A_38 : memref<10240x48xf32, #tpu.memory_space<hbm>>) target(%arg13 : memref<128x48xf32, #tpu.memory_space<vmem>>) offsets(%dma_start3A_35 : memref<128xi32, #tpu.memory_space<vmem>>) semaphore(%arg22 : memref<!tpu.dma_semaphore, #tpu.memory_space<semaphore_mem>>)
    %dma_start3A_39 = arith.constant 5 : i32
    %dma_start3A_40 = arith.constant 0 : i32
    %dma_start3A_41 = tpu.memref_slice %arg7[%dma_start3A_39, %dma_start3A_40] : memref<157x128xi32, #tpu.memory_space<vmem>> -> memref<1x128xi32, #tpu.memory_space<vmem>>
    %dma_start3A_42 = tpu.memref_squeeze %dma_start3A_41 : memref<1x128xi32, #tpu.memory_space<vmem>> -> memref<128xi32, #tpu.memory_space<vmem>>
    %dma_start3A_43 = arith.constant 0 : i32
    %dma_start3A_44 = arith.constant 0 : i32
    %dma_start3A_45 = tpu.memref_slice %arg2[%dma_start3A_43, %dma_start3A_44] : memref<10240x48xf32, #tpu.memory_space<hbm>> -> memref<10240x48xf32, #tpu.memory_space<hbm>>
    tpu.enqueue_indirect_dma source(%dma_start3A_45 : memref<10240x48xf32, #tpu.memory_space<hbm>>) target(%arg14 : memref<128x48xf32, #tpu.memory_space<vmem>>) offsets(%dma_start3A_42 : memref<128xi32, #tpu.memory_space<vmem>>) semaphore(%arg23 : memref<!tpu.dma_semaphore, #tpu.memory_space<semaphore_mem>>)
    %dma_start3A_46 = arith.constant 6 : i32
    %dma_start3A_47 = arith.constant 0 : i32
    %dma_start3A_48 = tpu.memref_slice %arg7[%dma_start3A_46, %dma_start3A_47] : memref<157x128xi32, #tpu.memory_space<vmem>> -> memref<1x128xi32, #tpu.memory_space<vmem>>
    %dma_start3A_49 = tpu.memref_squeeze %dma_start3A_48 : memref<1x128xi32, #tpu.memory_space<vmem>> -> memref<128xi32, #tpu.memory_space<vmem>>
    %dma_start3A_50 = arith.constant 0 : i32
    %dma_start3A_51 = arith.constant 0 : i32
    %dma_start3A_52 = tpu.memref_slice %arg2[%dma_start3A_50, %dma_start3A_51] : memref<10240x48xf32, #tpu.memory_space<hbm>> -> memref<10240x48xf32, #tpu.memory_space<hbm>>
    tpu.enqueue_indirect_dma source(%dma_start3A_52 : memref<10240x48xf32, #tpu.memory_space<hbm>>) target(%arg15 : memref<128x48xf32, #tpu.memory_space<vmem>>) offsets(%dma_start3A_49 : memref<128xi32, #tpu.memory_space<vmem>>) semaphore(%arg24 : memref<!tpu.dma_semaphore, #tpu.memory_space<semaphore_mem>>)
    %dma_start3A_53 = arith.constant 7 : i32
    %dma_start3A_54 = arith.constant 0 : i32
    %dma_start3A_55 = tpu.memref_slice %arg7[%dma_start3A_53, %dma_start3A_54] : memref<157x128xi32, #tpu.memory_space<vmem>> -> memref<1x128xi32, #tpu.memory_space<vmem>>
    %dma_start3A_56 = tpu.memref_squeeze %dma_start3A_55 : memref<1x128xi32, #tpu.memory_space<vmem>> -> memref<128xi32, #tpu.memory_space<vmem>>
    %dma_start3A_57 = arith.constant 0 : i32
    %dma_start3A_58 = arith.constant 0 : i32
    %dma_start3A_59 = tpu.memref_slice %arg2[%dma_start3A_57, %dma_start3A_58] : memref<10240x48xf32, #tpu.memory_space<hbm>> -> memref<10240x48xf32, #tpu.memory_space<hbm>>
    tpu.enqueue_indirect_dma source(%dma_start3A_59 : memref<10240x48xf32, #tpu.memory_space<hbm>>) target(%arg16 : memref<128x48xf32, #tpu.memory_space<vmem>>) offsets(%dma_start3A_56 : memref<128xi32, #tpu.memory_space<vmem>>) semaphore(%arg25 : memref<!tpu.dma_semaphore, #tpu.memory_space<semaphore_mem>>)
    %scan3A = arith.constant 0 : i32
    %scan3A_60 = arith.constant 0 : i32
    %scan3A_61 = arith.constant 19 : i32
    %scan3A_62 = arith.addi %scan3A_60, %scan3A_61 : i32
    %scan3A_63 = arith.constant 1 : i32
    scf.for %scan3A_108 = %scan3A_60 to %scan3A_62 step %scan3A_63  : i32 {
      %mul3A_109 = arith.constant 8 : i32
      %mul3A_110 = arith.muli %scan3A_108, %mul3A_109 : i32
      %add3A_111 = arith.constant 0 : i32
      %add3A_112 = arith.addi %mul3A_110, %add3A_111 : i32
      %dma_wait3A_113 = arith.constant 0 : i32
      %dma_wait3A_114 = tpu.memref_slice %arg7[%add3A_112, %dma_wait3A_113] : memref<157x128xi32, #tpu.memory_space<vmem>> -> memref<1x128xi32, #tpu.memory_space<vmem>>
      %dma_wait3A_115 = tpu.memref_squeeze %dma_wait3A_114 : memref<1x128xi32, #tpu.memory_space<vmem>> -> memref<128xi32, #tpu.memory_space<vmem>>
      %dma_wait3A_116 = arith.constant 0 : i32
      %dma_wait3A_117 = arith.constant 0 : i32
      %dma_wait3A_118 = tpu.memref_slice %arg2[%dma_wait3A_116, %dma_wait3A_117] : memref<10240x48xf32, #tpu.memory_space<hbm>> -> memref<10240x48xf32, #tpu.memory_space<hbm>>
      tpu.wait_indirect_dma semaphore(%arg18 : memref<!tpu.dma_semaphore, #tpu.memory_space<semaphore_mem>>) src(%dma_wait3A_118 : memref<10240x48xf32, #tpu.memory_space<hbm>>) dst(%arg9 : memref<128x48xf32, #tpu.memory_space<vmem>>)
      "tpu.region"() ({
        %run_scoped3A_228 = tpu.sem_alloc : memref<!tpu.dma_semaphore, #tpu.memory_space<semaphore_mem>>
        %dma_start3A_229 = arith.constant 0 : i32
        %dma_start3A_230 = tpu.memref_slice %arg8[%add3A_112, %dma_start3A_229] : memref<157x128xi32, #tpu.memory_space<vmem>> -> memref<1x128xi32, #tpu.memory_space<vmem>>
        %dma_start3A_231 = tpu.memref_squeeze %dma_start3A_230 : memref<1x128xi32, #tpu.memory_space<vmem>> -> memref<128xi32, #tpu.memory_space<vmem>>
        %dma_start3A_232 = arith.constant 0 : i32
        %dma_start3A_233 = arith.constant 0 : i32
        %dma_start3A_234 = tpu.memref_slice %arg17[%dma_start3A_232, %dma_start3A_233] : memref<10240x48xf32, #tpu.memory_space<vmem_shared>> -> memref<10240x48xf32, #tpu.memory_space<vmem_shared>>
        tpu.enqueue_indirect_dma source(%arg9 : memref<128x48xf32, #tpu.memory_space<vmem>>) target(%dma_start3A_234 : memref<10240x48xf32, #tpu.memory_space<vmem_shared>>) offsets(%dma_start3A_231 : memref<128xi32, #tpu.memory_space<vmem>>) semaphore(%run_scoped3A_228 : memref<!tpu.dma_semaphore, #tpu.memory_space<semaphore_mem>>) {add = true}
        %dma_wait3A_235 = arith.constant 0 : i32
        %dma_wait3A_236 = tpu.memref_slice %arg8[%add3A_112, %dma_wait3A_235] : memref<157x128xi32, #tpu.memory_space<vmem>> -> memref<1x128xi32, #tpu.memory_space<vmem>>
        %dma_wait3A_237 = tpu.memref_squeeze %dma_wait3A_236 : memref<1x128xi32, #tpu.memory_space<vmem>> -> memref<128xi32, #tpu.memory_space<vmem>>
        %dma_wait3A_238 = arith.constant 0 : i32
        %dma_wait3A_239 = arith.constant 0 : i32
        %dma_wait3A_240 = tpu.memref_slice %arg17[%dma_wait3A_238, %dma_wait3A_239] : memref<10240x48xf32, #tpu.memory_space<vmem_shared>> -> memref<10240x48xf32, #tpu.memory_space<vmem_shared>>
        tpu.wait_indirect_dma semaphore(%run_scoped3A_228 : memref<!tpu.dma_semaphore, #tpu.memory_space<semaphore_mem>>) src(%arg9 : memref<128x48xf32, #tpu.memory_space<vmem>>) dst(%dma_wait3A_240 : memref<10240x48xf32, #tpu.memory_space<vmem_shared>>)
        tpu.yield
      }) : () -> ()
      %add3A_119 = arith.constant 8 : i32
      %add3A_120 = arith.addi %add3A_112, %add3A_119 : i32
      %lt3A = arith.constant 157 : i32
      %lt3A_121 = arith.cmpi slt, %add3A_120, %lt3A : i32
      %convert_element_type3A = arith.extui %lt3A_121 : i1 to i32
      %cond3A = arith.constant 0 : i32
      %cond3A_122 = arith.cmpi ne, %convert_element_type3A, %cond3A : i32
      scf.if %cond3A_122 {
        %add3A_228 = arith.constant 8 : i32
        %add3A_229 = arith.addi %add3A_112, %add3A_228 : i32
        %dma_start3A_230 = arith.constant 0 : i32
        %dma_start3A_231 = tpu.memref_slice %arg7[%add3A_229, %dma_start3A_230] : memref<157x128xi32, #tpu.memory_space<vmem>> -> memref<1x128xi32, #tpu.memory_space<vmem>>
        %dma_start3A_232 = tpu.memref_squeeze %dma_start3A_231 : memref<1x128xi32, #tpu.memory_space<vmem>> -> memref<128xi32, #tpu.memory_space<vmem>>
        %dma_start3A_233 = arith.constant 0 : i32
        %dma_start3A_234 = arith.constant 0 : i32
        %dma_start3A_235 = tpu.memref_slice %arg2[%dma_start3A_233, %dma_start3A_234] : memref<10240x48xf32, #tpu.memory_space<hbm>> -> memref<10240x48xf32, #tpu.memory_space<hbm>>
        tpu.enqueue_indirect_dma source(%dma_start3A_235 : memref<10240x48xf32, #tpu.memory_space<hbm>>) target(%arg9 : memref<128x48xf32, #tpu.memory_space<vmem>>) offsets(%dma_start3A_232 : memref<128xi32, #tpu.memory_space<vmem>>) semaphore(%arg18 : memref<!tpu.dma_semaphore, #tpu.memory_space<semaphore_mem>>)
      } else {
      }
      %add3A_123 = arith.constant 1 : i32
      %add3A_124 = arith.addi %mul3A_110, %add3A_123 : i32
      %dma_wait3A_125 = arith.constant 0 : i32
      %dma_wait3A_126 = tpu.memref_slice %arg7[%add3A_124, %dma_wait3A_125] : memref<157x128xi32, #tpu.memory_space<vmem>> -> memref<1x128xi32, #tpu.memory_space<vmem>>
      %dma_wait3A_127 = tpu.memref_squeeze %dma_wait3A_126 : memref<1x128xi32, #tpu.memory_space<vmem>> -> memref<128xi32, #tpu.memory_space<vmem>>
      %dma_wait3A_128 = arith.constant 0 : i32
      %dma_wait3A_129 = arith.constant 0 : i32
      %dma_wait3A_130 = tpu.memref_slice %arg2[%dma_wait3A_128, %dma_wait3A_129] : memref<10240x48xf32, #tpu.memory_space<hbm>> -> memref<10240x48xf32, #tpu.memory_space<hbm>>
      tpu.wait_indirect_dma semaphore(%arg19 : memref<!tpu.dma_semaphore, #tpu.memory_space<semaphore_mem>>) src(%dma_wait3A_130 : memref<10240x48xf32, #tpu.memory_space<hbm>>) dst(%arg10 : memref<128x48xf32, #tpu.memory_space<vmem>>)
      "tpu.region"() ({
        %run_scoped3A_228 = tpu.sem_alloc : memref<!tpu.dma_semaphore, #tpu.memory_space<semaphore_mem>>
        %dma_start3A_229 = arith.constant 0 : i32
        %dma_start3A_230 = tpu.memref_slice %arg8[%add3A_124, %dma_start3A_229] : memref<157x128xi32, #tpu.memory_space<vmem>> -> memref<1x128xi32, #tpu.memory_space<vmem>>
        %dma_start3A_231 = tpu.memref_squeeze %dma_start3A_230 : memref<1x128xi32, #tpu.memory_space<vmem>> -> memref<128xi32, #tpu.memory_space<vmem>>
        %dma_start3A_232 = arith.constant 0 : i32
        %dma_start3A_233 = arith.constant 0 : i32
        %dma_start3A_234 = tpu.memref_slice %arg17[%dma_start3A_232, %dma_start3A_233] : memref<10240x48xf32, #tpu.memory_space<vmem_shared>> -> memref<10240x48xf32, #tpu.memory_space<vmem_shared>>
        tpu.enqueue_indirect_dma source(%arg10 : memref<128x48xf32, #tpu.memory_space<vmem>>) target(%dma_start3A_234 : memref<10240x48xf32, #tpu.memory_space<vmem_shared>>) offsets(%dma_start3A_231 : memref<128xi32, #tpu.memory_space<vmem>>) semaphore(%run_scoped3A_228 : memref<!tpu.dma_semaphore, #tpu.memory_space<semaphore_mem>>) {add = true}
        %dma_wait3A_235 = arith.constant 0 : i32
        %dma_wait3A_236 = tpu.memref_slice %arg8[%add3A_124, %dma_wait3A_235] : memref<157x128xi32, #tpu.memory_space<vmem>> -> memref<1x128xi32, #tpu.memory_space<vmem>>
        %dma_wait3A_237 = tpu.memref_squeeze %dma_wait3A_236 : memref<1x128xi32, #tpu.memory_space<vmem>> -> memref<128xi32, #tpu.memory_space<vmem>>
        %dma_wait3A_238 = arith.constant 0 : i32
        %dma_wait3A_239 = arith.constant 0 : i32
        %dma_wait3A_240 = tpu.memref_slice %arg17[%dma_wait3A_238, %dma_wait3A_239] : memref<10240x48xf32, #tpu.memory_space<vmem_shared>> -> memref<10240x48xf32, #tpu.memory_space<vmem_shared>>
        tpu.wait_indirect_dma semaphore(%run_scoped3A_228 : memref<!tpu.dma_semaphore, #tpu.memory_space<semaphore_mem>>) src(%arg10 : memref<128x48xf32, #tpu.memory_space<vmem>>) dst(%dma_wait3A_240 : memref<10240x48xf32, #tpu.memory_space<vmem_shared>>)
        tpu.yield
      }) : () -> ()
      %add3A_131 = arith.constant 8 : i32
      %add3A_132 = arith.addi %add3A_124, %add3A_131 : i32
      %lt3A_133 = arith.constant 157 : i32
      %lt3A_134 = arith.cmpi slt, %add3A_132, %lt3A_133 : i32
      %convert_element_type3A_135 = arith.extui %lt3A_134 : i1 to i32
      %cond3A_136 = arith.constant 0 : i32
      %cond3A_137 = arith.cmpi ne, %convert_element_type3A_135, %cond3A_136 : i32
      scf.if %cond3A_137 {
        %add3A_228 = arith.constant 8 : i32
        %add3A_229 = arith.addi %add3A_124, %add3A_228 : i32
        %dma_start3A_230 = arith.constant 0 : i32
        %dma_start3A_231 = tpu.memref_slice %arg7[%add3A_229, %dma_start3A_230] : memref<157x128xi32, #tpu.memory_space<vmem>> -> memref<1x128xi32, #tpu.memory_space<vmem>>
        %dma_start3A_232 = tpu.memref_squeeze %dma_start3A_231 : memref<1x128xi32, #tpu.memory_space<vmem>> -> memref<128xi32, #tpu.memory_space<vmem>>
        %dma_start3A_233 = arith.constant 0 : i32
        %dma_start3A_234 = arith.constant 0 : i32
        %dma_start3A_235 = tpu.memref_slice %arg2[%dma_start3A_233, %dma_start3A_234] : memref<10240x48xf32, #tpu.memory_space<hbm>> -> memref<10240x48xf32, #tpu.memory_space<hbm>>
        tpu.enqueue_indirect_dma source(%dma_start3A_235 : memref<10240x48xf32, #tpu.memory_space<hbm>>) target(%arg10 : memref<128x48xf32, #tpu.memory_space<vmem>>) offsets(%dma_start3A_232 : memref<128xi32, #tpu.memory_space<vmem>>) semaphore(%arg19 : memref<!tpu.dma_semaphore, #tpu.memory_space<semaphore_mem>>)
      } else {
      }
      %add3A_138 = arith.constant 2 : i32
      %add3A_139 = arith.addi %mul3A_110, %add3A_138 : i32
      %dma_wait3A_140 = arith.constant 0 : i32
      %dma_wait3A_141 = tpu.memref_slice %arg7[%add3A_139, %dma_wait3A_140] : memref<157x128xi32, #tpu.memory_space<vmem>> -> memref<1x128xi32, #tpu.memory_space<vmem>>
      %dma_wait3A_142 = tpu.memref_squeeze %dma_wait3A_141 : memref<1x128xi32, #tpu.memory_space<vmem>> -> memref<128xi32, #tpu.memory_space<vmem>>
      %dma_wait3A_143 = arith.constant 0 : i32
      %dma_wait3A_144 = arith.constant 0 : i32
      %dma_wait3A_145 = tpu.memref_slice %arg2[%dma_wait3A_143, %dma_wait3A_144] : memref<10240x48xf32, #tpu.memory_space<hbm>> -> memref<10240x48xf32, #tpu.memory_space<hbm>>
      tpu.wait_indirect_dma semaphore(%arg20 : memref<!tpu.dma_semaphore, #tpu.memory_space<semaphore_mem>>) src(%dma_wait3A_145 : memref<10240x48xf32, #tpu.memory_space<hbm>>) dst(%arg11 : memref<128x48xf32, #tpu.memory_space<vmem>>)
      "tpu.region"() ({
        %run_scoped3A_228 = tpu.sem_alloc : memref<!tpu.dma_semaphore, #tpu.memory_space<semaphore_mem>>
        %dma_start3A_229 = arith.constant 0 : i32
        %dma_start3A_230 = tpu.memref_slice %arg8[%add3A_139, %dma_start3A_229] : memref<157x128xi32, #tpu.memory_space<vmem>> -> memref<1x128xi32, #tpu.memory_space<vmem>>
        %dma_start3A_231 = tpu.memref_squeeze %dma_start3A_230 : memref<1x128xi32, #tpu.memory_space<vmem>> -> memref<128xi32, #tpu.memory_space<vmem>>
        %dma_start3A_232 = arith.constant 0 : i32
        %dma_start3A_233 = arith.constant 0 : i32
        %dma_start3A_234 = tpu.memref_slice %arg17[%dma_start3A_232, %dma_start3A_233] : memref<10240x48xf32, #tpu.memory_space<vmem_shared>> -> memref<10240x48xf32, #tpu.memory_space<vmem_shared>>
        tpu.enqueue_indirect_dma source(%arg11 : memref<128x48xf32, #tpu.memory_space<vmem>>) target(%dma_start3A_234 : memref<10240x48xf32, #tpu.memory_space<vmem_shared>>) offsets(%dma_start3A_231 : memref<128xi32, #tpu.memory_space<vmem>>) semaphore(%run_scoped3A_228 : memref<!tpu.dma_semaphore, #tpu.memory_space<semaphore_mem>>) {add = true}
        %dma_wait3A_235 = arith.constant 0 : i32
        %dma_wait3A_236 = tpu.memref_slice %arg8[%add3A_139, %dma_wait3A_235] : memref<157x128xi32, #tpu.memory_space<vmem>> -> memref<1x128xi32, #tpu.memory_space<vmem>>
        %dma_wait3A_237 = tpu.memref_squeeze %dma_wait3A_236 : memref<1x128xi32, #tpu.memory_space<vmem>> -> memref<128xi32, #tpu.memory_space<vmem>>
        %dma_wait3A_238 = arith.constant 0 : i32
        %dma_wait3A_239 = arith.constant 0 : i32
        %dma_wait3A_240 = tpu.memref_slice %arg17[%dma_wait3A_238, %dma_wait3A_239] : memref<10240x48xf32, #tpu.memory_space<vmem_shared>> -> memref<10240x48xf32, #tpu.memory_space<vmem_shared>>
        tpu.wait_indirect_dma semaphore(%run_scoped3A_228 : memref<!tpu.dma_semaphore, #tpu.memory_space<semaphore_mem>>) src(%arg11 : memref<128x48xf32, #tpu.memory_space<vmem>>) dst(%dma_wait3A_240 : memref<10240x48xf32, #tpu.memory_space<vmem_shared>>)
        tpu.yield
      }) : () -> ()
      %add3A_146 = arith.constant 8 : i32
      %add3A_147 = arith.addi %add3A_139, %add3A_146 : i32
      %lt3A_148 = arith.constant 157 : i32
      %lt3A_149 = arith.cmpi slt, %add3A_147, %lt3A_148 : i32
      %convert_element_type3A_150 = arith.extui %lt3A_149 : i1 to i32
      %cond3A_151 = arith.constant 0 : i32
      %cond3A_152 = arith.cmpi ne, %convert_element_type3A_150, %cond3A_151 : i32
      scf.if %cond3A_152 {
        %add3A_228 = arith.constant 8 : i32
        %add3A_229 = arith.addi %add3A_139, %add3A_228 : i32
        %dma_start3A_230 = arith.constant 0 : i32
        %dma_start3A_231 = tpu.memref_slice %arg7[%add3A_229, %dma_start3A_230] : memref<157x128xi32, #tpu.memory_space<vmem>> -> memref<1x128xi32, #tpu.memory_space<vmem>>
        %dma_start3A_232 = tpu.memref_squeeze %dma_start3A_231 : memref<1x128xi32, #tpu.memory_space<vmem>> -> memref<128xi32, #tpu.memory_space<vmem>>
        %dma_start3A_233 = arith.constant 0 : i32
        %dma_start3A_234 = arith.constant 0 : i32
        %dma_start3A_235 = tpu.memref_slice %arg2[%dma_start3A_233, %dma_start3A_234] : memref<10240x48xf32, #tpu.memory_space<hbm>> -> memref<10240x48xf32, #tpu.memory_space<hbm>>
        tpu.enqueue_indirect_dma source(%dma_start3A_235 : memref<10240x48xf32, #tpu.memory_space<hbm>>) target(%arg11 : memref<128x48xf32, #tpu.memory_space<vmem>>) offsets(%dma_start3A_232 : memref<128xi32, #tpu.memory_space<vmem>>) semaphore(%arg20 : memref<!tpu.dma_semaphore, #tpu.memory_space<semaphore_mem>>)
      } else {
      }
      %add3A_153 = arith.constant 3 : i32
      %add3A_154 = arith.addi %mul3A_110, %add3A_153 : i32
      %dma_wait3A_155 = arith.constant 0 : i32
      %dma_wait3A_156 = tpu.memref_slice %arg7[%add3A_154, %dma_wait3A_155] : memref<157x128xi32, #tpu.memory_space<vmem>> -> memref<1x128xi32, #tpu.memory_space<vmem>>
      %dma_wait3A_157 = tpu.memref_squeeze %dma_wait3A_156 : memref<1x128xi32, #tpu.memory_space<vmem>> -> memref<128xi32, #tpu.memory_space<vmem>>
      %dma_wait3A_158 = arith.constant 0 : i32
      %dma_wait3A_159 = arith.constant 0 : i32
      %dma_wait3A_160 = tpu.memref_slice %arg2[%dma_wait3A_158, %dma_wait3A_159] : memref<10240x48xf32, #tpu.memory_space<hbm>> -> memref<10240x48xf32, #tpu.memory_space<hbm>>
      tpu.wait_indirect_dma semaphore(%arg21 : memref<!tpu.dma_semaphore, #tpu.memory_space<semaphore_mem>>) src(%dma_wait3A_160 : memref<10240x48xf32, #tpu.memory_space<hbm>>) dst(%arg12 : memref<128x48xf32, #tpu.memory_space<vmem>>)
      "tpu.region"() ({
        %run_scoped3A_228 = tpu.sem_alloc : memref<!tpu.dma_semaphore, #tpu.memory_space<semaphore_mem>>
        %dma_start3A_229 = arith.constant 0 : i32
        %dma_start3A_230 = tpu.memref_slice %arg8[%add3A_154, %dma_start3A_229] : memref<157x128xi32, #tpu.memory_space<vmem>> -> memref<1x128xi32, #tpu.memory_space<vmem>>
        %dma_start3A_231 = tpu.memref_squeeze %dma_start3A_230 : memref<1x128xi32, #tpu.memory_space<vmem>> -> memref<128xi32, #tpu.memory_space<vmem>>
        %dma_start3A_232 = arith.constant 0 : i32
        %dma_start3A_233 = arith.constant 0 : i32
        %dma_start3A_234 = tpu.memref_slice %arg17[%dma_start3A_232, %dma_start3A_233] : memref<10240x48xf32, #tpu.memory_space<vmem_shared>> -> memref<10240x48xf32, #tpu.memory_space<vmem_shared>>
        tpu.enqueue_indirect_dma source(%arg12 : memref<128x48xf32, #tpu.memory_space<vmem>>) target(%dma_start3A_234 : memref<10240x48xf32, #tpu.memory_space<vmem_shared>>) offsets(%dma_start3A_231 : memref<128xi32, #tpu.memory_space<vmem>>) semaphore(%run_scoped3A_228 : memref<!tpu.dma_semaphore, #tpu.memory_space<semaphore_mem>>) {add = true}
        %dma_wait3A_235 = arith.constant 0 : i32
        %dma_wait3A_236 = tpu.memref_slice %arg8[%add3A_154, %dma_wait3A_235] : memref<157x128xi32, #tpu.memory_space<vmem>> -> memref<1x128xi32, #tpu.memory_space<vmem>>
        %dma_wait3A_237 = tpu.memref_squeeze %dma_wait3A_236 : memref<1x128xi32, #tpu.memory_space<vmem>> -> memref<128xi32, #tpu.memory_space<vmem>>
        %dma_wait3A_238 = arith.constant 0 : i32
        %dma_wait3A_239 = arith.constant 0 : i32
        %dma_wait3A_240 = tpu.memref_slice %arg17[%dma_wait3A_238, %dma_wait3A_239] : memref<10240x48xf32, #tpu.memory_space<vmem_shared>> -> memref<10240x48xf32, #tpu.memory_space<vmem_shared>>
        tpu.wait_indirect_dma semaphore(%run_scoped3A_228 : memref<!tpu.dma_semaphore, #tpu.memory_space<semaphore_mem>>) src(%arg12 : memref<128x48xf32, #tpu.memory_space<vmem>>) dst(%dma_wait3A_240 : memref<10240x48xf32, #tpu.memory_space<vmem_shared>>)
        tpu.yield
      }) : () -> ()
      %add3A_161 = arith.constant 8 : i32
      %add3A_162 = arith.addi %add3A_154, %add3A_161 : i32
      %lt3A_163 = arith.constant 157 : i32
      %lt3A_164 = arith.cmpi slt, %add3A_162, %lt3A_163 : i32
      %convert_element_type3A_165 = arith.extui %lt3A_164 : i1 to i32
      %cond3A_166 = arith.constant 0 : i32
      %cond3A_167 = arith.cmpi ne, %convert_element_type3A_165, %cond3A_166 : i32
      scf.if %cond3A_167 {
        %add3A_228 = arith.constant 8 : i32
        %add3A_229 = arith.addi %add3A_154, %add3A_228 : i32
        %dma_start3A_230 = arith.constant 0 : i32
        %dma_start3A_231 = tpu.memref_slice %arg7[%add3A_229, %dma_start3A_230] : memref<157x128xi32, #tpu.memory_space<vmem>> -> memref<1x128xi32, #tpu.memory_space<vmem>>
        %dma_start3A_232 = tpu.memref_squeeze %dma_start3A_231 : memref<1x128xi32, #tpu.memory_space<vmem>> -> memref<128xi32, #tpu.memory_space<vmem>>
        %dma_start3A_233 = arith.constant 0 : i32
        %dma_start3A_234 = arith.constant 0 : i32
        %dma_start3A_235 = tpu.memref_slice %arg2[%dma_start3A_233, %dma_start3A_234] : memref<10240x48xf32, #tpu.memory_space<hbm>> -> memref<10240x48xf32, #tpu.memory_space<hbm>>
        tpu.enqueue_indirect_dma source(%dma_start3A_235 : memref<10240x48xf32, #tpu.memory_space<hbm>>) target(%arg12 : memref<128x48xf32, #tpu.memory_space<vmem>>) offsets(%dma_start3A_232 : memref<128xi32, #tpu.memory_space<vmem>>) semaphore(%arg21 : memref<!tpu.dma_semaphore, #tpu.memory_space<semaphore_mem>>)
      } else {
      }
      %add3A_168 = arith.constant 4 : i32
      %add3A_169 = arith.addi %mul3A_110, %add3A_168 : i32
      %dma_wait3A_170 = arith.constant 0 : i32
      %dma_wait3A_171 = tpu.memref_slice %arg7[%add3A_169, %dma_wait3A_170] : memref<157x128xi32, #tpu.memory_space<vmem>> -> memref<1x128xi32, #tpu.memory_space<vmem>>
      %dma_wait3A_172 = tpu.memref_squeeze %dma_wait3A_171 : memref<1x128xi32, #tpu.memory_space<vmem>> -> memref<128xi32, #tpu.memory_space<vmem>>
      %dma_wait3A_173 = arith.constant 0 : i32
      %dma_wait3A_174 = arith.constant 0 : i32
      %dma_wait3A_175 = tpu.memref_slice %arg2[%dma_wait3A_173, %dma_wait3A_174] : memref<10240x48xf32, #tpu.memory_space<hbm>> -> memref<10240x48xf32, #tpu.memory_space<hbm>>
      tpu.wait_indirect_dma semaphore(%arg22 : memref<!tpu.dma_semaphore, #tpu.memory_space<semaphore_mem>>) src(%dma_wait3A_175 : memref<10240x48xf32, #tpu.memory_space<hbm>>) dst(%arg13 : memref<128x48xf32, #tpu.memory_space<vmem>>)
      "tpu.region"() ({
        %run_scoped3A_228 = tpu.sem_alloc : memref<!tpu.dma_semaphore, #tpu.memory_space<semaphore_mem>>
        %dma_start3A_229 = arith.constant 0 : i32
        %dma_start3A_230 = tpu.memref_slice %arg8[%add3A_169, %dma_start3A_229] : memref<157x128xi32, #tpu.memory_space<vmem>> -> memref<1x128xi32, #tpu.memory_space<vmem>>
        %dma_start3A_231 = tpu.memref_squeeze %dma_start3A_230 : memref<1x128xi32, #tpu.memory_space<vmem>> -> memref<128xi32, #tpu.memory_space<vmem>>
        %dma_start3A_232 = arith.constant 0 : i32
        %dma_start3A_233 = arith.constant 0 : i32
        %dma_start3A_234 = tpu.memref_slice %arg17[%dma_start3A_232, %dma_start3A_233] : memref<10240x48xf32, #tpu.memory_space<vmem_shared>> -> memref<10240x48xf32, #tpu.memory_space<vmem_shared>>
        tpu.enqueue_indirect_dma source(%arg13 : memref<128x48xf32, #tpu.memory_space<vmem>>) target(%dma_start3A_234 : memref<10240x48xf32, #tpu.memory_space<vmem_shared>>) offsets(%dma_start3A_231 : memref<128xi32, #tpu.memory_space<vmem>>) semaphore(%run_scoped3A_228 : memref<!tpu.dma_semaphore, #tpu.memory_space<semaphore_mem>>) {add = true}
        %dma_wait3A_235 = arith.constant 0 : i32
        %dma_wait3A_236 = tpu.memref_slice %arg8[%add3A_169, %dma_wait3A_235] : memref<157x128xi32, #tpu.memory_space<vmem>> -> memref<1x128xi32, #tpu.memory_space<vmem>>
        %dma_wait3A_237 = tpu.memref_squeeze %dma_wait3A_236 : memref<1x128xi32, #tpu.memory_space<vmem>> -> memref<128xi32, #tpu.memory_space<vmem>>
        %dma_wait3A_238 = arith.constant 0 : i32
        %dma_wait3A_239 = arith.constant 0 : i32
        %dma_wait3A_240 = tpu.memref_slice %arg17[%dma_wait3A_238, %dma_wait3A_239] : memref<10240x48xf32, #tpu.memory_space<vmem_shared>> -> memref<10240x48xf32, #tpu.memory_space<vmem_shared>>
        tpu.wait_indirect_dma semaphore(%run_scoped3A_228 : memref<!tpu.dma_semaphore, #tpu.memory_space<semaphore_mem>>) src(%arg13 : memref<128x48xf32, #tpu.memory_space<vmem>>) dst(%dma_wait3A_240 : memref<10240x48xf32, #tpu.memory_space<vmem_shared>>)
        tpu.yield
      }) : () -> ()
      %add3A_176 = arith.constant 8 : i32
      %add3A_177 = arith.addi %add3A_169, %add3A_176 : i32
      %lt3A_178 = arith.constant 157 : i32
      %lt3A_179 = arith.cmpi slt, %add3A_177, %lt3A_178 : i32
      %convert_element_type3A_180 = arith.extui %lt3A_179 : i1 to i32
      %cond3A_181 = arith.constant 0 : i32
      %cond3A_182 = arith.cmpi ne, %convert_element_type3A_180, %cond3A_181 : i32
      scf.if %cond3A_182 {
        %add3A_228 = arith.constant 8 : i32
        %add3A_229 = arith.addi %add3A_169, %add3A_228 : i32
        %dma_start3A_230 = arith.constant 0 : i32
        %dma_start3A_231 = tpu.memref_slice %arg7[%add3A_229, %dma_start3A_230] : memref<157x128xi32, #tpu.memory_space<vmem>> -> memref<1x128xi32, #tpu.memory_space<vmem>>
        %dma_start3A_232 = tpu.memref_squeeze %dma_start3A_231 : memref<1x128xi32, #tpu.memory_space<vmem>> -> memref<128xi32, #tpu.memory_space<vmem>>
        %dma_start3A_233 = arith.constant 0 : i32
        %dma_start3A_234 = arith.constant 0 : i32
        %dma_start3A_235 = tpu.memref_slice %arg2[%dma_start3A_233, %dma_start3A_234] : memref<10240x48xf32, #tpu.memory_space<hbm>> -> memref<10240x48xf32, #tpu.memory_space<hbm>>
        tpu.enqueue_indirect_dma source(%dma_start3A_235 : memref<10240x48xf32, #tpu.memory_space<hbm>>) target(%arg13 : memref<128x48xf32, #tpu.memory_space<vmem>>) offsets(%dma_start3A_232 : memref<128xi32, #tpu.memory_space<vmem>>) semaphore(%arg22 : memref<!tpu.dma_semaphore, #tpu.memory_space<semaphore_mem>>)
      } else {
      }
      %add3A_183 = arith.constant 5 : i32
      %add3A_184 = arith.addi %mul3A_110, %add3A_183 : i32
      %dma_wait3A_185 = arith.constant 0 : i32
      %dma_wait3A_186 = tpu.memref_slice %arg7[%add3A_184, %dma_wait3A_185] : memref<157x128xi32, #tpu.memory_space<vmem>> -> memref<1x128xi32, #tpu.memory_space<vmem>>
      %dma_wait3A_187 = tpu.memref_squeeze %dma_wait3A_186 : memref<1x128xi32, #tpu.memory_space<vmem>> -> memref<128xi32, #tpu.memory_space<vmem>>
      %dma_wait3A_188 = arith.constant 0 : i32
      %dma_wait3A_189 = arith.constant 0 : i32
      %dma_wait3A_190 = tpu.memref_slice %arg2[%dma_wait3A_188, %dma_wait3A_189] : memref<10240x48xf32, #tpu.memory_space<hbm>> -> memref<10240x48xf32, #tpu.memory_space<hbm>>
      tpu.wait_indirect_dma semaphore(%arg23 : memref<!tpu.dma_semaphore, #tpu.memory_space<semaphore_mem>>) src(%dma_wait3A_190 : memref<10240x48xf32, #tpu.memory_space<hbm>>) dst(%arg14 : memref<128x48xf32, #tpu.memory_space<vmem>>)
      "tpu.region"() ({
        %run_scoped3A_228 = tpu.sem_alloc : memref<!tpu.dma_semaphore, #tpu.memory_space<semaphore_mem>>
        %dma_start3A_229 = arith.constant 0 : i32
        %dma_start3A_230 = tpu.memref_slice %arg8[%add3A_184, %dma_start3A_229] : memref<157x128xi32, #tpu.memory_space<vmem>> -> memref<1x128xi32, #tpu.memory_space<vmem>>
        %dma_start3A_231 = tpu.memref_squeeze %dma_start3A_230 : memref<1x128xi32, #tpu.memory_space<vmem>> -> memref<128xi32, #tpu.memory_space<vmem>>
        %dma_start3A_232 = arith.constant 0 : i32
        %dma_start3A_233 = arith.constant 0 : i32
        %dma_start3A_234 = tpu.memref_slice %arg17[%dma_start3A_232, %dma_start3A_233] : memref<10240x48xf32, #tpu.memory_space<vmem_shared>> -> memref<10240x48xf32, #tpu.memory_space<vmem_shared>>
        tpu.enqueue_indirect_dma source(%arg14 : memref<128x48xf32, #tpu.memory_space<vmem>>) target(%dma_start3A_234 : memref<10240x48xf32, #tpu.memory_space<vmem_shared>>) offsets(%dma_start3A_231 : memref<128xi32, #tpu.memory_space<vmem>>) semaphore(%run_scoped3A_228 : memref<!tpu.dma_semaphore, #tpu.memory_space<semaphore_mem>>) {add = true}
        %dma_wait3A_235 = arith.constant 0 : i32
        %dma_wait3A_236 = tpu.memref_slice %arg8[%add3A_184, %dma_wait3A_235] : memref<157x128xi32, #tpu.memory_space<vmem>> -> memref<1x128xi32, #tpu.memory_space<vmem>>
        %dma_wait3A_237 = tpu.memref_squeeze %dma_wait3A_236 : memref<1x128xi32, #tpu.memory_space<vmem>> -> memref<128xi32, #tpu.memory_space<vmem>>
        %dma_wait3A_238 = arith.constant 0 : i32
        %dma_wait3A_239 = arith.constant 0 : i32
        %dma_wait3A_240 = tpu.memref_slice %arg17[%dma_wait3A_238, %dma_wait3A_239] : memref<10240x48xf32, #tpu.memory_space<vmem_shared>> -> memref<10240x48xf32, #tpu.memory_space<vmem_shared>>
        tpu.wait_indirect_dma semaphore(%run_scoped3A_228 : memref<!tpu.dma_semaphore, #tpu.memory_space<semaphore_mem>>) src(%arg14 : memref<128x48xf32, #tpu.memory_space<vmem>>) dst(%dma_wait3A_240 : memref<10240x48xf32, #tpu.memory_space<vmem_shared>>)
        tpu.yield
      }) : () -> ()
      %add3A_191 = arith.constant 8 : i32
      %add3A_192 = arith.addi %add3A_184, %add3A_191 : i32
      %lt3A_193 = arith.constant 157 : i32
      %lt3A_194 = arith.cmpi slt, %add3A_192, %lt3A_193 : i32
      %convert_element_type3A_195 = arith.extui %lt3A_194 : i1 to i32
      %cond3A_196 = arith.constant 0 : i32
      %cond3A_197 = arith.cmpi ne, %convert_element_type3A_195, %cond3A_196 : i32
      scf.if %cond3A_197 {
        %add3A_228 = arith.constant 8 : i32
        %add3A_229 = arith.addi %add3A_184, %add3A_228 : i32
        %dma_start3A_230 = arith.constant 0 : i32
        %dma_start3A_231 = tpu.memref_slice %arg7[%add3A_229, %dma_start3A_230] : memref<157x128xi32, #tpu.memory_space<vmem>> -> memref<1x128xi32, #tpu.memory_space<vmem>>
        %dma_start3A_232 = tpu.memref_squeeze %dma_start3A_231 : memref<1x128xi32, #tpu.memory_space<vmem>> -> memref<128xi32, #tpu.memory_space<vmem>>
        %dma_start3A_233 = arith.constant 0 : i32
        %dma_start3A_234 = arith.constant 0 : i32
        %dma_start3A_235 = tpu.memref_slice %arg2[%dma_start3A_233, %dma_start3A_234] : memref<10240x48xf32, #tpu.memory_space<hbm>> -> memref<10240x48xf32, #tpu.memory_space<hbm>>
        tpu.enqueue_indirect_dma source(%dma_start3A_235 : memref<10240x48xf32, #tpu.memory_space<hbm>>) target(%arg14 : memref<128x48xf32, #tpu.memory_space<vmem>>) offsets(%dma_start3A_232 : memref<128xi32, #tpu.memory_space<vmem>>) semaphore(%arg23 : memref<!tpu.dma_semaphore, #tpu.memory_space<semaphore_mem>>)
      } else {
      }
      %add3A_198 = arith.constant 6 : i32
      %add3A_199 = arith.addi %mul3A_110, %add3A_198 : i32
      %dma_wait3A_200 = arith.constant 0 : i32
      %dma_wait3A_201 = tpu.memref_slice %arg7[%add3A_199, %dma_wait3A_200] : memref<157x128xi32, #tpu.memory_space<vmem>> -> memref<1x128xi32, #tpu.memory_space<vmem>>
      %dma_wait3A_202 = tpu.memref_squeeze %dma_wait3A_201 : memref<1x128xi32, #tpu.memory_space<vmem>> -> memref<128xi32, #tpu.memory_space<vmem>>
      %dma_wait3A_203 = arith.constant 0 : i32
      %dma_wait3A_204 = arith.constant 0 : i32
      %dma_wait3A_205 = tpu.memref_slice %arg2[%dma_wait3A_203, %dma_wait3A_204] : memref<10240x48xf32, #tpu.memory_space<hbm>> -> memref<10240x48xf32, #tpu.memory_space<hbm>>
      tpu.wait_indirect_dma semaphore(%arg24 : memref<!tpu.dma_semaphore, #tpu.memory_space<semaphore_mem>>) src(%dma_wait3A_205 : memref<10240x48xf32, #tpu.memory_space<hbm>>) dst(%arg15 : memref<128x48xf32, #tpu.memory_space<vmem>>)
      "tpu.region"() ({
        %run_scoped3A_228 = tpu.sem_alloc : memref<!tpu.dma_semaphore, #tpu.memory_space<semaphore_mem>>
        %dma_start3A_229 = arith.constant 0 : i32
        %dma_start3A_230 = tpu.memref_slice %arg8[%add3A_199, %dma_start3A_229] : memref<157x128xi32, #tpu.memory_space<vmem>> -> memref<1x128xi32, #tpu.memory_space<vmem>>
        %dma_start3A_231 = tpu.memref_squeeze %dma_start3A_230 : memref<1x128xi32, #tpu.memory_space<vmem>> -> memref<128xi32, #tpu.memory_space<vmem>>
        %dma_start3A_232 = arith.constant 0 : i32
        %dma_start3A_233 = arith.constant 0 : i32
        %dma_start3A_234 = tpu.memref_slice %arg17[%dma_start3A_232, %dma_start3A_233] : memref<10240x48xf32, #tpu.memory_space<vmem_shared>> -> memref<10240x48xf32, #tpu.memory_space<vmem_shared>>
        tpu.enqueue_indirect_dma source(%arg15 : memref<128x48xf32, #tpu.memory_space<vmem>>) target(%dma_start3A_234 : memref<10240x48xf32, #tpu.memory_space<vmem_shared>>) offsets(%dma_start3A_231 : memref<128xi32, #tpu.memory_space<vmem>>) semaphore(%run_scoped3A_228 : memref<!tpu.dma_semaphore, #tpu.memory_space<semaphore_mem>>) {add = true}
        %dma_wait3A_235 = arith.constant 0 : i32
        %dma_wait3A_236 = tpu.memref_slice %arg8[%add3A_199, %dma_wait3A_235] : memref<157x128xi32, #tpu.memory_space<vmem>> -> memref<1x128xi32, #tpu.memory_space<vmem>>
        %dma_wait3A_237 = tpu.memref_squeeze %dma_wait3A_236 : memref<1x128xi32, #tpu.memory_space<vmem>> -> memref<128xi32, #tpu.memory_space<vmem>>
        %dma_wait3A_238 = arith.constant 0 : i32
        %dma_wait3A_239 = arith.constant 0 : i32
        %dma_wait3A_240 = tpu.memref_slice %arg17[%dma_wait3A_238, %dma_wait3A_239] : memref<10240x48xf32, #tpu.memory_space<vmem_shared>> -> memref<10240x48xf32, #tpu.memory_space<vmem_shared>>
        tpu.wait_indirect_dma semaphore(%run_scoped3A_228 : memref<!tpu.dma_semaphore, #tpu.memory_space<semaphore_mem>>) src(%arg15 : memref<128x48xf32, #tpu.memory_space<vmem>>) dst(%dma_wait3A_240 : memref<10240x48xf32, #tpu.memory_space<vmem_shared>>)
        tpu.yield
      }) : () -> ()
      %add3A_206 = arith.constant 8 : i32
      %add3A_207 = arith.addi %add3A_199, %add3A_206 : i32
      %lt3A_208 = arith.constant 157 : i32
      %lt3A_209 = arith.cmpi slt, %add3A_207, %lt3A_208 : i32
      %convert_element_type3A_210 = arith.extui %lt3A_209 : i1 to i32
      %cond3A_211 = arith.constant 0 : i32
      %cond3A_212 = arith.cmpi ne, %convert_element_type3A_210, %cond3A_211 : i32
      scf.if %cond3A_212 {
        %add3A_228 = arith.constant 8 : i32
        %add3A_229 = arith.addi %add3A_199, %add3A_228 : i32
        %dma_start3A_230 = arith.constant 0 : i32
        %dma_start3A_231 = tpu.memref_slice %arg7[%add3A_229, %dma_start3A_230] : memref<157x128xi32, #tpu.memory_space<vmem>> -> memref<1x128xi32, #tpu.memory_space<vmem>>
        %dma_start3A_232 = tpu.memref_squeeze %dma_start3A_231 : memref<1x128xi32, #tpu.memory_space<vmem>> -> memref<128xi32, #tpu.memory_space<vmem>>
        %dma_start3A_233 = arith.constant 0 : i32
        %dma_start3A_234 = arith.constant 0 : i32
        %dma_start3A_235 = tpu.memref_slice %arg2[%dma_start3A_233, %dma_start3A_234] : memref<10240x48xf32, #tpu.memory_space<hbm>> -> memref<10240x48xf32, #tpu.memory_space<hbm>>
        tpu.enqueue_indirect_dma source(%dma_start3A_235 : memref<10240x48xf32, #tpu.memory_space<hbm>>) target(%arg15 : memref<128x48xf32, #tpu.memory_space<vmem>>) offsets(%dma_start3A_232 : memref<128xi32, #tpu.memory_space<vmem>>) semaphore(%arg24 : memref<!tpu.dma_semaphore, #tpu.memory_space<semaphore_mem>>)
      } else {
      }
      %add3A_213 = arith.constant 7 : i32
      %add3A_214 = arith.addi %mul3A_110, %add3A_213 : i32
      %dma_wait3A_215 = arith.constant 0 : i32
      %dma_wait3A_216 = tpu.memref_slice %arg7[%add3A_214, %dma_wait3A_215] : memref<157x128xi32, #tpu.memory_space<vmem>> -> memref<1x128xi32, #tpu.memory_space<vmem>>
      %dma_wait3A_217 = tpu.memref_squeeze %dma_wait3A_216 : memref<1x128xi32, #tpu.memory_space<vmem>> -> memref<128xi32, #tpu.memory_space<vmem>>
      %dma_wait3A_218 = arith.constant 0 : i32
      %dma_wait3A_219 = arith.constant 0 : i32
      %dma_wait3A_220 = tpu.memref_slice %arg2[%dma_wait3A_218, %dma_wait3A_219] : memref<10240x48xf32, #tpu.memory_space<hbm>> -> memref<10240x48xf32, #tpu.memory_space<hbm>>
      tpu.wait_indirect_dma semaphore(%arg25 : memref<!tpu.dma_semaphore, #tpu.memory_space<semaphore_mem>>) src(%dma_wait3A_220 : memref<10240x48xf32, #tpu.memory_space<hbm>>) dst(%arg16 : memref<128x48xf32, #tpu.memory_space<vmem>>)
      "tpu.region"() ({
        %run_scoped3A_228 = tpu.sem_alloc : memref<!tpu.dma_semaphore, #tpu.memory_space<semaphore_mem>>
        %dma_start3A_229 = arith.constant 0 : i32
        %dma_start3A_230 = tpu.memref_slice %arg8[%add3A_214, %dma_start3A_229] : memref<157x128xi32, #tpu.memory_space<vmem>> -> memref<1x128xi32, #tpu.memory_space<vmem>>
        %dma_start3A_231 = tpu.memref_squeeze %dma_start3A_230 : memref<1x128xi32, #tpu.memory_space<vmem>> -> memref<128xi32, #tpu.memory_space<vmem>>
        %dma_start3A_232 = arith.constant 0 : i32
        %dma_start3A_233 = arith.constant 0 : i32
        %dma_start3A_234 = tpu.memref_slice %arg17[%dma_start3A_232, %dma_start3A_233] : memref<10240x48xf32, #tpu.memory_space<vmem_shared>> -> memref<10240x48xf32, #tpu.memory_space<vmem_shared>>
        tpu.enqueue_indirect_dma source(%arg16 : memref<128x48xf32, #tpu.memory_space<vmem>>) target(%dma_start3A_234 : memref<10240x48xf32, #tpu.memory_space<vmem_shared>>) offsets(%dma_start3A_231 : memref<128xi32, #tpu.memory_space<vmem>>) semaphore(%run_scoped3A_228 : memref<!tpu.dma_semaphore, #tpu.memory_space<semaphore_mem>>) {add = true}
        %dma_wait3A_235 = arith.constant 0 : i32
        %dma_wait3A_236 = tpu.memref_slice %arg8[%add3A_214, %dma_wait3A_235] : memref<157x128xi32, #tpu.memory_space<vmem>> -> memref<1x128xi32, #tpu.memory_space<vmem>>
        %dma_wait3A_237 = tpu.memref_squeeze %dma_wait3A_236 : memref<1x128xi32, #tpu.memory_space<vmem>> -> memref<128xi32, #tpu.memory_space<vmem>>
        %dma_wait3A_238 = arith.constant 0 : i32
        %dma_wait3A_239 = arith.constant 0 : i32
        %dma_wait3A_240 = tpu.memref_slice %arg17[%dma_wait3A_238, %dma_wait3A_239] : memref<10240x48xf32, #tpu.memory_space<vmem_shared>> -> memref<10240x48xf32, #tpu.memory_space<vmem_shared>>
        tpu.wait_indirect_dma semaphore(%run_scoped3A_228 : memref<!tpu.dma_semaphore, #tpu.memory_space<semaphore_mem>>) src(%arg16 : memref<128x48xf32, #tpu.memory_space<vmem>>) dst(%dma_wait3A_240 : memref<10240x48xf32, #tpu.memory_space<vmem_shared>>)
        tpu.yield
      }) : () -> ()
      %add3A_221 = arith.constant 8 : i32
      %add3A_222 = arith.addi %add3A_214, %add3A_221 : i32
      %lt3A_223 = arith.constant 157 : i32
      %lt3A_224 = arith.cmpi slt, %add3A_222, %lt3A_223 : i32
      %convert_element_type3A_225 = arith.extui %lt3A_224 : i1 to i32
      %cond3A_226 = arith.constant 0 : i32
      %cond3A_227 = arith.cmpi ne, %convert_element_type3A_225, %cond3A_226 : i32
      scf.if %cond3A_227 {
        %add3A_228 = arith.constant 8 : i32
        %add3A_229 = arith.addi %add3A_214, %add3A_228 : i32
        %dma_start3A_230 = arith.constant 0 : i32
        %dma_start3A_231 = tpu.memref_slice %arg7[%add3A_229, %dma_start3A_230] : memref<157x128xi32, #tpu.memory_space<vmem>> -> memref<1x128xi32, #tpu.memory_space<vmem>>
        %dma_start3A_232 = tpu.memref_squeeze %dma_start3A_231 : memref<1x128xi32, #tpu.memory_space<vmem>> -> memref<128xi32, #tpu.memory_space<vmem>>
        %dma_start3A_233 = arith.constant 0 : i32
        %dma_start3A_234 = arith.constant 0 : i32
        %dma_start3A_235 = tpu.memref_slice %arg2[%dma_start3A_233, %dma_start3A_234] : memref<10240x48xf32, #tpu.memory_space<hbm>> -> memref<10240x48xf32, #tpu.memory_space<hbm>>
        tpu.enqueue_indirect_dma source(%dma_start3A_235 : memref<10240x48xf32, #tpu.memory_space<hbm>>) target(%arg16 : memref<128x48xf32, #tpu.memory_space<vmem>>) offsets(%dma_start3A_232 : memref<128xi32, #tpu.memory_space<vmem>>) semaphore(%arg25 : memref<!tpu.dma_semaphore, #tpu.memory_space<semaphore_mem>>)
      } else {
      }
    }
    %scan3A_64 = arith.constant 19 : i32
    %dma_wait3A = arith.constant 152 : i32
    %dma_wait3A_65 = arith.constant 0 : i32
    %dma_wait3A_66 = tpu.memref_slice %arg7[%dma_wait3A, %dma_wait3A_65] : memref<157x128xi32, #tpu.memory_space<vmem>> -> memref<1x128xi32, #tpu.memory_space<vmem>>
    %dma_wait3A_67 = tpu.memref_squeeze %dma_wait3A_66 : memref<1x128xi32, #tpu.memory_space<vmem>> -> memref<128xi32, #tpu.memory_space<vmem>>
    %dma_wait3A_68 = arith.constant 0 : i32
    %dma_wait3A_69 = arith.constant 0 : i32
    %dma_wait3A_70 = tpu.memref_slice %arg2[%dma_wait3A_68, %dma_wait3A_69] : memref<10240x48xf32, #tpu.memory_space<hbm>> -> memref<10240x48xf32, #tpu.memory_space<hbm>>
    tpu.wait_indirect_dma semaphore(%arg18 : memref<!tpu.dma_semaphore, #tpu.memory_space<semaphore_mem>>) src(%dma_wait3A_70 : memref<10240x48xf32, #tpu.memory_space<hbm>>) dst(%arg9 : memref<128x48xf32, #tpu.memory_space<vmem>>)
    %run_scoped3A = arith.constant 152 : i32
    "tpu.region"() ({
      %run_scoped3A_108 = tpu.sem_alloc : memref<!tpu.dma_semaphore, #tpu.memory_space<semaphore_mem>>
      %dma_start3A_109 = arith.constant 0 : i32
      %dma_start3A_110 = tpu.memref_slice %arg8[%run_scoped3A, %dma_start3A_109] : memref<157x128xi32, #tpu.memory_space<vmem>> -> memref<1x128xi32, #tpu.memory_space<vmem>>
      %dma_start3A_111 = tpu.memref_squeeze %dma_start3A_110 : memref<1x128xi32, #tpu.memory_space<vmem>> -> memref<128xi32, #tpu.memory_space<vmem>>
      %dma_start3A_112 = arith.constant 0 : i32
      %dma_start3A_113 = arith.constant 0 : i32
      %dma_start3A_114 = tpu.memref_slice %arg17[%dma_start3A_112, %dma_start3A_113] : memref<10240x48xf32, #tpu.memory_space<vmem_shared>> -> memref<10240x48xf32, #tpu.memory_space<vmem_shared>>
      tpu.enqueue_indirect_dma source(%arg9 : memref<128x48xf32, #tpu.memory_space<vmem>>) target(%dma_start3A_114 : memref<10240x48xf32, #tpu.memory_space<vmem_shared>>) offsets(%dma_start3A_111 : memref<128xi32, #tpu.memory_space<vmem>>) semaphore(%run_scoped3A_108 : memref<!tpu.dma_semaphore, #tpu.memory_space<semaphore_mem>>) {add = true}
      %dma_wait3A_115 = arith.constant 0 : i32
      %dma_wait3A_116 = tpu.memref_slice %arg8[%run_scoped3A, %dma_wait3A_115] : memref<157x128xi32, #tpu.memory_space<vmem>> -> memref<1x128xi32, #tpu.memory_space<vmem>>
      %dma_wait3A_117 = tpu.memref_squeeze %dma_wait3A_116 : memref<1x128xi32, #tpu.memory_space<vmem>> -> memref<128xi32, #tpu.memory_space<vmem>>
      %dma_wait3A_118 = arith.constant 0 : i32
      %dma_wait3A_119 = arith.constant 0 : i32
      %dma_wait3A_120 = tpu.memref_slice %arg17[%dma_wait3A_118, %dma_wait3A_119] : memref<10240x48xf32, #tpu.memory_space<vmem_shared>> -> memref<10240x48xf32, #tpu.memory_space<vmem_shared>>
      tpu.wait_indirect_dma semaphore(%run_scoped3A_108 : memref<!tpu.dma_semaphore, #tpu.memory_space<semaphore_mem>>) src(%arg9 : memref<128x48xf32, #tpu.memory_space<vmem>>) dst(%dma_wait3A_120 : memref<10240x48xf32, #tpu.memory_space<vmem_shared>>)
      tpu.yield
    }) : () -> ()
    %dma_wait3A_71 = arith.constant 153 : i32
    %dma_wait3A_72 = arith.constant 0 : i32
    %dma_wait3A_73 = tpu.memref_slice %arg7[%dma_wait3A_71, %dma_wait3A_72] : memref<157x128xi32, #tpu.memory_space<vmem>> -> memref<1x128xi32, #tpu.memory_space<vmem>>
    %dma_wait3A_74 = tpu.memref_squeeze %dma_wait3A_73 : memref<1x128xi32, #tpu.memory_space<vmem>> -> memref<128xi32, #tpu.memory_space<vmem>>
    %dma_wait3A_75 = arith.constant 0 : i32
    %dma_wait3A_76 = arith.constant 0 : i32
    %dma_wait3A_77 = tpu.memref_slice %arg2[%dma_wait3A_75, %dma_wait3A_76] : memref<10240x48xf32, #tpu.memory_space<hbm>> -> memref<10240x48xf32, #tpu.memory_space<hbm>>
    tpu.wait_indirect_dma semaphore(%arg19 : memref<!tpu.dma_semaphore, #tpu.memory_space<semaphore_mem>>) src(%dma_wait3A_77 : memref<10240x48xf32, #tpu.memory_space<hbm>>) dst(%arg10 : memref<128x48xf32, #tpu.memory_space<vmem>>)
    %run_scoped3A_78 = arith.constant 153 : i32
    "tpu.region"() ({
      %run_scoped3A_108 = tpu.sem_alloc : memref<!tpu.dma_semaphore, #tpu.memory_space<semaphore_mem>>
      %dma_start3A_109 = arith.constant 0 : i32
      %dma_start3A_110 = tpu.memref_slice %arg8[%run_scoped3A_78, %dma_start3A_109] : memref<157x128xi32, #tpu.memory_space<vmem>> -> memref<1x128xi32, #tpu.memory_space<vmem>>
      %dma_start3A_111 = tpu.memref_squeeze %dma_start3A_110 : memref<1x128xi32, #tpu.memory_space<vmem>> -> memref<128xi32, #tpu.memory_space<vmem>>
      %dma_start3A_112 = arith.constant 0 : i32
      %dma_start3A_113 = arith.constant 0 : i32
      %dma_start3A_114 = tpu.memref_slice %arg17[%dma_start3A_112, %dma_start3A_113] : memref<10240x48xf32, #tpu.memory_space<vmem_shared>> -> memref<10240x48xf32, #tpu.memory_space<vmem_shared>>
      tpu.enqueue_indirect_dma source(%arg10 : memref<128x48xf32, #tpu.memory_space<vmem>>) target(%dma_start3A_114 : memref<10240x48xf32, #tpu.memory_space<vmem_shared>>) offsets(%dma_start3A_111 : memref<128xi32, #tpu.memory_space<vmem>>) semaphore(%run_scoped3A_108 : memref<!tpu.dma_semaphore, #tpu.memory_space<semaphore_mem>>) {add = true}
      %dma_wait3A_115 = arith.constant 0 : i32
      %dma_wait3A_116 = tpu.memref_slice %arg8[%run_scoped3A_78, %dma_wait3A_115] : memref<157x128xi32, #tpu.memory_space<vmem>> -> memref<1x128xi32, #tpu.memory_space<vmem>>
      %dma_wait3A_117 = tpu.memref_squeeze %dma_wait3A_116 : memref<1x128xi32, #tpu.memory_space<vmem>> -> memref<128xi32, #tpu.memory_space<vmem>>
      %dma_wait3A_118 = arith.constant 0 : i32
      %dma_wait3A_119 = arith.constant 0 : i32
      %dma_wait3A_120 = tpu.memref_slice %arg17[%dma_wait3A_118, %dma_wait3A_119] : memref<10240x48xf32, #tpu.memory_space<vmem_shared>> -> memref<10240x48xf32, #tpu.memory_space<vmem_shared>>
      tpu.wait_indirect_dma semaphore(%run_scoped3A_108 : memref<!tpu.dma_semaphore, #tpu.memory_space<semaphore_mem>>) src(%arg10 : memref<128x48xf32, #tpu.memory_space<vmem>>) dst(%dma_wait3A_120 : memref<10240x48xf32, #tpu.memory_space<vmem_shared>>)
      tpu.yield
    }) : () -> ()
    %dma_wait3A_79 = arith.constant 154 : i32
    %dma_wait3A_80 = arith.constant 0 : i32
    %dma_wait3A_81 = tpu.memref_slice %arg7[%dma_wait3A_79, %dma_wait3A_80] : memref<157x128xi32, #tpu.memory_space<vmem>> -> memref<1x128xi32, #tpu.memory_space<vmem>>
    %dma_wait3A_82 = tpu.memref_squeeze %dma_wait3A_81 : memref<1x128xi32, #tpu.memory_space<vmem>> -> memref<128xi32, #tpu.memory_space<vmem>>
    %dma_wait3A_83 = arith.constant 0 : i32
    %dma_wait3A_84 = arith.constant 0 : i32
    %dma_wait3A_85 = tpu.memref_slice %arg2[%dma_wait3A_83, %dma_wait3A_84] : memref<10240x48xf32, #tpu.memory_space<hbm>> -> memref<10240x48xf32, #tpu.memory_space<hbm>>
    tpu.wait_indirect_dma semaphore(%arg20 : memref<!tpu.dma_semaphore, #tpu.memory_space<semaphore_mem>>) src(%dma_wait3A_85 : memref<10240x48xf32, #tpu.memory_space<hbm>>) dst(%arg11 : memref<128x48xf32, #tpu.memory_space<vmem>>)
    %run_scoped3A_86 = arith.constant 154 : i32
    "tpu.region"() ({
      %run_scoped3A_108 = tpu.sem_alloc : memref<!tpu.dma_semaphore, #tpu.memory_space<semaphore_mem>>
      %dma_start3A_109 = arith.constant 0 : i32
      %dma_start3A_110 = tpu.memref_slice %arg8[%run_scoped3A_86, %dma_start3A_109] : memref<157x128xi32, #tpu.memory_space<vmem>> -> memref<1x128xi32, #tpu.memory_space<vmem>>
      %dma_start3A_111 = tpu.memref_squeeze %dma_start3A_110 : memref<1x128xi32, #tpu.memory_space<vmem>> -> memref<128xi32, #tpu.memory_space<vmem>>
      %dma_start3A_112 = arith.constant 0 : i32
      %dma_start3A_113 = arith.constant 0 : i32
      %dma_start3A_114 = tpu.memref_slice %arg17[%dma_start3A_112, %dma_start3A_113] : memref<10240x48xf32, #tpu.memory_space<vmem_shared>> -> memref<10240x48xf32, #tpu.memory_space<vmem_shared>>
      tpu.enqueue_indirect_dma source(%arg11 : memref<128x48xf32, #tpu.memory_space<vmem>>) target(%dma_start3A_114 : memref<10240x48xf32, #tpu.memory_space<vmem_shared>>) offsets(%dma_start3A_111 : memref<128xi32, #tpu.memory_space<vmem>>) semaphore(%run_scoped3A_108 : memref<!tpu.dma_semaphore, #tpu.memory_space<semaphore_mem>>) {add = true}
      %dma_wait3A_115 = arith.constant 0 : i32
      %dma_wait3A_116 = tpu.memref_slice %arg8[%run_scoped3A_86, %dma_wait3A_115] : memref<157x128xi32, #tpu.memory_space<vmem>> -> memref<1x128xi32, #tpu.memory_space<vmem>>
      %dma_wait3A_117 = tpu.memref_squeeze %dma_wait3A_116 : memref<1x128xi32, #tpu.memory_space<vmem>> -> memref<128xi32, #tpu.memory_space<vmem>>
      %dma_wait3A_118 = arith.constant 0 : i32
      %dma_wait3A_119 = arith.constant 0 : i32
      %dma_wait3A_120 = tpu.memref_slice %arg17[%dma_wait3A_118, %dma_wait3A_119] : memref<10240x48xf32, #tpu.memory_space<vmem_shared>> -> memref<10240x48xf32, #tpu.memory_space<vmem_shared>>
      tpu.wait_indirect_dma semaphore(%run_scoped3A_108 : memref<!tpu.dma_semaphore, #tpu.memory_space<semaphore_mem>>) src(%arg11 : memref<128x48xf32, #tpu.memory_space<vmem>>) dst(%dma_wait3A_120 : memref<10240x48xf32, #tpu.memory_space<vmem_shared>>)
      tpu.yield
    }) : () -> ()
    %dma_wait3A_87 = arith.constant 155 : i32
    %dma_wait3A_88 = arith.constant 0 : i32
    %dma_wait3A_89 = tpu.memref_slice %arg7[%dma_wait3A_87, %dma_wait3A_88] : memref<157x128xi32, #tpu.memory_space<vmem>> -> memref<1x128xi32, #tpu.memory_space<vmem>>
    %dma_wait3A_90 = tpu.memref_squeeze %dma_wait3A_89 : memref<1x128xi32, #tpu.memory_space<vmem>> -> memref<128xi32, #tpu.memory_space<vmem>>
    %dma_wait3A_91 = arith.constant 0 : i32
    %dma_wait3A_92 = arith.constant 0 : i32
    %dma_wait3A_93 = tpu.memref_slice %arg2[%dma_wait3A_91, %dma_wait3A_92] : memref<10240x48xf32, #tpu.memory_space<hbm>> -> memref<10240x48xf32, #tpu.memory_space<hbm>>
    tpu.wait_indirect_dma semaphore(%arg21 : memref<!tpu.dma_semaphore, #tpu.memory_space<semaphore_mem>>) src(%dma_wait3A_93 : memref<10240x48xf32, #tpu.memory_space<hbm>>) dst(%arg12 : memref<128x48xf32, #tpu.memory_space<vmem>>)
    %run_scoped3A_94 = arith.constant 155 : i32
    "tpu.region"() ({
      %run_scoped3A_108 = tpu.sem_alloc : memref<!tpu.dma_semaphore, #tpu.memory_space<semaphore_mem>>
      %dma_start3A_109 = arith.constant 0 : i32
      %dma_start3A_110 = tpu.memref_slice %arg8[%run_scoped3A_94, %dma_start3A_109] : memref<157x128xi32, #tpu.memory_space<vmem>> -> memref<1x128xi32, #tpu.memory_space<vmem>>
      %dma_start3A_111 = tpu.memref_squeeze %dma_start3A_110 : memref<1x128xi32, #tpu.memory_space<vmem>> -> memref<128xi32, #tpu.memory_space<vmem>>
      %dma_start3A_112 = arith.constant 0 : i32
      %dma_start3A_113 = arith.constant 0 : i32
      %dma_start3A_114 = tpu.memref_slice %arg17[%dma_start3A_112, %dma_start3A_113] : memref<10240x48xf32, #tpu.memory_space<vmem_shared>> -> memref<10240x48xf32, #tpu.memory_space<vmem_shared>>
      tpu.enqueue_indirect_dma source(%arg12 : memref<128x48xf32, #tpu.memory_space<vmem>>) target(%dma_start3A_114 : memref<10240x48xf32, #tpu.memory_space<vmem_shared>>) offsets(%dma_start3A_111 : memref<128xi32, #tpu.memory_space<vmem>>) semaphore(%run_scoped3A_108 : memref<!tpu.dma_semaphore, #tpu.memory_space<semaphore_mem>>) {add = true}
      %dma_wait3A_115 = arith.constant 0 : i32
      %dma_wait3A_116 = tpu.memref_slice %arg8[%run_scoped3A_94, %dma_wait3A_115] : memref<157x128xi32, #tpu.memory_space<vmem>> -> memref<1x128xi32, #tpu.memory_space<vmem>>
      %dma_wait3A_117 = tpu.memref_squeeze %dma_wait3A_116 : memref<1x128xi32, #tpu.memory_space<vmem>> -> memref<128xi32, #tpu.memory_space<vmem>>
      %dma_wait3A_118 = arith.constant 0 : i32
      %dma_wait3A_119 = arith.constant 0 : i32
      %dma_wait3A_120 = tpu.memref_slice %arg17[%dma_wait3A_118, %dma_wait3A_119] : memref<10240x48xf32, #tpu.memory_space<vmem_shared>> -> memref<10240x48xf32, #tpu.memory_space<vmem_shared>>
      tpu.wait_indirect_dma semaphore(%run_scoped3A_108 : memref<!tpu.dma_semaphore, #tpu.memory_space<semaphore_mem>>) src(%arg12 : memref<128x48xf32, #tpu.memory_space<vmem>>) dst(%dma_wait3A_120 : memref<10240x48xf32, #tpu.memory_space<vmem_shared>>)
      tpu.yield
    }) : () -> ()
    %dma_wait3A_95 = arith.constant 156 : i32
    %dma_wait3A_96 = arith.constant 0 : i32
    %dma_wait3A_97 = tpu.memref_slice %arg7[%dma_wait3A_95, %dma_wait3A_96] : memref<157x128xi32, #tpu.memory_space<vmem>> -> memref<1x128xi32, #tpu.memory_space<vmem>>
    %dma_wait3A_98 = tpu.memref_squeeze %dma_wait3A_97 : memref<1x128xi32, #tpu.memory_space<vmem>> -> memref<128xi32, #tpu.memory_space<vmem>>
    %dma_wait3A_99 = arith.constant 0 : i32
    %dma_wait3A_100 = arith.constant 0 : i32
    %dma_wait3A_101 = tpu.memref_slice %arg2[%dma_wait3A_99, %dma_wait3A_100] : memref<10240x48xf32, #tpu.memory_space<hbm>> -> memref<10240x48xf32, #tpu.memory_space<hbm>>
    tpu.wait_indirect_dma semaphore(%arg22 : memref<!tpu.dma_semaphore, #tpu.memory_space<semaphore_mem>>) src(%dma_wait3A_101 : memref<10240x48xf32, #tpu.memory_space<hbm>>) dst(%arg13 : memref<128x48xf32, #tpu.memory_space<vmem>>)
    %run_scoped3A_102 = arith.constant 156 : i32
    "tpu.region"() ({
      %run_scoped3A_108 = tpu.sem_alloc : memref<!tpu.dma_semaphore, #tpu.memory_space<semaphore_mem>>
      %dma_start3A_109 = arith.constant 0 : i32
      %dma_start3A_110 = tpu.memref_slice %arg8[%run_scoped3A_102, %dma_start3A_109] : memref<157x128xi32, #tpu.memory_space<vmem>> -> memref<1x128xi32, #tpu.memory_space<vmem>>
      %dma_start3A_111 = tpu.memref_squeeze %dma_start3A_110 : memref<1x128xi32, #tpu.memory_space<vmem>> -> memref<128xi32, #tpu.memory_space<vmem>>
      %dma_start3A_112 = arith.constant 0 : i32
      %dma_start3A_113 = arith.constant 0 : i32
      %dma_start3A_114 = tpu.memref_slice %arg17[%dma_start3A_112, %dma_start3A_113] : memref<10240x48xf32, #tpu.memory_space<vmem_shared>> -> memref<10240x48xf32, #tpu.memory_space<vmem_shared>>
      tpu.enqueue_indirect_dma source(%arg13 : memref<128x48xf32, #tpu.memory_space<vmem>>) target(%dma_start3A_114 : memref<10240x48xf32, #tpu.memory_space<vmem_shared>>) offsets(%dma_start3A_111 : memref<128xi32, #tpu.memory_space<vmem>>) semaphore(%run_scoped3A_108 : memref<!tpu.dma_semaphore, #tpu.memory_space<semaphore_mem>>) {add = true}
      %dma_wait3A_115 = arith.constant 0 : i32
      %dma_wait3A_116 = tpu.memref_slice %arg8[%run_scoped3A_102, %dma_wait3A_115] : memref<157x128xi32, #tpu.memory_space<vmem>> -> memref<1x128xi32, #tpu.memory_space<vmem>>
      %dma_wait3A_117 = tpu.memref_squeeze %dma_wait3A_116 : memref<1x128xi32, #tpu.memory_space<vmem>> -> memref<128xi32, #tpu.memory_space<vmem>>
      %dma_wait3A_118 = arith.constant 0 : i32
      %dma_wait3A_119 = arith.constant 0 : i32
      %dma_wait3A_120 = tpu.memref_slice %arg17[%dma_wait3A_118, %dma_wait3A_119] : memref<10240x48xf32, #tpu.memory_space<vmem_shared>> -> memref<10240x48xf32, #tpu.memory_space<vmem_shared>>
      tpu.wait_indirect_dma semaphore(%run_scoped3A_108 : memref<!tpu.dma_semaphore, #tpu.memory_space<semaphore_mem>>) src(%arg13 : memref<128x48xf32, #tpu.memory_space<vmem>>) dst(%dma_wait3A_120 : memref<10240x48xf32, #tpu.memory_space<vmem_shared>>)
      tpu.yield
    }) : () -> ()
    %barrier3A_103 = arith.constant 0 : index
    tpu.barrier barrier_id(%barrier3A_103)
    %mul3A_104 = arith.constant 640 : i32
    %mul3A_105 = arith.muli %arg1, %mul3A_104 : i32
    %mul3A_106 = arith.constant 640 : i32
    %mul3A_107 = arith.muli %arg1, %mul3A_106 : i32
    "tpu.region"() ({
      %run_scoped3A_108 = tpu.sem_alloc : memref<!tpu.dma_semaphore, #tpu.memory_space<semaphore_mem>>
      %dma_start3A_109 = arith.constant 0 : i32
      %dma_start3A_110 = tpu.memref_slice %arg6[%arg0, %mul3A_107, %dma_start3A_109] : memref<2x10240x48xf32, #tpu.memory_space<hbm>> -> memref<1x640x48xf32, #tpu.memory_space<hbm>>
      %dma_start3A_111 = tpu.memref_squeeze %dma_start3A_110 : memref<1x640x48xf32, #tpu.memory_space<hbm>> -> memref<640x48xf32, #tpu.memory_space<hbm>>
      %dma_start3A_112 = arith.constant 0 : i32
      %dma_start3A_113 = tpu.memref_slice %arg17[%mul3A_105, %dma_start3A_112] : memref<10240x48xf32, #tpu.memory_space<vmem_shared>> -> memref<640x48xf32, #tpu.memory_space<vmem_shared>>
      tpu.enqueue_dma source(%dma_start3A_113 : memref<640x48xf32, #tpu.memory_space<vmem_shared>>) target(%dma_start3A_111 : memref<640x48xf32, #tpu.memory_space<hbm>>) target_semaphore(%run_scoped3A_108 : memref<!tpu.dma_semaphore, #tpu.memory_space<semaphore_mem>>)
      %dma_wait3A_114 = arith.constant 0 : i32
      %dma_wait3A_115 = tpu.memref_slice %arg6[%arg0, %mul3A_107, %dma_wait3A_114] : memref<2x10240x48xf32, #tpu.memory_space<hbm>> -> memref<1x640x48xf32, #tpu.memory_space<hbm>>
      %dma_wait3A_116 = tpu.memref_squeeze %dma_wait3A_115 : memref<1x640x48xf32, #tpu.memory_space<hbm>> -> memref<640x48xf32, #tpu.memory_space<hbm>>
      %dma_wait3A_117 = arith.constant 0 : i32
      %dma_wait3A_118 = tpu.memref_slice %arg17[%mul3A_105, %dma_wait3A_117] : memref<10240x48xf32, #tpu.memory_space<vmem_shared>> -> memref<640x48xf32, #tpu.memory_space<vmem_shared>>
      tpu.wait_dma2 semaphore(%run_scoped3A_108 : memref<!tpu.dma_semaphore, #tpu.memory_space<semaphore_mem>>) src(%dma_wait3A_118 : memref<640x48xf32, #tpu.memory_space<vmem_shared>>) dst(%dma_wait3A_116 : memref<640x48xf32, #tpu.memory_space<hbm>>)
      tpu.yield
    }) : () -> ()
    return
  }
}

#map = affine_map<(d0, d1) -> (0, 0)>
#map1 = affine_map<(d0, d1) -> (0, 0, 0)>
module attributes {stable_mosaic.version = 14 : i64} {
  func.func @prop(%arg0: i32, %arg1: i32, %arg2: memref<10240x16xf32, #tpu.memory_space<hbm>>, %arg3: memref<32x157x128xi32, #tpu.memory_space<hbm>>, %arg4: memref<32x157x128xi32, #tpu.memory_space<hbm>>, %arg5: memref<10240x16xf32, #tpu.memory_space<hbm>>, %arg6: memref<2x10240x16xf32, #tpu.memory_space<hbm>>, %arg7: memref<157x128xi32, #tpu.memory_space<vmem>>, %arg8: memref<157x128xi32, #tpu.memory_space<vmem>>, %arg9: memref<128x16xf32, #tpu.memory_space<vmem>>, %arg10: memref<128x16xf32, #tpu.memory_space<vmem>>, %arg11: memref<128x16xf32, #tpu.memory_space<vmem>>, %arg12: memref<128x16xf32, #tpu.memory_space<vmem>>, %arg13: memref<128x16xf32, #tpu.memory_space<vmem>>, %arg14: memref<128x16xf32, #tpu.memory_space<vmem>>, %arg15: memref<128x16xf32, #tpu.memory_space<vmem>>, %arg16: memref<128x16xf32, #tpu.memory_space<vmem>>, %arg17: memref<10240x16xf32, #tpu.memory_space<vmem_shared>>, %arg18: memref<!tpu.dma_semaphore, #tpu.memory_space<semaphore_mem>>, %arg19: memref<!tpu.dma_semaphore, #tpu.memory_space<semaphore_mem>>, %arg20: memref<!tpu.dma_semaphore, #tpu.memory_space<semaphore_mem>>, %arg21: memref<!tpu.dma_semaphore, #tpu.memory_space<semaphore_mem>>, %arg22: memref<!tpu.dma_semaphore, #tpu.memory_space<semaphore_mem>>, %arg23: memref<!tpu.dma_semaphore, #tpu.memory_space<semaphore_mem>>, %arg24: memref<!tpu.dma_semaphore, #tpu.memory_space<semaphore_mem>>, %arg25: memref<!tpu.dma_semaphore, #tpu.memory_space<semaphore_mem>>) attributes {dimension_semantics = [#tpu.dimension_semantics<core_parallel>, #tpu.dimension_semantics<subcore_parallel>], iteration_bounds = array<i64: 2, 16>, scalar_prefetch = 0 : i64, scratch_operands = 19 : i64, tpu.core_type = #tpu.core_type<sc_vector_subcore>, window_params = [{transform_indices = #map}, {transform_indices = #map1}, {transform_indices = #map1}, {transform_indices = #map}, {transform_indices = #map1}]} {
    %mul3A = arith.constant 2 : i32
    %mul3A_0 = arith.muli %arg1, %mul3A : i32
    %add3A = arith.addi %mul3A_0, %arg0 : i32
    %mul3A_1 = arith.constant 640 : i32
    %mul3A_2 = arith.muli %arg1, %mul3A_1 : i32
    %mul3A_3 = arith.constant 640 : i32
    %mul3A_4 = arith.muli %arg1, %mul3A_3 : i32
    "tpu.region"() ({
      %run_scoped3A_108 = tpu.sem_alloc : memref<!tpu.dma_semaphore, #tpu.memory_space<semaphore_mem>>
      %dma_start3A_109 = arith.constant 0 : i32
      %dma_start3A_110 = tpu.memref_slice %arg17[%mul3A_4, %dma_start3A_109] : memref<10240x16xf32, #tpu.memory_space<vmem_shared>> -> memref<640x16xf32, #tpu.memory_space<vmem_shared>>
      %dma_start3A_111 = arith.constant 0 : i32
      %dma_start3A_112 = tpu.memref_slice %arg5[%mul3A_2, %dma_start3A_111] : memref<10240x16xf32, #tpu.memory_space<hbm>> -> memref<640x16xf32, #tpu.memory_space<hbm>>
      tpu.enqueue_dma source(%dma_start3A_112 : memref<640x16xf32, #tpu.memory_space<hbm>>) target(%dma_start3A_110 : memref<640x16xf32, #tpu.memory_space<vmem_shared>>) target_semaphore(%run_scoped3A_108 : memref<!tpu.dma_semaphore, #tpu.memory_space<semaphore_mem>>)
      %dma_wait3A_113 = arith.constant 0 : i32
      %dma_wait3A_114 = tpu.memref_slice %arg17[%mul3A_4, %dma_wait3A_113] : memref<10240x16xf32, #tpu.memory_space<vmem_shared>> -> memref<640x16xf32, #tpu.memory_space<vmem_shared>>
      %dma_wait3A_115 = arith.constant 0 : i32
      %dma_wait3A_116 = tpu.memref_slice %arg5[%mul3A_2, %dma_wait3A_115] : memref<10240x16xf32, #tpu.memory_space<hbm>> -> memref<640x16xf32, #tpu.memory_space<hbm>>
      tpu.wait_dma2 semaphore(%run_scoped3A_108 : memref<!tpu.dma_semaphore, #tpu.memory_space<semaphore_mem>>) src(%dma_wait3A_116 : memref<640x16xf32, #tpu.memory_space<hbm>>) dst(%dma_wait3A_114 : memref<640x16xf32, #tpu.memory_space<vmem_shared>>)
      tpu.yield
    }) : () -> ()
    "tpu.region"() ({
      %run_scoped3A_108 = tpu.sem_alloc : memref<!tpu.dma_semaphore, #tpu.memory_space<semaphore_mem>>
      %dma_start3A_109 = arith.constant 0 : i32
      %dma_start3A_110 = arith.constant 0 : i32
      %dma_start3A_111 = tpu.memref_slice %arg3[%add3A, %dma_start3A_109, %dma_start3A_110] : memref<32x157x128xi32, #tpu.memory_space<hbm>> -> memref<1x157x128xi32, #tpu.memory_space<hbm>>
      %dma_start3A_112 = tpu.memref_squeeze %dma_start3A_111 : memref<1x157x128xi32, #tpu.memory_space<hbm>> -> memref<157x128xi32, #tpu.memory_space<hbm>>
      %dma_start3A_113 = arith.constant 0 : i32
      %dma_start3A_114 = arith.constant 0 : i32
      %dma_start3A_115 = tpu.memref_slice %arg3[%add3A, %dma_start3A_113, %dma_start3A_114] : memref<32x157x128xi32, #tpu.memory_space<hbm>> -> memref<1x157x128xi32, #tpu.memory_space<hbm>>
      %dma_start3A_116 = tpu.memref_squeeze %dma_start3A_115 : memref<1x157x128xi32, #tpu.memory_space<hbm>> -> memref<157x128xi32, #tpu.memory_space<hbm>>
      tpu.enqueue_dma source(%dma_start3A_116 : memref<157x128xi32, #tpu.memory_space<hbm>>) target(%arg7 : memref<157x128xi32, #tpu.memory_space<vmem>>) target_semaphore(%run_scoped3A_108 : memref<!tpu.dma_semaphore, #tpu.memory_space<semaphore_mem>>)
      %dma_wait3A_117 = arith.constant 0 : i32
      %dma_wait3A_118 = arith.constant 0 : i32
      %dma_wait3A_119 = tpu.memref_slice %arg3[%add3A, %dma_wait3A_117, %dma_wait3A_118] : memref<32x157x128xi32, #tpu.memory_space<hbm>> -> memref<1x157x128xi32, #tpu.memory_space<hbm>>
      %dma_wait3A_120 = tpu.memref_squeeze %dma_wait3A_119 : memref<1x157x128xi32, #tpu.memory_space<hbm>> -> memref<157x128xi32, #tpu.memory_space<hbm>>
      %dma_wait3A_121 = arith.constant 0 : i32
      %dma_wait3A_122 = arith.constant 0 : i32
      %dma_wait3A_123 = tpu.memref_slice %arg3[%add3A, %dma_wait3A_121, %dma_wait3A_122] : memref<32x157x128xi32, #tpu.memory_space<hbm>> -> memref<1x157x128xi32, #tpu.memory_space<hbm>>
      %dma_wait3A_124 = tpu.memref_squeeze %dma_wait3A_123 : memref<1x157x128xi32, #tpu.memory_space<hbm>> -> memref<157x128xi32, #tpu.memory_space<hbm>>
      tpu.wait_dma2 semaphore(%run_scoped3A_108 : memref<!tpu.dma_semaphore, #tpu.memory_space<semaphore_mem>>) src(%dma_wait3A_124 : memref<157x128xi32, #tpu.memory_space<hbm>>) dst(%arg7 : memref<157x128xi32, #tpu.memory_space<vmem>>)
      tpu.yield
    }) : () -> ()
    "tpu.region"() ({
      %run_scoped3A_108 = tpu.sem_alloc : memref<!tpu.dma_semaphore, #tpu.memory_space<semaphore_mem>>
      %dma_start3A_109 = arith.constant 0 : i32
      %dma_start3A_110 = arith.constant 0 : i32
      %dma_start3A_111 = tpu.memref_slice %arg4[%add3A, %dma_start3A_109, %dma_start3A_110] : memref<32x157x128xi32, #tpu.memory_space<hbm>> -> memref<1x157x128xi32, #tpu.memory_space<hbm>>
      %dma_start3A_112 = tpu.memref_squeeze %dma_start3A_111 : memref<1x157x128xi32, #tpu.memory_space<hbm>> -> memref<157x128xi32, #tpu.memory_space<hbm>>
      %dma_start3A_113 = arith.constant 0 : i32
      %dma_start3A_114 = arith.constant 0 : i32
      %dma_start3A_115 = tpu.memref_slice %arg4[%add3A, %dma_start3A_113, %dma_start3A_114] : memref<32x157x128xi32, #tpu.memory_space<hbm>> -> memref<1x157x128xi32, #tpu.memory_space<hbm>>
      %dma_start3A_116 = tpu.memref_squeeze %dma_start3A_115 : memref<1x157x128xi32, #tpu.memory_space<hbm>> -> memref<157x128xi32, #tpu.memory_space<hbm>>
      tpu.enqueue_dma source(%dma_start3A_116 : memref<157x128xi32, #tpu.memory_space<hbm>>) target(%arg8 : memref<157x128xi32, #tpu.memory_space<vmem>>) target_semaphore(%run_scoped3A_108 : memref<!tpu.dma_semaphore, #tpu.memory_space<semaphore_mem>>)
      %dma_wait3A_117 = arith.constant 0 : i32
      %dma_wait3A_118 = arith.constant 0 : i32
      %dma_wait3A_119 = tpu.memref_slice %arg4[%add3A, %dma_wait3A_117, %dma_wait3A_118] : memref<32x157x128xi32, #tpu.memory_space<hbm>> -> memref<1x157x128xi32, #tpu.memory_space<hbm>>
      %dma_wait3A_120 = tpu.memref_squeeze %dma_wait3A_119 : memref<1x157x128xi32, #tpu.memory_space<hbm>> -> memref<157x128xi32, #tpu.memory_space<hbm>>
      %dma_wait3A_121 = arith.constant 0 : i32
      %dma_wait3A_122 = arith.constant 0 : i32
      %dma_wait3A_123 = tpu.memref_slice %arg4[%add3A, %dma_wait3A_121, %dma_wait3A_122] : memref<32x157x128xi32, #tpu.memory_space<hbm>> -> memref<1x157x128xi32, #tpu.memory_space<hbm>>
      %dma_wait3A_124 = tpu.memref_squeeze %dma_wait3A_123 : memref<1x157x128xi32, #tpu.memory_space<hbm>> -> memref<157x128xi32, #tpu.memory_space<hbm>>
      tpu.wait_dma2 semaphore(%run_scoped3A_108 : memref<!tpu.dma_semaphore, #tpu.memory_space<semaphore_mem>>) src(%dma_wait3A_124 : memref<157x128xi32, #tpu.memory_space<hbm>>) dst(%arg8 : memref<157x128xi32, #tpu.memory_space<vmem>>)
      tpu.yield
    }) : () -> ()
    %barrier3A = arith.constant 0 : index
    tpu.barrier barrier_id(%barrier3A)
    %dma_start3A = arith.constant 0 : i32
    %dma_start3A_5 = arith.constant 0 : i32
    %dma_start3A_6 = tpu.memref_slice %arg7[%dma_start3A, %dma_start3A_5] : memref<157x128xi32, #tpu.memory_space<vmem>> -> memref<1x128xi32, #tpu.memory_space<vmem>>
    %dma_start3A_7 = tpu.memref_squeeze %dma_start3A_6 : memref<1x128xi32, #tpu.memory_space<vmem>> -> memref<128xi32, #tpu.memory_space<vmem>>
    %dma_start3A_8 = arith.constant 0 : i32
    %dma_start3A_9 = arith.constant 0 : i32
    %dma_start3A_10 = tpu.memref_slice %arg2[%dma_start3A_8, %dma_start3A_9] : memref<10240x16xf32, #tpu.memory_space<hbm>> -> memref<10240x16xf32, #tpu.memory_space<hbm>>
    tpu.enqueue_indirect_dma source(%dma_start3A_10 : memref<10240x16xf32, #tpu.memory_space<hbm>>) target(%arg9 : memref<128x16xf32, #tpu.memory_space<vmem>>) offsets(%dma_start3A_7 : memref<128xi32, #tpu.memory_space<vmem>>) semaphore(%arg18 : memref<!tpu.dma_semaphore, #tpu.memory_space<semaphore_mem>>)
    %dma_start3A_11 = arith.constant 1 : i32
    %dma_start3A_12 = arith.constant 0 : i32
    %dma_start3A_13 = tpu.memref_slice %arg7[%dma_start3A_11, %dma_start3A_12] : memref<157x128xi32, #tpu.memory_space<vmem>> -> memref<1x128xi32, #tpu.memory_space<vmem>>
    %dma_start3A_14 = tpu.memref_squeeze %dma_start3A_13 : memref<1x128xi32, #tpu.memory_space<vmem>> -> memref<128xi32, #tpu.memory_space<vmem>>
    %dma_start3A_15 = arith.constant 0 : i32
    %dma_start3A_16 = arith.constant 0 : i32
    %dma_start3A_17 = tpu.memref_slice %arg2[%dma_start3A_15, %dma_start3A_16] : memref<10240x16xf32, #tpu.memory_space<hbm>> -> memref<10240x16xf32, #tpu.memory_space<hbm>>
    tpu.enqueue_indirect_dma source(%dma_start3A_17 : memref<10240x16xf32, #tpu.memory_space<hbm>>) target(%arg10 : memref<128x16xf32, #tpu.memory_space<vmem>>) offsets(%dma_start3A_14 : memref<128xi32, #tpu.memory_space<vmem>>) semaphore(%arg19 : memref<!tpu.dma_semaphore, #tpu.memory_space<semaphore_mem>>)
    %dma_start3A_18 = arith.constant 2 : i32
    %dma_start3A_19 = arith.constant 0 : i32
    %dma_start3A_20 = tpu.memref_slice %arg7[%dma_start3A_18, %dma_start3A_19] : memref<157x128xi32, #tpu.memory_space<vmem>> -> memref<1x128xi32, #tpu.memory_space<vmem>>
    %dma_start3A_21 = tpu.memref_squeeze %dma_start3A_20 : memref<1x128xi32, #tpu.memory_space<vmem>> -> memref<128xi32, #tpu.memory_space<vmem>>
    %dma_start3A_22 = arith.constant 0 : i32
    %dma_start3A_23 = arith.constant 0 : i32
    %dma_start3A_24 = tpu.memref_slice %arg2[%dma_start3A_22, %dma_start3A_23] : memref<10240x16xf32, #tpu.memory_space<hbm>> -> memref<10240x16xf32, #tpu.memory_space<hbm>>
    tpu.enqueue_indirect_dma source(%dma_start3A_24 : memref<10240x16xf32, #tpu.memory_space<hbm>>) target(%arg11 : memref<128x16xf32, #tpu.memory_space<vmem>>) offsets(%dma_start3A_21 : memref<128xi32, #tpu.memory_space<vmem>>) semaphore(%arg20 : memref<!tpu.dma_semaphore, #tpu.memory_space<semaphore_mem>>)
    %dma_start3A_25 = arith.constant 3 : i32
    %dma_start3A_26 = arith.constant 0 : i32
    %dma_start3A_27 = tpu.memref_slice %arg7[%dma_start3A_25, %dma_start3A_26] : memref<157x128xi32, #tpu.memory_space<vmem>> -> memref<1x128xi32, #tpu.memory_space<vmem>>
    %dma_start3A_28 = tpu.memref_squeeze %dma_start3A_27 : memref<1x128xi32, #tpu.memory_space<vmem>> -> memref<128xi32, #tpu.memory_space<vmem>>
    %dma_start3A_29 = arith.constant 0 : i32
    %dma_start3A_30 = arith.constant 0 : i32
    %dma_start3A_31 = tpu.memref_slice %arg2[%dma_start3A_29, %dma_start3A_30] : memref<10240x16xf32, #tpu.memory_space<hbm>> -> memref<10240x16xf32, #tpu.memory_space<hbm>>
    tpu.enqueue_indirect_dma source(%dma_start3A_31 : memref<10240x16xf32, #tpu.memory_space<hbm>>) target(%arg12 : memref<128x16xf32, #tpu.memory_space<vmem>>) offsets(%dma_start3A_28 : memref<128xi32, #tpu.memory_space<vmem>>) semaphore(%arg21 : memref<!tpu.dma_semaphore, #tpu.memory_space<semaphore_mem>>)
    %dma_start3A_32 = arith.constant 4 : i32
    %dma_start3A_33 = arith.constant 0 : i32
    %dma_start3A_34 = tpu.memref_slice %arg7[%dma_start3A_32, %dma_start3A_33] : memref<157x128xi32, #tpu.memory_space<vmem>> -> memref<1x128xi32, #tpu.memory_space<vmem>>
    %dma_start3A_35 = tpu.memref_squeeze %dma_start3A_34 : memref<1x128xi32, #tpu.memory_space<vmem>> -> memref<128xi32, #tpu.memory_space<vmem>>
    %dma_start3A_36 = arith.constant 0 : i32
    %dma_start3A_37 = arith.constant 0 : i32
    %dma_start3A_38 = tpu.memref_slice %arg2[%dma_start3A_36, %dma_start3A_37] : memref<10240x16xf32, #tpu.memory_space<hbm>> -> memref<10240x16xf32, #tpu.memory_space<hbm>>
    tpu.enqueue_indirect_dma source(%dma_start3A_38 : memref<10240x16xf32, #tpu.memory_space<hbm>>) target(%arg13 : memref<128x16xf32, #tpu.memory_space<vmem>>) offsets(%dma_start3A_35 : memref<128xi32, #tpu.memory_space<vmem>>) semaphore(%arg22 : memref<!tpu.dma_semaphore, #tpu.memory_space<semaphore_mem>>)
    %dma_start3A_39 = arith.constant 5 : i32
    %dma_start3A_40 = arith.constant 0 : i32
    %dma_start3A_41 = tpu.memref_slice %arg7[%dma_start3A_39, %dma_start3A_40] : memref<157x128xi32, #tpu.memory_space<vmem>> -> memref<1x128xi32, #tpu.memory_space<vmem>>
    %dma_start3A_42 = tpu.memref_squeeze %dma_start3A_41 : memref<1x128xi32, #tpu.memory_space<vmem>> -> memref<128xi32, #tpu.memory_space<vmem>>
    %dma_start3A_43 = arith.constant 0 : i32
    %dma_start3A_44 = arith.constant 0 : i32
    %dma_start3A_45 = tpu.memref_slice %arg2[%dma_start3A_43, %dma_start3A_44] : memref<10240x16xf32, #tpu.memory_space<hbm>> -> memref<10240x16xf32, #tpu.memory_space<hbm>>
    tpu.enqueue_indirect_dma source(%dma_start3A_45 : memref<10240x16xf32, #tpu.memory_space<hbm>>) target(%arg14 : memref<128x16xf32, #tpu.memory_space<vmem>>) offsets(%dma_start3A_42 : memref<128xi32, #tpu.memory_space<vmem>>) semaphore(%arg23 : memref<!tpu.dma_semaphore, #tpu.memory_space<semaphore_mem>>)
    %dma_start3A_46 = arith.constant 6 : i32
    %dma_start3A_47 = arith.constant 0 : i32
    %dma_start3A_48 = tpu.memref_slice %arg7[%dma_start3A_46, %dma_start3A_47] : memref<157x128xi32, #tpu.memory_space<vmem>> -> memref<1x128xi32, #tpu.memory_space<vmem>>
    %dma_start3A_49 = tpu.memref_squeeze %dma_start3A_48 : memref<1x128xi32, #tpu.memory_space<vmem>> -> memref<128xi32, #tpu.memory_space<vmem>>
    %dma_start3A_50 = arith.constant 0 : i32
    %dma_start3A_51 = arith.constant 0 : i32
    %dma_start3A_52 = tpu.memref_slice %arg2[%dma_start3A_50, %dma_start3A_51] : memref<10240x16xf32, #tpu.memory_space<hbm>> -> memref<10240x16xf32, #tpu.memory_space<hbm>>
    tpu.enqueue_indirect_dma source(%dma_start3A_52 : memref<10240x16xf32, #tpu.memory_space<hbm>>) target(%arg15 : memref<128x16xf32, #tpu.memory_space<vmem>>) offsets(%dma_start3A_49 : memref<128xi32, #tpu.memory_space<vmem>>) semaphore(%arg24 : memref<!tpu.dma_semaphore, #tpu.memory_space<semaphore_mem>>)
    %dma_start3A_53 = arith.constant 7 : i32
    %dma_start3A_54 = arith.constant 0 : i32
    %dma_start3A_55 = tpu.memref_slice %arg7[%dma_start3A_53, %dma_start3A_54] : memref<157x128xi32, #tpu.memory_space<vmem>> -> memref<1x128xi32, #tpu.memory_space<vmem>>
    %dma_start3A_56 = tpu.memref_squeeze %dma_start3A_55 : memref<1x128xi32, #tpu.memory_space<vmem>> -> memref<128xi32, #tpu.memory_space<vmem>>
    %dma_start3A_57 = arith.constant 0 : i32
    %dma_start3A_58 = arith.constant 0 : i32
    %dma_start3A_59 = tpu.memref_slice %arg2[%dma_start3A_57, %dma_start3A_58] : memref<10240x16xf32, #tpu.memory_space<hbm>> -> memref<10240x16xf32, #tpu.memory_space<hbm>>
    tpu.enqueue_indirect_dma source(%dma_start3A_59 : memref<10240x16xf32, #tpu.memory_space<hbm>>) target(%arg16 : memref<128x16xf32, #tpu.memory_space<vmem>>) offsets(%dma_start3A_56 : memref<128xi32, #tpu.memory_space<vmem>>) semaphore(%arg25 : memref<!tpu.dma_semaphore, #tpu.memory_space<semaphore_mem>>)
    %scan3A = arith.constant 0 : i32
    %scan3A_60 = arith.constant 0 : i32
    %scan3A_61 = arith.constant 19 : i32
    %scan3A_62 = arith.addi %scan3A_60, %scan3A_61 : i32
    %scan3A_63 = arith.constant 1 : i32
    scf.for %scan3A_108 = %scan3A_60 to %scan3A_62 step %scan3A_63  : i32 {
      %mul3A_109 = arith.constant 8 : i32
      %mul3A_110 = arith.muli %scan3A_108, %mul3A_109 : i32
      %add3A_111 = arith.constant 0 : i32
      %add3A_112 = arith.addi %mul3A_110, %add3A_111 : i32
      %dma_wait3A_113 = arith.constant 0 : i32
      %dma_wait3A_114 = tpu.memref_slice %arg7[%add3A_112, %dma_wait3A_113] : memref<157x128xi32, #tpu.memory_space<vmem>> -> memref<1x128xi32, #tpu.memory_space<vmem>>
      %dma_wait3A_115 = tpu.memref_squeeze %dma_wait3A_114 : memref<1x128xi32, #tpu.memory_space<vmem>> -> memref<128xi32, #tpu.memory_space<vmem>>
      %dma_wait3A_116 = arith.constant 0 : i32
      %dma_wait3A_117 = arith.constant 0 : i32
      %dma_wait3A_118 = tpu.memref_slice %arg2[%dma_wait3A_116, %dma_wait3A_117] : memref<10240x16xf32, #tpu.memory_space<hbm>> -> memref<10240x16xf32, #tpu.memory_space<hbm>>
      tpu.wait_indirect_dma semaphore(%arg18 : memref<!tpu.dma_semaphore, #tpu.memory_space<semaphore_mem>>) src(%dma_wait3A_118 : memref<10240x16xf32, #tpu.memory_space<hbm>>) dst(%arg9 : memref<128x16xf32, #tpu.memory_space<vmem>>)
      "tpu.region"() ({
        %run_scoped3A_228 = tpu.sem_alloc : memref<!tpu.dma_semaphore, #tpu.memory_space<semaphore_mem>>
        %dma_start3A_229 = arith.constant 0 : i32
        %dma_start3A_230 = tpu.memref_slice %arg8[%add3A_112, %dma_start3A_229] : memref<157x128xi32, #tpu.memory_space<vmem>> -> memref<1x128xi32, #tpu.memory_space<vmem>>
        %dma_start3A_231 = tpu.memref_squeeze %dma_start3A_230 : memref<1x128xi32, #tpu.memory_space<vmem>> -> memref<128xi32, #tpu.memory_space<vmem>>
        %dma_start3A_232 = arith.constant 0 : i32
        %dma_start3A_233 = arith.constant 0 : i32
        %dma_start3A_234 = tpu.memref_slice %arg17[%dma_start3A_232, %dma_start3A_233] : memref<10240x16xf32, #tpu.memory_space<vmem_shared>> -> memref<10240x16xf32, #tpu.memory_space<vmem_shared>>
        tpu.enqueue_indirect_dma source(%arg9 : memref<128x16xf32, #tpu.memory_space<vmem>>) target(%dma_start3A_234 : memref<10240x16xf32, #tpu.memory_space<vmem_shared>>) offsets(%dma_start3A_231 : memref<128xi32, #tpu.memory_space<vmem>>) semaphore(%run_scoped3A_228 : memref<!tpu.dma_semaphore, #tpu.memory_space<semaphore_mem>>) {add = true}
        %dma_wait3A_235 = arith.constant 0 : i32
        %dma_wait3A_236 = tpu.memref_slice %arg8[%add3A_112, %dma_wait3A_235] : memref<157x128xi32, #tpu.memory_space<vmem>> -> memref<1x128xi32, #tpu.memory_space<vmem>>
        %dma_wait3A_237 = tpu.memref_squeeze %dma_wait3A_236 : memref<1x128xi32, #tpu.memory_space<vmem>> -> memref<128xi32, #tpu.memory_space<vmem>>
        %dma_wait3A_238 = arith.constant 0 : i32
        %dma_wait3A_239 = arith.constant 0 : i32
        %dma_wait3A_240 = tpu.memref_slice %arg17[%dma_wait3A_238, %dma_wait3A_239] : memref<10240x16xf32, #tpu.memory_space<vmem_shared>> -> memref<10240x16xf32, #tpu.memory_space<vmem_shared>>
        tpu.wait_indirect_dma semaphore(%run_scoped3A_228 : memref<!tpu.dma_semaphore, #tpu.memory_space<semaphore_mem>>) src(%arg9 : memref<128x16xf32, #tpu.memory_space<vmem>>) dst(%dma_wait3A_240 : memref<10240x16xf32, #tpu.memory_space<vmem_shared>>)
        tpu.yield
      }) : () -> ()
      %add3A_119 = arith.constant 8 : i32
      %add3A_120 = arith.addi %add3A_112, %add3A_119 : i32
      %lt3A = arith.constant 157 : i32
      %lt3A_121 = arith.cmpi slt, %add3A_120, %lt3A : i32
      %convert_element_type3A = arith.extui %lt3A_121 : i1 to i32
      %cond3A = arith.constant 0 : i32
      %cond3A_122 = arith.cmpi ne, %convert_element_type3A, %cond3A : i32
      scf.if %cond3A_122 {
        %add3A_228 = arith.constant 8 : i32
        %add3A_229 = arith.addi %add3A_112, %add3A_228 : i32
        %dma_start3A_230 = arith.constant 0 : i32
        %dma_start3A_231 = tpu.memref_slice %arg7[%add3A_229, %dma_start3A_230] : memref<157x128xi32, #tpu.memory_space<vmem>> -> memref<1x128xi32, #tpu.memory_space<vmem>>
        %dma_start3A_232 = tpu.memref_squeeze %dma_start3A_231 : memref<1x128xi32, #tpu.memory_space<vmem>> -> memref<128xi32, #tpu.memory_space<vmem>>
        %dma_start3A_233 = arith.constant 0 : i32
        %dma_start3A_234 = arith.constant 0 : i32
        %dma_start3A_235 = tpu.memref_slice %arg2[%dma_start3A_233, %dma_start3A_234] : memref<10240x16xf32, #tpu.memory_space<hbm>> -> memref<10240x16xf32, #tpu.memory_space<hbm>>
        tpu.enqueue_indirect_dma source(%dma_start3A_235 : memref<10240x16xf32, #tpu.memory_space<hbm>>) target(%arg9 : memref<128x16xf32, #tpu.memory_space<vmem>>) offsets(%dma_start3A_232 : memref<128xi32, #tpu.memory_space<vmem>>) semaphore(%arg18 : memref<!tpu.dma_semaphore, #tpu.memory_space<semaphore_mem>>)
      } else {
      }
      %add3A_123 = arith.constant 1 : i32
      %add3A_124 = arith.addi %mul3A_110, %add3A_123 : i32
      %dma_wait3A_125 = arith.constant 0 : i32
      %dma_wait3A_126 = tpu.memref_slice %arg7[%add3A_124, %dma_wait3A_125] : memref<157x128xi32, #tpu.memory_space<vmem>> -> memref<1x128xi32, #tpu.memory_space<vmem>>
      %dma_wait3A_127 = tpu.memref_squeeze %dma_wait3A_126 : memref<1x128xi32, #tpu.memory_space<vmem>> -> memref<128xi32, #tpu.memory_space<vmem>>
      %dma_wait3A_128 = arith.constant 0 : i32
      %dma_wait3A_129 = arith.constant 0 : i32
      %dma_wait3A_130 = tpu.memref_slice %arg2[%dma_wait3A_128, %dma_wait3A_129] : memref<10240x16xf32, #tpu.memory_space<hbm>> -> memref<10240x16xf32, #tpu.memory_space<hbm>>
      tpu.wait_indirect_dma semaphore(%arg19 : memref<!tpu.dma_semaphore, #tpu.memory_space<semaphore_mem>>) src(%dma_wait3A_130 : memref<10240x16xf32, #tpu.memory_space<hbm>>) dst(%arg10 : memref<128x16xf32, #tpu.memory_space<vmem>>)
      "tpu.region"() ({
        %run_scoped3A_228 = tpu.sem_alloc : memref<!tpu.dma_semaphore, #tpu.memory_space<semaphore_mem>>
        %dma_start3A_229 = arith.constant 0 : i32
        %dma_start3A_230 = tpu.memref_slice %arg8[%add3A_124, %dma_start3A_229] : memref<157x128xi32, #tpu.memory_space<vmem>> -> memref<1x128xi32, #tpu.memory_space<vmem>>
        %dma_start3A_231 = tpu.memref_squeeze %dma_start3A_230 : memref<1x128xi32, #tpu.memory_space<vmem>> -> memref<128xi32, #tpu.memory_space<vmem>>
        %dma_start3A_232 = arith.constant 0 : i32
        %dma_start3A_233 = arith.constant 0 : i32
        %dma_start3A_234 = tpu.memref_slice %arg17[%dma_start3A_232, %dma_start3A_233] : memref<10240x16xf32, #tpu.memory_space<vmem_shared>> -> memref<10240x16xf32, #tpu.memory_space<vmem_shared>>
        tpu.enqueue_indirect_dma source(%arg10 : memref<128x16xf32, #tpu.memory_space<vmem>>) target(%dma_start3A_234 : memref<10240x16xf32, #tpu.memory_space<vmem_shared>>) offsets(%dma_start3A_231 : memref<128xi32, #tpu.memory_space<vmem>>) semaphore(%run_scoped3A_228 : memref<!tpu.dma_semaphore, #tpu.memory_space<semaphore_mem>>) {add = true}
        %dma_wait3A_235 = arith.constant 0 : i32
        %dma_wait3A_236 = tpu.memref_slice %arg8[%add3A_124, %dma_wait3A_235] : memref<157x128xi32, #tpu.memory_space<vmem>> -> memref<1x128xi32, #tpu.memory_space<vmem>>
        %dma_wait3A_237 = tpu.memref_squeeze %dma_wait3A_236 : memref<1x128xi32, #tpu.memory_space<vmem>> -> memref<128xi32, #tpu.memory_space<vmem>>
        %dma_wait3A_238 = arith.constant 0 : i32
        %dma_wait3A_239 = arith.constant 0 : i32
        %dma_wait3A_240 = tpu.memref_slice %arg17[%dma_wait3A_238, %dma_wait3A_239] : memref<10240x16xf32, #tpu.memory_space<vmem_shared>> -> memref<10240x16xf32, #tpu.memory_space<vmem_shared>>
        tpu.wait_indirect_dma semaphore(%run_scoped3A_228 : memref<!tpu.dma_semaphore, #tpu.memory_space<semaphore_mem>>) src(%arg10 : memref<128x16xf32, #tpu.memory_space<vmem>>) dst(%dma_wait3A_240 : memref<10240x16xf32, #tpu.memory_space<vmem_shared>>)
        tpu.yield
      }) : () -> ()
      %add3A_131 = arith.constant 8 : i32
      %add3A_132 = arith.addi %add3A_124, %add3A_131 : i32
      %lt3A_133 = arith.constant 157 : i32
      %lt3A_134 = arith.cmpi slt, %add3A_132, %lt3A_133 : i32
      %convert_element_type3A_135 = arith.extui %lt3A_134 : i1 to i32
      %cond3A_136 = arith.constant 0 : i32
      %cond3A_137 = arith.cmpi ne, %convert_element_type3A_135, %cond3A_136 : i32
      scf.if %cond3A_137 {
        %add3A_228 = arith.constant 8 : i32
        %add3A_229 = arith.addi %add3A_124, %add3A_228 : i32
        %dma_start3A_230 = arith.constant 0 : i32
        %dma_start3A_231 = tpu.memref_slice %arg7[%add3A_229, %dma_start3A_230] : memref<157x128xi32, #tpu.memory_space<vmem>> -> memref<1x128xi32, #tpu.memory_space<vmem>>
        %dma_start3A_232 = tpu.memref_squeeze %dma_start3A_231 : memref<1x128xi32, #tpu.memory_space<vmem>> -> memref<128xi32, #tpu.memory_space<vmem>>
        %dma_start3A_233 = arith.constant 0 : i32
        %dma_start3A_234 = arith.constant 0 : i32
        %dma_start3A_235 = tpu.memref_slice %arg2[%dma_start3A_233, %dma_start3A_234] : memref<10240x16xf32, #tpu.memory_space<hbm>> -> memref<10240x16xf32, #tpu.memory_space<hbm>>
        tpu.enqueue_indirect_dma source(%dma_start3A_235 : memref<10240x16xf32, #tpu.memory_space<hbm>>) target(%arg10 : memref<128x16xf32, #tpu.memory_space<vmem>>) offsets(%dma_start3A_232 : memref<128xi32, #tpu.memory_space<vmem>>) semaphore(%arg19 : memref<!tpu.dma_semaphore, #tpu.memory_space<semaphore_mem>>)
      } else {
      }
      %add3A_138 = arith.constant 2 : i32
      %add3A_139 = arith.addi %mul3A_110, %add3A_138 : i32
      %dma_wait3A_140 = arith.constant 0 : i32
      %dma_wait3A_141 = tpu.memref_slice %arg7[%add3A_139, %dma_wait3A_140] : memref<157x128xi32, #tpu.memory_space<vmem>> -> memref<1x128xi32, #tpu.memory_space<vmem>>
      %dma_wait3A_142 = tpu.memref_squeeze %dma_wait3A_141 : memref<1x128xi32, #tpu.memory_space<vmem>> -> memref<128xi32, #tpu.memory_space<vmem>>
      %dma_wait3A_143 = arith.constant 0 : i32
      %dma_wait3A_144 = arith.constant 0 : i32
      %dma_wait3A_145 = tpu.memref_slice %arg2[%dma_wait3A_143, %dma_wait3A_144] : memref<10240x16xf32, #tpu.memory_space<hbm>> -> memref<10240x16xf32, #tpu.memory_space<hbm>>
      tpu.wait_indirect_dma semaphore(%arg20 : memref<!tpu.dma_semaphore, #tpu.memory_space<semaphore_mem>>) src(%dma_wait3A_145 : memref<10240x16xf32, #tpu.memory_space<hbm>>) dst(%arg11 : memref<128x16xf32, #tpu.memory_space<vmem>>)
      "tpu.region"() ({
        %run_scoped3A_228 = tpu.sem_alloc : memref<!tpu.dma_semaphore, #tpu.memory_space<semaphore_mem>>
        %dma_start3A_229 = arith.constant 0 : i32
        %dma_start3A_230 = tpu.memref_slice %arg8[%add3A_139, %dma_start3A_229] : memref<157x128xi32, #tpu.memory_space<vmem>> -> memref<1x128xi32, #tpu.memory_space<vmem>>
        %dma_start3A_231 = tpu.memref_squeeze %dma_start3A_230 : memref<1x128xi32, #tpu.memory_space<vmem>> -> memref<128xi32, #tpu.memory_space<vmem>>
        %dma_start3A_232 = arith.constant 0 : i32
        %dma_start3A_233 = arith.constant 0 : i32
        %dma_start3A_234 = tpu.memref_slice %arg17[%dma_start3A_232, %dma_start3A_233] : memref<10240x16xf32, #tpu.memory_space<vmem_shared>> -> memref<10240x16xf32, #tpu.memory_space<vmem_shared>>
        tpu.enqueue_indirect_dma source(%arg11 : memref<128x16xf32, #tpu.memory_space<vmem>>) target(%dma_start3A_234 : memref<10240x16xf32, #tpu.memory_space<vmem_shared>>) offsets(%dma_start3A_231 : memref<128xi32, #tpu.memory_space<vmem>>) semaphore(%run_scoped3A_228 : memref<!tpu.dma_semaphore, #tpu.memory_space<semaphore_mem>>) {add = true}
        %dma_wait3A_235 = arith.constant 0 : i32
        %dma_wait3A_236 = tpu.memref_slice %arg8[%add3A_139, %dma_wait3A_235] : memref<157x128xi32, #tpu.memory_space<vmem>> -> memref<1x128xi32, #tpu.memory_space<vmem>>
        %dma_wait3A_237 = tpu.memref_squeeze %dma_wait3A_236 : memref<1x128xi32, #tpu.memory_space<vmem>> -> memref<128xi32, #tpu.memory_space<vmem>>
        %dma_wait3A_238 = arith.constant 0 : i32
        %dma_wait3A_239 = arith.constant 0 : i32
        %dma_wait3A_240 = tpu.memref_slice %arg17[%dma_wait3A_238, %dma_wait3A_239] : memref<10240x16xf32, #tpu.memory_space<vmem_shared>> -> memref<10240x16xf32, #tpu.memory_space<vmem_shared>>
        tpu.wait_indirect_dma semaphore(%run_scoped3A_228 : memref<!tpu.dma_semaphore, #tpu.memory_space<semaphore_mem>>) src(%arg11 : memref<128x16xf32, #tpu.memory_space<vmem>>) dst(%dma_wait3A_240 : memref<10240x16xf32, #tpu.memory_space<vmem_shared>>)
        tpu.yield
      }) : () -> ()
      %add3A_146 = arith.constant 8 : i32
      %add3A_147 = arith.addi %add3A_139, %add3A_146 : i32
      %lt3A_148 = arith.constant 157 : i32
      %lt3A_149 = arith.cmpi slt, %add3A_147, %lt3A_148 : i32
      %convert_element_type3A_150 = arith.extui %lt3A_149 : i1 to i32
      %cond3A_151 = arith.constant 0 : i32
      %cond3A_152 = arith.cmpi ne, %convert_element_type3A_150, %cond3A_151 : i32
      scf.if %cond3A_152 {
        %add3A_228 = arith.constant 8 : i32
        %add3A_229 = arith.addi %add3A_139, %add3A_228 : i32
        %dma_start3A_230 = arith.constant 0 : i32
        %dma_start3A_231 = tpu.memref_slice %arg7[%add3A_229, %dma_start3A_230] : memref<157x128xi32, #tpu.memory_space<vmem>> -> memref<1x128xi32, #tpu.memory_space<vmem>>
        %dma_start3A_232 = tpu.memref_squeeze %dma_start3A_231 : memref<1x128xi32, #tpu.memory_space<vmem>> -> memref<128xi32, #tpu.memory_space<vmem>>
        %dma_start3A_233 = arith.constant 0 : i32
        %dma_start3A_234 = arith.constant 0 : i32
        %dma_start3A_235 = tpu.memref_slice %arg2[%dma_start3A_233, %dma_start3A_234] : memref<10240x16xf32, #tpu.memory_space<hbm>> -> memref<10240x16xf32, #tpu.memory_space<hbm>>
        tpu.enqueue_indirect_dma source(%dma_start3A_235 : memref<10240x16xf32, #tpu.memory_space<hbm>>) target(%arg11 : memref<128x16xf32, #tpu.memory_space<vmem>>) offsets(%dma_start3A_232 : memref<128xi32, #tpu.memory_space<vmem>>) semaphore(%arg20 : memref<!tpu.dma_semaphore, #tpu.memory_space<semaphore_mem>>)
      } else {
      }
      %add3A_153 = arith.constant 3 : i32
      %add3A_154 = arith.addi %mul3A_110, %add3A_153 : i32
      %dma_wait3A_155 = arith.constant 0 : i32
      %dma_wait3A_156 = tpu.memref_slice %arg7[%add3A_154, %dma_wait3A_155] : memref<157x128xi32, #tpu.memory_space<vmem>> -> memref<1x128xi32, #tpu.memory_space<vmem>>
      %dma_wait3A_157 = tpu.memref_squeeze %dma_wait3A_156 : memref<1x128xi32, #tpu.memory_space<vmem>> -> memref<128xi32, #tpu.memory_space<vmem>>
      %dma_wait3A_158 = arith.constant 0 : i32
      %dma_wait3A_159 = arith.constant 0 : i32
      %dma_wait3A_160 = tpu.memref_slice %arg2[%dma_wait3A_158, %dma_wait3A_159] : memref<10240x16xf32, #tpu.memory_space<hbm>> -> memref<10240x16xf32, #tpu.memory_space<hbm>>
      tpu.wait_indirect_dma semaphore(%arg21 : memref<!tpu.dma_semaphore, #tpu.memory_space<semaphore_mem>>) src(%dma_wait3A_160 : memref<10240x16xf32, #tpu.memory_space<hbm>>) dst(%arg12 : memref<128x16xf32, #tpu.memory_space<vmem>>)
      "tpu.region"() ({
        %run_scoped3A_228 = tpu.sem_alloc : memref<!tpu.dma_semaphore, #tpu.memory_space<semaphore_mem>>
        %dma_start3A_229 = arith.constant 0 : i32
        %dma_start3A_230 = tpu.memref_slice %arg8[%add3A_154, %dma_start3A_229] : memref<157x128xi32, #tpu.memory_space<vmem>> -> memref<1x128xi32, #tpu.memory_space<vmem>>
        %dma_start3A_231 = tpu.memref_squeeze %dma_start3A_230 : memref<1x128xi32, #tpu.memory_space<vmem>> -> memref<128xi32, #tpu.memory_space<vmem>>
        %dma_start3A_232 = arith.constant 0 : i32
        %dma_start3A_233 = arith.constant 0 : i32
        %dma_start3A_234 = tpu.memref_slice %arg17[%dma_start3A_232, %dma_start3A_233] : memref<10240x16xf32, #tpu.memory_space<vmem_shared>> -> memref<10240x16xf32, #tpu.memory_space<vmem_shared>>
        tpu.enqueue_indirect_dma source(%arg12 : memref<128x16xf32, #tpu.memory_space<vmem>>) target(%dma_start3A_234 : memref<10240x16xf32, #tpu.memory_space<vmem_shared>>) offsets(%dma_start3A_231 : memref<128xi32, #tpu.memory_space<vmem>>) semaphore(%run_scoped3A_228 : memref<!tpu.dma_semaphore, #tpu.memory_space<semaphore_mem>>) {add = true}
        %dma_wait3A_235 = arith.constant 0 : i32
        %dma_wait3A_236 = tpu.memref_slice %arg8[%add3A_154, %dma_wait3A_235] : memref<157x128xi32, #tpu.memory_space<vmem>> -> memref<1x128xi32, #tpu.memory_space<vmem>>
        %dma_wait3A_237 = tpu.memref_squeeze %dma_wait3A_236 : memref<1x128xi32, #tpu.memory_space<vmem>> -> memref<128xi32, #tpu.memory_space<vmem>>
        %dma_wait3A_238 = arith.constant 0 : i32
        %dma_wait3A_239 = arith.constant 0 : i32
        %dma_wait3A_240 = tpu.memref_slice %arg17[%dma_wait3A_238, %dma_wait3A_239] : memref<10240x16xf32, #tpu.memory_space<vmem_shared>> -> memref<10240x16xf32, #tpu.memory_space<vmem_shared>>
        tpu.wait_indirect_dma semaphore(%run_scoped3A_228 : memref<!tpu.dma_semaphore, #tpu.memory_space<semaphore_mem>>) src(%arg12 : memref<128x16xf32, #tpu.memory_space<vmem>>) dst(%dma_wait3A_240 : memref<10240x16xf32, #tpu.memory_space<vmem_shared>>)
        tpu.yield
      }) : () -> ()
      %add3A_161 = arith.constant 8 : i32
      %add3A_162 = arith.addi %add3A_154, %add3A_161 : i32
      %lt3A_163 = arith.constant 157 : i32
      %lt3A_164 = arith.cmpi slt, %add3A_162, %lt3A_163 : i32
      %convert_element_type3A_165 = arith.extui %lt3A_164 : i1 to i32
      %cond3A_166 = arith.constant 0 : i32
      %cond3A_167 = arith.cmpi ne, %convert_element_type3A_165, %cond3A_166 : i32
      scf.if %cond3A_167 {
        %add3A_228 = arith.constant 8 : i32
        %add3A_229 = arith.addi %add3A_154, %add3A_228 : i32
        %dma_start3A_230 = arith.constant 0 : i32
        %dma_start3A_231 = tpu.memref_slice %arg7[%add3A_229, %dma_start3A_230] : memref<157x128xi32, #tpu.memory_space<vmem>> -> memref<1x128xi32, #tpu.memory_space<vmem>>
        %dma_start3A_232 = tpu.memref_squeeze %dma_start3A_231 : memref<1x128xi32, #tpu.memory_space<vmem>> -> memref<128xi32, #tpu.memory_space<vmem>>
        %dma_start3A_233 = arith.constant 0 : i32
        %dma_start3A_234 = arith.constant 0 : i32
        %dma_start3A_235 = tpu.memref_slice %arg2[%dma_start3A_233, %dma_start3A_234] : memref<10240x16xf32, #tpu.memory_space<hbm>> -> memref<10240x16xf32, #tpu.memory_space<hbm>>
        tpu.enqueue_indirect_dma source(%dma_start3A_235 : memref<10240x16xf32, #tpu.memory_space<hbm>>) target(%arg12 : memref<128x16xf32, #tpu.memory_space<vmem>>) offsets(%dma_start3A_232 : memref<128xi32, #tpu.memory_space<vmem>>) semaphore(%arg21 : memref<!tpu.dma_semaphore, #tpu.memory_space<semaphore_mem>>)
      } else {
      }
      %add3A_168 = arith.constant 4 : i32
      %add3A_169 = arith.addi %mul3A_110, %add3A_168 : i32
      %dma_wait3A_170 = arith.constant 0 : i32
      %dma_wait3A_171 = tpu.memref_slice %arg7[%add3A_169, %dma_wait3A_170] : memref<157x128xi32, #tpu.memory_space<vmem>> -> memref<1x128xi32, #tpu.memory_space<vmem>>
      %dma_wait3A_172 = tpu.memref_squeeze %dma_wait3A_171 : memref<1x128xi32, #tpu.memory_space<vmem>> -> memref<128xi32, #tpu.memory_space<vmem>>
      %dma_wait3A_173 = arith.constant 0 : i32
      %dma_wait3A_174 = arith.constant 0 : i32
      %dma_wait3A_175 = tpu.memref_slice %arg2[%dma_wait3A_173, %dma_wait3A_174] : memref<10240x16xf32, #tpu.memory_space<hbm>> -> memref<10240x16xf32, #tpu.memory_space<hbm>>
      tpu.wait_indirect_dma semaphore(%arg22 : memref<!tpu.dma_semaphore, #tpu.memory_space<semaphore_mem>>) src(%dma_wait3A_175 : memref<10240x16xf32, #tpu.memory_space<hbm>>) dst(%arg13 : memref<128x16xf32, #tpu.memory_space<vmem>>)
      "tpu.region"() ({
        %run_scoped3A_228 = tpu.sem_alloc : memref<!tpu.dma_semaphore, #tpu.memory_space<semaphore_mem>>
        %dma_start3A_229 = arith.constant 0 : i32
        %dma_start3A_230 = tpu.memref_slice %arg8[%add3A_169, %dma_start3A_229] : memref<157x128xi32, #tpu.memory_space<vmem>> -> memref<1x128xi32, #tpu.memory_space<vmem>>
        %dma_start3A_231 = tpu.memref_squeeze %dma_start3A_230 : memref<1x128xi32, #tpu.memory_space<vmem>> -> memref<128xi32, #tpu.memory_space<vmem>>
        %dma_start3A_232 = arith.constant 0 : i32
        %dma_start3A_233 = arith.constant 0 : i32
        %dma_start3A_234 = tpu.memref_slice %arg17[%dma_start3A_232, %dma_start3A_233] : memref<10240x16xf32, #tpu.memory_space<vmem_shared>> -> memref<10240x16xf32, #tpu.memory_space<vmem_shared>>
        tpu.enqueue_indirect_dma source(%arg13 : memref<128x16xf32, #tpu.memory_space<vmem>>) target(%dma_start3A_234 : memref<10240x16xf32, #tpu.memory_space<vmem_shared>>) offsets(%dma_start3A_231 : memref<128xi32, #tpu.memory_space<vmem>>) semaphore(%run_scoped3A_228 : memref<!tpu.dma_semaphore, #tpu.memory_space<semaphore_mem>>) {add = true}
        %dma_wait3A_235 = arith.constant 0 : i32
        %dma_wait3A_236 = tpu.memref_slice %arg8[%add3A_169, %dma_wait3A_235] : memref<157x128xi32, #tpu.memory_space<vmem>> -> memref<1x128xi32, #tpu.memory_space<vmem>>
        %dma_wait3A_237 = tpu.memref_squeeze %dma_wait3A_236 : memref<1x128xi32, #tpu.memory_space<vmem>> -> memref<128xi32, #tpu.memory_space<vmem>>
        %dma_wait3A_238 = arith.constant 0 : i32
        %dma_wait3A_239 = arith.constant 0 : i32
        %dma_wait3A_240 = tpu.memref_slice %arg17[%dma_wait3A_238, %dma_wait3A_239] : memref<10240x16xf32, #tpu.memory_space<vmem_shared>> -> memref<10240x16xf32, #tpu.memory_space<vmem_shared>>
        tpu.wait_indirect_dma semaphore(%run_scoped3A_228 : memref<!tpu.dma_semaphore, #tpu.memory_space<semaphore_mem>>) src(%arg13 : memref<128x16xf32, #tpu.memory_space<vmem>>) dst(%dma_wait3A_240 : memref<10240x16xf32, #tpu.memory_space<vmem_shared>>)
        tpu.yield
      }) : () -> ()
      %add3A_176 = arith.constant 8 : i32
      %add3A_177 = arith.addi %add3A_169, %add3A_176 : i32
      %lt3A_178 = arith.constant 157 : i32
      %lt3A_179 = arith.cmpi slt, %add3A_177, %lt3A_178 : i32
      %convert_element_type3A_180 = arith.extui %lt3A_179 : i1 to i32
      %cond3A_181 = arith.constant 0 : i32
      %cond3A_182 = arith.cmpi ne, %convert_element_type3A_180, %cond3A_181 : i32
      scf.if %cond3A_182 {
        %add3A_228 = arith.constant 8 : i32
        %add3A_229 = arith.addi %add3A_169, %add3A_228 : i32
        %dma_start3A_230 = arith.constant 0 : i32
        %dma_start3A_231 = tpu.memref_slice %arg7[%add3A_229, %dma_start3A_230] : memref<157x128xi32, #tpu.memory_space<vmem>> -> memref<1x128xi32, #tpu.memory_space<vmem>>
        %dma_start3A_232 = tpu.memref_squeeze %dma_start3A_231 : memref<1x128xi32, #tpu.memory_space<vmem>> -> memref<128xi32, #tpu.memory_space<vmem>>
        %dma_start3A_233 = arith.constant 0 : i32
        %dma_start3A_234 = arith.constant 0 : i32
        %dma_start3A_235 = tpu.memref_slice %arg2[%dma_start3A_233, %dma_start3A_234] : memref<10240x16xf32, #tpu.memory_space<hbm>> -> memref<10240x16xf32, #tpu.memory_space<hbm>>
        tpu.enqueue_indirect_dma source(%dma_start3A_235 : memref<10240x16xf32, #tpu.memory_space<hbm>>) target(%arg13 : memref<128x16xf32, #tpu.memory_space<vmem>>) offsets(%dma_start3A_232 : memref<128xi32, #tpu.memory_space<vmem>>) semaphore(%arg22 : memref<!tpu.dma_semaphore, #tpu.memory_space<semaphore_mem>>)
      } else {
      }
      %add3A_183 = arith.constant 5 : i32
      %add3A_184 = arith.addi %mul3A_110, %add3A_183 : i32
      %dma_wait3A_185 = arith.constant 0 : i32
      %dma_wait3A_186 = tpu.memref_slice %arg7[%add3A_184, %dma_wait3A_185] : memref<157x128xi32, #tpu.memory_space<vmem>> -> memref<1x128xi32, #tpu.memory_space<vmem>>
      %dma_wait3A_187 = tpu.memref_squeeze %dma_wait3A_186 : memref<1x128xi32, #tpu.memory_space<vmem>> -> memref<128xi32, #tpu.memory_space<vmem>>
      %dma_wait3A_188 = arith.constant 0 : i32
      %dma_wait3A_189 = arith.constant 0 : i32
      %dma_wait3A_190 = tpu.memref_slice %arg2[%dma_wait3A_188, %dma_wait3A_189] : memref<10240x16xf32, #tpu.memory_space<hbm>> -> memref<10240x16xf32, #tpu.memory_space<hbm>>
      tpu.wait_indirect_dma semaphore(%arg23 : memref<!tpu.dma_semaphore, #tpu.memory_space<semaphore_mem>>) src(%dma_wait3A_190 : memref<10240x16xf32, #tpu.memory_space<hbm>>) dst(%arg14 : memref<128x16xf32, #tpu.memory_space<vmem>>)
      "tpu.region"() ({
        %run_scoped3A_228 = tpu.sem_alloc : memref<!tpu.dma_semaphore, #tpu.memory_space<semaphore_mem>>
        %dma_start3A_229 = arith.constant 0 : i32
        %dma_start3A_230 = tpu.memref_slice %arg8[%add3A_184, %dma_start3A_229] : memref<157x128xi32, #tpu.memory_space<vmem>> -> memref<1x128xi32, #tpu.memory_space<vmem>>
        %dma_start3A_231 = tpu.memref_squeeze %dma_start3A_230 : memref<1x128xi32, #tpu.memory_space<vmem>> -> memref<128xi32, #tpu.memory_space<vmem>>
        %dma_start3A_232 = arith.constant 0 : i32
        %dma_start3A_233 = arith.constant 0 : i32
        %dma_start3A_234 = tpu.memref_slice %arg17[%dma_start3A_232, %dma_start3A_233] : memref<10240x16xf32, #tpu.memory_space<vmem_shared>> -> memref<10240x16xf32, #tpu.memory_space<vmem_shared>>
        tpu.enqueue_indirect_dma source(%arg14 : memref<128x16xf32, #tpu.memory_space<vmem>>) target(%dma_start3A_234 : memref<10240x16xf32, #tpu.memory_space<vmem_shared>>) offsets(%dma_start3A_231 : memref<128xi32, #tpu.memory_space<vmem>>) semaphore(%run_scoped3A_228 : memref<!tpu.dma_semaphore, #tpu.memory_space<semaphore_mem>>) {add = true}
        %dma_wait3A_235 = arith.constant 0 : i32
        %dma_wait3A_236 = tpu.memref_slice %arg8[%add3A_184, %dma_wait3A_235] : memref<157x128xi32, #tpu.memory_space<vmem>> -> memref<1x128xi32, #tpu.memory_space<vmem>>
        %dma_wait3A_237 = tpu.memref_squeeze %dma_wait3A_236 : memref<1x128xi32, #tpu.memory_space<vmem>> -> memref<128xi32, #tpu.memory_space<vmem>>
        %dma_wait3A_238 = arith.constant 0 : i32
        %dma_wait3A_239 = arith.constant 0 : i32
        %dma_wait3A_240 = tpu.memref_slice %arg17[%dma_wait3A_238, %dma_wait3A_239] : memref<10240x16xf32, #tpu.memory_space<vmem_shared>> -> memref<10240x16xf32, #tpu.memory_space<vmem_shared>>
        tpu.wait_indirect_dma semaphore(%run_scoped3A_228 : memref<!tpu.dma_semaphore, #tpu.memory_space<semaphore_mem>>) src(%arg14 : memref<128x16xf32, #tpu.memory_space<vmem>>) dst(%dma_wait3A_240 : memref<10240x16xf32, #tpu.memory_space<vmem_shared>>)
        tpu.yield
      }) : () -> ()
      %add3A_191 = arith.constant 8 : i32
      %add3A_192 = arith.addi %add3A_184, %add3A_191 : i32
      %lt3A_193 = arith.constant 157 : i32
      %lt3A_194 = arith.cmpi slt, %add3A_192, %lt3A_193 : i32
      %convert_element_type3A_195 = arith.extui %lt3A_194 : i1 to i32
      %cond3A_196 = arith.constant 0 : i32
      %cond3A_197 = arith.cmpi ne, %convert_element_type3A_195, %cond3A_196 : i32
      scf.if %cond3A_197 {
        %add3A_228 = arith.constant 8 : i32
        %add3A_229 = arith.addi %add3A_184, %add3A_228 : i32
        %dma_start3A_230 = arith.constant 0 : i32
        %dma_start3A_231 = tpu.memref_slice %arg7[%add3A_229, %dma_start3A_230] : memref<157x128xi32, #tpu.memory_space<vmem>> -> memref<1x128xi32, #tpu.memory_space<vmem>>
        %dma_start3A_232 = tpu.memref_squeeze %dma_start3A_231 : memref<1x128xi32, #tpu.memory_space<vmem>> -> memref<128xi32, #tpu.memory_space<vmem>>
        %dma_start3A_233 = arith.constant 0 : i32
        %dma_start3A_234 = arith.constant 0 : i32
        %dma_start3A_235 = tpu.memref_slice %arg2[%dma_start3A_233, %dma_start3A_234] : memref<10240x16xf32, #tpu.memory_space<hbm>> -> memref<10240x16xf32, #tpu.memory_space<hbm>>
        tpu.enqueue_indirect_dma source(%dma_start3A_235 : memref<10240x16xf32, #tpu.memory_space<hbm>>) target(%arg14 : memref<128x16xf32, #tpu.memory_space<vmem>>) offsets(%dma_start3A_232 : memref<128xi32, #tpu.memory_space<vmem>>) semaphore(%arg23 : memref<!tpu.dma_semaphore, #tpu.memory_space<semaphore_mem>>)
      } else {
      }
      %add3A_198 = arith.constant 6 : i32
      %add3A_199 = arith.addi %mul3A_110, %add3A_198 : i32
      %dma_wait3A_200 = arith.constant 0 : i32
      %dma_wait3A_201 = tpu.memref_slice %arg7[%add3A_199, %dma_wait3A_200] : memref<157x128xi32, #tpu.memory_space<vmem>> -> memref<1x128xi32, #tpu.memory_space<vmem>>
      %dma_wait3A_202 = tpu.memref_squeeze %dma_wait3A_201 : memref<1x128xi32, #tpu.memory_space<vmem>> -> memref<128xi32, #tpu.memory_space<vmem>>
      %dma_wait3A_203 = arith.constant 0 : i32
      %dma_wait3A_204 = arith.constant 0 : i32
      %dma_wait3A_205 = tpu.memref_slice %arg2[%dma_wait3A_203, %dma_wait3A_204] : memref<10240x16xf32, #tpu.memory_space<hbm>> -> memref<10240x16xf32, #tpu.memory_space<hbm>>
      tpu.wait_indirect_dma semaphore(%arg24 : memref<!tpu.dma_semaphore, #tpu.memory_space<semaphore_mem>>) src(%dma_wait3A_205 : memref<10240x16xf32, #tpu.memory_space<hbm>>) dst(%arg15 : memref<128x16xf32, #tpu.memory_space<vmem>>)
      "tpu.region"() ({
        %run_scoped3A_228 = tpu.sem_alloc : memref<!tpu.dma_semaphore, #tpu.memory_space<semaphore_mem>>
        %dma_start3A_229 = arith.constant 0 : i32
        %dma_start3A_230 = tpu.memref_slice %arg8[%add3A_199, %dma_start3A_229] : memref<157x128xi32, #tpu.memory_space<vmem>> -> memref<1x128xi32, #tpu.memory_space<vmem>>
        %dma_start3A_231 = tpu.memref_squeeze %dma_start3A_230 : memref<1x128xi32, #tpu.memory_space<vmem>> -> memref<128xi32, #tpu.memory_space<vmem>>
        %dma_start3A_232 = arith.constant 0 : i32
        %dma_start3A_233 = arith.constant 0 : i32
        %dma_start3A_234 = tpu.memref_slice %arg17[%dma_start3A_232, %dma_start3A_233] : memref<10240x16xf32, #tpu.memory_space<vmem_shared>> -> memref<10240x16xf32, #tpu.memory_space<vmem_shared>>
        tpu.enqueue_indirect_dma source(%arg15 : memref<128x16xf32, #tpu.memory_space<vmem>>) target(%dma_start3A_234 : memref<10240x16xf32, #tpu.memory_space<vmem_shared>>) offsets(%dma_start3A_231 : memref<128xi32, #tpu.memory_space<vmem>>) semaphore(%run_scoped3A_228 : memref<!tpu.dma_semaphore, #tpu.memory_space<semaphore_mem>>) {add = true}
        %dma_wait3A_235 = arith.constant 0 : i32
        %dma_wait3A_236 = tpu.memref_slice %arg8[%add3A_199, %dma_wait3A_235] : memref<157x128xi32, #tpu.memory_space<vmem>> -> memref<1x128xi32, #tpu.memory_space<vmem>>
        %dma_wait3A_237 = tpu.memref_squeeze %dma_wait3A_236 : memref<1x128xi32, #tpu.memory_space<vmem>> -> memref<128xi32, #tpu.memory_space<vmem>>
        %dma_wait3A_238 = arith.constant 0 : i32
        %dma_wait3A_239 = arith.constant 0 : i32
        %dma_wait3A_240 = tpu.memref_slice %arg17[%dma_wait3A_238, %dma_wait3A_239] : memref<10240x16xf32, #tpu.memory_space<vmem_shared>> -> memref<10240x16xf32, #tpu.memory_space<vmem_shared>>
        tpu.wait_indirect_dma semaphore(%run_scoped3A_228 : memref<!tpu.dma_semaphore, #tpu.memory_space<semaphore_mem>>) src(%arg15 : memref<128x16xf32, #tpu.memory_space<vmem>>) dst(%dma_wait3A_240 : memref<10240x16xf32, #tpu.memory_space<vmem_shared>>)
        tpu.yield
      }) : () -> ()
      %add3A_206 = arith.constant 8 : i32
      %add3A_207 = arith.addi %add3A_199, %add3A_206 : i32
      %lt3A_208 = arith.constant 157 : i32
      %lt3A_209 = arith.cmpi slt, %add3A_207, %lt3A_208 : i32
      %convert_element_type3A_210 = arith.extui %lt3A_209 : i1 to i32
      %cond3A_211 = arith.constant 0 : i32
      %cond3A_212 = arith.cmpi ne, %convert_element_type3A_210, %cond3A_211 : i32
      scf.if %cond3A_212 {
        %add3A_228 = arith.constant 8 : i32
        %add3A_229 = arith.addi %add3A_199, %add3A_228 : i32
        %dma_start3A_230 = arith.constant 0 : i32
        %dma_start3A_231 = tpu.memref_slice %arg7[%add3A_229, %dma_start3A_230] : memref<157x128xi32, #tpu.memory_space<vmem>> -> memref<1x128xi32, #tpu.memory_space<vmem>>
        %dma_start3A_232 = tpu.memref_squeeze %dma_start3A_231 : memref<1x128xi32, #tpu.memory_space<vmem>> -> memref<128xi32, #tpu.memory_space<vmem>>
        %dma_start3A_233 = arith.constant 0 : i32
        %dma_start3A_234 = arith.constant 0 : i32
        %dma_start3A_235 = tpu.memref_slice %arg2[%dma_start3A_233, %dma_start3A_234] : memref<10240x16xf32, #tpu.memory_space<hbm>> -> memref<10240x16xf32, #tpu.memory_space<hbm>>
        tpu.enqueue_indirect_dma source(%dma_start3A_235 : memref<10240x16xf32, #tpu.memory_space<hbm>>) target(%arg15 : memref<128x16xf32, #tpu.memory_space<vmem>>) offsets(%dma_start3A_232 : memref<128xi32, #tpu.memory_space<vmem>>) semaphore(%arg24 : memref<!tpu.dma_semaphore, #tpu.memory_space<semaphore_mem>>)
      } else {
      }
      %add3A_213 = arith.constant 7 : i32
      %add3A_214 = arith.addi %mul3A_110, %add3A_213 : i32
      %dma_wait3A_215 = arith.constant 0 : i32
      %dma_wait3A_216 = tpu.memref_slice %arg7[%add3A_214, %dma_wait3A_215] : memref<157x128xi32, #tpu.memory_space<vmem>> -> memref<1x128xi32, #tpu.memory_space<vmem>>
      %dma_wait3A_217 = tpu.memref_squeeze %dma_wait3A_216 : memref<1x128xi32, #tpu.memory_space<vmem>> -> memref<128xi32, #tpu.memory_space<vmem>>
      %dma_wait3A_218 = arith.constant 0 : i32
      %dma_wait3A_219 = arith.constant 0 : i32
      %dma_wait3A_220 = tpu.memref_slice %arg2[%dma_wait3A_218, %dma_wait3A_219] : memref<10240x16xf32, #tpu.memory_space<hbm>> -> memref<10240x16xf32, #tpu.memory_space<hbm>>
      tpu.wait_indirect_dma semaphore(%arg25 : memref<!tpu.dma_semaphore, #tpu.memory_space<semaphore_mem>>) src(%dma_wait3A_220 : memref<10240x16xf32, #tpu.memory_space<hbm>>) dst(%arg16 : memref<128x16xf32, #tpu.memory_space<vmem>>)
      "tpu.region"() ({
        %run_scoped3A_228 = tpu.sem_alloc : memref<!tpu.dma_semaphore, #tpu.memory_space<semaphore_mem>>
        %dma_start3A_229 = arith.constant 0 : i32
        %dma_start3A_230 = tpu.memref_slice %arg8[%add3A_214, %dma_start3A_229] : memref<157x128xi32, #tpu.memory_space<vmem>> -> memref<1x128xi32, #tpu.memory_space<vmem>>
        %dma_start3A_231 = tpu.memref_squeeze %dma_start3A_230 : memref<1x128xi32, #tpu.memory_space<vmem>> -> memref<128xi32, #tpu.memory_space<vmem>>
        %dma_start3A_232 = arith.constant 0 : i32
        %dma_start3A_233 = arith.constant 0 : i32
        %dma_start3A_234 = tpu.memref_slice %arg17[%dma_start3A_232, %dma_start3A_233] : memref<10240x16xf32, #tpu.memory_space<vmem_shared>> -> memref<10240x16xf32, #tpu.memory_space<vmem_shared>>
        tpu.enqueue_indirect_dma source(%arg16 : memref<128x16xf32, #tpu.memory_space<vmem>>) target(%dma_start3A_234 : memref<10240x16xf32, #tpu.memory_space<vmem_shared>>) offsets(%dma_start3A_231 : memref<128xi32, #tpu.memory_space<vmem>>) semaphore(%run_scoped3A_228 : memref<!tpu.dma_semaphore, #tpu.memory_space<semaphore_mem>>) {add = true}
        %dma_wait3A_235 = arith.constant 0 : i32
        %dma_wait3A_236 = tpu.memref_slice %arg8[%add3A_214, %dma_wait3A_235] : memref<157x128xi32, #tpu.memory_space<vmem>> -> memref<1x128xi32, #tpu.memory_space<vmem>>
        %dma_wait3A_237 = tpu.memref_squeeze %dma_wait3A_236 : memref<1x128xi32, #tpu.memory_space<vmem>> -> memref<128xi32, #tpu.memory_space<vmem>>
        %dma_wait3A_238 = arith.constant 0 : i32
        %dma_wait3A_239 = arith.constant 0 : i32
        %dma_wait3A_240 = tpu.memref_slice %arg17[%dma_wait3A_238, %dma_wait3A_239] : memref<10240x16xf32, #tpu.memory_space<vmem_shared>> -> memref<10240x16xf32, #tpu.memory_space<vmem_shared>>
        tpu.wait_indirect_dma semaphore(%run_scoped3A_228 : memref<!tpu.dma_semaphore, #tpu.memory_space<semaphore_mem>>) src(%arg16 : memref<128x16xf32, #tpu.memory_space<vmem>>) dst(%dma_wait3A_240 : memref<10240x16xf32, #tpu.memory_space<vmem_shared>>)
        tpu.yield
      }) : () -> ()
      %add3A_221 = arith.constant 8 : i32
      %add3A_222 = arith.addi %add3A_214, %add3A_221 : i32
      %lt3A_223 = arith.constant 157 : i32
      %lt3A_224 = arith.cmpi slt, %add3A_222, %lt3A_223 : i32
      %convert_element_type3A_225 = arith.extui %lt3A_224 : i1 to i32
      %cond3A_226 = arith.constant 0 : i32
      %cond3A_227 = arith.cmpi ne, %convert_element_type3A_225, %cond3A_226 : i32
      scf.if %cond3A_227 {
        %add3A_228 = arith.constant 8 : i32
        %add3A_229 = arith.addi %add3A_214, %add3A_228 : i32
        %dma_start3A_230 = arith.constant 0 : i32
        %dma_start3A_231 = tpu.memref_slice %arg7[%add3A_229, %dma_start3A_230] : memref<157x128xi32, #tpu.memory_space<vmem>> -> memref<1x128xi32, #tpu.memory_space<vmem>>
        %dma_start3A_232 = tpu.memref_squeeze %dma_start3A_231 : memref<1x128xi32, #tpu.memory_space<vmem>> -> memref<128xi32, #tpu.memory_space<vmem>>
        %dma_start3A_233 = arith.constant 0 : i32
        %dma_start3A_234 = arith.constant 0 : i32
        %dma_start3A_235 = tpu.memref_slice %arg2[%dma_start3A_233, %dma_start3A_234] : memref<10240x16xf32, #tpu.memory_space<hbm>> -> memref<10240x16xf32, #tpu.memory_space<hbm>>
        tpu.enqueue_indirect_dma source(%dma_start3A_235 : memref<10240x16xf32, #tpu.memory_space<hbm>>) target(%arg16 : memref<128x16xf32, #tpu.memory_space<vmem>>) offsets(%dma_start3A_232 : memref<128xi32, #tpu.memory_space<vmem>>) semaphore(%arg25 : memref<!tpu.dma_semaphore, #tpu.memory_space<semaphore_mem>>)
      } else {
      }
    }
    %scan3A_64 = arith.constant 19 : i32
    %dma_wait3A = arith.constant 152 : i32
    %dma_wait3A_65 = arith.constant 0 : i32
    %dma_wait3A_66 = tpu.memref_slice %arg7[%dma_wait3A, %dma_wait3A_65] : memref<157x128xi32, #tpu.memory_space<vmem>> -> memref<1x128xi32, #tpu.memory_space<vmem>>
    %dma_wait3A_67 = tpu.memref_squeeze %dma_wait3A_66 : memref<1x128xi32, #tpu.memory_space<vmem>> -> memref<128xi32, #tpu.memory_space<vmem>>
    %dma_wait3A_68 = arith.constant 0 : i32
    %dma_wait3A_69 = arith.constant 0 : i32
    %dma_wait3A_70 = tpu.memref_slice %arg2[%dma_wait3A_68, %dma_wait3A_69] : memref<10240x16xf32, #tpu.memory_space<hbm>> -> memref<10240x16xf32, #tpu.memory_space<hbm>>
    tpu.wait_indirect_dma semaphore(%arg18 : memref<!tpu.dma_semaphore, #tpu.memory_space<semaphore_mem>>) src(%dma_wait3A_70 : memref<10240x16xf32, #tpu.memory_space<hbm>>) dst(%arg9 : memref<128x16xf32, #tpu.memory_space<vmem>>)
    %run_scoped3A = arith.constant 152 : i32
    "tpu.region"() ({
      %run_scoped3A_108 = tpu.sem_alloc : memref<!tpu.dma_semaphore, #tpu.memory_space<semaphore_mem>>
      %dma_start3A_109 = arith.constant 0 : i32
      %dma_start3A_110 = tpu.memref_slice %arg8[%run_scoped3A, %dma_start3A_109] : memref<157x128xi32, #tpu.memory_space<vmem>> -> memref<1x128xi32, #tpu.memory_space<vmem>>
      %dma_start3A_111 = tpu.memref_squeeze %dma_start3A_110 : memref<1x128xi32, #tpu.memory_space<vmem>> -> memref<128xi32, #tpu.memory_space<vmem>>
      %dma_start3A_112 = arith.constant 0 : i32
      %dma_start3A_113 = arith.constant 0 : i32
      %dma_start3A_114 = tpu.memref_slice %arg17[%dma_start3A_112, %dma_start3A_113] : memref<10240x16xf32, #tpu.memory_space<vmem_shared>> -> memref<10240x16xf32, #tpu.memory_space<vmem_shared>>
      tpu.enqueue_indirect_dma source(%arg9 : memref<128x16xf32, #tpu.memory_space<vmem>>) target(%dma_start3A_114 : memref<10240x16xf32, #tpu.memory_space<vmem_shared>>) offsets(%dma_start3A_111 : memref<128xi32, #tpu.memory_space<vmem>>) semaphore(%run_scoped3A_108 : memref<!tpu.dma_semaphore, #tpu.memory_space<semaphore_mem>>) {add = true}
      %dma_wait3A_115 = arith.constant 0 : i32
      %dma_wait3A_116 = tpu.memref_slice %arg8[%run_scoped3A, %dma_wait3A_115] : memref<157x128xi32, #tpu.memory_space<vmem>> -> memref<1x128xi32, #tpu.memory_space<vmem>>
      %dma_wait3A_117 = tpu.memref_squeeze %dma_wait3A_116 : memref<1x128xi32, #tpu.memory_space<vmem>> -> memref<128xi32, #tpu.memory_space<vmem>>
      %dma_wait3A_118 = arith.constant 0 : i32
      %dma_wait3A_119 = arith.constant 0 : i32
      %dma_wait3A_120 = tpu.memref_slice %arg17[%dma_wait3A_118, %dma_wait3A_119] : memref<10240x16xf32, #tpu.memory_space<vmem_shared>> -> memref<10240x16xf32, #tpu.memory_space<vmem_shared>>
      tpu.wait_indirect_dma semaphore(%run_scoped3A_108 : memref<!tpu.dma_semaphore, #tpu.memory_space<semaphore_mem>>) src(%arg9 : memref<128x16xf32, #tpu.memory_space<vmem>>) dst(%dma_wait3A_120 : memref<10240x16xf32, #tpu.memory_space<vmem_shared>>)
      tpu.yield
    }) : () -> ()
    %dma_wait3A_71 = arith.constant 153 : i32
    %dma_wait3A_72 = arith.constant 0 : i32
    %dma_wait3A_73 = tpu.memref_slice %arg7[%dma_wait3A_71, %dma_wait3A_72] : memref<157x128xi32, #tpu.memory_space<vmem>> -> memref<1x128xi32, #tpu.memory_space<vmem>>
    %dma_wait3A_74 = tpu.memref_squeeze %dma_wait3A_73 : memref<1x128xi32, #tpu.memory_space<vmem>> -> memref<128xi32, #tpu.memory_space<vmem>>
    %dma_wait3A_75 = arith.constant 0 : i32
    %dma_wait3A_76 = arith.constant 0 : i32
    %dma_wait3A_77 = tpu.memref_slice %arg2[%dma_wait3A_75, %dma_wait3A_76] : memref<10240x16xf32, #tpu.memory_space<hbm>> -> memref<10240x16xf32, #tpu.memory_space<hbm>>
    tpu.wait_indirect_dma semaphore(%arg19 : memref<!tpu.dma_semaphore, #tpu.memory_space<semaphore_mem>>) src(%dma_wait3A_77 : memref<10240x16xf32, #tpu.memory_space<hbm>>) dst(%arg10 : memref<128x16xf32, #tpu.memory_space<vmem>>)
    %run_scoped3A_78 = arith.constant 153 : i32
    "tpu.region"() ({
      %run_scoped3A_108 = tpu.sem_alloc : memref<!tpu.dma_semaphore, #tpu.memory_space<semaphore_mem>>
      %dma_start3A_109 = arith.constant 0 : i32
      %dma_start3A_110 = tpu.memref_slice %arg8[%run_scoped3A_78, %dma_start3A_109] : memref<157x128xi32, #tpu.memory_space<vmem>> -> memref<1x128xi32, #tpu.memory_space<vmem>>
      %dma_start3A_111 = tpu.memref_squeeze %dma_start3A_110 : memref<1x128xi32, #tpu.memory_space<vmem>> -> memref<128xi32, #tpu.memory_space<vmem>>
      %dma_start3A_112 = arith.constant 0 : i32
      %dma_start3A_113 = arith.constant 0 : i32
      %dma_start3A_114 = tpu.memref_slice %arg17[%dma_start3A_112, %dma_start3A_113] : memref<10240x16xf32, #tpu.memory_space<vmem_shared>> -> memref<10240x16xf32, #tpu.memory_space<vmem_shared>>
      tpu.enqueue_indirect_dma source(%arg10 : memref<128x16xf32, #tpu.memory_space<vmem>>) target(%dma_start3A_114 : memref<10240x16xf32, #tpu.memory_space<vmem_shared>>) offsets(%dma_start3A_111 : memref<128xi32, #tpu.memory_space<vmem>>) semaphore(%run_scoped3A_108 : memref<!tpu.dma_semaphore, #tpu.memory_space<semaphore_mem>>) {add = true}
      %dma_wait3A_115 = arith.constant 0 : i32
      %dma_wait3A_116 = tpu.memref_slice %arg8[%run_scoped3A_78, %dma_wait3A_115] : memref<157x128xi32, #tpu.memory_space<vmem>> -> memref<1x128xi32, #tpu.memory_space<vmem>>
      %dma_wait3A_117 = tpu.memref_squeeze %dma_wait3A_116 : memref<1x128xi32, #tpu.memory_space<vmem>> -> memref<128xi32, #tpu.memory_space<vmem>>
      %dma_wait3A_118 = arith.constant 0 : i32
      %dma_wait3A_119 = arith.constant 0 : i32
      %dma_wait3A_120 = tpu.memref_slice %arg17[%dma_wait3A_118, %dma_wait3A_119] : memref<10240x16xf32, #tpu.memory_space<vmem_shared>> -> memref<10240x16xf32, #tpu.memory_space<vmem_shared>>
      tpu.wait_indirect_dma semaphore(%run_scoped3A_108 : memref<!tpu.dma_semaphore, #tpu.memory_space<semaphore_mem>>) src(%arg10 : memref<128x16xf32, #tpu.memory_space<vmem>>) dst(%dma_wait3A_120 : memref<10240x16xf32, #tpu.memory_space<vmem_shared>>)
      tpu.yield
    }) : () -> ()
    %dma_wait3A_79 = arith.constant 154 : i32
    %dma_wait3A_80 = arith.constant 0 : i32
    %dma_wait3A_81 = tpu.memref_slice %arg7[%dma_wait3A_79, %dma_wait3A_80] : memref<157x128xi32, #tpu.memory_space<vmem>> -> memref<1x128xi32, #tpu.memory_space<vmem>>
    %dma_wait3A_82 = tpu.memref_squeeze %dma_wait3A_81 : memref<1x128xi32, #tpu.memory_space<vmem>> -> memref<128xi32, #tpu.memory_space<vmem>>
    %dma_wait3A_83 = arith.constant 0 : i32
    %dma_wait3A_84 = arith.constant 0 : i32
    %dma_wait3A_85 = tpu.memref_slice %arg2[%dma_wait3A_83, %dma_wait3A_84] : memref<10240x16xf32, #tpu.memory_space<hbm>> -> memref<10240x16xf32, #tpu.memory_space<hbm>>
    tpu.wait_indirect_dma semaphore(%arg20 : memref<!tpu.dma_semaphore, #tpu.memory_space<semaphore_mem>>) src(%dma_wait3A_85 : memref<10240x16xf32, #tpu.memory_space<hbm>>) dst(%arg11 : memref<128x16xf32, #tpu.memory_space<vmem>>)
    %run_scoped3A_86 = arith.constant 154 : i32
    "tpu.region"() ({
      %run_scoped3A_108 = tpu.sem_alloc : memref<!tpu.dma_semaphore, #tpu.memory_space<semaphore_mem>>
      %dma_start3A_109 = arith.constant 0 : i32
      %dma_start3A_110 = tpu.memref_slice %arg8[%run_scoped3A_86, %dma_start3A_109] : memref<157x128xi32, #tpu.memory_space<vmem>> -> memref<1x128xi32, #tpu.memory_space<vmem>>
      %dma_start3A_111 = tpu.memref_squeeze %dma_start3A_110 : memref<1x128xi32, #tpu.memory_space<vmem>> -> memref<128xi32, #tpu.memory_space<vmem>>
      %dma_start3A_112 = arith.constant 0 : i32
      %dma_start3A_113 = arith.constant 0 : i32
      %dma_start3A_114 = tpu.memref_slice %arg17[%dma_start3A_112, %dma_start3A_113] : memref<10240x16xf32, #tpu.memory_space<vmem_shared>> -> memref<10240x16xf32, #tpu.memory_space<vmem_shared>>
      tpu.enqueue_indirect_dma source(%arg11 : memref<128x16xf32, #tpu.memory_space<vmem>>) target(%dma_start3A_114 : memref<10240x16xf32, #tpu.memory_space<vmem_shared>>) offsets(%dma_start3A_111 : memref<128xi32, #tpu.memory_space<vmem>>) semaphore(%run_scoped3A_108 : memref<!tpu.dma_semaphore, #tpu.memory_space<semaphore_mem>>) {add = true}
      %dma_wait3A_115 = arith.constant 0 : i32
      %dma_wait3A_116 = tpu.memref_slice %arg8[%run_scoped3A_86, %dma_wait3A_115] : memref<157x128xi32, #tpu.memory_space<vmem>> -> memref<1x128xi32, #tpu.memory_space<vmem>>
      %dma_wait3A_117 = tpu.memref_squeeze %dma_wait3A_116 : memref<1x128xi32, #tpu.memory_space<vmem>> -> memref<128xi32, #tpu.memory_space<vmem>>
      %dma_wait3A_118 = arith.constant 0 : i32
      %dma_wait3A_119 = arith.constant 0 : i32
      %dma_wait3A_120 = tpu.memref_slice %arg17[%dma_wait3A_118, %dma_wait3A_119] : memref<10240x16xf32, #tpu.memory_space<vmem_shared>> -> memref<10240x16xf32, #tpu.memory_space<vmem_shared>>
      tpu.wait_indirect_dma semaphore(%run_scoped3A_108 : memref<!tpu.dma_semaphore, #tpu.memory_space<semaphore_mem>>) src(%arg11 : memref<128x16xf32, #tpu.memory_space<vmem>>) dst(%dma_wait3A_120 : memref<10240x16xf32, #tpu.memory_space<vmem_shared>>)
      tpu.yield
    }) : () -> ()
    %dma_wait3A_87 = arith.constant 155 : i32
    %dma_wait3A_88 = arith.constant 0 : i32
    %dma_wait3A_89 = tpu.memref_slice %arg7[%dma_wait3A_87, %dma_wait3A_88] : memref<157x128xi32, #tpu.memory_space<vmem>> -> memref<1x128xi32, #tpu.memory_space<vmem>>
    %dma_wait3A_90 = tpu.memref_squeeze %dma_wait3A_89 : memref<1x128xi32, #tpu.memory_space<vmem>> -> memref<128xi32, #tpu.memory_space<vmem>>
    %dma_wait3A_91 = arith.constant 0 : i32
    %dma_wait3A_92 = arith.constant 0 : i32
    %dma_wait3A_93 = tpu.memref_slice %arg2[%dma_wait3A_91, %dma_wait3A_92] : memref<10240x16xf32, #tpu.memory_space<hbm>> -> memref<10240x16xf32, #tpu.memory_space<hbm>>
    tpu.wait_indirect_dma semaphore(%arg21 : memref<!tpu.dma_semaphore, #tpu.memory_space<semaphore_mem>>) src(%dma_wait3A_93 : memref<10240x16xf32, #tpu.memory_space<hbm>>) dst(%arg12 : memref<128x16xf32, #tpu.memory_space<vmem>>)
    %run_scoped3A_94 = arith.constant 155 : i32
    "tpu.region"() ({
      %run_scoped3A_108 = tpu.sem_alloc : memref<!tpu.dma_semaphore, #tpu.memory_space<semaphore_mem>>
      %dma_start3A_109 = arith.constant 0 : i32
      %dma_start3A_110 = tpu.memref_slice %arg8[%run_scoped3A_94, %dma_start3A_109] : memref<157x128xi32, #tpu.memory_space<vmem>> -> memref<1x128xi32, #tpu.memory_space<vmem>>
      %dma_start3A_111 = tpu.memref_squeeze %dma_start3A_110 : memref<1x128xi32, #tpu.memory_space<vmem>> -> memref<128xi32, #tpu.memory_space<vmem>>
      %dma_start3A_112 = arith.constant 0 : i32
      %dma_start3A_113 = arith.constant 0 : i32
      %dma_start3A_114 = tpu.memref_slice %arg17[%dma_start3A_112, %dma_start3A_113] : memref<10240x16xf32, #tpu.memory_space<vmem_shared>> -> memref<10240x16xf32, #tpu.memory_space<vmem_shared>>
      tpu.enqueue_indirect_dma source(%arg12 : memref<128x16xf32, #tpu.memory_space<vmem>>) target(%dma_start3A_114 : memref<10240x16xf32, #tpu.memory_space<vmem_shared>>) offsets(%dma_start3A_111 : memref<128xi32, #tpu.memory_space<vmem>>) semaphore(%run_scoped3A_108 : memref<!tpu.dma_semaphore, #tpu.memory_space<semaphore_mem>>) {add = true}
      %dma_wait3A_115 = arith.constant 0 : i32
      %dma_wait3A_116 = tpu.memref_slice %arg8[%run_scoped3A_94, %dma_wait3A_115] : memref<157x128xi32, #tpu.memory_space<vmem>> -> memref<1x128xi32, #tpu.memory_space<vmem>>
      %dma_wait3A_117 = tpu.memref_squeeze %dma_wait3A_116 : memref<1x128xi32, #tpu.memory_space<vmem>> -> memref<128xi32, #tpu.memory_space<vmem>>
      %dma_wait3A_118 = arith.constant 0 : i32
      %dma_wait3A_119 = arith.constant 0 : i32
      %dma_wait3A_120 = tpu.memref_slice %arg17[%dma_wait3A_118, %dma_wait3A_119] : memref<10240x16xf32, #tpu.memory_space<vmem_shared>> -> memref<10240x16xf32, #tpu.memory_space<vmem_shared>>
      tpu.wait_indirect_dma semaphore(%run_scoped3A_108 : memref<!tpu.dma_semaphore, #tpu.memory_space<semaphore_mem>>) src(%arg12 : memref<128x16xf32, #tpu.memory_space<vmem>>) dst(%dma_wait3A_120 : memref<10240x16xf32, #tpu.memory_space<vmem_shared>>)
      tpu.yield
    }) : () -> ()
    %dma_wait3A_95 = arith.constant 156 : i32
    %dma_wait3A_96 = arith.constant 0 : i32
    %dma_wait3A_97 = tpu.memref_slice %arg7[%dma_wait3A_95, %dma_wait3A_96] : memref<157x128xi32, #tpu.memory_space<vmem>> -> memref<1x128xi32, #tpu.memory_space<vmem>>
    %dma_wait3A_98 = tpu.memref_squeeze %dma_wait3A_97 : memref<1x128xi32, #tpu.memory_space<vmem>> -> memref<128xi32, #tpu.memory_space<vmem>>
    %dma_wait3A_99 = arith.constant 0 : i32
    %dma_wait3A_100 = arith.constant 0 : i32
    %dma_wait3A_101 = tpu.memref_slice %arg2[%dma_wait3A_99, %dma_wait3A_100] : memref<10240x16xf32, #tpu.memory_space<hbm>> -> memref<10240x16xf32, #tpu.memory_space<hbm>>
    tpu.wait_indirect_dma semaphore(%arg22 : memref<!tpu.dma_semaphore, #tpu.memory_space<semaphore_mem>>) src(%dma_wait3A_101 : memref<10240x16xf32, #tpu.memory_space<hbm>>) dst(%arg13 : memref<128x16xf32, #tpu.memory_space<vmem>>)
    %run_scoped3A_102 = arith.constant 156 : i32
    "tpu.region"() ({
      %run_scoped3A_108 = tpu.sem_alloc : memref<!tpu.dma_semaphore, #tpu.memory_space<semaphore_mem>>
      %dma_start3A_109 = arith.constant 0 : i32
      %dma_start3A_110 = tpu.memref_slice %arg8[%run_scoped3A_102, %dma_start3A_109] : memref<157x128xi32, #tpu.memory_space<vmem>> -> memref<1x128xi32, #tpu.memory_space<vmem>>
      %dma_start3A_111 = tpu.memref_squeeze %dma_start3A_110 : memref<1x128xi32, #tpu.memory_space<vmem>> -> memref<128xi32, #tpu.memory_space<vmem>>
      %dma_start3A_112 = arith.constant 0 : i32
      %dma_start3A_113 = arith.constant 0 : i32
      %dma_start3A_114 = tpu.memref_slice %arg17[%dma_start3A_112, %dma_start3A_113] : memref<10240x16xf32, #tpu.memory_space<vmem_shared>> -> memref<10240x16xf32, #tpu.memory_space<vmem_shared>>
      tpu.enqueue_indirect_dma source(%arg13 : memref<128x16xf32, #tpu.memory_space<vmem>>) target(%dma_start3A_114 : memref<10240x16xf32, #tpu.memory_space<vmem_shared>>) offsets(%dma_start3A_111 : memref<128xi32, #tpu.memory_space<vmem>>) semaphore(%run_scoped3A_108 : memref<!tpu.dma_semaphore, #tpu.memory_space<semaphore_mem>>) {add = true}
      %dma_wait3A_115 = arith.constant 0 : i32
      %dma_wait3A_116 = tpu.memref_slice %arg8[%run_scoped3A_102, %dma_wait3A_115] : memref<157x128xi32, #tpu.memory_space<vmem>> -> memref<1x128xi32, #tpu.memory_space<vmem>>
      %dma_wait3A_117 = tpu.memref_squeeze %dma_wait3A_116 : memref<1x128xi32, #tpu.memory_space<vmem>> -> memref<128xi32, #tpu.memory_space<vmem>>
      %dma_wait3A_118 = arith.constant 0 : i32
      %dma_wait3A_119 = arith.constant 0 : i32
      %dma_wait3A_120 = tpu.memref_slice %arg17[%dma_wait3A_118, %dma_wait3A_119] : memref<10240x16xf32, #tpu.memory_space<vmem_shared>> -> memref<10240x16xf32, #tpu.memory_space<vmem_shared>>
      tpu.wait_indirect_dma semaphore(%run_scoped3A_108 : memref<!tpu.dma_semaphore, #tpu.memory_space<semaphore_mem>>) src(%arg13 : memref<128x16xf32, #tpu.memory_space<vmem>>) dst(%dma_wait3A_120 : memref<10240x16xf32, #tpu.memory_space<vmem_shared>>)
      tpu.yield
    }) : () -> ()
    %barrier3A_103 = arith.constant 0 : index
    tpu.barrier barrier_id(%barrier3A_103)
    %mul3A_104 = arith.constant 640 : i32
    %mul3A_105 = arith.muli %arg1, %mul3A_104 : i32
    %mul3A_106 = arith.constant 640 : i32
    %mul3A_107 = arith.muli %arg1, %mul3A_106 : i32
    "tpu.region"() ({
      %run_scoped3A_108 = tpu.sem_alloc : memref<!tpu.dma_semaphore, #tpu.memory_space<semaphore_mem>>
      %dma_start3A_109 = arith.constant 0 : i32
      %dma_start3A_110 = tpu.memref_slice %arg6[%arg0, %mul3A_107, %dma_start3A_109] : memref<2x10240x16xf32, #tpu.memory_space<hbm>> -> memref<1x640x16xf32, #tpu.memory_space<hbm>>
      %dma_start3A_111 = tpu.memref_squeeze %dma_start3A_110 : memref<1x640x16xf32, #tpu.memory_space<hbm>> -> memref<640x16xf32, #tpu.memory_space<hbm>>
      %dma_start3A_112 = arith.constant 0 : i32
      %dma_start3A_113 = tpu.memref_slice %arg17[%mul3A_105, %dma_start3A_112] : memref<10240x16xf32, #tpu.memory_space<vmem_shared>> -> memref<640x16xf32, #tpu.memory_space<vmem_shared>>
      tpu.enqueue_dma source(%dma_start3A_113 : memref<640x16xf32, #tpu.memory_space<vmem_shared>>) target(%dma_start3A_111 : memref<640x16xf32, #tpu.memory_space<hbm>>) target_semaphore(%run_scoped3A_108 : memref<!tpu.dma_semaphore, #tpu.memory_space<semaphore_mem>>)
      %dma_wait3A_114 = arith.constant 0 : i32
      %dma_wait3A_115 = tpu.memref_slice %arg6[%arg0, %mul3A_107, %dma_wait3A_114] : memref<2x10240x16xf32, #tpu.memory_space<hbm>> -> memref<1x640x16xf32, #tpu.memory_space<hbm>>
      %dma_wait3A_116 = tpu.memref_squeeze %dma_wait3A_115 : memref<1x640x16xf32, #tpu.memory_space<hbm>> -> memref<640x16xf32, #tpu.memory_space<hbm>>
      %dma_wait3A_117 = arith.constant 0 : i32
      %dma_wait3A_118 = tpu.memref_slice %arg17[%mul3A_105, %dma_wait3A_117] : memref<10240x16xf32, #tpu.memory_space<vmem_shared>> -> memref<640x16xf32, #tpu.memory_space<vmem_shared>>
      tpu.wait_dma2 semaphore(%run_scoped3A_108 : memref<!tpu.dma_semaphore, #tpu.memory_space<semaphore_mem>>) src(%dma_wait3A_118 : memref<640x16xf32, #tpu.memory_space<vmem_shared>>) dst(%dma_wait3A_116 : memref<640x16xf32, #tpu.memory_space<hbm>>)
      tpu.yield
    }) : () -> ()
    return
  }
}

#map = affine_map<(d0, d1) -> (0, 0)>
#map1 = affine_map<(d0, d1) -> (0, 0, 0)>
module attributes {stable_mosaic.version = 14 : i64} {
  func.func @prop(%arg0: i32, %arg1: i32, %arg2: memref<10240x48xf32, #tpu.memory_space<hbm>>, %arg3: memref<32x157x128xi32, #tpu.memory_space<hbm>>, %arg4: memref<32x157x128xi32, #tpu.memory_space<hbm>>, %arg5: memref<10240x48xf32, #tpu.memory_space<hbm>>, %arg6: memref<2x10240x48xf32, #tpu.memory_space<hbm>>, %arg7: memref<157x128xi32, #tpu.memory_space<vmem>>, %arg8: memref<157x128xi32, #tpu.memory_space<vmem>>, %arg9: memref<128x48xf32, #tpu.memory_space<vmem>>, %arg10: memref<128x48xf32, #tpu.memory_space<vmem>>, %arg11: memref<128x48xf32, #tpu.memory_space<vmem>>, %arg12: memref<128x48xf32, #tpu.memory_space<vmem>>, %arg13: memref<128x48xf32, #tpu.memory_space<vmem>>, %arg14: memref<128x48xf32, #tpu.memory_space<vmem>>, %arg15: memref<128x48xf32, #tpu.memory_space<vmem>>, %arg16: memref<128x48xf32, #tpu.memory_space<vmem>>, %arg17: memref<10240x48xf32, #tpu.memory_space<vmem_shared>>, %arg18: memref<!tpu.dma_semaphore, #tpu.memory_space<semaphore_mem>>, %arg19: memref<!tpu.dma_semaphore, #tpu.memory_space<semaphore_mem>>, %arg20: memref<!tpu.dma_semaphore, #tpu.memory_space<semaphore_mem>>, %arg21: memref<!tpu.dma_semaphore, #tpu.memory_space<semaphore_mem>>, %arg22: memref<!tpu.dma_semaphore, #tpu.memory_space<semaphore_mem>>, %arg23: memref<!tpu.dma_semaphore, #tpu.memory_space<semaphore_mem>>, %arg24: memref<!tpu.dma_semaphore, #tpu.memory_space<semaphore_mem>>, %arg25: memref<!tpu.dma_semaphore, #tpu.memory_space<semaphore_mem>>) attributes {dimension_semantics = [#tpu.dimension_semantics<core_parallel>, #tpu.dimension_semantics<subcore_parallel>], iteration_bounds = array<i64: 2, 16>, scalar_prefetch = 0 : i64, scratch_operands = 19 : i64, tpu.core_type = #tpu.core_type<sc_vector_subcore>, window_params = [{transform_indices = #map}, {transform_indices = #map1}, {transform_indices = #map1}, {transform_indices = #map}, {transform_indices = #map1}]} {
    %mul3A = arith.constant 2 : i32
    %mul3A_0 = arith.muli %arg1, %mul3A : i32
    %add3A = arith.addi %mul3A_0, %arg0 : i32
    %mul3A_1 = arith.constant 640 : i32
    %mul3A_2 = arith.muli %arg1, %mul3A_1 : i32
    %mul3A_3 = arith.constant 640 : i32
    %mul3A_4 = arith.muli %arg1, %mul3A_3 : i32
    "tpu.region"() ({
      %run_scoped3A_108 = tpu.sem_alloc : memref<!tpu.dma_semaphore, #tpu.memory_space<semaphore_mem>>
      %dma_start3A_109 = arith.constant 0 : i32
      %dma_start3A_110 = tpu.memref_slice %arg17[%mul3A_4, %dma_start3A_109] : memref<10240x48xf32, #tpu.memory_space<vmem_shared>> -> memref<640x48xf32, #tpu.memory_space<vmem_shared>>
      %dma_start3A_111 = arith.constant 0 : i32
      %dma_start3A_112 = tpu.memref_slice %arg5[%mul3A_2, %dma_start3A_111] : memref<10240x48xf32, #tpu.memory_space<hbm>> -> memref<640x48xf32, #tpu.memory_space<hbm>>
      tpu.enqueue_dma source(%dma_start3A_112 : memref<640x48xf32, #tpu.memory_space<hbm>>) target(%dma_start3A_110 : memref<640x48xf32, #tpu.memory_space<vmem_shared>>) target_semaphore(%run_scoped3A_108 : memref<!tpu.dma_semaphore, #tpu.memory_space<semaphore_mem>>)
      %dma_wait3A_113 = arith.constant 0 : i32
      %dma_wait3A_114 = tpu.memref_slice %arg17[%mul3A_4, %dma_wait3A_113] : memref<10240x48xf32, #tpu.memory_space<vmem_shared>> -> memref<640x48xf32, #tpu.memory_space<vmem_shared>>
      %dma_wait3A_115 = arith.constant 0 : i32
      %dma_wait3A_116 = tpu.memref_slice %arg5[%mul3A_2, %dma_wait3A_115] : memref<10240x48xf32, #tpu.memory_space<hbm>> -> memref<640x48xf32, #tpu.memory_space<hbm>>
      tpu.wait_dma2 semaphore(%run_scoped3A_108 : memref<!tpu.dma_semaphore, #tpu.memory_space<semaphore_mem>>) src(%dma_wait3A_116 : memref<640x48xf32, #tpu.memory_space<hbm>>) dst(%dma_wait3A_114 : memref<640x48xf32, #tpu.memory_space<vmem_shared>>)
      tpu.yield
    }) : () -> ()
    "tpu.region"() ({
      %run_scoped3A_108 = tpu.sem_alloc : memref<!tpu.dma_semaphore, #tpu.memory_space<semaphore_mem>>
      %dma_start3A_109 = arith.constant 0 : i32
      %dma_start3A_110 = arith.constant 0 : i32
      %dma_start3A_111 = tpu.memref_slice %arg3[%add3A, %dma_start3A_109, %dma_start3A_110] : memref<32x157x128xi32, #tpu.memory_space<hbm>> -> memref<1x157x128xi32, #tpu.memory_space<hbm>>
      %dma_start3A_112 = tpu.memref_squeeze %dma_start3A_111 : memref<1x157x128xi32, #tpu.memory_space<hbm>> -> memref<157x128xi32, #tpu.memory_space<hbm>>
      %dma_start3A_113 = arith.constant 0 : i32
      %dma_start3A_114 = arith.constant 0 : i32
      %dma_start3A_115 = tpu.memref_slice %arg3[%add3A, %dma_start3A_113, %dma_start3A_114] : memref<32x157x128xi32, #tpu.memory_space<hbm>> -> memref<1x157x128xi32, #tpu.memory_space<hbm>>
      %dma_start3A_116 = tpu.memref_squeeze %dma_start3A_115 : memref<1x157x128xi32, #tpu.memory_space<hbm>> -> memref<157x128xi32, #tpu.memory_space<hbm>>
      tpu.enqueue_dma source(%dma_start3A_116 : memref<157x128xi32, #tpu.memory_space<hbm>>) target(%arg7 : memref<157x128xi32, #tpu.memory_space<vmem>>) target_semaphore(%run_scoped3A_108 : memref<!tpu.dma_semaphore, #tpu.memory_space<semaphore_mem>>)
      %dma_wait3A_117 = arith.constant 0 : i32
      %dma_wait3A_118 = arith.constant 0 : i32
      %dma_wait3A_119 = tpu.memref_slice %arg3[%add3A, %dma_wait3A_117, %dma_wait3A_118] : memref<32x157x128xi32, #tpu.memory_space<hbm>> -> memref<1x157x128xi32, #tpu.memory_space<hbm>>
      %dma_wait3A_120 = tpu.memref_squeeze %dma_wait3A_119 : memref<1x157x128xi32, #tpu.memory_space<hbm>> -> memref<157x128xi32, #tpu.memory_space<hbm>>
      %dma_wait3A_121 = arith.constant 0 : i32
      %dma_wait3A_122 = arith.constant 0 : i32
      %dma_wait3A_123 = tpu.memref_slice %arg3[%add3A, %dma_wait3A_121, %dma_wait3A_122] : memref<32x157x128xi32, #tpu.memory_space<hbm>> -> memref<1x157x128xi32, #tpu.memory_space<hbm>>
      %dma_wait3A_124 = tpu.memref_squeeze %dma_wait3A_123 : memref<1x157x128xi32, #tpu.memory_space<hbm>> -> memref<157x128xi32, #tpu.memory_space<hbm>>
      tpu.wait_dma2 semaphore(%run_scoped3A_108 : memref<!tpu.dma_semaphore, #tpu.memory_space<semaphore_mem>>) src(%dma_wait3A_124 : memref<157x128xi32, #tpu.memory_space<hbm>>) dst(%arg7 : memref<157x128xi32, #tpu.memory_space<vmem>>)
      tpu.yield
    }) : () -> ()
    "tpu.region"() ({
      %run_scoped3A_108 = tpu.sem_alloc : memref<!tpu.dma_semaphore, #tpu.memory_space<semaphore_mem>>
      %dma_start3A_109 = arith.constant 0 : i32
      %dma_start3A_110 = arith.constant 0 : i32
      %dma_start3A_111 = tpu.memref_slice %arg4[%add3A, %dma_start3A_109, %dma_start3A_110] : memref<32x157x128xi32, #tpu.memory_space<hbm>> -> memref<1x157x128xi32, #tpu.memory_space<hbm>>
      %dma_start3A_112 = tpu.memref_squeeze %dma_start3A_111 : memref<1x157x128xi32, #tpu.memory_space<hbm>> -> memref<157x128xi32, #tpu.memory_space<hbm>>
      %dma_start3A_113 = arith.constant 0 : i32
      %dma_start3A_114 = arith.constant 0 : i32
      %dma_start3A_115 = tpu.memref_slice %arg4[%add3A, %dma_start3A_113, %dma_start3A_114] : memref<32x157x128xi32, #tpu.memory_space<hbm>> -> memref<1x157x128xi32, #tpu.memory_space<hbm>>
      %dma_start3A_116 = tpu.memref_squeeze %dma_start3A_115 : memref<1x157x128xi32, #tpu.memory_space<hbm>> -> memref<157x128xi32, #tpu.memory_space<hbm>>
      tpu.enqueue_dma source(%dma_start3A_116 : memref<157x128xi32, #tpu.memory_space<hbm>>) target(%arg8 : memref<157x128xi32, #tpu.memory_space<vmem>>) target_semaphore(%run_scoped3A_108 : memref<!tpu.dma_semaphore, #tpu.memory_space<semaphore_mem>>)
      %dma_wait3A_117 = arith.constant 0 : i32
      %dma_wait3A_118 = arith.constant 0 : i32
      %dma_wait3A_119 = tpu.memref_slice %arg4[%add3A, %dma_wait3A_117, %dma_wait3A_118] : memref<32x157x128xi32, #tpu.memory_space<hbm>> -> memref<1x157x128xi32, #tpu.memory_space<hbm>>
      %dma_wait3A_120 = tpu.memref_squeeze %dma_wait3A_119 : memref<1x157x128xi32, #tpu.memory_space<hbm>> -> memref<157x128xi32, #tpu.memory_space<hbm>>
      %dma_wait3A_121 = arith.constant 0 : i32
      %dma_wait3A_122 = arith.constant 0 : i32
      %dma_wait3A_123 = tpu.memref_slice %arg4[%add3A, %dma_wait3A_121, %dma_wait3A_122] : memref<32x157x128xi32, #tpu.memory_space<hbm>> -> memref<1x157x128xi32, #tpu.memory_space<hbm>>
      %dma_wait3A_124 = tpu.memref_squeeze %dma_wait3A_123 : memref<1x157x128xi32, #tpu.memory_space<hbm>> -> memref<157x128xi32, #tpu.memory_space<hbm>>
      tpu.wait_dma2 semaphore(%run_scoped3A_108 : memref<!tpu.dma_semaphore, #tpu.memory_space<semaphore_mem>>) src(%dma_wait3A_124 : memref<157x128xi32, #tpu.memory_space<hbm>>) dst(%arg8 : memref<157x128xi32, #tpu.memory_space<vmem>>)
      tpu.yield
    }) : () -> ()
    %barrier3A = arith.constant 0 : index
    tpu.barrier barrier_id(%barrier3A)
    %dma_start3A = arith.constant 0 : i32
    %dma_start3A_5 = arith.constant 0 : i32
    %dma_start3A_6 = tpu.memref_slice %arg7[%dma_start3A, %dma_start3A_5] : memref<157x128xi32, #tpu.memory_space<vmem>> -> memref<1x128xi32, #tpu.memory_space<vmem>>
    %dma_start3A_7 = tpu.memref_squeeze %dma_start3A_6 : memref<1x128xi32, #tpu.memory_space<vmem>> -> memref<128xi32, #tpu.memory_space<vmem>>
    %dma_start3A_8 = arith.constant 0 : i32
    %dma_start3A_9 = arith.constant 0 : i32
    %dma_start3A_10 = tpu.memref_slice %arg2[%dma_start3A_8, %dma_start3A_9] : memref<10240x48xf32, #tpu.memory_space<hbm>> -> memref<10240x48xf32, #tpu.memory_space<hbm>>
    tpu.enqueue_indirect_dma source(%dma_start3A_10 : memref<10240x48xf32, #tpu.memory_space<hbm>>) target(%arg9 : memref<128x48xf32, #tpu.memory_space<vmem>>) offsets(%dma_start3A_7 : memref<128xi32, #tpu.memory_space<vmem>>) semaphore(%arg18 : memref<!tpu.dma_semaphore, #tpu.memory_space<semaphore_mem>>)
    %dma_start3A_11 = arith.constant 1 : i32
    %dma_start3A_12 = arith.constant 0 : i32
    %dma_start3A_13 = tpu.memref_slice %arg7[%dma_start3A_11, %dma_start3A_12] : memref<157x128xi32, #tpu.memory_space<vmem>> -> memref<1x128xi32, #tpu.memory_space<vmem>>
    %dma_start3A_14 = tpu.memref_squeeze %dma_start3A_13 : memref<1x128xi32, #tpu.memory_space<vmem>> -> memref<128xi32, #tpu.memory_space<vmem>>
    %dma_start3A_15 = arith.constant 0 : i32
    %dma_start3A_16 = arith.constant 0 : i32
    %dma_start3A_17 = tpu.memref_slice %arg2[%dma_start3A_15, %dma_start3A_16] : memref<10240x48xf32, #tpu.memory_space<hbm>> -> memref<10240x48xf32, #tpu.memory_space<hbm>>
    tpu.enqueue_indirect_dma source(%dma_start3A_17 : memref<10240x48xf32, #tpu.memory_space<hbm>>) target(%arg10 : memref<128x48xf32, #tpu.memory_space<vmem>>) offsets(%dma_start3A_14 : memref<128xi32, #tpu.memory_space<vmem>>) semaphore(%arg19 : memref<!tpu.dma_semaphore, #tpu.memory_space<semaphore_mem>>)
    %dma_start3A_18 = arith.constant 2 : i32
    %dma_start3A_19 = arith.constant 0 : i32
    %dma_start3A_20 = tpu.memref_slice %arg7[%dma_start3A_18, %dma_start3A_19] : memref<157x128xi32, #tpu.memory_space<vmem>> -> memref<1x128xi32, #tpu.memory_space<vmem>>
    %dma_start3A_21 = tpu.memref_squeeze %dma_start3A_20 : memref<1x128xi32, #tpu.memory_space<vmem>> -> memref<128xi32, #tpu.memory_space<vmem>>
    %dma_start3A_22 = arith.constant 0 : i32
    %dma_start3A_23 = arith.constant 0 : i32
    %dma_start3A_24 = tpu.memref_slice %arg2[%dma_start3A_22, %dma_start3A_23] : memref<10240x48xf32, #tpu.memory_space<hbm>> -> memref<10240x48xf32, #tpu.memory_space<hbm>>
    tpu.enqueue_indirect_dma source(%dma_start3A_24 : memref<10240x48xf32, #tpu.memory_space<hbm>>) target(%arg11 : memref<128x48xf32, #tpu.memory_space<vmem>>) offsets(%dma_start3A_21 : memref<128xi32, #tpu.memory_space<vmem>>) semaphore(%arg20 : memref<!tpu.dma_semaphore, #tpu.memory_space<semaphore_mem>>)
    %dma_start3A_25 = arith.constant 3 : i32
    %dma_start3A_26 = arith.constant 0 : i32
    %dma_start3A_27 = tpu.memref_slice %arg7[%dma_start3A_25, %dma_start3A_26] : memref<157x128xi32, #tpu.memory_space<vmem>> -> memref<1x128xi32, #tpu.memory_space<vmem>>
    %dma_start3A_28 = tpu.memref_squeeze %dma_start3A_27 : memref<1x128xi32, #tpu.memory_space<vmem>> -> memref<128xi32, #tpu.memory_space<vmem>>
    %dma_start3A_29 = arith.constant 0 : i32
    %dma_start3A_30 = arith.constant 0 : i32
    %dma_start3A_31 = tpu.memref_slice %arg2[%dma_start3A_29, %dma_start3A_30] : memref<10240x48xf32, #tpu.memory_space<hbm>> -> memref<10240x48xf32, #tpu.memory_space<hbm>>
    tpu.enqueue_indirect_dma source(%dma_start3A_31 : memref<10240x48xf32, #tpu.memory_space<hbm>>) target(%arg12 : memref<128x48xf32, #tpu.memory_space<vmem>>) offsets(%dma_start3A_28 : memref<128xi32, #tpu.memory_space<vmem>>) semaphore(%arg21 : memref<!tpu.dma_semaphore, #tpu.memory_space<semaphore_mem>>)
    %dma_start3A_32 = arith.constant 4 : i32
    %dma_start3A_33 = arith.constant 0 : i32
    %dma_start3A_34 = tpu.memref_slice %arg7[%dma_start3A_32, %dma_start3A_33] : memref<157x128xi32, #tpu.memory_space<vmem>> -> memref<1x128xi32, #tpu.memory_space<vmem>>
    %dma_start3A_35 = tpu.memref_squeeze %dma_start3A_34 : memref<1x128xi32, #tpu.memory_space<vmem>> -> memref<128xi32, #tpu.memory_space<vmem>>
    %dma_start3A_36 = arith.constant 0 : i32
    %dma_start3A_37 = arith.constant 0 : i32
    %dma_start3A_38 = tpu.memref_slice %arg2[%dma_start3A_36, %dma_start3A_37] : memref<10240x48xf32, #tpu.memory_space<hbm>> -> memref<10240x48xf32, #tpu.memory_space<hbm>>
    tpu.enqueue_indirect_dma source(%dma_start3A_38 : memref<10240x48xf32, #tpu.memory_space<hbm>>) target(%arg13 : memref<128x48xf32, #tpu.memory_space<vmem>>) offsets(%dma_start3A_35 : memref<128xi32, #tpu.memory_space<vmem>>) semaphore(%arg22 : memref<!tpu.dma_semaphore, #tpu.memory_space<semaphore_mem>>)
    %dma_start3A_39 = arith.constant 5 : i32
    %dma_start3A_40 = arith.constant 0 : i32
    %dma_start3A_41 = tpu.memref_slice %arg7[%dma_start3A_39, %dma_start3A_40] : memref<157x128xi32, #tpu.memory_space<vmem>> -> memref<1x128xi32, #tpu.memory_space<vmem>>
    %dma_start3A_42 = tpu.memref_squeeze %dma_start3A_41 : memref<1x128xi32, #tpu.memory_space<vmem>> -> memref<128xi32, #tpu.memory_space<vmem>>
    %dma_start3A_43 = arith.constant 0 : i32
    %dma_start3A_44 = arith.constant 0 : i32
    %dma_start3A_45 = tpu.memref_slice %arg2[%dma_start3A_43, %dma_start3A_44] : memref<10240x48xf32, #tpu.memory_space<hbm>> -> memref<10240x48xf32, #tpu.memory_space<hbm>>
    tpu.enqueue_indirect_dma source(%dma_start3A_45 : memref<10240x48xf32, #tpu.memory_space<hbm>>) target(%arg14 : memref<128x48xf32, #tpu.memory_space<vmem>>) offsets(%dma_start3A_42 : memref<128xi32, #tpu.memory_space<vmem>>) semaphore(%arg23 : memref<!tpu.dma_semaphore, #tpu.memory_space<semaphore_mem>>)
    %dma_start3A_46 = arith.constant 6 : i32
    %dma_start3A_47 = arith.constant 0 : i32
    %dma_start3A_48 = tpu.memref_slice %arg7[%dma_start3A_46, %dma_start3A_47] : memref<157x128xi32, #tpu.memory_space<vmem>> -> memref<1x128xi32, #tpu.memory_space<vmem>>
    %dma_start3A_49 = tpu.memref_squeeze %dma_start3A_48 : memref<1x128xi32, #tpu.memory_space<vmem>> -> memref<128xi32, #tpu.memory_space<vmem>>
    %dma_start3A_50 = arith.constant 0 : i32
    %dma_start3A_51 = arith.constant 0 : i32
    %dma_start3A_52 = tpu.memref_slice %arg2[%dma_start3A_50, %dma_start3A_51] : memref<10240x48xf32, #tpu.memory_space<hbm>> -> memref<10240x48xf32, #tpu.memory_space<hbm>>
    tpu.enqueue_indirect_dma source(%dma_start3A_52 : memref<10240x48xf32, #tpu.memory_space<hbm>>) target(%arg15 : memref<128x48xf32, #tpu.memory_space<vmem>>) offsets(%dma_start3A_49 : memref<128xi32, #tpu.memory_space<vmem>>) semaphore(%arg24 : memref<!tpu.dma_semaphore, #tpu.memory_space<semaphore_mem>>)
    %dma_start3A_53 = arith.constant 7 : i32
    %dma_start3A_54 = arith.constant 0 : i32
    %dma_start3A_55 = tpu.memref_slice %arg7[%dma_start3A_53, %dma_start3A_54] : memref<157x128xi32, #tpu.memory_space<vmem>> -> memref<1x128xi32, #tpu.memory_space<vmem>>
    %dma_start3A_56 = tpu.memref_squeeze %dma_start3A_55 : memref<1x128xi32, #tpu.memory_space<vmem>> -> memref<128xi32, #tpu.memory_space<vmem>>
    %dma_start3A_57 = arith.constant 0 : i32
    %dma_start3A_58 = arith.constant 0 : i32
    %dma_start3A_59 = tpu.memref_slice %arg2[%dma_start3A_57, %dma_start3A_58] : memref<10240x48xf32, #tpu.memory_space<hbm>> -> memref<10240x48xf32, #tpu.memory_space<hbm>>
    tpu.enqueue_indirect_dma source(%dma_start3A_59 : memref<10240x48xf32, #tpu.memory_space<hbm>>) target(%arg16 : memref<128x48xf32, #tpu.memory_space<vmem>>) offsets(%dma_start3A_56 : memref<128xi32, #tpu.memory_space<vmem>>) semaphore(%arg25 : memref<!tpu.dma_semaphore, #tpu.memory_space<semaphore_mem>>)
    %scan3A = arith.constant 0 : i32
    %scan3A_60 = arith.constant 0 : i32
    %scan3A_61 = arith.constant 19 : i32
    %scan3A_62 = arith.addi %scan3A_60, %scan3A_61 : i32
    %scan3A_63 = arith.constant 1 : i32
    scf.for %scan3A_108 = %scan3A_60 to %scan3A_62 step %scan3A_63  : i32 {
      %mul3A_109 = arith.constant 8 : i32
      %mul3A_110 = arith.muli %scan3A_108, %mul3A_109 : i32
      %add3A_111 = arith.constant 0 : i32
      %add3A_112 = arith.addi %mul3A_110, %add3A_111 : i32
      %dma_wait3A_113 = arith.constant 0 : i32
      %dma_wait3A_114 = tpu.memref_slice %arg7[%add3A_112, %dma_wait3A_113] : memref<157x128xi32, #tpu.memory_space<vmem>> -> memref<1x128xi32, #tpu.memory_space<vmem>>
      %dma_wait3A_115 = tpu.memref_squeeze %dma_wait3A_114 : memref<1x128xi32, #tpu.memory_space<vmem>> -> memref<128xi32, #tpu.memory_space<vmem>>
      %dma_wait3A_116 = arith.constant 0 : i32
      %dma_wait3A_117 = arith.constant 0 : i32
      %dma_wait3A_118 = tpu.memref_slice %arg2[%dma_wait3A_116, %dma_wait3A_117] : memref<10240x48xf32, #tpu.memory_space<hbm>> -> memref<10240x48xf32, #tpu.memory_space<hbm>>
      tpu.wait_indirect_dma semaphore(%arg18 : memref<!tpu.dma_semaphore, #tpu.memory_space<semaphore_mem>>) src(%dma_wait3A_118 : memref<10240x48xf32, #tpu.memory_space<hbm>>) dst(%arg9 : memref<128x48xf32, #tpu.memory_space<vmem>>)
      "tpu.region"() ({
        %run_scoped3A_228 = tpu.sem_alloc : memref<!tpu.dma_semaphore, #tpu.memory_space<semaphore_mem>>
        %dma_start3A_229 = arith.constant 0 : i32
        %dma_start3A_230 = tpu.memref_slice %arg8[%add3A_112, %dma_start3A_229] : memref<157x128xi32, #tpu.memory_space<vmem>> -> memref<1x128xi32, #tpu.memory_space<vmem>>
        %dma_start3A_231 = tpu.memref_squeeze %dma_start3A_230 : memref<1x128xi32, #tpu.memory_space<vmem>> -> memref<128xi32, #tpu.memory_space<vmem>>
        %dma_start3A_232 = arith.constant 0 : i32
        %dma_start3A_233 = arith.constant 0 : i32
        %dma_start3A_234 = tpu.memref_slice %arg17[%dma_start3A_232, %dma_start3A_233] : memref<10240x48xf32, #tpu.memory_space<vmem_shared>> -> memref<10240x48xf32, #tpu.memory_space<vmem_shared>>
        tpu.enqueue_indirect_dma source(%arg9 : memref<128x48xf32, #tpu.memory_space<vmem>>) target(%dma_start3A_234 : memref<10240x48xf32, #tpu.memory_space<vmem_shared>>) offsets(%dma_start3A_231 : memref<128xi32, #tpu.memory_space<vmem>>) semaphore(%run_scoped3A_228 : memref<!tpu.dma_semaphore, #tpu.memory_space<semaphore_mem>>) {add = true}
        %dma_wait3A_235 = arith.constant 0 : i32
        %dma_wait3A_236 = tpu.memref_slice %arg8[%add3A_112, %dma_wait3A_235] : memref<157x128xi32, #tpu.memory_space<vmem>> -> memref<1x128xi32, #tpu.memory_space<vmem>>
        %dma_wait3A_237 = tpu.memref_squeeze %dma_wait3A_236 : memref<1x128xi32, #tpu.memory_space<vmem>> -> memref<128xi32, #tpu.memory_space<vmem>>
        %dma_wait3A_238 = arith.constant 0 : i32
        %dma_wait3A_239 = arith.constant 0 : i32
        %dma_wait3A_240 = tpu.memref_slice %arg17[%dma_wait3A_238, %dma_wait3A_239] : memref<10240x48xf32, #tpu.memory_space<vmem_shared>> -> memref<10240x48xf32, #tpu.memory_space<vmem_shared>>
        tpu.wait_indirect_dma semaphore(%run_scoped3A_228 : memref<!tpu.dma_semaphore, #tpu.memory_space<semaphore_mem>>) src(%arg9 : memref<128x48xf32, #tpu.memory_space<vmem>>) dst(%dma_wait3A_240 : memref<10240x48xf32, #tpu.memory_space<vmem_shared>>)
        tpu.yield
      }) : () -> ()
      %add3A_119 = arith.constant 8 : i32
      %add3A_120 = arith.addi %add3A_112, %add3A_119 : i32
      %lt3A = arith.constant 157 : i32
      %lt3A_121 = arith.cmpi slt, %add3A_120, %lt3A : i32
      %convert_element_type3A = arith.extui %lt3A_121 : i1 to i32
      %cond3A = arith.constant 0 : i32
      %cond3A_122 = arith.cmpi ne, %convert_element_type3A, %cond3A : i32
      scf.if %cond3A_122 {
        %add3A_228 = arith.constant 8 : i32
        %add3A_229 = arith.addi %add3A_112, %add3A_228 : i32
        %dma_start3A_230 = arith.constant 0 : i32
        %dma_start3A_231 = tpu.memref_slice %arg7[%add3A_229, %dma_start3A_230] : memref<157x128xi32, #tpu.memory_space<vmem>> -> memref<1x128xi32, #tpu.memory_space<vmem>>
        %dma_start3A_232 = tpu.memref_squeeze %dma_start3A_231 : memref<1x128xi32, #tpu.memory_space<vmem>> -> memref<128xi32, #tpu.memory_space<vmem>>
        %dma_start3A_233 = arith.constant 0 : i32
        %dma_start3A_234 = arith.constant 0 : i32
        %dma_start3A_235 = tpu.memref_slice %arg2[%dma_start3A_233, %dma_start3A_234] : memref<10240x48xf32, #tpu.memory_space<hbm>> -> memref<10240x48xf32, #tpu.memory_space<hbm>>
        tpu.enqueue_indirect_dma source(%dma_start3A_235 : memref<10240x48xf32, #tpu.memory_space<hbm>>) target(%arg9 : memref<128x48xf32, #tpu.memory_space<vmem>>) offsets(%dma_start3A_232 : memref<128xi32, #tpu.memory_space<vmem>>) semaphore(%arg18 : memref<!tpu.dma_semaphore, #tpu.memory_space<semaphore_mem>>)
      } else {
      }
      %add3A_123 = arith.constant 1 : i32
      %add3A_124 = arith.addi %mul3A_110, %add3A_123 : i32
      %dma_wait3A_125 = arith.constant 0 : i32
      %dma_wait3A_126 = tpu.memref_slice %arg7[%add3A_124, %dma_wait3A_125] : memref<157x128xi32, #tpu.memory_space<vmem>> -> memref<1x128xi32, #tpu.memory_space<vmem>>
      %dma_wait3A_127 = tpu.memref_squeeze %dma_wait3A_126 : memref<1x128xi32, #tpu.memory_space<vmem>> -> memref<128xi32, #tpu.memory_space<vmem>>
      %dma_wait3A_128 = arith.constant 0 : i32
      %dma_wait3A_129 = arith.constant 0 : i32
      %dma_wait3A_130 = tpu.memref_slice %arg2[%dma_wait3A_128, %dma_wait3A_129] : memref<10240x48xf32, #tpu.memory_space<hbm>> -> memref<10240x48xf32, #tpu.memory_space<hbm>>
      tpu.wait_indirect_dma semaphore(%arg19 : memref<!tpu.dma_semaphore, #tpu.memory_space<semaphore_mem>>) src(%dma_wait3A_130 : memref<10240x48xf32, #tpu.memory_space<hbm>>) dst(%arg10 : memref<128x48xf32, #tpu.memory_space<vmem>>)
      "tpu.region"() ({
        %run_scoped3A_228 = tpu.sem_alloc : memref<!tpu.dma_semaphore, #tpu.memory_space<semaphore_mem>>
        %dma_start3A_229 = arith.constant 0 : i32
        %dma_start3A_230 = tpu.memref_slice %arg8[%add3A_124, %dma_start3A_229] : memref<157x128xi32, #tpu.memory_space<vmem>> -> memref<1x128xi32, #tpu.memory_space<vmem>>
        %dma_start3A_231 = tpu.memref_squeeze %dma_start3A_230 : memref<1x128xi32, #tpu.memory_space<vmem>> -> memref<128xi32, #tpu.memory_space<vmem>>
        %dma_start3A_232 = arith.constant 0 : i32
        %dma_start3A_233 = arith.constant 0 : i32
        %dma_start3A_234 = tpu.memref_slice %arg17[%dma_start3A_232, %dma_start3A_233] : memref<10240x48xf32, #tpu.memory_space<vmem_shared>> -> memref<10240x48xf32, #tpu.memory_space<vmem_shared>>
        tpu.enqueue_indirect_dma source(%arg10 : memref<128x48xf32, #tpu.memory_space<vmem>>) target(%dma_start3A_234 : memref<10240x48xf32, #tpu.memory_space<vmem_shared>>) offsets(%dma_start3A_231 : memref<128xi32, #tpu.memory_space<vmem>>) semaphore(%run_scoped3A_228 : memref<!tpu.dma_semaphore, #tpu.memory_space<semaphore_mem>>) {add = true}
        %dma_wait3A_235 = arith.constant 0 : i32
        %dma_wait3A_236 = tpu.memref_slice %arg8[%add3A_124, %dma_wait3A_235] : memref<157x128xi32, #tpu.memory_space<vmem>> -> memref<1x128xi32, #tpu.memory_space<vmem>>
        %dma_wait3A_237 = tpu.memref_squeeze %dma_wait3A_236 : memref<1x128xi32, #tpu.memory_space<vmem>> -> memref<128xi32, #tpu.memory_space<vmem>>
        %dma_wait3A_238 = arith.constant 0 : i32
        %dma_wait3A_239 = arith.constant 0 : i32
        %dma_wait3A_240 = tpu.memref_slice %arg17[%dma_wait3A_238, %dma_wait3A_239] : memref<10240x48xf32, #tpu.memory_space<vmem_shared>> -> memref<10240x48xf32, #tpu.memory_space<vmem_shared>>
        tpu.wait_indirect_dma semaphore(%run_scoped3A_228 : memref<!tpu.dma_semaphore, #tpu.memory_space<semaphore_mem>>) src(%arg10 : memref<128x48xf32, #tpu.memory_space<vmem>>) dst(%dma_wait3A_240 : memref<10240x48xf32, #tpu.memory_space<vmem_shared>>)
        tpu.yield
      }) : () -> ()
      %add3A_131 = arith.constant 8 : i32
      %add3A_132 = arith.addi %add3A_124, %add3A_131 : i32
      %lt3A_133 = arith.constant 157 : i32
      %lt3A_134 = arith.cmpi slt, %add3A_132, %lt3A_133 : i32
      %convert_element_type3A_135 = arith.extui %lt3A_134 : i1 to i32
      %cond3A_136 = arith.constant 0 : i32
      %cond3A_137 = arith.cmpi ne, %convert_element_type3A_135, %cond3A_136 : i32
      scf.if %cond3A_137 {
        %add3A_228 = arith.constant 8 : i32
        %add3A_229 = arith.addi %add3A_124, %add3A_228 : i32
        %dma_start3A_230 = arith.constant 0 : i32
        %dma_start3A_231 = tpu.memref_slice %arg7[%add3A_229, %dma_start3A_230] : memref<157x128xi32, #tpu.memory_space<vmem>> -> memref<1x128xi32, #tpu.memory_space<vmem>>
        %dma_start3A_232 = tpu.memref_squeeze %dma_start3A_231 : memref<1x128xi32, #tpu.memory_space<vmem>> -> memref<128xi32, #tpu.memory_space<vmem>>
        %dma_start3A_233 = arith.constant 0 : i32
        %dma_start3A_234 = arith.constant 0 : i32
        %dma_start3A_235 = tpu.memref_slice %arg2[%dma_start3A_233, %dma_start3A_234] : memref<10240x48xf32, #tpu.memory_space<hbm>> -> memref<10240x48xf32, #tpu.memory_space<hbm>>
        tpu.enqueue_indirect_dma source(%dma_start3A_235 : memref<10240x48xf32, #tpu.memory_space<hbm>>) target(%arg10 : memref<128x48xf32, #tpu.memory_space<vmem>>) offsets(%dma_start3A_232 : memref<128xi32, #tpu.memory_space<vmem>>) semaphore(%arg19 : memref<!tpu.dma_semaphore, #tpu.memory_space<semaphore_mem>>)
      } else {
      }
      %add3A_138 = arith.constant 2 : i32
      %add3A_139 = arith.addi %mul3A_110, %add3A_138 : i32
      %dma_wait3A_140 = arith.constant 0 : i32
      %dma_wait3A_141 = tpu.memref_slice %arg7[%add3A_139, %dma_wait3A_140] : memref<157x128xi32, #tpu.memory_space<vmem>> -> memref<1x128xi32, #tpu.memory_space<vmem>>
      %dma_wait3A_142 = tpu.memref_squeeze %dma_wait3A_141 : memref<1x128xi32, #tpu.memory_space<vmem>> -> memref<128xi32, #tpu.memory_space<vmem>>
      %dma_wait3A_143 = arith.constant 0 : i32
      %dma_wait3A_144 = arith.constant 0 : i32
      %dma_wait3A_145 = tpu.memref_slice %arg2[%dma_wait3A_143, %dma_wait3A_144] : memref<10240x48xf32, #tpu.memory_space<hbm>> -> memref<10240x48xf32, #tpu.memory_space<hbm>>
      tpu.wait_indirect_dma semaphore(%arg20 : memref<!tpu.dma_semaphore, #tpu.memory_space<semaphore_mem>>) src(%dma_wait3A_145 : memref<10240x48xf32, #tpu.memory_space<hbm>>) dst(%arg11 : memref<128x48xf32, #tpu.memory_space<vmem>>)
      "tpu.region"() ({
        %run_scoped3A_228 = tpu.sem_alloc : memref<!tpu.dma_semaphore, #tpu.memory_space<semaphore_mem>>
        %dma_start3A_229 = arith.constant 0 : i32
        %dma_start3A_230 = tpu.memref_slice %arg8[%add3A_139, %dma_start3A_229] : memref<157x128xi32, #tpu.memory_space<vmem>> -> memref<1x128xi32, #tpu.memory_space<vmem>>
        %dma_start3A_231 = tpu.memref_squeeze %dma_start3A_230 : memref<1x128xi32, #tpu.memory_space<vmem>> -> memref<128xi32, #tpu.memory_space<vmem>>
        %dma_start3A_232 = arith.constant 0 : i32
        %dma_start3A_233 = arith.constant 0 : i32
        %dma_start3A_234 = tpu.memref_slice %arg17[%dma_start3A_232, %dma_start3A_233] : memref<10240x48xf32, #tpu.memory_space<vmem_shared>> -> memref<10240x48xf32, #tpu.memory_space<vmem_shared>>
        tpu.enqueue_indirect_dma source(%arg11 : memref<128x48xf32, #tpu.memory_space<vmem>>) target(%dma_start3A_234 : memref<10240x48xf32, #tpu.memory_space<vmem_shared>>) offsets(%dma_start3A_231 : memref<128xi32, #tpu.memory_space<vmem>>) semaphore(%run_scoped3A_228 : memref<!tpu.dma_semaphore, #tpu.memory_space<semaphore_mem>>) {add = true}
        %dma_wait3A_235 = arith.constant 0 : i32
        %dma_wait3A_236 = tpu.memref_slice %arg8[%add3A_139, %dma_wait3A_235] : memref<157x128xi32, #tpu.memory_space<vmem>> -> memref<1x128xi32, #tpu.memory_space<vmem>>
        %dma_wait3A_237 = tpu.memref_squeeze %dma_wait3A_236 : memref<1x128xi32, #tpu.memory_space<vmem>> -> memref<128xi32, #tpu.memory_space<vmem>>
        %dma_wait3A_238 = arith.constant 0 : i32
        %dma_wait3A_239 = arith.constant 0 : i32
        %dma_wait3A_240 = tpu.memref_slice %arg17[%dma_wait3A_238, %dma_wait3A_239] : memref<10240x48xf32, #tpu.memory_space<vmem_shared>> -> memref<10240x48xf32, #tpu.memory_space<vmem_shared>>
        tpu.wait_indirect_dma semaphore(%run_scoped3A_228 : memref<!tpu.dma_semaphore, #tpu.memory_space<semaphore_mem>>) src(%arg11 : memref<128x48xf32, #tpu.memory_space<vmem>>) dst(%dma_wait3A_240 : memref<10240x48xf32, #tpu.memory_space<vmem_shared>>)
        tpu.yield
      }) : () -> ()
      %add3A_146 = arith.constant 8 : i32
      %add3A_147 = arith.addi %add3A_139, %add3A_146 : i32
      %lt3A_148 = arith.constant 157 : i32
      %lt3A_149 = arith.cmpi slt, %add3A_147, %lt3A_148 : i32
      %convert_element_type3A_150 = arith.extui %lt3A_149 : i1 to i32
      %cond3A_151 = arith.constant 0 : i32
      %cond3A_152 = arith.cmpi ne, %convert_element_type3A_150, %cond3A_151 : i32
      scf.if %cond3A_152 {
        %add3A_228 = arith.constant 8 : i32
        %add3A_229 = arith.addi %add3A_139, %add3A_228 : i32
        %dma_start3A_230 = arith.constant 0 : i32
        %dma_start3A_231 = tpu.memref_slice %arg7[%add3A_229, %dma_start3A_230] : memref<157x128xi32, #tpu.memory_space<vmem>> -> memref<1x128xi32, #tpu.memory_space<vmem>>
        %dma_start3A_232 = tpu.memref_squeeze %dma_start3A_231 : memref<1x128xi32, #tpu.memory_space<vmem>> -> memref<128xi32, #tpu.memory_space<vmem>>
        %dma_start3A_233 = arith.constant 0 : i32
        %dma_start3A_234 = arith.constant 0 : i32
        %dma_start3A_235 = tpu.memref_slice %arg2[%dma_start3A_233, %dma_start3A_234] : memref<10240x48xf32, #tpu.memory_space<hbm>> -> memref<10240x48xf32, #tpu.memory_space<hbm>>
        tpu.enqueue_indirect_dma source(%dma_start3A_235 : memref<10240x48xf32, #tpu.memory_space<hbm>>) target(%arg11 : memref<128x48xf32, #tpu.memory_space<vmem>>) offsets(%dma_start3A_232 : memref<128xi32, #tpu.memory_space<vmem>>) semaphore(%arg20 : memref<!tpu.dma_semaphore, #tpu.memory_space<semaphore_mem>>)
      } else {
      }
      %add3A_153 = arith.constant 3 : i32
      %add3A_154 = arith.addi %mul3A_110, %add3A_153 : i32
      %dma_wait3A_155 = arith.constant 0 : i32
      %dma_wait3A_156 = tpu.memref_slice %arg7[%add3A_154, %dma_wait3A_155] : memref<157x128xi32, #tpu.memory_space<vmem>> -> memref<1x128xi32, #tpu.memory_space<vmem>>
      %dma_wait3A_157 = tpu.memref_squeeze %dma_wait3A_156 : memref<1x128xi32, #tpu.memory_space<vmem>> -> memref<128xi32, #tpu.memory_space<vmem>>
      %dma_wait3A_158 = arith.constant 0 : i32
      %dma_wait3A_159 = arith.constant 0 : i32
      %dma_wait3A_160 = tpu.memref_slice %arg2[%dma_wait3A_158, %dma_wait3A_159] : memref<10240x48xf32, #tpu.memory_space<hbm>> -> memref<10240x48xf32, #tpu.memory_space<hbm>>
      tpu.wait_indirect_dma semaphore(%arg21 : memref<!tpu.dma_semaphore, #tpu.memory_space<semaphore_mem>>) src(%dma_wait3A_160 : memref<10240x48xf32, #tpu.memory_space<hbm>>) dst(%arg12 : memref<128x48xf32, #tpu.memory_space<vmem>>)
      "tpu.region"() ({
        %run_scoped3A_228 = tpu.sem_alloc : memref<!tpu.dma_semaphore, #tpu.memory_space<semaphore_mem>>
        %dma_start3A_229 = arith.constant 0 : i32
        %dma_start3A_230 = tpu.memref_slice %arg8[%add3A_154, %dma_start3A_229] : memref<157x128xi32, #tpu.memory_space<vmem>> -> memref<1x128xi32, #tpu.memory_space<vmem>>
        %dma_start3A_231 = tpu.memref_squeeze %dma_start3A_230 : memref<1x128xi32, #tpu.memory_space<vmem>> -> memref<128xi32, #tpu.memory_space<vmem>>
        %dma_start3A_232 = arith.constant 0 : i32
        %dma_start3A_233 = arith.constant 0 : i32
        %dma_start3A_234 = tpu.memref_slice %arg17[%dma_start3A_232, %dma_start3A_233] : memref<10240x48xf32, #tpu.memory_space<vmem_shared>> -> memref<10240x48xf32, #tpu.memory_space<vmem_shared>>
        tpu.enqueue_indirect_dma source(%arg12 : memref<128x48xf32, #tpu.memory_space<vmem>>) target(%dma_start3A_234 : memref<10240x48xf32, #tpu.memory_space<vmem_shared>>) offsets(%dma_start3A_231 : memref<128xi32, #tpu.memory_space<vmem>>) semaphore(%run_scoped3A_228 : memref<!tpu.dma_semaphore, #tpu.memory_space<semaphore_mem>>) {add = true}
        %dma_wait3A_235 = arith.constant 0 : i32
        %dma_wait3A_236 = tpu.memref_slice %arg8[%add3A_154, %dma_wait3A_235] : memref<157x128xi32, #tpu.memory_space<vmem>> -> memref<1x128xi32, #tpu.memory_space<vmem>>
        %dma_wait3A_237 = tpu.memref_squeeze %dma_wait3A_236 : memref<1x128xi32, #tpu.memory_space<vmem>> -> memref<128xi32, #tpu.memory_space<vmem>>
        %dma_wait3A_238 = arith.constant 0 : i32
        %dma_wait3A_239 = arith.constant 0 : i32
        %dma_wait3A_240 = tpu.memref_slice %arg17[%dma_wait3A_238, %dma_wait3A_239] : memref<10240x48xf32, #tpu.memory_space<vmem_shared>> -> memref<10240x48xf32, #tpu.memory_space<vmem_shared>>
        tpu.wait_indirect_dma semaphore(%run_scoped3A_228 : memref<!tpu.dma_semaphore, #tpu.memory_space<semaphore_mem>>) src(%arg12 : memref<128x48xf32, #tpu.memory_space<vmem>>) dst(%dma_wait3A_240 : memref<10240x48xf32, #tpu.memory_space<vmem_shared>>)
        tpu.yield
      }) : () -> ()
      %add3A_161 = arith.constant 8 : i32
      %add3A_162 = arith.addi %add3A_154, %add3A_161 : i32
      %lt3A_163 = arith.constant 157 : i32
      %lt3A_164 = arith.cmpi slt, %add3A_162, %lt3A_163 : i32
      %convert_element_type3A_165 = arith.extui %lt3A_164 : i1 to i32
      %cond3A_166 = arith.constant 0 : i32
      %cond3A_167 = arith.cmpi ne, %convert_element_type3A_165, %cond3A_166 : i32
      scf.if %cond3A_167 {
        %add3A_228 = arith.constant 8 : i32
        %add3A_229 = arith.addi %add3A_154, %add3A_228 : i32
        %dma_start3A_230 = arith.constant 0 : i32
        %dma_start3A_231 = tpu.memref_slice %arg7[%add3A_229, %dma_start3A_230] : memref<157x128xi32, #tpu.memory_space<vmem>> -> memref<1x128xi32, #tpu.memory_space<vmem>>
        %dma_start3A_232 = tpu.memref_squeeze %dma_start3A_231 : memref<1x128xi32, #tpu.memory_space<vmem>> -> memref<128xi32, #tpu.memory_space<vmem>>
        %dma_start3A_233 = arith.constant 0 : i32
        %dma_start3A_234 = arith.constant 0 : i32
        %dma_start3A_235 = tpu.memref_slice %arg2[%dma_start3A_233, %dma_start3A_234] : memref<10240x48xf32, #tpu.memory_space<hbm>> -> memref<10240x48xf32, #tpu.memory_space<hbm>>
        tpu.enqueue_indirect_dma source(%dma_start3A_235 : memref<10240x48xf32, #tpu.memory_space<hbm>>) target(%arg12 : memref<128x48xf32, #tpu.memory_space<vmem>>) offsets(%dma_start3A_232 : memref<128xi32, #tpu.memory_space<vmem>>) semaphore(%arg21 : memref<!tpu.dma_semaphore, #tpu.memory_space<semaphore_mem>>)
      } else {
      }
      %add3A_168 = arith.constant 4 : i32
      %add3A_169 = arith.addi %mul3A_110, %add3A_168 : i32
      %dma_wait3A_170 = arith.constant 0 : i32
      %dma_wait3A_171 = tpu.memref_slice %arg7[%add3A_169, %dma_wait3A_170] : memref<157x128xi32, #tpu.memory_space<vmem>> -> memref<1x128xi32, #tpu.memory_space<vmem>>
      %dma_wait3A_172 = tpu.memref_squeeze %dma_wait3A_171 : memref<1x128xi32, #tpu.memory_space<vmem>> -> memref<128xi32, #tpu.memory_space<vmem>>
      %dma_wait3A_173 = arith.constant 0 : i32
      %dma_wait3A_174 = arith.constant 0 : i32
      %dma_wait3A_175 = tpu.memref_slice %arg2[%dma_wait3A_173, %dma_wait3A_174] : memref<10240x48xf32, #tpu.memory_space<hbm>> -> memref<10240x48xf32, #tpu.memory_space<hbm>>
      tpu.wait_indirect_dma semaphore(%arg22 : memref<!tpu.dma_semaphore, #tpu.memory_space<semaphore_mem>>) src(%dma_wait3A_175 : memref<10240x48xf32, #tpu.memory_space<hbm>>) dst(%arg13 : memref<128x48xf32, #tpu.memory_space<vmem>>)
      "tpu.region"() ({
        %run_scoped3A_228 = tpu.sem_alloc : memref<!tpu.dma_semaphore, #tpu.memory_space<semaphore_mem>>
        %dma_start3A_229 = arith.constant 0 : i32
        %dma_start3A_230 = tpu.memref_slice %arg8[%add3A_169, %dma_start3A_229] : memref<157x128xi32, #tpu.memory_space<vmem>> -> memref<1x128xi32, #tpu.memory_space<vmem>>
        %dma_start3A_231 = tpu.memref_squeeze %dma_start3A_230 : memref<1x128xi32, #tpu.memory_space<vmem>> -> memref<128xi32, #tpu.memory_space<vmem>>
        %dma_start3A_232 = arith.constant 0 : i32
        %dma_start3A_233 = arith.constant 0 : i32
        %dma_start3A_234 = tpu.memref_slice %arg17[%dma_start3A_232, %dma_start3A_233] : memref<10240x48xf32, #tpu.memory_space<vmem_shared>> -> memref<10240x48xf32, #tpu.memory_space<vmem_shared>>
        tpu.enqueue_indirect_dma source(%arg13 : memref<128x48xf32, #tpu.memory_space<vmem>>) target(%dma_start3A_234 : memref<10240x48xf32, #tpu.memory_space<vmem_shared>>) offsets(%dma_start3A_231 : memref<128xi32, #tpu.memory_space<vmem>>) semaphore(%run_scoped3A_228 : memref<!tpu.dma_semaphore, #tpu.memory_space<semaphore_mem>>) {add = true}
        %dma_wait3A_235 = arith.constant 0 : i32
        %dma_wait3A_236 = tpu.memref_slice %arg8[%add3A_169, %dma_wait3A_235] : memref<157x128xi32, #tpu.memory_space<vmem>> -> memref<1x128xi32, #tpu.memory_space<vmem>>
        %dma_wait3A_237 = tpu.memref_squeeze %dma_wait3A_236 : memref<1x128xi32, #tpu.memory_space<vmem>> -> memref<128xi32, #tpu.memory_space<vmem>>
        %dma_wait3A_238 = arith.constant 0 : i32
        %dma_wait3A_239 = arith.constant 0 : i32
        %dma_wait3A_240 = tpu.memref_slice %arg17[%dma_wait3A_238, %dma_wait3A_239] : memref<10240x48xf32, #tpu.memory_space<vmem_shared>> -> memref<10240x48xf32, #tpu.memory_space<vmem_shared>>
        tpu.wait_indirect_dma semaphore(%run_scoped3A_228 : memref<!tpu.dma_semaphore, #tpu.memory_space<semaphore_mem>>) src(%arg13 : memref<128x48xf32, #tpu.memory_space<vmem>>) dst(%dma_wait3A_240 : memref<10240x48xf32, #tpu.memory_space<vmem_shared>>)
        tpu.yield
      }) : () -> ()
      %add3A_176 = arith.constant 8 : i32
      %add3A_177 = arith.addi %add3A_169, %add3A_176 : i32
      %lt3A_178 = arith.constant 157 : i32
      %lt3A_179 = arith.cmpi slt, %add3A_177, %lt3A_178 : i32
      %convert_element_type3A_180 = arith.extui %lt3A_179 : i1 to i32
      %cond3A_181 = arith.constant 0 : i32
      %cond3A_182 = arith.cmpi ne, %convert_element_type3A_180, %cond3A_181 : i32
      scf.if %cond3A_182 {
        %add3A_228 = arith.constant 8 : i32
        %add3A_229 = arith.addi %add3A_169, %add3A_228 : i32
        %dma_start3A_230 = arith.constant 0 : i32
        %dma_start3A_231 = tpu.memref_slice %arg7[%add3A_229, %dma_start3A_230] : memref<157x128xi32, #tpu.memory_space<vmem>> -> memref<1x128xi32, #tpu.memory_space<vmem>>
        %dma_start3A_232 = tpu.memref_squeeze %dma_start3A_231 : memref<1x128xi32, #tpu.memory_space<vmem>> -> memref<128xi32, #tpu.memory_space<vmem>>
        %dma_start3A_233 = arith.constant 0 : i32
        %dma_start3A_234 = arith.constant 0 : i32
        %dma_start3A_235 = tpu.memref_slice %arg2[%dma_start3A_233, %dma_start3A_234] : memref<10240x48xf32, #tpu.memory_space<hbm>> -> memref<10240x48xf32, #tpu.memory_space<hbm>>
        tpu.enqueue_indirect_dma source(%dma_start3A_235 : memref<10240x48xf32, #tpu.memory_space<hbm>>) target(%arg13 : memref<128x48xf32, #tpu.memory_space<vmem>>) offsets(%dma_start3A_232 : memref<128xi32, #tpu.memory_space<vmem>>) semaphore(%arg22 : memref<!tpu.dma_semaphore, #tpu.memory_space<semaphore_mem>>)
      } else {
      }
      %add3A_183 = arith.constant 5 : i32
      %add3A_184 = arith.addi %mul3A_110, %add3A_183 : i32
      %dma_wait3A_185 = arith.constant 0 : i32
      %dma_wait3A_186 = tpu.memref_slice %arg7[%add3A_184, %dma_wait3A_185] : memref<157x128xi32, #tpu.memory_space<vmem>> -> memref<1x128xi32, #tpu.memory_space<vmem>>
      %dma_wait3A_187 = tpu.memref_squeeze %dma_wait3A_186 : memref<1x128xi32, #tpu.memory_space<vmem>> -> memref<128xi32, #tpu.memory_space<vmem>>
      %dma_wait3A_188 = arith.constant 0 : i32
      %dma_wait3A_189 = arith.constant 0 : i32
      %dma_wait3A_190 = tpu.memref_slice %arg2[%dma_wait3A_188, %dma_wait3A_189] : memref<10240x48xf32, #tpu.memory_space<hbm>> -> memref<10240x48xf32, #tpu.memory_space<hbm>>
      tpu.wait_indirect_dma semaphore(%arg23 : memref<!tpu.dma_semaphore, #tpu.memory_space<semaphore_mem>>) src(%dma_wait3A_190 : memref<10240x48xf32, #tpu.memory_space<hbm>>) dst(%arg14 : memref<128x48xf32, #tpu.memory_space<vmem>>)
      "tpu.region"() ({
        %run_scoped3A_228 = tpu.sem_alloc : memref<!tpu.dma_semaphore, #tpu.memory_space<semaphore_mem>>
        %dma_start3A_229 = arith.constant 0 : i32
        %dma_start3A_230 = tpu.memref_slice %arg8[%add3A_184, %dma_start3A_229] : memref<157x128xi32, #tpu.memory_space<vmem>> -> memref<1x128xi32, #tpu.memory_space<vmem>>
        %dma_start3A_231 = tpu.memref_squeeze %dma_start3A_230 : memref<1x128xi32, #tpu.memory_space<vmem>> -> memref<128xi32, #tpu.memory_space<vmem>>
        %dma_start3A_232 = arith.constant 0 : i32
        %dma_start3A_233 = arith.constant 0 : i32
        %dma_start3A_234 = tpu.memref_slice %arg17[%dma_start3A_232, %dma_start3A_233] : memref<10240x48xf32, #tpu.memory_space<vmem_shared>> -> memref<10240x48xf32, #tpu.memory_space<vmem_shared>>
        tpu.enqueue_indirect_dma source(%arg14 : memref<128x48xf32, #tpu.memory_space<vmem>>) target(%dma_start3A_234 : memref<10240x48xf32, #tpu.memory_space<vmem_shared>>) offsets(%dma_start3A_231 : memref<128xi32, #tpu.memory_space<vmem>>) semaphore(%run_scoped3A_228 : memref<!tpu.dma_semaphore, #tpu.memory_space<semaphore_mem>>) {add = true}
        %dma_wait3A_235 = arith.constant 0 : i32
        %dma_wait3A_236 = tpu.memref_slice %arg8[%add3A_184, %dma_wait3A_235] : memref<157x128xi32, #tpu.memory_space<vmem>> -> memref<1x128xi32, #tpu.memory_space<vmem>>
        %dma_wait3A_237 = tpu.memref_squeeze %dma_wait3A_236 : memref<1x128xi32, #tpu.memory_space<vmem>> -> memref<128xi32, #tpu.memory_space<vmem>>
        %dma_wait3A_238 = arith.constant 0 : i32
        %dma_wait3A_239 = arith.constant 0 : i32
        %dma_wait3A_240 = tpu.memref_slice %arg17[%dma_wait3A_238, %dma_wait3A_239] : memref<10240x48xf32, #tpu.memory_space<vmem_shared>> -> memref<10240x48xf32, #tpu.memory_space<vmem_shared>>
        tpu.wait_indirect_dma semaphore(%run_scoped3A_228 : memref<!tpu.dma_semaphore, #tpu.memory_space<semaphore_mem>>) src(%arg14 : memref<128x48xf32, #tpu.memory_space<vmem>>) dst(%dma_wait3A_240 : memref<10240x48xf32, #tpu.memory_space<vmem_shared>>)
        tpu.yield
      }) : () -> ()
      %add3A_191 = arith.constant 8 : i32
      %add3A_192 = arith.addi %add3A_184, %add3A_191 : i32
      %lt3A_193 = arith.constant 157 : i32
      %lt3A_194 = arith.cmpi slt, %add3A_192, %lt3A_193 : i32
      %convert_element_type3A_195 = arith.extui %lt3A_194 : i1 to i32
      %cond3A_196 = arith.constant 0 : i32
      %cond3A_197 = arith.cmpi ne, %convert_element_type3A_195, %cond3A_196 : i32
      scf.if %cond3A_197 {
        %add3A_228 = arith.constant 8 : i32
        %add3A_229 = arith.addi %add3A_184, %add3A_228 : i32
        %dma_start3A_230 = arith.constant 0 : i32
        %dma_start3A_231 = tpu.memref_slice %arg7[%add3A_229, %dma_start3A_230] : memref<157x128xi32, #tpu.memory_space<vmem>> -> memref<1x128xi32, #tpu.memory_space<vmem>>
        %dma_start3A_232 = tpu.memref_squeeze %dma_start3A_231 : memref<1x128xi32, #tpu.memory_space<vmem>> -> memref<128xi32, #tpu.memory_space<vmem>>
        %dma_start3A_233 = arith.constant 0 : i32
        %dma_start3A_234 = arith.constant 0 : i32
        %dma_start3A_235 = tpu.memref_slice %arg2[%dma_start3A_233, %dma_start3A_234] : memref<10240x48xf32, #tpu.memory_space<hbm>> -> memref<10240x48xf32, #tpu.memory_space<hbm>>
        tpu.enqueue_indirect_dma source(%dma_start3A_235 : memref<10240x48xf32, #tpu.memory_space<hbm>>) target(%arg14 : memref<128x48xf32, #tpu.memory_space<vmem>>) offsets(%dma_start3A_232 : memref<128xi32, #tpu.memory_space<vmem>>) semaphore(%arg23 : memref<!tpu.dma_semaphore, #tpu.memory_space<semaphore_mem>>)
      } else {
      }
      %add3A_198 = arith.constant 6 : i32
      %add3A_199 = arith.addi %mul3A_110, %add3A_198 : i32
      %dma_wait3A_200 = arith.constant 0 : i32
      %dma_wait3A_201 = tpu.memref_slice %arg7[%add3A_199, %dma_wait3A_200] : memref<157x128xi32, #tpu.memory_space<vmem>> -> memref<1x128xi32, #tpu.memory_space<vmem>>
      %dma_wait3A_202 = tpu.memref_squeeze %dma_wait3A_201 : memref<1x128xi32, #tpu.memory_space<vmem>> -> memref<128xi32, #tpu.memory_space<vmem>>
      %dma_wait3A_203 = arith.constant 0 : i32
      %dma_wait3A_204 = arith.constant 0 : i32
      %dma_wait3A_205 = tpu.memref_slice %arg2[%dma_wait3A_203, %dma_wait3A_204] : memref<10240x48xf32, #tpu.memory_space<hbm>> -> memref<10240x48xf32, #tpu.memory_space<hbm>>
      tpu.wait_indirect_dma semaphore(%arg24 : memref<!tpu.dma_semaphore, #tpu.memory_space<semaphore_mem>>) src(%dma_wait3A_205 : memref<10240x48xf32, #tpu.memory_space<hbm>>) dst(%arg15 : memref<128x48xf32, #tpu.memory_space<vmem>>)
      "tpu.region"() ({
        %run_scoped3A_228 = tpu.sem_alloc : memref<!tpu.dma_semaphore, #tpu.memory_space<semaphore_mem>>
        %dma_start3A_229 = arith.constant 0 : i32
        %dma_start3A_230 = tpu.memref_slice %arg8[%add3A_199, %dma_start3A_229] : memref<157x128xi32, #tpu.memory_space<vmem>> -> memref<1x128xi32, #tpu.memory_space<vmem>>
        %dma_start3A_231 = tpu.memref_squeeze %dma_start3A_230 : memref<1x128xi32, #tpu.memory_space<vmem>> -> memref<128xi32, #tpu.memory_space<vmem>>
        %dma_start3A_232 = arith.constant 0 : i32
        %dma_start3A_233 = arith.constant 0 : i32
        %dma_start3A_234 = tpu.memref_slice %arg17[%dma_start3A_232, %dma_start3A_233] : memref<10240x48xf32, #tpu.memory_space<vmem_shared>> -> memref<10240x48xf32, #tpu.memory_space<vmem_shared>>
        tpu.enqueue_indirect_dma source(%arg15 : memref<128x48xf32, #tpu.memory_space<vmem>>) target(%dma_start3A_234 : memref<10240x48xf32, #tpu.memory_space<vmem_shared>>) offsets(%dma_start3A_231 : memref<128xi32, #tpu.memory_space<vmem>>) semaphore(%run_scoped3A_228 : memref<!tpu.dma_semaphore, #tpu.memory_space<semaphore_mem>>) {add = true}
        %dma_wait3A_235 = arith.constant 0 : i32
        %dma_wait3A_236 = tpu.memref_slice %arg8[%add3A_199, %dma_wait3A_235] : memref<157x128xi32, #tpu.memory_space<vmem>> -> memref<1x128xi32, #tpu.memory_space<vmem>>
        %dma_wait3A_237 = tpu.memref_squeeze %dma_wait3A_236 : memref<1x128xi32, #tpu.memory_space<vmem>> -> memref<128xi32, #tpu.memory_space<vmem>>
        %dma_wait3A_238 = arith.constant 0 : i32
        %dma_wait3A_239 = arith.constant 0 : i32
        %dma_wait3A_240 = tpu.memref_slice %arg17[%dma_wait3A_238, %dma_wait3A_239] : memref<10240x48xf32, #tpu.memory_space<vmem_shared>> -> memref<10240x48xf32, #tpu.memory_space<vmem_shared>>
        tpu.wait_indirect_dma semaphore(%run_scoped3A_228 : memref<!tpu.dma_semaphore, #tpu.memory_space<semaphore_mem>>) src(%arg15 : memref<128x48xf32, #tpu.memory_space<vmem>>) dst(%dma_wait3A_240 : memref<10240x48xf32, #tpu.memory_space<vmem_shared>>)
        tpu.yield
      }) : () -> ()
      %add3A_206 = arith.constant 8 : i32
      %add3A_207 = arith.addi %add3A_199, %add3A_206 : i32
      %lt3A_208 = arith.constant 157 : i32
      %lt3A_209 = arith.cmpi slt, %add3A_207, %lt3A_208 : i32
      %convert_element_type3A_210 = arith.extui %lt3A_209 : i1 to i32
      %cond3A_211 = arith.constant 0 : i32
      %cond3A_212 = arith.cmpi ne, %convert_element_type3A_210, %cond3A_211 : i32
      scf.if %cond3A_212 {
        %add3A_228 = arith.constant 8 : i32
        %add3A_229 = arith.addi %add3A_199, %add3A_228 : i32
        %dma_start3A_230 = arith.constant 0 : i32
        %dma_start3A_231 = tpu.memref_slice %arg7[%add3A_229, %dma_start3A_230] : memref<157x128xi32, #tpu.memory_space<vmem>> -> memref<1x128xi32, #tpu.memory_space<vmem>>
        %dma_start3A_232 = tpu.memref_squeeze %dma_start3A_231 : memref<1x128xi32, #tpu.memory_space<vmem>> -> memref<128xi32, #tpu.memory_space<vmem>>
        %dma_start3A_233 = arith.constant 0 : i32
        %dma_start3A_234 = arith.constant 0 : i32
        %dma_start3A_235 = tpu.memref_slice %arg2[%dma_start3A_233, %dma_start3A_234] : memref<10240x48xf32, #tpu.memory_space<hbm>> -> memref<10240x48xf32, #tpu.memory_space<hbm>>
        tpu.enqueue_indirect_dma source(%dma_start3A_235 : memref<10240x48xf32, #tpu.memory_space<hbm>>) target(%arg15 : memref<128x48xf32, #tpu.memory_space<vmem>>) offsets(%dma_start3A_232 : memref<128xi32, #tpu.memory_space<vmem>>) semaphore(%arg24 : memref<!tpu.dma_semaphore, #tpu.memory_space<semaphore_mem>>)
      } else {
      }
      %add3A_213 = arith.constant 7 : i32
      %add3A_214 = arith.addi %mul3A_110, %add3A_213 : i32
      %dma_wait3A_215 = arith.constant 0 : i32
      %dma_wait3A_216 = tpu.memref_slice %arg7[%add3A_214, %dma_wait3A_215] : memref<157x128xi32, #tpu.memory_space<vmem>> -> memref<1x128xi32, #tpu.memory_space<vmem>>
      %dma_wait3A_217 = tpu.memref_squeeze %dma_wait3A_216 : memref<1x128xi32, #tpu.memory_space<vmem>> -> memref<128xi32, #tpu.memory_space<vmem>>
      %dma_wait3A_218 = arith.constant 0 : i32
      %dma_wait3A_219 = arith.constant 0 : i32
      %dma_wait3A_220 = tpu.memref_slice %arg2[%dma_wait3A_218, %dma_wait3A_219] : memref<10240x48xf32, #tpu.memory_space<hbm>> -> memref<10240x48xf32, #tpu.memory_space<hbm>>
      tpu.wait_indirect_dma semaphore(%arg25 : memref<!tpu.dma_semaphore, #tpu.memory_space<semaphore_mem>>) src(%dma_wait3A_220 : memref<10240x48xf32, #tpu.memory_space<hbm>>) dst(%arg16 : memref<128x48xf32, #tpu.memory_space<vmem>>)
      "tpu.region"() ({
        %run_scoped3A_228 = tpu.sem_alloc : memref<!tpu.dma_semaphore, #tpu.memory_space<semaphore_mem>>
        %dma_start3A_229 = arith.constant 0 : i32
        %dma_start3A_230 = tpu.memref_slice %arg8[%add3A_214, %dma_start3A_229] : memref<157x128xi32, #tpu.memory_space<vmem>> -> memref<1x128xi32, #tpu.memory_space<vmem>>
        %dma_start3A_231 = tpu.memref_squeeze %dma_start3A_230 : memref<1x128xi32, #tpu.memory_space<vmem>> -> memref<128xi32, #tpu.memory_space<vmem>>
        %dma_start3A_232 = arith.constant 0 : i32
        %dma_start3A_233 = arith.constant 0 : i32
        %dma_start3A_234 = tpu.memref_slice %arg17[%dma_start3A_232, %dma_start3A_233] : memref<10240x48xf32, #tpu.memory_space<vmem_shared>> -> memref<10240x48xf32, #tpu.memory_space<vmem_shared>>
        tpu.enqueue_indirect_dma source(%arg16 : memref<128x48xf32, #tpu.memory_space<vmem>>) target(%dma_start3A_234 : memref<10240x48xf32, #tpu.memory_space<vmem_shared>>) offsets(%dma_start3A_231 : memref<128xi32, #tpu.memory_space<vmem>>) semaphore(%run_scoped3A_228 : memref<!tpu.dma_semaphore, #tpu.memory_space<semaphore_mem>>) {add = true}
        %dma_wait3A_235 = arith.constant 0 : i32
        %dma_wait3A_236 = tpu.memref_slice %arg8[%add3A_214, %dma_wait3A_235] : memref<157x128xi32, #tpu.memory_space<vmem>> -> memref<1x128xi32, #tpu.memory_space<vmem>>
        %dma_wait3A_237 = tpu.memref_squeeze %dma_wait3A_236 : memref<1x128xi32, #tpu.memory_space<vmem>> -> memref<128xi32, #tpu.memory_space<vmem>>
        %dma_wait3A_238 = arith.constant 0 : i32
        %dma_wait3A_239 = arith.constant 0 : i32
        %dma_wait3A_240 = tpu.memref_slice %arg17[%dma_wait3A_238, %dma_wait3A_239] : memref<10240x48xf32, #tpu.memory_space<vmem_shared>> -> memref<10240x48xf32, #tpu.memory_space<vmem_shared>>
        tpu.wait_indirect_dma semaphore(%run_scoped3A_228 : memref<!tpu.dma_semaphore, #tpu.memory_space<semaphore_mem>>) src(%arg16 : memref<128x48xf32, #tpu.memory_space<vmem>>) dst(%dma_wait3A_240 : memref<10240x48xf32, #tpu.memory_space<vmem_shared>>)
        tpu.yield
      }) : () -> ()
      %add3A_221 = arith.constant 8 : i32
      %add3A_222 = arith.addi %add3A_214, %add3A_221 : i32
      %lt3A_223 = arith.constant 157 : i32
      %lt3A_224 = arith.cmpi slt, %add3A_222, %lt3A_223 : i32
      %convert_element_type3A_225 = arith.extui %lt3A_224 : i1 to i32
      %cond3A_226 = arith.constant 0 : i32
      %cond3A_227 = arith.cmpi ne, %convert_element_type3A_225, %cond3A_226 : i32
      scf.if %cond3A_227 {
        %add3A_228 = arith.constant 8 : i32
        %add3A_229 = arith.addi %add3A_214, %add3A_228 : i32
        %dma_start3A_230 = arith.constant 0 : i32
        %dma_start3A_231 = tpu.memref_slice %arg7[%add3A_229, %dma_start3A_230] : memref<157x128xi32, #tpu.memory_space<vmem>> -> memref<1x128xi32, #tpu.memory_space<vmem>>
        %dma_start3A_232 = tpu.memref_squeeze %dma_start3A_231 : memref<1x128xi32, #tpu.memory_space<vmem>> -> memref<128xi32, #tpu.memory_space<vmem>>
        %dma_start3A_233 = arith.constant 0 : i32
        %dma_start3A_234 = arith.constant 0 : i32
        %dma_start3A_235 = tpu.memref_slice %arg2[%dma_start3A_233, %dma_start3A_234] : memref<10240x48xf32, #tpu.memory_space<hbm>> -> memref<10240x48xf32, #tpu.memory_space<hbm>>
        tpu.enqueue_indirect_dma source(%dma_start3A_235 : memref<10240x48xf32, #tpu.memory_space<hbm>>) target(%arg16 : memref<128x48xf32, #tpu.memory_space<vmem>>) offsets(%dma_start3A_232 : memref<128xi32, #tpu.memory_space<vmem>>) semaphore(%arg25 : memref<!tpu.dma_semaphore, #tpu.memory_space<semaphore_mem>>)
      } else {
      }
    }
    %scan3A_64 = arith.constant 19 : i32
    %dma_wait3A = arith.constant 152 : i32
    %dma_wait3A_65 = arith.constant 0 : i32
    %dma_wait3A_66 = tpu.memref_slice %arg7[%dma_wait3A, %dma_wait3A_65] : memref<157x128xi32, #tpu.memory_space<vmem>> -> memref<1x128xi32, #tpu.memory_space<vmem>>
    %dma_wait3A_67 = tpu.memref_squeeze %dma_wait3A_66 : memref<1x128xi32, #tpu.memory_space<vmem>> -> memref<128xi32, #tpu.memory_space<vmem>>
    %dma_wait3A_68 = arith.constant 0 : i32
    %dma_wait3A_69 = arith.constant 0 : i32
    %dma_wait3A_70 = tpu.memref_slice %arg2[%dma_wait3A_68, %dma_wait3A_69] : memref<10240x48xf32, #tpu.memory_space<hbm>> -> memref<10240x48xf32, #tpu.memory_space<hbm>>
    tpu.wait_indirect_dma semaphore(%arg18 : memref<!tpu.dma_semaphore, #tpu.memory_space<semaphore_mem>>) src(%dma_wait3A_70 : memref<10240x48xf32, #tpu.memory_space<hbm>>) dst(%arg9 : memref<128x48xf32, #tpu.memory_space<vmem>>)
    %run_scoped3A = arith.constant 152 : i32
    "tpu.region"() ({
      %run_scoped3A_108 = tpu.sem_alloc : memref<!tpu.dma_semaphore, #tpu.memory_space<semaphore_mem>>
      %dma_start3A_109 = arith.constant 0 : i32
      %dma_start3A_110 = tpu.memref_slice %arg8[%run_scoped3A, %dma_start3A_109] : memref<157x128xi32, #tpu.memory_space<vmem>> -> memref<1x128xi32, #tpu.memory_space<vmem>>
      %dma_start3A_111 = tpu.memref_squeeze %dma_start3A_110 : memref<1x128xi32, #tpu.memory_space<vmem>> -> memref<128xi32, #tpu.memory_space<vmem>>
      %dma_start3A_112 = arith.constant 0 : i32
      %dma_start3A_113 = arith.constant 0 : i32
      %dma_start3A_114 = tpu.memref_slice %arg17[%dma_start3A_112, %dma_start3A_113] : memref<10240x48xf32, #tpu.memory_space<vmem_shared>> -> memref<10240x48xf32, #tpu.memory_space<vmem_shared>>
      tpu.enqueue_indirect_dma source(%arg9 : memref<128x48xf32, #tpu.memory_space<vmem>>) target(%dma_start3A_114 : memref<10240x48xf32, #tpu.memory_space<vmem_shared>>) offsets(%dma_start3A_111 : memref<128xi32, #tpu.memory_space<vmem>>) semaphore(%run_scoped3A_108 : memref<!tpu.dma_semaphore, #tpu.memory_space<semaphore_mem>>) {add = true}
      %dma_wait3A_115 = arith.constant 0 : i32
      %dma_wait3A_116 = tpu.memref_slice %arg8[%run_scoped3A, %dma_wait3A_115] : memref<157x128xi32, #tpu.memory_space<vmem>> -> memref<1x128xi32, #tpu.memory_space<vmem>>
      %dma_wait3A_117 = tpu.memref_squeeze %dma_wait3A_116 : memref<1x128xi32, #tpu.memory_space<vmem>> -> memref<128xi32, #tpu.memory_space<vmem>>
      %dma_wait3A_118 = arith.constant 0 : i32
      %dma_wait3A_119 = arith.constant 0 : i32
      %dma_wait3A_120 = tpu.memref_slice %arg17[%dma_wait3A_118, %dma_wait3A_119] : memref<10240x48xf32, #tpu.memory_space<vmem_shared>> -> memref<10240x48xf32, #tpu.memory_space<vmem_shared>>
      tpu.wait_indirect_dma semaphore(%run_scoped3A_108 : memref<!tpu.dma_semaphore, #tpu.memory_space<semaphore_mem>>) src(%arg9 : memref<128x48xf32, #tpu.memory_space<vmem>>) dst(%dma_wait3A_120 : memref<10240x48xf32, #tpu.memory_space<vmem_shared>>)
      tpu.yield
    }) : () -> ()
    %dma_wait3A_71 = arith.constant 153 : i32
    %dma_wait3A_72 = arith.constant 0 : i32
    %dma_wait3A_73 = tpu.memref_slice %arg7[%dma_wait3A_71, %dma_wait3A_72] : memref<157x128xi32, #tpu.memory_space<vmem>> -> memref<1x128xi32, #tpu.memory_space<vmem>>
    %dma_wait3A_74 = tpu.memref_squeeze %dma_wait3A_73 : memref<1x128xi32, #tpu.memory_space<vmem>> -> memref<128xi32, #tpu.memory_space<vmem>>
    %dma_wait3A_75 = arith.constant 0 : i32
    %dma_wait3A_76 = arith.constant 0 : i32
    %dma_wait3A_77 = tpu.memref_slice %arg2[%dma_wait3A_75, %dma_wait3A_76] : memref<10240x48xf32, #tpu.memory_space<hbm>> -> memref<10240x48xf32, #tpu.memory_space<hbm>>
    tpu.wait_indirect_dma semaphore(%arg19 : memref<!tpu.dma_semaphore, #tpu.memory_space<semaphore_mem>>) src(%dma_wait3A_77 : memref<10240x48xf32, #tpu.memory_space<hbm>>) dst(%arg10 : memref<128x48xf32, #tpu.memory_space<vmem>>)
    %run_scoped3A_78 = arith.constant 153 : i32
    "tpu.region"() ({
      %run_scoped3A_108 = tpu.sem_alloc : memref<!tpu.dma_semaphore, #tpu.memory_space<semaphore_mem>>
      %dma_start3A_109 = arith.constant 0 : i32
      %dma_start3A_110 = tpu.memref_slice %arg8[%run_scoped3A_78, %dma_start3A_109] : memref<157x128xi32, #tpu.memory_space<vmem>> -> memref<1x128xi32, #tpu.memory_space<vmem>>
      %dma_start3A_111 = tpu.memref_squeeze %dma_start3A_110 : memref<1x128xi32, #tpu.memory_space<vmem>> -> memref<128xi32, #tpu.memory_space<vmem>>
      %dma_start3A_112 = arith.constant 0 : i32
      %dma_start3A_113 = arith.constant 0 : i32
      %dma_start3A_114 = tpu.memref_slice %arg17[%dma_start3A_112, %dma_start3A_113] : memref<10240x48xf32, #tpu.memory_space<vmem_shared>> -> memref<10240x48xf32, #tpu.memory_space<vmem_shared>>
      tpu.enqueue_indirect_dma source(%arg10 : memref<128x48xf32, #tpu.memory_space<vmem>>) target(%dma_start3A_114 : memref<10240x48xf32, #tpu.memory_space<vmem_shared>>) offsets(%dma_start3A_111 : memref<128xi32, #tpu.memory_space<vmem>>) semaphore(%run_scoped3A_108 : memref<!tpu.dma_semaphore, #tpu.memory_space<semaphore_mem>>) {add = true}
      %dma_wait3A_115 = arith.constant 0 : i32
      %dma_wait3A_116 = tpu.memref_slice %arg8[%run_scoped3A_78, %dma_wait3A_115] : memref<157x128xi32, #tpu.memory_space<vmem>> -> memref<1x128xi32, #tpu.memory_space<vmem>>
      %dma_wait3A_117 = tpu.memref_squeeze %dma_wait3A_116 : memref<1x128xi32, #tpu.memory_space<vmem>> -> memref<128xi32, #tpu.memory_space<vmem>>
      %dma_wait3A_118 = arith.constant 0 : i32
      %dma_wait3A_119 = arith.constant 0 : i32
      %dma_wait3A_120 = tpu.memref_slice %arg17[%dma_wait3A_118, %dma_wait3A_119] : memref<10240x48xf32, #tpu.memory_space<vmem_shared>> -> memref<10240x48xf32, #tpu.memory_space<vmem_shared>>
      tpu.wait_indirect_dma semaphore(%run_scoped3A_108 : memref<!tpu.dma_semaphore, #tpu.memory_space<semaphore_mem>>) src(%arg10 : memref<128x48xf32, #tpu.memory_space<vmem>>) dst(%dma_wait3A_120 : memref<10240x48xf32, #tpu.memory_space<vmem_shared>>)
      tpu.yield
    }) : () -> ()
    %dma_wait3A_79 = arith.constant 154 : i32
    %dma_wait3A_80 = arith.constant 0 : i32
    %dma_wait3A_81 = tpu.memref_slice %arg7[%dma_wait3A_79, %dma_wait3A_80] : memref<157x128xi32, #tpu.memory_space<vmem>> -> memref<1x128xi32, #tpu.memory_space<vmem>>
    %dma_wait3A_82 = tpu.memref_squeeze %dma_wait3A_81 : memref<1x128xi32, #tpu.memory_space<vmem>> -> memref<128xi32, #tpu.memory_space<vmem>>
    %dma_wait3A_83 = arith.constant 0 : i32
    %dma_wait3A_84 = arith.constant 0 : i32
    %dma_wait3A_85 = tpu.memref_slice %arg2[%dma_wait3A_83, %dma_wait3A_84] : memref<10240x48xf32, #tpu.memory_space<hbm>> -> memref<10240x48xf32, #tpu.memory_space<hbm>>
    tpu.wait_indirect_dma semaphore(%arg20 : memref<!tpu.dma_semaphore, #tpu.memory_space<semaphore_mem>>) src(%dma_wait3A_85 : memref<10240x48xf32, #tpu.memory_space<hbm>>) dst(%arg11 : memref<128x48xf32, #tpu.memory_space<vmem>>)
    %run_scoped3A_86 = arith.constant 154 : i32
    "tpu.region"() ({
      %run_scoped3A_108 = tpu.sem_alloc : memref<!tpu.dma_semaphore, #tpu.memory_space<semaphore_mem>>
      %dma_start3A_109 = arith.constant 0 : i32
      %dma_start3A_110 = tpu.memref_slice %arg8[%run_scoped3A_86, %dma_start3A_109] : memref<157x128xi32, #tpu.memory_space<vmem>> -> memref<1x128xi32, #tpu.memory_space<vmem>>
      %dma_start3A_111 = tpu.memref_squeeze %dma_start3A_110 : memref<1x128xi32, #tpu.memory_space<vmem>> -> memref<128xi32, #tpu.memory_space<vmem>>
      %dma_start3A_112 = arith.constant 0 : i32
      %dma_start3A_113 = arith.constant 0 : i32
      %dma_start3A_114 = tpu.memref_slice %arg17[%dma_start3A_112, %dma_start3A_113] : memref<10240x48xf32, #tpu.memory_space<vmem_shared>> -> memref<10240x48xf32, #tpu.memory_space<vmem_shared>>
      tpu.enqueue_indirect_dma source(%arg11 : memref<128x48xf32, #tpu.memory_space<vmem>>) target(%dma_start3A_114 : memref<10240x48xf32, #tpu.memory_space<vmem_shared>>) offsets(%dma_start3A_111 : memref<128xi32, #tpu.memory_space<vmem>>) semaphore(%run_scoped3A_108 : memref<!tpu.dma_semaphore, #tpu.memory_space<semaphore_mem>>) {add = true}
      %dma_wait3A_115 = arith.constant 0 : i32
      %dma_wait3A_116 = tpu.memref_slice %arg8[%run_scoped3A_86, %dma_wait3A_115] : memref<157x128xi32, #tpu.memory_space<vmem>> -> memref<1x128xi32, #tpu.memory_space<vmem>>
      %dma_wait3A_117 = tpu.memref_squeeze %dma_wait3A_116 : memref<1x128xi32, #tpu.memory_space<vmem>> -> memref<128xi32, #tpu.memory_space<vmem>>
      %dma_wait3A_118 = arith.constant 0 : i32
      %dma_wait3A_119 = arith.constant 0 : i32
      %dma_wait3A_120 = tpu.memref_slice %arg17[%dma_wait3A_118, %dma_wait3A_119] : memref<10240x48xf32, #tpu.memory_space<vmem_shared>> -> memref<10240x48xf32, #tpu.memory_space<vmem_shared>>
      tpu.wait_indirect_dma semaphore(%run_scoped3A_108 : memref<!tpu.dma_semaphore, #tpu.memory_space<semaphore_mem>>) src(%arg11 : memref<128x48xf32, #tpu.memory_space<vmem>>) dst(%dma_wait3A_120 : memref<10240x48xf32, #tpu.memory_space<vmem_shared>>)
      tpu.yield
    }) : () -> ()
    %dma_wait3A_87 = arith.constant 155 : i32
    %dma_wait3A_88 = arith.constant 0 : i32
    %dma_wait3A_89 = tpu.memref_slice %arg7[%dma_wait3A_87, %dma_wait3A_88] : memref<157x128xi32, #tpu.memory_space<vmem>> -> memref<1x128xi32, #tpu.memory_space<vmem>>
    %dma_wait3A_90 = tpu.memref_squeeze %dma_wait3A_89 : memref<1x128xi32, #tpu.memory_space<vmem>> -> memref<128xi32, #tpu.memory_space<vmem>>
    %dma_wait3A_91 = arith.constant 0 : i32
    %dma_wait3A_92 = arith.constant 0 : i32
    %dma_wait3A_93 = tpu.memref_slice %arg2[%dma_wait3A_91, %dma_wait3A_92] : memref<10240x48xf32, #tpu.memory_space<hbm>> -> memref<10240x48xf32, #tpu.memory_space<hbm>>
    tpu.wait_indirect_dma semaphore(%arg21 : memref<!tpu.dma_semaphore, #tpu.memory_space<semaphore_mem>>) src(%dma_wait3A_93 : memref<10240x48xf32, #tpu.memory_space<hbm>>) dst(%arg12 : memref<128x48xf32, #tpu.memory_space<vmem>>)
    %run_scoped3A_94 = arith.constant 155 : i32
    "tpu.region"() ({
      %run_scoped3A_108 = tpu.sem_alloc : memref<!tpu.dma_semaphore, #tpu.memory_space<semaphore_mem>>
      %dma_start3A_109 = arith.constant 0 : i32
      %dma_start3A_110 = tpu.memref_slice %arg8[%run_scoped3A_94, %dma_start3A_109] : memref<157x128xi32, #tpu.memory_space<vmem>> -> memref<1x128xi32, #tpu.memory_space<vmem>>
      %dma_start3A_111 = tpu.memref_squeeze %dma_start3A_110 : memref<1x128xi32, #tpu.memory_space<vmem>> -> memref<128xi32, #tpu.memory_space<vmem>>
      %dma_start3A_112 = arith.constant 0 : i32
      %dma_start3A_113 = arith.constant 0 : i32
      %dma_start3A_114 = tpu.memref_slice %arg17[%dma_start3A_112, %dma_start3A_113] : memref<10240x48xf32, #tpu.memory_space<vmem_shared>> -> memref<10240x48xf32, #tpu.memory_space<vmem_shared>>
      tpu.enqueue_indirect_dma source(%arg12 : memref<128x48xf32, #tpu.memory_space<vmem>>) target(%dma_start3A_114 : memref<10240x48xf32, #tpu.memory_space<vmem_shared>>) offsets(%dma_start3A_111 : memref<128xi32, #tpu.memory_space<vmem>>) semaphore(%run_scoped3A_108 : memref<!tpu.dma_semaphore, #tpu.memory_space<semaphore_mem>>) {add = true}
      %dma_wait3A_115 = arith.constant 0 : i32
      %dma_wait3A_116 = tpu.memref_slice %arg8[%run_scoped3A_94, %dma_wait3A_115] : memref<157x128xi32, #tpu.memory_space<vmem>> -> memref<1x128xi32, #tpu.memory_space<vmem>>
      %dma_wait3A_117 = tpu.memref_squeeze %dma_wait3A_116 : memref<1x128xi32, #tpu.memory_space<vmem>> -> memref<128xi32, #tpu.memory_space<vmem>>
      %dma_wait3A_118 = arith.constant 0 : i32
      %dma_wait3A_119 = arith.constant 0 : i32
      %dma_wait3A_120 = tpu.memref_slice %arg17[%dma_wait3A_118, %dma_wait3A_119] : memref<10240x48xf32, #tpu.memory_space<vmem_shared>> -> memref<10240x48xf32, #tpu.memory_space<vmem_shared>>
      tpu.wait_indirect_dma semaphore(%run_scoped3A_108 : memref<!tpu.dma_semaphore, #tpu.memory_space<semaphore_mem>>) src(%arg12 : memref<128x48xf32, #tpu.memory_space<vmem>>) dst(%dma_wait3A_120 : memref<10240x48xf32, #tpu.memory_space<vmem_shared>>)
      tpu.yield
    }) : () -> ()
    %dma_wait3A_95 = arith.constant 156 : i32
    %dma_wait3A_96 = arith.constant 0 : i32
    %dma_wait3A_97 = tpu.memref_slice %arg7[%dma_wait3A_95, %dma_wait3A_96] : memref<157x128xi32, #tpu.memory_space<vmem>> -> memref<1x128xi32, #tpu.memory_space<vmem>>
    %dma_wait3A_98 = tpu.memref_squeeze %dma_wait3A_97 : memref<1x128xi32, #tpu.memory_space<vmem>> -> memref<128xi32, #tpu.memory_space<vmem>>
    %dma_wait3A_99 = arith.constant 0 : i32
    %dma_wait3A_100 = arith.constant 0 : i32
    %dma_wait3A_101 = tpu.memref_slice %arg2[%dma_wait3A_99, %dma_wait3A_100] : memref<10240x48xf32, #tpu.memory_space<hbm>> -> memref<10240x48xf32, #tpu.memory_space<hbm>>
    tpu.wait_indirect_dma semaphore(%arg22 : memref<!tpu.dma_semaphore, #tpu.memory_space<semaphore_mem>>) src(%dma_wait3A_101 : memref<10240x48xf32, #tpu.memory_space<hbm>>) dst(%arg13 : memref<128x48xf32, #tpu.memory_space<vmem>>)
    %run_scoped3A_102 = arith.constant 156 : i32
    "tpu.region"() ({
      %run_scoped3A_108 = tpu.sem_alloc : memref<!tpu.dma_semaphore, #tpu.memory_space<semaphore_mem>>
      %dma_start3A_109 = arith.constant 0 : i32
      %dma_start3A_110 = tpu.memref_slice %arg8[%run_scoped3A_102, %dma_start3A_109] : memref<157x128xi32, #tpu.memory_space<vmem>> -> memref<1x128xi32, #tpu.memory_space<vmem>>
      %dma_start3A_111 = tpu.memref_squeeze %dma_start3A_110 : memref<1x128xi32, #tpu.memory_space<vmem>> -> memref<128xi32, #tpu.memory_space<vmem>>
      %dma_start3A_112 = arith.constant 0 : i32
      %dma_start3A_113 = arith.constant 0 : i32
      %dma_start3A_114 = tpu.memref_slice %arg17[%dma_start3A_112, %dma_start3A_113] : memref<10240x48xf32, #tpu.memory_space<vmem_shared>> -> memref<10240x48xf32, #tpu.memory_space<vmem_shared>>
      tpu.enqueue_indirect_dma source(%arg13 : memref<128x48xf32, #tpu.memory_space<vmem>>) target(%dma_start3A_114 : memref<10240x48xf32, #tpu.memory_space<vmem_shared>>) offsets(%dma_start3A_111 : memref<128xi32, #tpu.memory_space<vmem>>) semaphore(%run_scoped3A_108 : memref<!tpu.dma_semaphore, #tpu.memory_space<semaphore_mem>>) {add = true}
      %dma_wait3A_115 = arith.constant 0 : i32
      %dma_wait3A_116 = tpu.memref_slice %arg8[%run_scoped3A_102, %dma_wait3A_115] : memref<157x128xi32, #tpu.memory_space<vmem>> -> memref<1x128xi32, #tpu.memory_space<vmem>>
      %dma_wait3A_117 = tpu.memref_squeeze %dma_wait3A_116 : memref<1x128xi32, #tpu.memory_space<vmem>> -> memref<128xi32, #tpu.memory_space<vmem>>
      %dma_wait3A_118 = arith.constant 0 : i32
      %dma_wait3A_119 = arith.constant 0 : i32
      %dma_wait3A_120 = tpu.memref_slice %arg17[%dma_wait3A_118, %dma_wait3A_119] : memref<10240x48xf32, #tpu.memory_space<vmem_shared>> -> memref<10240x48xf32, #tpu.memory_space<vmem_shared>>
      tpu.wait_indirect_dma semaphore(%run_scoped3A_108 : memref<!tpu.dma_semaphore, #tpu.memory_space<semaphore_mem>>) src(%arg13 : memref<128x48xf32, #tpu.memory_space<vmem>>) dst(%dma_wait3A_120 : memref<10240x48xf32, #tpu.memory_space<vmem_shared>>)
      tpu.yield
    }) : () -> ()
    %barrier3A_103 = arith.constant 0 : index
    tpu.barrier barrier_id(%barrier3A_103)
    %mul3A_104 = arith.constant 640 : i32
    %mul3A_105 = arith.muli %arg1, %mul3A_104 : i32
    %mul3A_106 = arith.constant 640 : i32
    %mul3A_107 = arith.muli %arg1, %mul3A_106 : i32
    "tpu.region"() ({
      %run_scoped3A_108 = tpu.sem_alloc : memref<!tpu.dma_semaphore, #tpu.memory_space<semaphore_mem>>
      %dma_start3A_109 = arith.constant 0 : i32
      %dma_start3A_110 = tpu.memref_slice %arg6[%arg0, %mul3A_107, %dma_start3A_109] : memref<2x10240x48xf32, #tpu.memory_space<hbm>> -> memref<1x640x48xf32, #tpu.memory_space<hbm>>
      %dma_start3A_111 = tpu.memref_squeeze %dma_start3A_110 : memref<1x640x48xf32, #tpu.memory_space<hbm>> -> memref<640x48xf32, #tpu.memory_space<hbm>>
      %dma_start3A_112 = arith.constant 0 : i32
      %dma_start3A_113 = tpu.memref_slice %arg17[%mul3A_105, %dma_start3A_112] : memref<10240x48xf32, #tpu.memory_space<vmem_shared>> -> memref<640x48xf32, #tpu.memory_space<vmem_shared>>
      tpu.enqueue_dma source(%dma_start3A_113 : memref<640x48xf32, #tpu.memory_space<vmem_shared>>) target(%dma_start3A_111 : memref<640x48xf32, #tpu.memory_space<hbm>>) target_semaphore(%run_scoped3A_108 : memref<!tpu.dma_semaphore, #tpu.memory_space<semaphore_mem>>)
      %dma_wait3A_114 = arith.constant 0 : i32
      %dma_wait3A_115 = tpu.memref_slice %arg6[%arg0, %mul3A_107, %dma_wait3A_114] : memref<2x10240x48xf32, #tpu.memory_space<hbm>> -> memref<1x640x48xf32, #tpu.memory_space<hbm>>
      %dma_wait3A_116 = tpu.memref_squeeze %dma_wait3A_115 : memref<1x640x48xf32, #tpu.memory_space<hbm>> -> memref<640x48xf32, #tpu.memory_space<hbm>>
      %dma_wait3A_117 = arith.constant 0 : i32
      %dma_wait3A_118 = tpu.memref_slice %arg17[%mul3A_105, %dma_wait3A_117] : memref<10240x48xf32, #tpu.memory_space<vmem_shared>> -> memref<640x48xf32, #tpu.memory_space<vmem_shared>>
      tpu.wait_dma2 semaphore(%run_scoped3A_108 : memref<!tpu.dma_semaphore, #tpu.memory_space<semaphore_mem>>) src(%dma_wait3A_118 : memref<640x48xf32, #tpu.memory_space<vmem_shared>>) dst(%dma_wait3A_116 : memref<640x48xf32, #tpu.memory_space<hbm>>)
      tpu.yield
    }) : () -> ()
    return
  }
}

#map = affine_map<(d0, d1) -> (0, 0)>
#map1 = affine_map<(d0, d1) -> (0, 0, 0)>
module attributes {stable_mosaic.version = 14 : i64} {
  func.func @prop(%arg0: i32, %arg1: i32, %arg2: memref<10240x16xf32, #tpu.memory_space<hbm>>, %arg3: memref<32x157x128xi32, #tpu.memory_space<hbm>>, %arg4: memref<32x157x128xi32, #tpu.memory_space<hbm>>, %arg5: memref<10240x16xf32, #tpu.memory_space<hbm>>, %arg6: memref<2x10240x16xf32, #tpu.memory_space<hbm>>, %arg7: memref<157x128xi32, #tpu.memory_space<vmem>>, %arg8: memref<157x128xi32, #tpu.memory_space<vmem>>, %arg9: memref<128x16xf32, #tpu.memory_space<vmem>>, %arg10: memref<128x16xf32, #tpu.memory_space<vmem>>, %arg11: memref<128x16xf32, #tpu.memory_space<vmem>>, %arg12: memref<128x16xf32, #tpu.memory_space<vmem>>, %arg13: memref<128x16xf32, #tpu.memory_space<vmem>>, %arg14: memref<128x16xf32, #tpu.memory_space<vmem>>, %arg15: memref<128x16xf32, #tpu.memory_space<vmem>>, %arg16: memref<128x16xf32, #tpu.memory_space<vmem>>, %arg17: memref<10240x16xf32, #tpu.memory_space<vmem_shared>>, %arg18: memref<!tpu.dma_semaphore, #tpu.memory_space<semaphore_mem>>, %arg19: memref<!tpu.dma_semaphore, #tpu.memory_space<semaphore_mem>>, %arg20: memref<!tpu.dma_semaphore, #tpu.memory_space<semaphore_mem>>, %arg21: memref<!tpu.dma_semaphore, #tpu.memory_space<semaphore_mem>>, %arg22: memref<!tpu.dma_semaphore, #tpu.memory_space<semaphore_mem>>, %arg23: memref<!tpu.dma_semaphore, #tpu.memory_space<semaphore_mem>>, %arg24: memref<!tpu.dma_semaphore, #tpu.memory_space<semaphore_mem>>, %arg25: memref<!tpu.dma_semaphore, #tpu.memory_space<semaphore_mem>>) attributes {dimension_semantics = [#tpu.dimension_semantics<core_parallel>, #tpu.dimension_semantics<subcore_parallel>], iteration_bounds = array<i64: 2, 16>, scalar_prefetch = 0 : i64, scratch_operands = 19 : i64, tpu.core_type = #tpu.core_type<sc_vector_subcore>, window_params = [{transform_indices = #map}, {transform_indices = #map1}, {transform_indices = #map1}, {transform_indices = #map}, {transform_indices = #map1}]} {
    %mul3A = arith.constant 2 : i32
    %mul3A_0 = arith.muli %arg1, %mul3A : i32
    %add3A = arith.addi %mul3A_0, %arg0 : i32
    %mul3A_1 = arith.constant 640 : i32
    %mul3A_2 = arith.muli %arg1, %mul3A_1 : i32
    %mul3A_3 = arith.constant 640 : i32
    %mul3A_4 = arith.muli %arg1, %mul3A_3 : i32
    "tpu.region"() ({
      %run_scoped3A_108 = tpu.sem_alloc : memref<!tpu.dma_semaphore, #tpu.memory_space<semaphore_mem>>
      %dma_start3A_109 = arith.constant 0 : i32
      %dma_start3A_110 = tpu.memref_slice %arg17[%mul3A_4, %dma_start3A_109] : memref<10240x16xf32, #tpu.memory_space<vmem_shared>> -> memref<640x16xf32, #tpu.memory_space<vmem_shared>>
      %dma_start3A_111 = arith.constant 0 : i32
      %dma_start3A_112 = tpu.memref_slice %arg5[%mul3A_2, %dma_start3A_111] : memref<10240x16xf32, #tpu.memory_space<hbm>> -> memref<640x16xf32, #tpu.memory_space<hbm>>
      tpu.enqueue_dma source(%dma_start3A_112 : memref<640x16xf32, #tpu.memory_space<hbm>>) target(%dma_start3A_110 : memref<640x16xf32, #tpu.memory_space<vmem_shared>>) target_semaphore(%run_scoped3A_108 : memref<!tpu.dma_semaphore, #tpu.memory_space<semaphore_mem>>)
      %dma_wait3A_113 = arith.constant 0 : i32
      %dma_wait3A_114 = tpu.memref_slice %arg17[%mul3A_4, %dma_wait3A_113] : memref<10240x16xf32, #tpu.memory_space<vmem_shared>> -> memref<640x16xf32, #tpu.memory_space<vmem_shared>>
      %dma_wait3A_115 = arith.constant 0 : i32
      %dma_wait3A_116 = tpu.memref_slice %arg5[%mul3A_2, %dma_wait3A_115] : memref<10240x16xf32, #tpu.memory_space<hbm>> -> memref<640x16xf32, #tpu.memory_space<hbm>>
      tpu.wait_dma2 semaphore(%run_scoped3A_108 : memref<!tpu.dma_semaphore, #tpu.memory_space<semaphore_mem>>) src(%dma_wait3A_116 : memref<640x16xf32, #tpu.memory_space<hbm>>) dst(%dma_wait3A_114 : memref<640x16xf32, #tpu.memory_space<vmem_shared>>)
      tpu.yield
    }) : () -> ()
    "tpu.region"() ({
      %run_scoped3A_108 = tpu.sem_alloc : memref<!tpu.dma_semaphore, #tpu.memory_space<semaphore_mem>>
      %dma_start3A_109 = arith.constant 0 : i32
      %dma_start3A_110 = arith.constant 0 : i32
      %dma_start3A_111 = tpu.memref_slice %arg3[%add3A, %dma_start3A_109, %dma_start3A_110] : memref<32x157x128xi32, #tpu.memory_space<hbm>> -> memref<1x157x128xi32, #tpu.memory_space<hbm>>
      %dma_start3A_112 = tpu.memref_squeeze %dma_start3A_111 : memref<1x157x128xi32, #tpu.memory_space<hbm>> -> memref<157x128xi32, #tpu.memory_space<hbm>>
      %dma_start3A_113 = arith.constant 0 : i32
      %dma_start3A_114 = arith.constant 0 : i32
      %dma_start3A_115 = tpu.memref_slice %arg3[%add3A, %dma_start3A_113, %dma_start3A_114] : memref<32x157x128xi32, #tpu.memory_space<hbm>> -> memref<1x157x128xi32, #tpu.memory_space<hbm>>
      %dma_start3A_116 = tpu.memref_squeeze %dma_start3A_115 : memref<1x157x128xi32, #tpu.memory_space<hbm>> -> memref<157x128xi32, #tpu.memory_space<hbm>>
      tpu.enqueue_dma source(%dma_start3A_116 : memref<157x128xi32, #tpu.memory_space<hbm>>) target(%arg7 : memref<157x128xi32, #tpu.memory_space<vmem>>) target_semaphore(%run_scoped3A_108 : memref<!tpu.dma_semaphore, #tpu.memory_space<semaphore_mem>>)
      %dma_wait3A_117 = arith.constant 0 : i32
      %dma_wait3A_118 = arith.constant 0 : i32
      %dma_wait3A_119 = tpu.memref_slice %arg3[%add3A, %dma_wait3A_117, %dma_wait3A_118] : memref<32x157x128xi32, #tpu.memory_space<hbm>> -> memref<1x157x128xi32, #tpu.memory_space<hbm>>
      %dma_wait3A_120 = tpu.memref_squeeze %dma_wait3A_119 : memref<1x157x128xi32, #tpu.memory_space<hbm>> -> memref<157x128xi32, #tpu.memory_space<hbm>>
      %dma_wait3A_121 = arith.constant 0 : i32
      %dma_wait3A_122 = arith.constant 0 : i32
      %dma_wait3A_123 = tpu.memref_slice %arg3[%add3A, %dma_wait3A_121, %dma_wait3A_122] : memref<32x157x128xi32, #tpu.memory_space<hbm>> -> memref<1x157x128xi32, #tpu.memory_space<hbm>>
      %dma_wait3A_124 = tpu.memref_squeeze %dma_wait3A_123 : memref<1x157x128xi32, #tpu.memory_space<hbm>> -> memref<157x128xi32, #tpu.memory_space<hbm>>
      tpu.wait_dma2 semaphore(%run_scoped3A_108 : memref<!tpu.dma_semaphore, #tpu.memory_space<semaphore_mem>>) src(%dma_wait3A_124 : memref<157x128xi32, #tpu.memory_space<hbm>>) dst(%arg7 : memref<157x128xi32, #tpu.memory_space<vmem>>)
      tpu.yield
    }) : () -> ()
    "tpu.region"() ({
      %run_scoped3A_108 = tpu.sem_alloc : memref<!tpu.dma_semaphore, #tpu.memory_space<semaphore_mem>>
      %dma_start3A_109 = arith.constant 0 : i32
      %dma_start3A_110 = arith.constant 0 : i32
      %dma_start3A_111 = tpu.memref_slice %arg4[%add3A, %dma_start3A_109, %dma_start3A_110] : memref<32x157x128xi32, #tpu.memory_space<hbm>> -> memref<1x157x128xi32, #tpu.memory_space<hbm>>
      %dma_start3A_112 = tpu.memref_squeeze %dma_start3A_111 : memref<1x157x128xi32, #tpu.memory_space<hbm>> -> memref<157x128xi32, #tpu.memory_space<hbm>>
      %dma_start3A_113 = arith.constant 0 : i32
      %dma_start3A_114 = arith.constant 0 : i32
      %dma_start3A_115 = tpu.memref_slice %arg4[%add3A, %dma_start3A_113, %dma_start3A_114] : memref<32x157x128xi32, #tpu.memory_space<hbm>> -> memref<1x157x128xi32, #tpu.memory_space<hbm>>
      %dma_start3A_116 = tpu.memref_squeeze %dma_start3A_115 : memref<1x157x128xi32, #tpu.memory_space<hbm>> -> memref<157x128xi32, #tpu.memory_space<hbm>>
      tpu.enqueue_dma source(%dma_start3A_116 : memref<157x128xi32, #tpu.memory_space<hbm>>) target(%arg8 : memref<157x128xi32, #tpu.memory_space<vmem>>) target_semaphore(%run_scoped3A_108 : memref<!tpu.dma_semaphore, #tpu.memory_space<semaphore_mem>>)
      %dma_wait3A_117 = arith.constant 0 : i32
      %dma_wait3A_118 = arith.constant 0 : i32
      %dma_wait3A_119 = tpu.memref_slice %arg4[%add3A, %dma_wait3A_117, %dma_wait3A_118] : memref<32x157x128xi32, #tpu.memory_space<hbm>> -> memref<1x157x128xi32, #tpu.memory_space<hbm>>
      %dma_wait3A_120 = tpu.memref_squeeze %dma_wait3A_119 : memref<1x157x128xi32, #tpu.memory_space<hbm>> -> memref<157x128xi32, #tpu.memory_space<hbm>>
      %dma_wait3A_121 = arith.constant 0 : i32
      %dma_wait3A_122 = arith.constant 0 : i32
      %dma_wait3A_123 = tpu.memref_slice %arg4[%add3A, %dma_wait3A_121, %dma_wait3A_122] : memref<32x157x128xi32, #tpu.memory_space<hbm>> -> memref<1x157x128xi32, #tpu.memory_space<hbm>>
      %dma_wait3A_124 = tpu.memref_squeeze %dma_wait3A_123 : memref<1x157x128xi32, #tpu.memory_space<hbm>> -> memref<157x128xi32, #tpu.memory_space<hbm>>
      tpu.wait_dma2 semaphore(%run_scoped3A_108 : memref<!tpu.dma_semaphore, #tpu.memory_space<semaphore_mem>>) src(%dma_wait3A_124 : memref<157x128xi32, #tpu.memory_space<hbm>>) dst(%arg8 : memref<157x128xi32, #tpu.memory_space<vmem>>)
      tpu.yield
    }) : () -> ()
    %barrier3A = arith.constant 0 : index
    tpu.barrier barrier_id(%barrier3A)
    %dma_start3A = arith.constant 0 : i32
    %dma_start3A_5 = arith.constant 0 : i32
    %dma_start3A_6 = tpu.memref_slice %arg7[%dma_start3A, %dma_start3A_5] : memref<157x128xi32, #tpu.memory_space<vmem>> -> memref<1x128xi32, #tpu.memory_space<vmem>>
    %dma_start3A_7 = tpu.memref_squeeze %dma_start3A_6 : memref<1x128xi32, #tpu.memory_space<vmem>> -> memref<128xi32, #tpu.memory_space<vmem>>
    %dma_start3A_8 = arith.constant 0 : i32
    %dma_start3A_9 = arith.constant 0 : i32
    %dma_start3A_10 = tpu.memref_slice %arg2[%dma_start3A_8, %dma_start3A_9] : memref<10240x16xf32, #tpu.memory_space<hbm>> -> memref<10240x16xf32, #tpu.memory_space<hbm>>
    tpu.enqueue_indirect_dma source(%dma_start3A_10 : memref<10240x16xf32, #tpu.memory_space<hbm>>) target(%arg9 : memref<128x16xf32, #tpu.memory_space<vmem>>) offsets(%dma_start3A_7 : memref<128xi32, #tpu.memory_space<vmem>>) semaphore(%arg18 : memref<!tpu.dma_semaphore, #tpu.memory_space<semaphore_mem>>)
    %dma_start3A_11 = arith.constant 1 : i32
    %dma_start3A_12 = arith.constant 0 : i32
    %dma_start3A_13 = tpu.memref_slice %arg7[%dma_start3A_11, %dma_start3A_12] : memref<157x128xi32, #tpu.memory_space<vmem>> -> memref<1x128xi32, #tpu.memory_space<vmem>>
    %dma_start3A_14 = tpu.memref_squeeze %dma_start3A_13 : memref<1x128xi32, #tpu.memory_space<vmem>> -> memref<128xi32, #tpu.memory_space<vmem>>
    %dma_start3A_15 = arith.constant 0 : i32
    %dma_start3A_16 = arith.constant 0 : i32
    %dma_start3A_17 = tpu.memref_slice %arg2[%dma_start3A_15, %dma_start3A_16] : memref<10240x16xf32, #tpu.memory_space<hbm>> -> memref<10240x16xf32, #tpu.memory_space<hbm>>
    tpu.enqueue_indirect_dma source(%dma_start3A_17 : memref<10240x16xf32, #tpu.memory_space<hbm>>) target(%arg10 : memref<128x16xf32, #tpu.memory_space<vmem>>) offsets(%dma_start3A_14 : memref<128xi32, #tpu.memory_space<vmem>>) semaphore(%arg19 : memref<!tpu.dma_semaphore, #tpu.memory_space<semaphore_mem>>)
    %dma_start3A_18 = arith.constant 2 : i32
    %dma_start3A_19 = arith.constant 0 : i32
    %dma_start3A_20 = tpu.memref_slice %arg7[%dma_start3A_18, %dma_start3A_19] : memref<157x128xi32, #tpu.memory_space<vmem>> -> memref<1x128xi32, #tpu.memory_space<vmem>>
    %dma_start3A_21 = tpu.memref_squeeze %dma_start3A_20 : memref<1x128xi32, #tpu.memory_space<vmem>> -> memref<128xi32, #tpu.memory_space<vmem>>
    %dma_start3A_22 = arith.constant 0 : i32
    %dma_start3A_23 = arith.constant 0 : i32
    %dma_start3A_24 = tpu.memref_slice %arg2[%dma_start3A_22, %dma_start3A_23] : memref<10240x16xf32, #tpu.memory_space<hbm>> -> memref<10240x16xf32, #tpu.memory_space<hbm>>
    tpu.enqueue_indirect_dma source(%dma_start3A_24 : memref<10240x16xf32, #tpu.memory_space<hbm>>) target(%arg11 : memref<128x16xf32, #tpu.memory_space<vmem>>) offsets(%dma_start3A_21 : memref<128xi32, #tpu.memory_space<vmem>>) semaphore(%arg20 : memref<!tpu.dma_semaphore, #tpu.memory_space<semaphore_mem>>)
    %dma_start3A_25 = arith.constant 3 : i32
    %dma_start3A_26 = arith.constant 0 : i32
    %dma_start3A_27 = tpu.memref_slice %arg7[%dma_start3A_25, %dma_start3A_26] : memref<157x128xi32, #tpu.memory_space<vmem>> -> memref<1x128xi32, #tpu.memory_space<vmem>>
    %dma_start3A_28 = tpu.memref_squeeze %dma_start3A_27 : memref<1x128xi32, #tpu.memory_space<vmem>> -> memref<128xi32, #tpu.memory_space<vmem>>
    %dma_start3A_29 = arith.constant 0 : i32
    %dma_start3A_30 = arith.constant 0 : i32
    %dma_start3A_31 = tpu.memref_slice %arg2[%dma_start3A_29, %dma_start3A_30] : memref<10240x16xf32, #tpu.memory_space<hbm>> -> memref<10240x16xf32, #tpu.memory_space<hbm>>
    tpu.enqueue_indirect_dma source(%dma_start3A_31 : memref<10240x16xf32, #tpu.memory_space<hbm>>) target(%arg12 : memref<128x16xf32, #tpu.memory_space<vmem>>) offsets(%dma_start3A_28 : memref<128xi32, #tpu.memory_space<vmem>>) semaphore(%arg21 : memref<!tpu.dma_semaphore, #tpu.memory_space<semaphore_mem>>)
    %dma_start3A_32 = arith.constant 4 : i32
    %dma_start3A_33 = arith.constant 0 : i32
    %dma_start3A_34 = tpu.memref_slice %arg7[%dma_start3A_32, %dma_start3A_33] : memref<157x128xi32, #tpu.memory_space<vmem>> -> memref<1x128xi32, #tpu.memory_space<vmem>>
    %dma_start3A_35 = tpu.memref_squeeze %dma_start3A_34 : memref<1x128xi32, #tpu.memory_space<vmem>> -> memref<128xi32, #tpu.memory_space<vmem>>
    %dma_start3A_36 = arith.constant 0 : i32
    %dma_start3A_37 = arith.constant 0 : i32
    %dma_start3A_38 = tpu.memref_slice %arg2[%dma_start3A_36, %dma_start3A_37] : memref<10240x16xf32, #tpu.memory_space<hbm>> -> memref<10240x16xf32, #tpu.memory_space<hbm>>
    tpu.enqueue_indirect_dma source(%dma_start3A_38 : memref<10240x16xf32, #tpu.memory_space<hbm>>) target(%arg13 : memref<128x16xf32, #tpu.memory_space<vmem>>) offsets(%dma_start3A_35 : memref<128xi32, #tpu.memory_space<vmem>>) semaphore(%arg22 : memref<!tpu.dma_semaphore, #tpu.memory_space<semaphore_mem>>)
    %dma_start3A_39 = arith.constant 5 : i32
    %dma_start3A_40 = arith.constant 0 : i32
    %dma_start3A_41 = tpu.memref_slice %arg7[%dma_start3A_39, %dma_start3A_40] : memref<157x128xi32, #tpu.memory_space<vmem>> -> memref<1x128xi32, #tpu.memory_space<vmem>>
    %dma_start3A_42 = tpu.memref_squeeze %dma_start3A_41 : memref<1x128xi32, #tpu.memory_space<vmem>> -> memref<128xi32, #tpu.memory_space<vmem>>
    %dma_start3A_43 = arith.constant 0 : i32
    %dma_start3A_44 = arith.constant 0 : i32
    %dma_start3A_45 = tpu.memref_slice %arg2[%dma_start3A_43, %dma_start3A_44] : memref<10240x16xf32, #tpu.memory_space<hbm>> -> memref<10240x16xf32, #tpu.memory_space<hbm>>
    tpu.enqueue_indirect_dma source(%dma_start3A_45 : memref<10240x16xf32, #tpu.memory_space<hbm>>) target(%arg14 : memref<128x16xf32, #tpu.memory_space<vmem>>) offsets(%dma_start3A_42 : memref<128xi32, #tpu.memory_space<vmem>>) semaphore(%arg23 : memref<!tpu.dma_semaphore, #tpu.memory_space<semaphore_mem>>)
    %dma_start3A_46 = arith.constant 6 : i32
    %dma_start3A_47 = arith.constant 0 : i32
    %dma_start3A_48 = tpu.memref_slice %arg7[%dma_start3A_46, %dma_start3A_47] : memref<157x128xi32, #tpu.memory_space<vmem>> -> memref<1x128xi32, #tpu.memory_space<vmem>>
    %dma_start3A_49 = tpu.memref_squeeze %dma_start3A_48 : memref<1x128xi32, #tpu.memory_space<vmem>> -> memref<128xi32, #tpu.memory_space<vmem>>
    %dma_start3A_50 = arith.constant 0 : i32
    %dma_start3A_51 = arith.constant 0 : i32
    %dma_start3A_52 = tpu.memref_slice %arg2[%dma_start3A_50, %dma_start3A_51] : memref<10240x16xf32, #tpu.memory_space<hbm>> -> memref<10240x16xf32, #tpu.memory_space<hbm>>
    tpu.enqueue_indirect_dma source(%dma_start3A_52 : memref<10240x16xf32, #tpu.memory_space<hbm>>) target(%arg15 : memref<128x16xf32, #tpu.memory_space<vmem>>) offsets(%dma_start3A_49 : memref<128xi32, #tpu.memory_space<vmem>>) semaphore(%arg24 : memref<!tpu.dma_semaphore, #tpu.memory_space<semaphore_mem>>)
    %dma_start3A_53 = arith.constant 7 : i32
    %dma_start3A_54 = arith.constant 0 : i32
    %dma_start3A_55 = tpu.memref_slice %arg7[%dma_start3A_53, %dma_start3A_54] : memref<157x128xi32, #tpu.memory_space<vmem>> -> memref<1x128xi32, #tpu.memory_space<vmem>>
    %dma_start3A_56 = tpu.memref_squeeze %dma_start3A_55 : memref<1x128xi32, #tpu.memory_space<vmem>> -> memref<128xi32, #tpu.memory_space<vmem>>
    %dma_start3A_57 = arith.constant 0 : i32
    %dma_start3A_58 = arith.constant 0 : i32
    %dma_start3A_59 = tpu.memref_slice %arg2[%dma_start3A_57, %dma_start3A_58] : memref<10240x16xf32, #tpu.memory_space<hbm>> -> memref<10240x16xf32, #tpu.memory_space<hbm>>
    tpu.enqueue_indirect_dma source(%dma_start3A_59 : memref<10240x16xf32, #tpu.memory_space<hbm>>) target(%arg16 : memref<128x16xf32, #tpu.memory_space<vmem>>) offsets(%dma_start3A_56 : memref<128xi32, #tpu.memory_space<vmem>>) semaphore(%arg25 : memref<!tpu.dma_semaphore, #tpu.memory_space<semaphore_mem>>)
    %scan3A = arith.constant 0 : i32
    %scan3A_60 = arith.constant 0 : i32
    %scan3A_61 = arith.constant 19 : i32
    %scan3A_62 = arith.addi %scan3A_60, %scan3A_61 : i32
    %scan3A_63 = arith.constant 1 : i32
    scf.for %scan3A_108 = %scan3A_60 to %scan3A_62 step %scan3A_63  : i32 {
      %mul3A_109 = arith.constant 8 : i32
      %mul3A_110 = arith.muli %scan3A_108, %mul3A_109 : i32
      %add3A_111 = arith.constant 0 : i32
      %add3A_112 = arith.addi %mul3A_110, %add3A_111 : i32
      %dma_wait3A_113 = arith.constant 0 : i32
      %dma_wait3A_114 = tpu.memref_slice %arg7[%add3A_112, %dma_wait3A_113] : memref<157x128xi32, #tpu.memory_space<vmem>> -> memref<1x128xi32, #tpu.memory_space<vmem>>
      %dma_wait3A_115 = tpu.memref_squeeze %dma_wait3A_114 : memref<1x128xi32, #tpu.memory_space<vmem>> -> memref<128xi32, #tpu.memory_space<vmem>>
      %dma_wait3A_116 = arith.constant 0 : i32
      %dma_wait3A_117 = arith.constant 0 : i32
      %dma_wait3A_118 = tpu.memref_slice %arg2[%dma_wait3A_116, %dma_wait3A_117] : memref<10240x16xf32, #tpu.memory_space<hbm>> -> memref<10240x16xf32, #tpu.memory_space<hbm>>
      tpu.wait_indirect_dma semaphore(%arg18 : memref<!tpu.dma_semaphore, #tpu.memory_space<semaphore_mem>>) src(%dma_wait3A_118 : memref<10240x16xf32, #tpu.memory_space<hbm>>) dst(%arg9 : memref<128x16xf32, #tpu.memory_space<vmem>>)
      "tpu.region"() ({
        %run_scoped3A_228 = tpu.sem_alloc : memref<!tpu.dma_semaphore, #tpu.memory_space<semaphore_mem>>
        %dma_start3A_229 = arith.constant 0 : i32
        %dma_start3A_230 = tpu.memref_slice %arg8[%add3A_112, %dma_start3A_229] : memref<157x128xi32, #tpu.memory_space<vmem>> -> memref<1x128xi32, #tpu.memory_space<vmem>>
        %dma_start3A_231 = tpu.memref_squeeze %dma_start3A_230 : memref<1x128xi32, #tpu.memory_space<vmem>> -> memref<128xi32, #tpu.memory_space<vmem>>
        %dma_start3A_232 = arith.constant 0 : i32
        %dma_start3A_233 = arith.constant 0 : i32
        %dma_start3A_234 = tpu.memref_slice %arg17[%dma_start3A_232, %dma_start3A_233] : memref<10240x16xf32, #tpu.memory_space<vmem_shared>> -> memref<10240x16xf32, #tpu.memory_space<vmem_shared>>
        tpu.enqueue_indirect_dma source(%arg9 : memref<128x16xf32, #tpu.memory_space<vmem>>) target(%dma_start3A_234 : memref<10240x16xf32, #tpu.memory_space<vmem_shared>>) offsets(%dma_start3A_231 : memref<128xi32, #tpu.memory_space<vmem>>) semaphore(%run_scoped3A_228 : memref<!tpu.dma_semaphore, #tpu.memory_space<semaphore_mem>>) {add = true}
        %dma_wait3A_235 = arith.constant 0 : i32
        %dma_wait3A_236 = tpu.memref_slice %arg8[%add3A_112, %dma_wait3A_235] : memref<157x128xi32, #tpu.memory_space<vmem>> -> memref<1x128xi32, #tpu.memory_space<vmem>>
        %dma_wait3A_237 = tpu.memref_squeeze %dma_wait3A_236 : memref<1x128xi32, #tpu.memory_space<vmem>> -> memref<128xi32, #tpu.memory_space<vmem>>
        %dma_wait3A_238 = arith.constant 0 : i32
        %dma_wait3A_239 = arith.constant 0 : i32
        %dma_wait3A_240 = tpu.memref_slice %arg17[%dma_wait3A_238, %dma_wait3A_239] : memref<10240x16xf32, #tpu.memory_space<vmem_shared>> -> memref<10240x16xf32, #tpu.memory_space<vmem_shared>>
        tpu.wait_indirect_dma semaphore(%run_scoped3A_228 : memref<!tpu.dma_semaphore, #tpu.memory_space<semaphore_mem>>) src(%arg9 : memref<128x16xf32, #tpu.memory_space<vmem>>) dst(%dma_wait3A_240 : memref<10240x16xf32, #tpu.memory_space<vmem_shared>>)
        tpu.yield
      }) : () -> ()
      %add3A_119 = arith.constant 8 : i32
      %add3A_120 = arith.addi %add3A_112, %add3A_119 : i32
      %lt3A = arith.constant 157 : i32
      %lt3A_121 = arith.cmpi slt, %add3A_120, %lt3A : i32
      %convert_element_type3A = arith.extui %lt3A_121 : i1 to i32
      %cond3A = arith.constant 0 : i32
      %cond3A_122 = arith.cmpi ne, %convert_element_type3A, %cond3A : i32
      scf.if %cond3A_122 {
        %add3A_228 = arith.constant 8 : i32
        %add3A_229 = arith.addi %add3A_112, %add3A_228 : i32
        %dma_start3A_230 = arith.constant 0 : i32
        %dma_start3A_231 = tpu.memref_slice %arg7[%add3A_229, %dma_start3A_230] : memref<157x128xi32, #tpu.memory_space<vmem>> -> memref<1x128xi32, #tpu.memory_space<vmem>>
        %dma_start3A_232 = tpu.memref_squeeze %dma_start3A_231 : memref<1x128xi32, #tpu.memory_space<vmem>> -> memref<128xi32, #tpu.memory_space<vmem>>
        %dma_start3A_233 = arith.constant 0 : i32
        %dma_start3A_234 = arith.constant 0 : i32
        %dma_start3A_235 = tpu.memref_slice %arg2[%dma_start3A_233, %dma_start3A_234] : memref<10240x16xf32, #tpu.memory_space<hbm>> -> memref<10240x16xf32, #tpu.memory_space<hbm>>
        tpu.enqueue_indirect_dma source(%dma_start3A_235 : memref<10240x16xf32, #tpu.memory_space<hbm>>) target(%arg9 : memref<128x16xf32, #tpu.memory_space<vmem>>) offsets(%dma_start3A_232 : memref<128xi32, #tpu.memory_space<vmem>>) semaphore(%arg18 : memref<!tpu.dma_semaphore, #tpu.memory_space<semaphore_mem>>)
      } else {
      }
      %add3A_123 = arith.constant 1 : i32
      %add3A_124 = arith.addi %mul3A_110, %add3A_123 : i32
      %dma_wait3A_125 = arith.constant 0 : i32
      %dma_wait3A_126 = tpu.memref_slice %arg7[%add3A_124, %dma_wait3A_125] : memref<157x128xi32, #tpu.memory_space<vmem>> -> memref<1x128xi32, #tpu.memory_space<vmem>>
      %dma_wait3A_127 = tpu.memref_squeeze %dma_wait3A_126 : memref<1x128xi32, #tpu.memory_space<vmem>> -> memref<128xi32, #tpu.memory_space<vmem>>
      %dma_wait3A_128 = arith.constant 0 : i32
      %dma_wait3A_129 = arith.constant 0 : i32
      %dma_wait3A_130 = tpu.memref_slice %arg2[%dma_wait3A_128, %dma_wait3A_129] : memref<10240x16xf32, #tpu.memory_space<hbm>> -> memref<10240x16xf32, #tpu.memory_space<hbm>>
      tpu.wait_indirect_dma semaphore(%arg19 : memref<!tpu.dma_semaphore, #tpu.memory_space<semaphore_mem>>) src(%dma_wait3A_130 : memref<10240x16xf32, #tpu.memory_space<hbm>>) dst(%arg10 : memref<128x16xf32, #tpu.memory_space<vmem>>)
      "tpu.region"() ({
        %run_scoped3A_228 = tpu.sem_alloc : memref<!tpu.dma_semaphore, #tpu.memory_space<semaphore_mem>>
        %dma_start3A_229 = arith.constant 0 : i32
        %dma_start3A_230 = tpu.memref_slice %arg8[%add3A_124, %dma_start3A_229] : memref<157x128xi32, #tpu.memory_space<vmem>> -> memref<1x128xi32, #tpu.memory_space<vmem>>
        %dma_start3A_231 = tpu.memref_squeeze %dma_start3A_230 : memref<1x128xi32, #tpu.memory_space<vmem>> -> memref<128xi32, #tpu.memory_space<vmem>>
        %dma_start3A_232 = arith.constant 0 : i32
        %dma_start3A_233 = arith.constant 0 : i32
        %dma_start3A_234 = tpu.memref_slice %arg17[%dma_start3A_232, %dma_start3A_233] : memref<10240x16xf32, #tpu.memory_space<vmem_shared>> -> memref<10240x16xf32, #tpu.memory_space<vmem_shared>>
        tpu.enqueue_indirect_dma source(%arg10 : memref<128x16xf32, #tpu.memory_space<vmem>>) target(%dma_start3A_234 : memref<10240x16xf32, #tpu.memory_space<vmem_shared>>) offsets(%dma_start3A_231 : memref<128xi32, #tpu.memory_space<vmem>>) semaphore(%run_scoped3A_228 : memref<!tpu.dma_semaphore, #tpu.memory_space<semaphore_mem>>) {add = true}
        %dma_wait3A_235 = arith.constant 0 : i32
        %dma_wait3A_236 = tpu.memref_slice %arg8[%add3A_124, %dma_wait3A_235] : memref<157x128xi32, #tpu.memory_space<vmem>> -> memref<1x128xi32, #tpu.memory_space<vmem>>
        %dma_wait3A_237 = tpu.memref_squeeze %dma_wait3A_236 : memref<1x128xi32, #tpu.memory_space<vmem>> -> memref<128xi32, #tpu.memory_space<vmem>>
        %dma_wait3A_238 = arith.constant 0 : i32
        %dma_wait3A_239 = arith.constant 0 : i32
        %dma_wait3A_240 = tpu.memref_slice %arg17[%dma_wait3A_238, %dma_wait3A_239] : memref<10240x16xf32, #tpu.memory_space<vmem_shared>> -> memref<10240x16xf32, #tpu.memory_space<vmem_shared>>
        tpu.wait_indirect_dma semaphore(%run_scoped3A_228 : memref<!tpu.dma_semaphore, #tpu.memory_space<semaphore_mem>>) src(%arg10 : memref<128x16xf32, #tpu.memory_space<vmem>>) dst(%dma_wait3A_240 : memref<10240x16xf32, #tpu.memory_space<vmem_shared>>)
        tpu.yield
      }) : () -> ()
      %add3A_131 = arith.constant 8 : i32
      %add3A_132 = arith.addi %add3A_124, %add3A_131 : i32
      %lt3A_133 = arith.constant 157 : i32
      %lt3A_134 = arith.cmpi slt, %add3A_132, %lt3A_133 : i32
      %convert_element_type3A_135 = arith.extui %lt3A_134 : i1 to i32
      %cond3A_136 = arith.constant 0 : i32
      %cond3A_137 = arith.cmpi ne, %convert_element_type3A_135, %cond3A_136 : i32
      scf.if %cond3A_137 {
        %add3A_228 = arith.constant 8 : i32
        %add3A_229 = arith.addi %add3A_124, %add3A_228 : i32
        %dma_start3A_230 = arith.constant 0 : i32
        %dma_start3A_231 = tpu.memref_slice %arg7[%add3A_229, %dma_start3A_230] : memref<157x128xi32, #tpu.memory_space<vmem>> -> memref<1x128xi32, #tpu.memory_space<vmem>>
        %dma_start3A_232 = tpu.memref_squeeze %dma_start3A_231 : memref<1x128xi32, #tpu.memory_space<vmem>> -> memref<128xi32, #tpu.memory_space<vmem>>
        %dma_start3A_233 = arith.constant 0 : i32
        %dma_start3A_234 = arith.constant 0 : i32
        %dma_start3A_235 = tpu.memref_slice %arg2[%dma_start3A_233, %dma_start3A_234] : memref<10240x16xf32, #tpu.memory_space<hbm>> -> memref<10240x16xf32, #tpu.memory_space<hbm>>
        tpu.enqueue_indirect_dma source(%dma_start3A_235 : memref<10240x16xf32, #tpu.memory_space<hbm>>) target(%arg10 : memref<128x16xf32, #tpu.memory_space<vmem>>) offsets(%dma_start3A_232 : memref<128xi32, #tpu.memory_space<vmem>>) semaphore(%arg19 : memref<!tpu.dma_semaphore, #tpu.memory_space<semaphore_mem>>)
      } else {
      }
      %add3A_138 = arith.constant 2 : i32
      %add3A_139 = arith.addi %mul3A_110, %add3A_138 : i32
      %dma_wait3A_140 = arith.constant 0 : i32
      %dma_wait3A_141 = tpu.memref_slice %arg7[%add3A_139, %dma_wait3A_140] : memref<157x128xi32, #tpu.memory_space<vmem>> -> memref<1x128xi32, #tpu.memory_space<vmem>>
      %dma_wait3A_142 = tpu.memref_squeeze %dma_wait3A_141 : memref<1x128xi32, #tpu.memory_space<vmem>> -> memref<128xi32, #tpu.memory_space<vmem>>
      %dma_wait3A_143 = arith.constant 0 : i32
      %dma_wait3A_144 = arith.constant 0 : i32
      %dma_wait3A_145 = tpu.memref_slice %arg2[%dma_wait3A_143, %dma_wait3A_144] : memref<10240x16xf32, #tpu.memory_space<hbm>> -> memref<10240x16xf32, #tpu.memory_space<hbm>>
      tpu.wait_indirect_dma semaphore(%arg20 : memref<!tpu.dma_semaphore, #tpu.memory_space<semaphore_mem>>) src(%dma_wait3A_145 : memref<10240x16xf32, #tpu.memory_space<hbm>>) dst(%arg11 : memref<128x16xf32, #tpu.memory_space<vmem>>)
      "tpu.region"() ({
        %run_scoped3A_228 = tpu.sem_alloc : memref<!tpu.dma_semaphore, #tpu.memory_space<semaphore_mem>>
        %dma_start3A_229 = arith.constant 0 : i32
        %dma_start3A_230 = tpu.memref_slice %arg8[%add3A_139, %dma_start3A_229] : memref<157x128xi32, #tpu.memory_space<vmem>> -> memref<1x128xi32, #tpu.memory_space<vmem>>
        %dma_start3A_231 = tpu.memref_squeeze %dma_start3A_230 : memref<1x128xi32, #tpu.memory_space<vmem>> -> memref<128xi32, #tpu.memory_space<vmem>>
        %dma_start3A_232 = arith.constant 0 : i32
        %dma_start3A_233 = arith.constant 0 : i32
        %dma_start3A_234 = tpu.memref_slice %arg17[%dma_start3A_232, %dma_start3A_233] : memref<10240x16xf32, #tpu.memory_space<vmem_shared>> -> memref<10240x16xf32, #tpu.memory_space<vmem_shared>>
        tpu.enqueue_indirect_dma source(%arg11 : memref<128x16xf32, #tpu.memory_space<vmem>>) target(%dma_start3A_234 : memref<10240x16xf32, #tpu.memory_space<vmem_shared>>) offsets(%dma_start3A_231 : memref<128xi32, #tpu.memory_space<vmem>>) semaphore(%run_scoped3A_228 : memref<!tpu.dma_semaphore, #tpu.memory_space<semaphore_mem>>) {add = true}
        %dma_wait3A_235 = arith.constant 0 : i32
        %dma_wait3A_236 = tpu.memref_slice %arg8[%add3A_139, %dma_wait3A_235] : memref<157x128xi32, #tpu.memory_space<vmem>> -> memref<1x128xi32, #tpu.memory_space<vmem>>
        %dma_wait3A_237 = tpu.memref_squeeze %dma_wait3A_236 : memref<1x128xi32, #tpu.memory_space<vmem>> -> memref<128xi32, #tpu.memory_space<vmem>>
        %dma_wait3A_238 = arith.constant 0 : i32
        %dma_wait3A_239 = arith.constant 0 : i32
        %dma_wait3A_240 = tpu.memref_slice %arg17[%dma_wait3A_238, %dma_wait3A_239] : memref<10240x16xf32, #tpu.memory_space<vmem_shared>> -> memref<10240x16xf32, #tpu.memory_space<vmem_shared>>
        tpu.wait_indirect_dma semaphore(%run_scoped3A_228 : memref<!tpu.dma_semaphore, #tpu.memory_space<semaphore_mem>>) src(%arg11 : memref<128x16xf32, #tpu.memory_space<vmem>>) dst(%dma_wait3A_240 : memref<10240x16xf32, #tpu.memory_space<vmem_shared>>)
        tpu.yield
      }) : () -> ()
      %add3A_146 = arith.constant 8 : i32
      %add3A_147 = arith.addi %add3A_139, %add3A_146 : i32
      %lt3A_148 = arith.constant 157 : i32
      %lt3A_149 = arith.cmpi slt, %add3A_147, %lt3A_148 : i32
      %convert_element_type3A_150 = arith.extui %lt3A_149 : i1 to i32
      %cond3A_151 = arith.constant 0 : i32
      %cond3A_152 = arith.cmpi ne, %convert_element_type3A_150, %cond3A_151 : i32
      scf.if %cond3A_152 {
        %add3A_228 = arith.constant 8 : i32
        %add3A_229 = arith.addi %add3A_139, %add3A_228 : i32
        %dma_start3A_230 = arith.constant 0 : i32
        %dma_start3A_231 = tpu.memref_slice %arg7[%add3A_229, %dma_start3A_230] : memref<157x128xi32, #tpu.memory_space<vmem>> -> memref<1x128xi32, #tpu.memory_space<vmem>>
        %dma_start3A_232 = tpu.memref_squeeze %dma_start3A_231 : memref<1x128xi32, #tpu.memory_space<vmem>> -> memref<128xi32, #tpu.memory_space<vmem>>
        %dma_start3A_233 = arith.constant 0 : i32
        %dma_start3A_234 = arith.constant 0 : i32
        %dma_start3A_235 = tpu.memref_slice %arg2[%dma_start3A_233, %dma_start3A_234] : memref<10240x16xf32, #tpu.memory_space<hbm>> -> memref<10240x16xf32, #tpu.memory_space<hbm>>
        tpu.enqueue_indirect_dma source(%dma_start3A_235 : memref<10240x16xf32, #tpu.memory_space<hbm>>) target(%arg11 : memref<128x16xf32, #tpu.memory_space<vmem>>) offsets(%dma_start3A_232 : memref<128xi32, #tpu.memory_space<vmem>>) semaphore(%arg20 : memref<!tpu.dma_semaphore, #tpu.memory_space<semaphore_mem>>)
      } else {
      }
      %add3A_153 = arith.constant 3 : i32
      %add3A_154 = arith.addi %mul3A_110, %add3A_153 : i32
      %dma_wait3A_155 = arith.constant 0 : i32
      %dma_wait3A_156 = tpu.memref_slice %arg7[%add3A_154, %dma_wait3A_155] : memref<157x128xi32, #tpu.memory_space<vmem>> -> memref<1x128xi32, #tpu.memory_space<vmem>>
      %dma_wait3A_157 = tpu.memref_squeeze %dma_wait3A_156 : memref<1x128xi32, #tpu.memory_space<vmem>> -> memref<128xi32, #tpu.memory_space<vmem>>
      %dma_wait3A_158 = arith.constant 0 : i32
      %dma_wait3A_159 = arith.constant 0 : i32
      %dma_wait3A_160 = tpu.memref_slice %arg2[%dma_wait3A_158, %dma_wait3A_159] : memref<10240x16xf32, #tpu.memory_space<hbm>> -> memref<10240x16xf32, #tpu.memory_space<hbm>>
      tpu.wait_indirect_dma semaphore(%arg21 : memref<!tpu.dma_semaphore, #tpu.memory_space<semaphore_mem>>) src(%dma_wait3A_160 : memref<10240x16xf32, #tpu.memory_space<hbm>>) dst(%arg12 : memref<128x16xf32, #tpu.memory_space<vmem>>)
      "tpu.region"() ({
        %run_scoped3A_228 = tpu.sem_alloc : memref<!tpu.dma_semaphore, #tpu.memory_space<semaphore_mem>>
        %dma_start3A_229 = arith.constant 0 : i32
        %dma_start3A_230 = tpu.memref_slice %arg8[%add3A_154, %dma_start3A_229] : memref<157x128xi32, #tpu.memory_space<vmem>> -> memref<1x128xi32, #tpu.memory_space<vmem>>
        %dma_start3A_231 = tpu.memref_squeeze %dma_start3A_230 : memref<1x128xi32, #tpu.memory_space<vmem>> -> memref<128xi32, #tpu.memory_space<vmem>>
        %dma_start3A_232 = arith.constant 0 : i32
        %dma_start3A_233 = arith.constant 0 : i32
        %dma_start3A_234 = tpu.memref_slice %arg17[%dma_start3A_232, %dma_start3A_233] : memref<10240x16xf32, #tpu.memory_space<vmem_shared>> -> memref<10240x16xf32, #tpu.memory_space<vmem_shared>>
        tpu.enqueue_indirect_dma source(%arg12 : memref<128x16xf32, #tpu.memory_space<vmem>>) target(%dma_start3A_234 : memref<10240x16xf32, #tpu.memory_space<vmem_shared>>) offsets(%dma_start3A_231 : memref<128xi32, #tpu.memory_space<vmem>>) semaphore(%run_scoped3A_228 : memref<!tpu.dma_semaphore, #tpu.memory_space<semaphore_mem>>) {add = true}
        %dma_wait3A_235 = arith.constant 0 : i32
        %dma_wait3A_236 = tpu.memref_slice %arg8[%add3A_154, %dma_wait3A_235] : memref<157x128xi32, #tpu.memory_space<vmem>> -> memref<1x128xi32, #tpu.memory_space<vmem>>
        %dma_wait3A_237 = tpu.memref_squeeze %dma_wait3A_236 : memref<1x128xi32, #tpu.memory_space<vmem>> -> memref<128xi32, #tpu.memory_space<vmem>>
        %dma_wait3A_238 = arith.constant 0 : i32
        %dma_wait3A_239 = arith.constant 0 : i32
        %dma_wait3A_240 = tpu.memref_slice %arg17[%dma_wait3A_238, %dma_wait3A_239] : memref<10240x16xf32, #tpu.memory_space<vmem_shared>> -> memref<10240x16xf32, #tpu.memory_space<vmem_shared>>
        tpu.wait_indirect_dma semaphore(%run_scoped3A_228 : memref<!tpu.dma_semaphore, #tpu.memory_space<semaphore_mem>>) src(%arg12 : memref<128x16xf32, #tpu.memory_space<vmem>>) dst(%dma_wait3A_240 : memref<10240x16xf32, #tpu.memory_space<vmem_shared>>)
        tpu.yield
      }) : () -> ()
      %add3A_161 = arith.constant 8 : i32
      %add3A_162 = arith.addi %add3A_154, %add3A_161 : i32
      %lt3A_163 = arith.constant 157 : i32
      %lt3A_164 = arith.cmpi slt, %add3A_162, %lt3A_163 : i32
      %convert_element_type3A_165 = arith.extui %lt3A_164 : i1 to i32
      %cond3A_166 = arith.constant 0 : i32
      %cond3A_167 = arith.cmpi ne, %convert_element_type3A_165, %cond3A_166 : i32
      scf.if %cond3A_167 {
        %add3A_228 = arith.constant 8 : i32
        %add3A_229 = arith.addi %add3A_154, %add3A_228 : i32
        %dma_start3A_230 = arith.constant 0 : i32
        %dma_start3A_231 = tpu.memref_slice %arg7[%add3A_229, %dma_start3A_230] : memref<157x128xi32, #tpu.memory_space<vmem>> -> memref<1x128xi32, #tpu.memory_space<vmem>>
        %dma_start3A_232 = tpu.memref_squeeze %dma_start3A_231 : memref<1x128xi32, #tpu.memory_space<vmem>> -> memref<128xi32, #tpu.memory_space<vmem>>
        %dma_start3A_233 = arith.constant 0 : i32
        %dma_start3A_234 = arith.constant 0 : i32
        %dma_start3A_235 = tpu.memref_slice %arg2[%dma_start3A_233, %dma_start3A_234] : memref<10240x16xf32, #tpu.memory_space<hbm>> -> memref<10240x16xf32, #tpu.memory_space<hbm>>
        tpu.enqueue_indirect_dma source(%dma_start3A_235 : memref<10240x16xf32, #tpu.memory_space<hbm>>) target(%arg12 : memref<128x16xf32, #tpu.memory_space<vmem>>) offsets(%dma_start3A_232 : memref<128xi32, #tpu.memory_space<vmem>>) semaphore(%arg21 : memref<!tpu.dma_semaphore, #tpu.memory_space<semaphore_mem>>)
      } else {
      }
      %add3A_168 = arith.constant 4 : i32
      %add3A_169 = arith.addi %mul3A_110, %add3A_168 : i32
      %dma_wait3A_170 = arith.constant 0 : i32
      %dma_wait3A_171 = tpu.memref_slice %arg7[%add3A_169, %dma_wait3A_170] : memref<157x128xi32, #tpu.memory_space<vmem>> -> memref<1x128xi32, #tpu.memory_space<vmem>>
      %dma_wait3A_172 = tpu.memref_squeeze %dma_wait3A_171 : memref<1x128xi32, #tpu.memory_space<vmem>> -> memref<128xi32, #tpu.memory_space<vmem>>
      %dma_wait3A_173 = arith.constant 0 : i32
      %dma_wait3A_174 = arith.constant 0 : i32
      %dma_wait3A_175 = tpu.memref_slice %arg2[%dma_wait3A_173, %dma_wait3A_174] : memref<10240x16xf32, #tpu.memory_space<hbm>> -> memref<10240x16xf32, #tpu.memory_space<hbm>>
      tpu.wait_indirect_dma semaphore(%arg22 : memref<!tpu.dma_semaphore, #tpu.memory_space<semaphore_mem>>) src(%dma_wait3A_175 : memref<10240x16xf32, #tpu.memory_space<hbm>>) dst(%arg13 : memref<128x16xf32, #tpu.memory_space<vmem>>)
      "tpu.region"() ({
        %run_scoped3A_228 = tpu.sem_alloc : memref<!tpu.dma_semaphore, #tpu.memory_space<semaphore_mem>>
        %dma_start3A_229 = arith.constant 0 : i32
        %dma_start3A_230 = tpu.memref_slice %arg8[%add3A_169, %dma_start3A_229] : memref<157x128xi32, #tpu.memory_space<vmem>> -> memref<1x128xi32, #tpu.memory_space<vmem>>
        %dma_start3A_231 = tpu.memref_squeeze %dma_start3A_230 : memref<1x128xi32, #tpu.memory_space<vmem>> -> memref<128xi32, #tpu.memory_space<vmem>>
        %dma_start3A_232 = arith.constant 0 : i32
        %dma_start3A_233 = arith.constant 0 : i32
        %dma_start3A_234 = tpu.memref_slice %arg17[%dma_start3A_232, %dma_start3A_233] : memref<10240x16xf32, #tpu.memory_space<vmem_shared>> -> memref<10240x16xf32, #tpu.memory_space<vmem_shared>>
        tpu.enqueue_indirect_dma source(%arg13 : memref<128x16xf32, #tpu.memory_space<vmem>>) target(%dma_start3A_234 : memref<10240x16xf32, #tpu.memory_space<vmem_shared>>) offsets(%dma_start3A_231 : memref<128xi32, #tpu.memory_space<vmem>>) semaphore(%run_scoped3A_228 : memref<!tpu.dma_semaphore, #tpu.memory_space<semaphore_mem>>) {add = true}
        %dma_wait3A_235 = arith.constant 0 : i32
        %dma_wait3A_236 = tpu.memref_slice %arg8[%add3A_169, %dma_wait3A_235] : memref<157x128xi32, #tpu.memory_space<vmem>> -> memref<1x128xi32, #tpu.memory_space<vmem>>
        %dma_wait3A_237 = tpu.memref_squeeze %dma_wait3A_236 : memref<1x128xi32, #tpu.memory_space<vmem>> -> memref<128xi32, #tpu.memory_space<vmem>>
        %dma_wait3A_238 = arith.constant 0 : i32
        %dma_wait3A_239 = arith.constant 0 : i32
        %dma_wait3A_240 = tpu.memref_slice %arg17[%dma_wait3A_238, %dma_wait3A_239] : memref<10240x16xf32, #tpu.memory_space<vmem_shared>> -> memref<10240x16xf32, #tpu.memory_space<vmem_shared>>
        tpu.wait_indirect_dma semaphore(%run_scoped3A_228 : memref<!tpu.dma_semaphore, #tpu.memory_space<semaphore_mem>>) src(%arg13 : memref<128x16xf32, #tpu.memory_space<vmem>>) dst(%dma_wait3A_240 : memref<10240x16xf32, #tpu.memory_space<vmem_shared>>)
        tpu.yield
      }) : () -> ()
      %add3A_176 = arith.constant 8 : i32
      %add3A_177 = arith.addi %add3A_169, %add3A_176 : i32
      %lt3A_178 = arith.constant 157 : i32
      %lt3A_179 = arith.cmpi slt, %add3A_177, %lt3A_178 : i32
      %convert_element_type3A_180 = arith.extui %lt3A_179 : i1 to i32
      %cond3A_181 = arith.constant 0 : i32
      %cond3A_182 = arith.cmpi ne, %convert_element_type3A_180, %cond3A_181 : i32
      scf.if %cond3A_182 {
        %add3A_228 = arith.constant 8 : i32
        %add3A_229 = arith.addi %add3A_169, %add3A_228 : i32
        %dma_start3A_230 = arith.constant 0 : i32
        %dma_start3A_231 = tpu.memref_slice %arg7[%add3A_229, %dma_start3A_230] : memref<157x128xi32, #tpu.memory_space<vmem>> -> memref<1x128xi32, #tpu.memory_space<vmem>>
        %dma_start3A_232 = tpu.memref_squeeze %dma_start3A_231 : memref<1x128xi32, #tpu.memory_space<vmem>> -> memref<128xi32, #tpu.memory_space<vmem>>
        %dma_start3A_233 = arith.constant 0 : i32
        %dma_start3A_234 = arith.constant 0 : i32
        %dma_start3A_235 = tpu.memref_slice %arg2[%dma_start3A_233, %dma_start3A_234] : memref<10240x16xf32, #tpu.memory_space<hbm>> -> memref<10240x16xf32, #tpu.memory_space<hbm>>
        tpu.enqueue_indirect_dma source(%dma_start3A_235 : memref<10240x16xf32, #tpu.memory_space<hbm>>) target(%arg13 : memref<128x16xf32, #tpu.memory_space<vmem>>) offsets(%dma_start3A_232 : memref<128xi32, #tpu.memory_space<vmem>>) semaphore(%arg22 : memref<!tpu.dma_semaphore, #tpu.memory_space<semaphore_mem>>)
      } else {
      }
      %add3A_183 = arith.constant 5 : i32
      %add3A_184 = arith.addi %mul3A_110, %add3A_183 : i32
      %dma_wait3A_185 = arith.constant 0 : i32
      %dma_wait3A_186 = tpu.memref_slice %arg7[%add3A_184, %dma_wait3A_185] : memref<157x128xi32, #tpu.memory_space<vmem>> -> memref<1x128xi32, #tpu.memory_space<vmem>>
      %dma_wait3A_187 = tpu.memref_squeeze %dma_wait3A_186 : memref<1x128xi32, #tpu.memory_space<vmem>> -> memref<128xi32, #tpu.memory_space<vmem>>
      %dma_wait3A_188 = arith.constant 0 : i32
      %dma_wait3A_189 = arith.constant 0 : i32
      %dma_wait3A_190 = tpu.memref_slice %arg2[%dma_wait3A_188, %dma_wait3A_189] : memref<10240x16xf32, #tpu.memory_space<hbm>> -> memref<10240x16xf32, #tpu.memory_space<hbm>>
      tpu.wait_indirect_dma semaphore(%arg23 : memref<!tpu.dma_semaphore, #tpu.memory_space<semaphore_mem>>) src(%dma_wait3A_190 : memref<10240x16xf32, #tpu.memory_space<hbm>>) dst(%arg14 : memref<128x16xf32, #tpu.memory_space<vmem>>)
      "tpu.region"() ({
        %run_scoped3A_228 = tpu.sem_alloc : memref<!tpu.dma_semaphore, #tpu.memory_space<semaphore_mem>>
        %dma_start3A_229 = arith.constant 0 : i32
        %dma_start3A_230 = tpu.memref_slice %arg8[%add3A_184, %dma_start3A_229] : memref<157x128xi32, #tpu.memory_space<vmem>> -> memref<1x128xi32, #tpu.memory_space<vmem>>
        %dma_start3A_231 = tpu.memref_squeeze %dma_start3A_230 : memref<1x128xi32, #tpu.memory_space<vmem>> -> memref<128xi32, #tpu.memory_space<vmem>>
        %dma_start3A_232 = arith.constant 0 : i32
        %dma_start3A_233 = arith.constant 0 : i32
        %dma_start3A_234 = tpu.memref_slice %arg17[%dma_start3A_232, %dma_start3A_233] : memref<10240x16xf32, #tpu.memory_space<vmem_shared>> -> memref<10240x16xf32, #tpu.memory_space<vmem_shared>>
        tpu.enqueue_indirect_dma source(%arg14 : memref<128x16xf32, #tpu.memory_space<vmem>>) target(%dma_start3A_234 : memref<10240x16xf32, #tpu.memory_space<vmem_shared>>) offsets(%dma_start3A_231 : memref<128xi32, #tpu.memory_space<vmem>>) semaphore(%run_scoped3A_228 : memref<!tpu.dma_semaphore, #tpu.memory_space<semaphore_mem>>) {add = true}
        %dma_wait3A_235 = arith.constant 0 : i32
        %dma_wait3A_236 = tpu.memref_slice %arg8[%add3A_184, %dma_wait3A_235] : memref<157x128xi32, #tpu.memory_space<vmem>> -> memref<1x128xi32, #tpu.memory_space<vmem>>
        %dma_wait3A_237 = tpu.memref_squeeze %dma_wait3A_236 : memref<1x128xi32, #tpu.memory_space<vmem>> -> memref<128xi32, #tpu.memory_space<vmem>>
        %dma_wait3A_238 = arith.constant 0 : i32
        %dma_wait3A_239 = arith.constant 0 : i32
        %dma_wait3A_240 = tpu.memref_slice %arg17[%dma_wait3A_238, %dma_wait3A_239] : memref<10240x16xf32, #tpu.memory_space<vmem_shared>> -> memref<10240x16xf32, #tpu.memory_space<vmem_shared>>
        tpu.wait_indirect_dma semaphore(%run_scoped3A_228 : memref<!tpu.dma_semaphore, #tpu.memory_space<semaphore_mem>>) src(%arg14 : memref<128x16xf32, #tpu.memory_space<vmem>>) dst(%dma_wait3A_240 : memref<10240x16xf32, #tpu.memory_space<vmem_shared>>)
        tpu.yield
      }) : () -> ()
      %add3A_191 = arith.constant 8 : i32
      %add3A_192 = arith.addi %add3A_184, %add3A_191 : i32
      %lt3A_193 = arith.constant 157 : i32
      %lt3A_194 = arith.cmpi slt, %add3A_192, %lt3A_193 : i32
      %convert_element_type3A_195 = arith.extui %lt3A_194 : i1 to i32
      %cond3A_196 = arith.constant 0 : i32
      %cond3A_197 = arith.cmpi ne, %convert_element_type3A_195, %cond3A_196 : i32
      scf.if %cond3A_197 {
        %add3A_228 = arith.constant 8 : i32
        %add3A_229 = arith.addi %add3A_184, %add3A_228 : i32
        %dma_start3A_230 = arith.constant 0 : i32
        %dma_start3A_231 = tpu.memref_slice %arg7[%add3A_229, %dma_start3A_230] : memref<157x128xi32, #tpu.memory_space<vmem>> -> memref<1x128xi32, #tpu.memory_space<vmem>>
        %dma_start3A_232 = tpu.memref_squeeze %dma_start3A_231 : memref<1x128xi32, #tpu.memory_space<vmem>> -> memref<128xi32, #tpu.memory_space<vmem>>
        %dma_start3A_233 = arith.constant 0 : i32
        %dma_start3A_234 = arith.constant 0 : i32
        %dma_start3A_235 = tpu.memref_slice %arg2[%dma_start3A_233, %dma_start3A_234] : memref<10240x16xf32, #tpu.memory_space<hbm>> -> memref<10240x16xf32, #tpu.memory_space<hbm>>
        tpu.enqueue_indirect_dma source(%dma_start3A_235 : memref<10240x16xf32, #tpu.memory_space<hbm>>) target(%arg14 : memref<128x16xf32, #tpu.memory_space<vmem>>) offsets(%dma_start3A_232 : memref<128xi32, #tpu.memory_space<vmem>>) semaphore(%arg23 : memref<!tpu.dma_semaphore, #tpu.memory_space<semaphore_mem>>)
      } else {
      }
      %add3A_198 = arith.constant 6 : i32
      %add3A_199 = arith.addi %mul3A_110, %add3A_198 : i32
      %dma_wait3A_200 = arith.constant 0 : i32
      %dma_wait3A_201 = tpu.memref_slice %arg7[%add3A_199, %dma_wait3A_200] : memref<157x128xi32, #tpu.memory_space<vmem>> -> memref<1x128xi32, #tpu.memory_space<vmem>>
      %dma_wait3A_202 = tpu.memref_squeeze %dma_wait3A_201 : memref<1x128xi32, #tpu.memory_space<vmem>> -> memref<128xi32, #tpu.memory_space<vmem>>
      %dma_wait3A_203 = arith.constant 0 : i32
      %dma_wait3A_204 = arith.constant 0 : i32
      %dma_wait3A_205 = tpu.memref_slice %arg2[%dma_wait3A_203, %dma_wait3A_204] : memref<10240x16xf32, #tpu.memory_space<hbm>> -> memref<10240x16xf32, #tpu.memory_space<hbm>>
      tpu.wait_indirect_dma semaphore(%arg24 : memref<!tpu.dma_semaphore, #tpu.memory_space<semaphore_mem>>) src(%dma_wait3A_205 : memref<10240x16xf32, #tpu.memory_space<hbm>>) dst(%arg15 : memref<128x16xf32, #tpu.memory_space<vmem>>)
      "tpu.region"() ({
        %run_scoped3A_228 = tpu.sem_alloc : memref<!tpu.dma_semaphore, #tpu.memory_space<semaphore_mem>>
        %dma_start3A_229 = arith.constant 0 : i32
        %dma_start3A_230 = tpu.memref_slice %arg8[%add3A_199, %dma_start3A_229] : memref<157x128xi32, #tpu.memory_space<vmem>> -> memref<1x128xi32, #tpu.memory_space<vmem>>
        %dma_start3A_231 = tpu.memref_squeeze %dma_start3A_230 : memref<1x128xi32, #tpu.memory_space<vmem>> -> memref<128xi32, #tpu.memory_space<vmem>>
        %dma_start3A_232 = arith.constant 0 : i32
        %dma_start3A_233 = arith.constant 0 : i32
        %dma_start3A_234 = tpu.memref_slice %arg17[%dma_start3A_232, %dma_start3A_233] : memref<10240x16xf32, #tpu.memory_space<vmem_shared>> -> memref<10240x16xf32, #tpu.memory_space<vmem_shared>>
        tpu.enqueue_indirect_dma source(%arg15 : memref<128x16xf32, #tpu.memory_space<vmem>>) target(%dma_start3A_234 : memref<10240x16xf32, #tpu.memory_space<vmem_shared>>) offsets(%dma_start3A_231 : memref<128xi32, #tpu.memory_space<vmem>>) semaphore(%run_scoped3A_228 : memref<!tpu.dma_semaphore, #tpu.memory_space<semaphore_mem>>) {add = true}
        %dma_wait3A_235 = arith.constant 0 : i32
        %dma_wait3A_236 = tpu.memref_slice %arg8[%add3A_199, %dma_wait3A_235] : memref<157x128xi32, #tpu.memory_space<vmem>> -> memref<1x128xi32, #tpu.memory_space<vmem>>
        %dma_wait3A_237 = tpu.memref_squeeze %dma_wait3A_236 : memref<1x128xi32, #tpu.memory_space<vmem>> -> memref<128xi32, #tpu.memory_space<vmem>>
        %dma_wait3A_238 = arith.constant 0 : i32
        %dma_wait3A_239 = arith.constant 0 : i32
        %dma_wait3A_240 = tpu.memref_slice %arg17[%dma_wait3A_238, %dma_wait3A_239] : memref<10240x16xf32, #tpu.memory_space<vmem_shared>> -> memref<10240x16xf32, #tpu.memory_space<vmem_shared>>
        tpu.wait_indirect_dma semaphore(%run_scoped3A_228 : memref<!tpu.dma_semaphore, #tpu.memory_space<semaphore_mem>>) src(%arg15 : memref<128x16xf32, #tpu.memory_space<vmem>>) dst(%dma_wait3A_240 : memref<10240x16xf32, #tpu.memory_space<vmem_shared>>)
        tpu.yield
      }) : () -> ()
      %add3A_206 = arith.constant 8 : i32
      %add3A_207 = arith.addi %add3A_199, %add3A_206 : i32
      %lt3A_208 = arith.constant 157 : i32
      %lt3A_209 = arith.cmpi slt, %add3A_207, %lt3A_208 : i32
      %convert_element_type3A_210 = arith.extui %lt3A_209 : i1 to i32
      %cond3A_211 = arith.constant 0 : i32
      %cond3A_212 = arith.cmpi ne, %convert_element_type3A_210, %cond3A_211 : i32
      scf.if %cond3A_212 {
        %add3A_228 = arith.constant 8 : i32
        %add3A_229 = arith.addi %add3A_199, %add3A_228 : i32
        %dma_start3A_230 = arith.constant 0 : i32
        %dma_start3A_231 = tpu.memref_slice %arg7[%add3A_229, %dma_start3A_230] : memref<157x128xi32, #tpu.memory_space<vmem>> -> memref<1x128xi32, #tpu.memory_space<vmem>>
        %dma_start3A_232 = tpu.memref_squeeze %dma_start3A_231 : memref<1x128xi32, #tpu.memory_space<vmem>> -> memref<128xi32, #tpu.memory_space<vmem>>
        %dma_start3A_233 = arith.constant 0 : i32
        %dma_start3A_234 = arith.constant 0 : i32
        %dma_start3A_235 = tpu.memref_slice %arg2[%dma_start3A_233, %dma_start3A_234] : memref<10240x16xf32, #tpu.memory_space<hbm>> -> memref<10240x16xf32, #tpu.memory_space<hbm>>
        tpu.enqueue_indirect_dma source(%dma_start3A_235 : memref<10240x16xf32, #tpu.memory_space<hbm>>) target(%arg15 : memref<128x16xf32, #tpu.memory_space<vmem>>) offsets(%dma_start3A_232 : memref<128xi32, #tpu.memory_space<vmem>>) semaphore(%arg24 : memref<!tpu.dma_semaphore, #tpu.memory_space<semaphore_mem>>)
      } else {
      }
      %add3A_213 = arith.constant 7 : i32
      %add3A_214 = arith.addi %mul3A_110, %add3A_213 : i32
      %dma_wait3A_215 = arith.constant 0 : i32
      %dma_wait3A_216 = tpu.memref_slice %arg7[%add3A_214, %dma_wait3A_215] : memref<157x128xi32, #tpu.memory_space<vmem>> -> memref<1x128xi32, #tpu.memory_space<vmem>>
      %dma_wait3A_217 = tpu.memref_squeeze %dma_wait3A_216 : memref<1x128xi32, #tpu.memory_space<vmem>> -> memref<128xi32, #tpu.memory_space<vmem>>
      %dma_wait3A_218 = arith.constant 0 : i32
      %dma_wait3A_219 = arith.constant 0 : i32
      %dma_wait3A_220 = tpu.memref_slice %arg2[%dma_wait3A_218, %dma_wait3A_219] : memref<10240x16xf32, #tpu.memory_space<hbm>> -> memref<10240x16xf32, #tpu.memory_space<hbm>>
      tpu.wait_indirect_dma semaphore(%arg25 : memref<!tpu.dma_semaphore, #tpu.memory_space<semaphore_mem>>) src(%dma_wait3A_220 : memref<10240x16xf32, #tpu.memory_space<hbm>>) dst(%arg16 : memref<128x16xf32, #tpu.memory_space<vmem>>)
      "tpu.region"() ({
        %run_scoped3A_228 = tpu.sem_alloc : memref<!tpu.dma_semaphore, #tpu.memory_space<semaphore_mem>>
        %dma_start3A_229 = arith.constant 0 : i32
        %dma_start3A_230 = tpu.memref_slice %arg8[%add3A_214, %dma_start3A_229] : memref<157x128xi32, #tpu.memory_space<vmem>> -> memref<1x128xi32, #tpu.memory_space<vmem>>
        %dma_start3A_231 = tpu.memref_squeeze %dma_start3A_230 : memref<1x128xi32, #tpu.memory_space<vmem>> -> memref<128xi32, #tpu.memory_space<vmem>>
        %dma_start3A_232 = arith.constant 0 : i32
        %dma_start3A_233 = arith.constant 0 : i32
        %dma_start3A_234 = tpu.memref_slice %arg17[%dma_start3A_232, %dma_start3A_233] : memref<10240x16xf32, #tpu.memory_space<vmem_shared>> -> memref<10240x16xf32, #tpu.memory_space<vmem_shared>>
        tpu.enqueue_indirect_dma source(%arg16 : memref<128x16xf32, #tpu.memory_space<vmem>>) target(%dma_start3A_234 : memref<10240x16xf32, #tpu.memory_space<vmem_shared>>) offsets(%dma_start3A_231 : memref<128xi32, #tpu.memory_space<vmem>>) semaphore(%run_scoped3A_228 : memref<!tpu.dma_semaphore, #tpu.memory_space<semaphore_mem>>) {add = true}
        %dma_wait3A_235 = arith.constant 0 : i32
        %dma_wait3A_236 = tpu.memref_slice %arg8[%add3A_214, %dma_wait3A_235] : memref<157x128xi32, #tpu.memory_space<vmem>> -> memref<1x128xi32, #tpu.memory_space<vmem>>
        %dma_wait3A_237 = tpu.memref_squeeze %dma_wait3A_236 : memref<1x128xi32, #tpu.memory_space<vmem>> -> memref<128xi32, #tpu.memory_space<vmem>>
        %dma_wait3A_238 = arith.constant 0 : i32
        %dma_wait3A_239 = arith.constant 0 : i32
        %dma_wait3A_240 = tpu.memref_slice %arg17[%dma_wait3A_238, %dma_wait3A_239] : memref<10240x16xf32, #tpu.memory_space<vmem_shared>> -> memref<10240x16xf32, #tpu.memory_space<vmem_shared>>
        tpu.wait_indirect_dma semaphore(%run_scoped3A_228 : memref<!tpu.dma_semaphore, #tpu.memory_space<semaphore_mem>>) src(%arg16 : memref<128x16xf32, #tpu.memory_space<vmem>>) dst(%dma_wait3A_240 : memref<10240x16xf32, #tpu.memory_space<vmem_shared>>)
        tpu.yield
      }) : () -> ()
      %add3A_221 = arith.constant 8 : i32
      %add3A_222 = arith.addi %add3A_214, %add3A_221 : i32
      %lt3A_223 = arith.constant 157 : i32
      %lt3A_224 = arith.cmpi slt, %add3A_222, %lt3A_223 : i32
      %convert_element_type3A_225 = arith.extui %lt3A_224 : i1 to i32
      %cond3A_226 = arith.constant 0 : i32
      %cond3A_227 = arith.cmpi ne, %convert_element_type3A_225, %cond3A_226 : i32
      scf.if %cond3A_227 {
        %add3A_228 = arith.constant 8 : i32
        %add3A_229 = arith.addi %add3A_214, %add3A_228 : i32
        %dma_start3A_230 = arith.constant 0 : i32
        %dma_start3A_231 = tpu.memref_slice %arg7[%add3A_229, %dma_start3A_230] : memref<157x128xi32, #tpu.memory_space<vmem>> -> memref<1x128xi32, #tpu.memory_space<vmem>>
        %dma_start3A_232 = tpu.memref_squeeze %dma_start3A_231 : memref<1x128xi32, #tpu.memory_space<vmem>> -> memref<128xi32, #tpu.memory_space<vmem>>
        %dma_start3A_233 = arith.constant 0 : i32
        %dma_start3A_234 = arith.constant 0 : i32
        %dma_start3A_235 = tpu.memref_slice %arg2[%dma_start3A_233, %dma_start3A_234] : memref<10240x16xf32, #tpu.memory_space<hbm>> -> memref<10240x16xf32, #tpu.memory_space<hbm>>
        tpu.enqueue_indirect_dma source(%dma_start3A_235 : memref<10240x16xf32, #tpu.memory_space<hbm>>) target(%arg16 : memref<128x16xf32, #tpu.memory_space<vmem>>) offsets(%dma_start3A_232 : memref<128xi32, #tpu.memory_space<vmem>>) semaphore(%arg25 : memref<!tpu.dma_semaphore, #tpu.memory_space<semaphore_mem>>)
      } else {
      }
    }
    %scan3A_64 = arith.constant 19 : i32
    %dma_wait3A = arith.constant 152 : i32
    %dma_wait3A_65 = arith.constant 0 : i32
    %dma_wait3A_66 = tpu.memref_slice %arg7[%dma_wait3A, %dma_wait3A_65] : memref<157x128xi32, #tpu.memory_space<vmem>> -> memref<1x128xi32, #tpu.memory_space<vmem>>
    %dma_wait3A_67 = tpu.memref_squeeze %dma_wait3A_66 : memref<1x128xi32, #tpu.memory_space<vmem>> -> memref<128xi32, #tpu.memory_space<vmem>>
    %dma_wait3A_68 = arith.constant 0 : i32
    %dma_wait3A_69 = arith.constant 0 : i32
    %dma_wait3A_70 = tpu.memref_slice %arg2[%dma_wait3A_68, %dma_wait3A_69] : memref<10240x16xf32, #tpu.memory_space<hbm>> -> memref<10240x16xf32, #tpu.memory_space<hbm>>
    tpu.wait_indirect_dma semaphore(%arg18 : memref<!tpu.dma_semaphore, #tpu.memory_space<semaphore_mem>>) src(%dma_wait3A_70 : memref<10240x16xf32, #tpu.memory_space<hbm>>) dst(%arg9 : memref<128x16xf32, #tpu.memory_space<vmem>>)
    %run_scoped3A = arith.constant 152 : i32
    "tpu.region"() ({
      %run_scoped3A_108 = tpu.sem_alloc : memref<!tpu.dma_semaphore, #tpu.memory_space<semaphore_mem>>
      %dma_start3A_109 = arith.constant 0 : i32
      %dma_start3A_110 = tpu.memref_slice %arg8[%run_scoped3A, %dma_start3A_109] : memref<157x128xi32, #tpu.memory_space<vmem>> -> memref<1x128xi32, #tpu.memory_space<vmem>>
      %dma_start3A_111 = tpu.memref_squeeze %dma_start3A_110 : memref<1x128xi32, #tpu.memory_space<vmem>> -> memref<128xi32, #tpu.memory_space<vmem>>
      %dma_start3A_112 = arith.constant 0 : i32
      %dma_start3A_113 = arith.constant 0 : i32
      %dma_start3A_114 = tpu.memref_slice %arg17[%dma_start3A_112, %dma_start3A_113] : memref<10240x16xf32, #tpu.memory_space<vmem_shared>> -> memref<10240x16xf32, #tpu.memory_space<vmem_shared>>
      tpu.enqueue_indirect_dma source(%arg9 : memref<128x16xf32, #tpu.memory_space<vmem>>) target(%dma_start3A_114 : memref<10240x16xf32, #tpu.memory_space<vmem_shared>>) offsets(%dma_start3A_111 : memref<128xi32, #tpu.memory_space<vmem>>) semaphore(%run_scoped3A_108 : memref<!tpu.dma_semaphore, #tpu.memory_space<semaphore_mem>>) {add = true}
      %dma_wait3A_115 = arith.constant 0 : i32
      %dma_wait3A_116 = tpu.memref_slice %arg8[%run_scoped3A, %dma_wait3A_115] : memref<157x128xi32, #tpu.memory_space<vmem>> -> memref<1x128xi32, #tpu.memory_space<vmem>>
      %dma_wait3A_117 = tpu.memref_squeeze %dma_wait3A_116 : memref<1x128xi32, #tpu.memory_space<vmem>> -> memref<128xi32, #tpu.memory_space<vmem>>
      %dma_wait3A_118 = arith.constant 0 : i32
      %dma_wait3A_119 = arith.constant 0 : i32
      %dma_wait3A_120 = tpu.memref_slice %arg17[%dma_wait3A_118, %dma_wait3A_119] : memref<10240x16xf32, #tpu.memory_space<vmem_shared>> -> memref<10240x16xf32, #tpu.memory_space<vmem_shared>>
      tpu.wait_indirect_dma semaphore(%run_scoped3A_108 : memref<!tpu.dma_semaphore, #tpu.memory_space<semaphore_mem>>) src(%arg9 : memref<128x16xf32, #tpu.memory_space<vmem>>) dst(%dma_wait3A_120 : memref<10240x16xf32, #tpu.memory_space<vmem_shared>>)
      tpu.yield
    }) : () -> ()
    %dma_wait3A_71 = arith.constant 153 : i32
    %dma_wait3A_72 = arith.constant 0 : i32
    %dma_wait3A_73 = tpu.memref_slice %arg7[%dma_wait3A_71, %dma_wait3A_72] : memref<157x128xi32, #tpu.memory_space<vmem>> -> memref<1x128xi32, #tpu.memory_space<vmem>>
    %dma_wait3A_74 = tpu.memref_squeeze %dma_wait3A_73 : memref<1x128xi32, #tpu.memory_space<vmem>> -> memref<128xi32, #tpu.memory_space<vmem>>
    %dma_wait3A_75 = arith.constant 0 : i32
    %dma_wait3A_76 = arith.constant 0 : i32
    %dma_wait3A_77 = tpu.memref_slice %arg2[%dma_wait3A_75, %dma_wait3A_76] : memref<10240x16xf32, #tpu.memory_space<hbm>> -> memref<10240x16xf32, #tpu.memory_space<hbm>>
    tpu.wait_indirect_dma semaphore(%arg19 : memref<!tpu.dma_semaphore, #tpu.memory_space<semaphore_mem>>) src(%dma_wait3A_77 : memref<10240x16xf32, #tpu.memory_space<hbm>>) dst(%arg10 : memref<128x16xf32, #tpu.memory_space<vmem>>)
    %run_scoped3A_78 = arith.constant 153 : i32
    "tpu.region"() ({
      %run_scoped3A_108 = tpu.sem_alloc : memref<!tpu.dma_semaphore, #tpu.memory_space<semaphore_mem>>
      %dma_start3A_109 = arith.constant 0 : i32
      %dma_start3A_110 = tpu.memref_slice %arg8[%run_scoped3A_78, %dma_start3A_109] : memref<157x128xi32, #tpu.memory_space<vmem>> -> memref<1x128xi32, #tpu.memory_space<vmem>>
      %dma_start3A_111 = tpu.memref_squeeze %dma_start3A_110 : memref<1x128xi32, #tpu.memory_space<vmem>> -> memref<128xi32, #tpu.memory_space<vmem>>
      %dma_start3A_112 = arith.constant 0 : i32
      %dma_start3A_113 = arith.constant 0 : i32
      %dma_start3A_114 = tpu.memref_slice %arg17[%dma_start3A_112, %dma_start3A_113] : memref<10240x16xf32, #tpu.memory_space<vmem_shared>> -> memref<10240x16xf32, #tpu.memory_space<vmem_shared>>
      tpu.enqueue_indirect_dma source(%arg10 : memref<128x16xf32, #tpu.memory_space<vmem>>) target(%dma_start3A_114 : memref<10240x16xf32, #tpu.memory_space<vmem_shared>>) offsets(%dma_start3A_111 : memref<128xi32, #tpu.memory_space<vmem>>) semaphore(%run_scoped3A_108 : memref<!tpu.dma_semaphore, #tpu.memory_space<semaphore_mem>>) {add = true}
      %dma_wait3A_115 = arith.constant 0 : i32
      %dma_wait3A_116 = tpu.memref_slice %arg8[%run_scoped3A_78, %dma_wait3A_115] : memref<157x128xi32, #tpu.memory_space<vmem>> -> memref<1x128xi32, #tpu.memory_space<vmem>>
      %dma_wait3A_117 = tpu.memref_squeeze %dma_wait3A_116 : memref<1x128xi32, #tpu.memory_space<vmem>> -> memref<128xi32, #tpu.memory_space<vmem>>
      %dma_wait3A_118 = arith.constant 0 : i32
      %dma_wait3A_119 = arith.constant 0 : i32
      %dma_wait3A_120 = tpu.memref_slice %arg17[%dma_wait3A_118, %dma_wait3A_119] : memref<10240x16xf32, #tpu.memory_space<vmem_shared>> -> memref<10240x16xf32, #tpu.memory_space<vmem_shared>>
      tpu.wait_indirect_dma semaphore(%run_scoped3A_108 : memref<!tpu.dma_semaphore, #tpu.memory_space<semaphore_mem>>) src(%arg10 : memref<128x16xf32, #tpu.memory_space<vmem>>) dst(%dma_wait3A_120 : memref<10240x16xf32, #tpu.memory_space<vmem_shared>>)
      tpu.yield
    }) : () -> ()
    %dma_wait3A_79 = arith.constant 154 : i32
    %dma_wait3A_80 = arith.constant 0 : i32
    %dma_wait3A_81 = tpu.memref_slice %arg7[%dma_wait3A_79, %dma_wait3A_80] : memref<157x128xi32, #tpu.memory_space<vmem>> -> memref<1x128xi32, #tpu.memory_space<vmem>>
    %dma_wait3A_82 = tpu.memref_squeeze %dma_wait3A_81 : memref<1x128xi32, #tpu.memory_space<vmem>> -> memref<128xi32, #tpu.memory_space<vmem>>
    %dma_wait3A_83 = arith.constant 0 : i32
    %dma_wait3A_84 = arith.constant 0 : i32
    %dma_wait3A_85 = tpu.memref_slice %arg2[%dma_wait3A_83, %dma_wait3A_84] : memref<10240x16xf32, #tpu.memory_space<hbm>> -> memref<10240x16xf32, #tpu.memory_space<hbm>>
    tpu.wait_indirect_dma semaphore(%arg20 : memref<!tpu.dma_semaphore, #tpu.memory_space<semaphore_mem>>) src(%dma_wait3A_85 : memref<10240x16xf32, #tpu.memory_space<hbm>>) dst(%arg11 : memref<128x16xf32, #tpu.memory_space<vmem>>)
    %run_scoped3A_86 = arith.constant 154 : i32
    "tpu.region"() ({
      %run_scoped3A_108 = tpu.sem_alloc : memref<!tpu.dma_semaphore, #tpu.memory_space<semaphore_mem>>
      %dma_start3A_109 = arith.constant 0 : i32
      %dma_start3A_110 = tpu.memref_slice %arg8[%run_scoped3A_86, %dma_start3A_109] : memref<157x128xi32, #tpu.memory_space<vmem>> -> memref<1x128xi32, #tpu.memory_space<vmem>>
      %dma_start3A_111 = tpu.memref_squeeze %dma_start3A_110 : memref<1x128xi32, #tpu.memory_space<vmem>> -> memref<128xi32, #tpu.memory_space<vmem>>
      %dma_start3A_112 = arith.constant 0 : i32
      %dma_start3A_113 = arith.constant 0 : i32
      %dma_start3A_114 = tpu.memref_slice %arg17[%dma_start3A_112, %dma_start3A_113] : memref<10240x16xf32, #tpu.memory_space<vmem_shared>> -> memref<10240x16xf32, #tpu.memory_space<vmem_shared>>
      tpu.enqueue_indirect_dma source(%arg11 : memref<128x16xf32, #tpu.memory_space<vmem>>) target(%dma_start3A_114 : memref<10240x16xf32, #tpu.memory_space<vmem_shared>>) offsets(%dma_start3A_111 : memref<128xi32, #tpu.memory_space<vmem>>) semaphore(%run_scoped3A_108 : memref<!tpu.dma_semaphore, #tpu.memory_space<semaphore_mem>>) {add = true}
      %dma_wait3A_115 = arith.constant 0 : i32
      %dma_wait3A_116 = tpu.memref_slice %arg8[%run_scoped3A_86, %dma_wait3A_115] : memref<157x128xi32, #tpu.memory_space<vmem>> -> memref<1x128xi32, #tpu.memory_space<vmem>>
      %dma_wait3A_117 = tpu.memref_squeeze %dma_wait3A_116 : memref<1x128xi32, #tpu.memory_space<vmem>> -> memref<128xi32, #tpu.memory_space<vmem>>
      %dma_wait3A_118 = arith.constant 0 : i32
      %dma_wait3A_119 = arith.constant 0 : i32
      %dma_wait3A_120 = tpu.memref_slice %arg17[%dma_wait3A_118, %dma_wait3A_119] : memref<10240x16xf32, #tpu.memory_space<vmem_shared>> -> memref<10240x16xf32, #tpu.memory_space<vmem_shared>>
      tpu.wait_indirect_dma semaphore(%run_scoped3A_108 : memref<!tpu.dma_semaphore, #tpu.memory_space<semaphore_mem>>) src(%arg11 : memref<128x16xf32, #tpu.memory_space<vmem>>) dst(%dma_wait3A_120 : memref<10240x16xf32, #tpu.memory_space<vmem_shared>>)
      tpu.yield
    }) : () -> ()
    %dma_wait3A_87 = arith.constant 155 : i32
    %dma_wait3A_88 = arith.constant 0 : i32
    %dma_wait3A_89 = tpu.memref_slice %arg7[%dma_wait3A_87, %dma_wait3A_88] : memref<157x128xi32, #tpu.memory_space<vmem>> -> memref<1x128xi32, #tpu.memory_space<vmem>>
    %dma_wait3A_90 = tpu.memref_squeeze %dma_wait3A_89 : memref<1x128xi32, #tpu.memory_space<vmem>> -> memref<128xi32, #tpu.memory_space<vmem>>
    %dma_wait3A_91 = arith.constant 0 : i32
    %dma_wait3A_92 = arith.constant 0 : i32
    %dma_wait3A_93 = tpu.memref_slice %arg2[%dma_wait3A_91, %dma_wait3A_92] : memref<10240x16xf32, #tpu.memory_space<hbm>> -> memref<10240x16xf32, #tpu.memory_space<hbm>>
    tpu.wait_indirect_dma semaphore(%arg21 : memref<!tpu.dma_semaphore, #tpu.memory_space<semaphore_mem>>) src(%dma_wait3A_93 : memref<10240x16xf32, #tpu.memory_space<hbm>>) dst(%arg12 : memref<128x16xf32, #tpu.memory_space<vmem>>)
    %run_scoped3A_94 = arith.constant 155 : i32
    "tpu.region"() ({
      %run_scoped3A_108 = tpu.sem_alloc : memref<!tpu.dma_semaphore, #tpu.memory_space<semaphore_mem>>
      %dma_start3A_109 = arith.constant 0 : i32
      %dma_start3A_110 = tpu.memref_slice %arg8[%run_scoped3A_94, %dma_start3A_109] : memref<157x128xi32, #tpu.memory_space<vmem>> -> memref<1x128xi32, #tpu.memory_space<vmem>>
      %dma_start3A_111 = tpu.memref_squeeze %dma_start3A_110 : memref<1x128xi32, #tpu.memory_space<vmem>> -> memref<128xi32, #tpu.memory_space<vmem>>
      %dma_start3A_112 = arith.constant 0 : i32
      %dma_start3A_113 = arith.constant 0 : i32
      %dma_start3A_114 = tpu.memref_slice %arg17[%dma_start3A_112, %dma_start3A_113] : memref<10240x16xf32, #tpu.memory_space<vmem_shared>> -> memref<10240x16xf32, #tpu.memory_space<vmem_shared>>
      tpu.enqueue_indirect_dma source(%arg12 : memref<128x16xf32, #tpu.memory_space<vmem>>) target(%dma_start3A_114 : memref<10240x16xf32, #tpu.memory_space<vmem_shared>>) offsets(%dma_start3A_111 : memref<128xi32, #tpu.memory_space<vmem>>) semaphore(%run_scoped3A_108 : memref<!tpu.dma_semaphore, #tpu.memory_space<semaphore_mem>>) {add = true}
      %dma_wait3A_115 = arith.constant 0 : i32
      %dma_wait3A_116 = tpu.memref_slice %arg8[%run_scoped3A_94, %dma_wait3A_115] : memref<157x128xi32, #tpu.memory_space<vmem>> -> memref<1x128xi32, #tpu.memory_space<vmem>>
      %dma_wait3A_117 = tpu.memref_squeeze %dma_wait3A_116 : memref<1x128xi32, #tpu.memory_space<vmem>> -> memref<128xi32, #tpu.memory_space<vmem>>
      %dma_wait3A_118 = arith.constant 0 : i32
      %dma_wait3A_119 = arith.constant 0 : i32
      %dma_wait3A_120 = tpu.memref_slice %arg17[%dma_wait3A_118, %dma_wait3A_119] : memref<10240x16xf32, #tpu.memory_space<vmem_shared>> -> memref<10240x16xf32, #tpu.memory_space<vmem_shared>>
      tpu.wait_indirect_dma semaphore(%run_scoped3A_108 : memref<!tpu.dma_semaphore, #tpu.memory_space<semaphore_mem>>) src(%arg12 : memref<128x16xf32, #tpu.memory_space<vmem>>) dst(%dma_wait3A_120 : memref<10240x16xf32, #tpu.memory_space<vmem_shared>>)
      tpu.yield
    }) : () -> ()
    %dma_wait3A_95 = arith.constant 156 : i32
    %dma_wait3A_96 = arith.constant 0 : i32
    %dma_wait3A_97 = tpu.memref_slice %arg7[%dma_wait3A_95, %dma_wait3A_96] : memref<157x128xi32, #tpu.memory_space<vmem>> -> memref<1x128xi32, #tpu.memory_space<vmem>>
    %dma_wait3A_98 = tpu.memref_squeeze %dma_wait3A_97 : memref<1x128xi32, #tpu.memory_space<vmem>> -> memref<128xi32, #tpu.memory_space<vmem>>
    %dma_wait3A_99 = arith.constant 0 : i32
    %dma_wait3A_100 = arith.constant 0 : i32
    %dma_wait3A_101 = tpu.memref_slice %arg2[%dma_wait3A_99, %dma_wait3A_100] : memref<10240x16xf32, #tpu.memory_space<hbm>> -> memref<10240x16xf32, #tpu.memory_space<hbm>>
    tpu.wait_indirect_dma semaphore(%arg22 : memref<!tpu.dma_semaphore, #tpu.memory_space<semaphore_mem>>) src(%dma_wait3A_101 : memref<10240x16xf32, #tpu.memory_space<hbm>>) dst(%arg13 : memref<128x16xf32, #tpu.memory_space<vmem>>)
    %run_scoped3A_102 = arith.constant 156 : i32
    "tpu.region"() ({
      %run_scoped3A_108 = tpu.sem_alloc : memref<!tpu.dma_semaphore, #tpu.memory_space<semaphore_mem>>
      %dma_start3A_109 = arith.constant 0 : i32
      %dma_start3A_110 = tpu.memref_slice %arg8[%run_scoped3A_102, %dma_start3A_109] : memref<157x128xi32, #tpu.memory_space<vmem>> -> memref<1x128xi32, #tpu.memory_space<vmem>>
      %dma_start3A_111 = tpu.memref_squeeze %dma_start3A_110 : memref<1x128xi32, #tpu.memory_space<vmem>> -> memref<128xi32, #tpu.memory_space<vmem>>
      %dma_start3A_112 = arith.constant 0 : i32
      %dma_start3A_113 = arith.constant 0 : i32
      %dma_start3A_114 = tpu.memref_slice %arg17[%dma_start3A_112, %dma_start3A_113] : memref<10240x16xf32, #tpu.memory_space<vmem_shared>> -> memref<10240x16xf32, #tpu.memory_space<vmem_shared>>
      tpu.enqueue_indirect_dma source(%arg13 : memref<128x16xf32, #tpu.memory_space<vmem>>) target(%dma_start3A_114 : memref<10240x16xf32, #tpu.memory_space<vmem_shared>>) offsets(%dma_start3A_111 : memref<128xi32, #tpu.memory_space<vmem>>) semaphore(%run_scoped3A_108 : memref<!tpu.dma_semaphore, #tpu.memory_space<semaphore_mem>>) {add = true}
      %dma_wait3A_115 = arith.constant 0 : i32
      %dma_wait3A_116 = tpu.memref_slice %arg8[%run_scoped3A_102, %dma_wait3A_115] : memref<157x128xi32, #tpu.memory_space<vmem>> -> memref<1x128xi32, #tpu.memory_space<vmem>>
      %dma_wait3A_117 = tpu.memref_squeeze %dma_wait3A_116 : memref<1x128xi32, #tpu.memory_space<vmem>> -> memref<128xi32, #tpu.memory_space<vmem>>
      %dma_wait3A_118 = arith.constant 0 : i32
      %dma_wait3A_119 = arith.constant 0 : i32
      %dma_wait3A_120 = tpu.memref_slice %arg17[%dma_wait3A_118, %dma_wait3A_119] : memref<10240x16xf32, #tpu.memory_space<vmem_shared>> -> memref<10240x16xf32, #tpu.memory_space<vmem_shared>>
      tpu.wait_indirect_dma semaphore(%run_scoped3A_108 : memref<!tpu.dma_semaphore, #tpu.memory_space<semaphore_mem>>) src(%arg13 : memref<128x16xf32, #tpu.memory_space<vmem>>) dst(%dma_wait3A_120 : memref<10240x16xf32, #tpu.memory_space<vmem_shared>>)
      tpu.yield
    }) : () -> ()
    %barrier3A_103 = arith.constant 0 : index
    tpu.barrier barrier_id(%barrier3A_103)
    %mul3A_104 = arith.constant 640 : i32
    %mul3A_105 = arith.muli %arg1, %mul3A_104 : i32
    %mul3A_106 = arith.constant 640 : i32
    %mul3A_107 = arith.muli %arg1, %mul3A_106 : i32
    "tpu.region"() ({
      %run_scoped3A_108 = tpu.sem_alloc : memref<!tpu.dma_semaphore, #tpu.memory_space<semaphore_mem>>
      %dma_start3A_109 = arith.constant 0 : i32
      %dma_start3A_110 = tpu.memref_slice %arg6[%arg0, %mul3A_107, %dma_start3A_109] : memref<2x10240x16xf32, #tpu.memory_space<hbm>> -> memref<1x640x16xf32, #tpu.memory_space<hbm>>
      %dma_start3A_111 = tpu.memref_squeeze %dma_start3A_110 : memref<1x640x16xf32, #tpu.memory_space<hbm>> -> memref<640x16xf32, #tpu.memory_space<hbm>>
      %dma_start3A_112 = arith.constant 0 : i32
      %dma_start3A_113 = tpu.memref_slice %arg17[%mul3A_105, %dma_start3A_112] : memref<10240x16xf32, #tpu.memory_space<vmem_shared>> -> memref<640x16xf32, #tpu.memory_space<vmem_shared>>
      tpu.enqueue_dma source(%dma_start3A_113 : memref<640x16xf32, #tpu.memory_space<vmem_shared>>) target(%dma_start3A_111 : memref<640x16xf32, #tpu.memory_space<hbm>>) target_semaphore(%run_scoped3A_108 : memref<!tpu.dma_semaphore, #tpu.memory_space<semaphore_mem>>)
      %dma_wait3A_114 = arith.constant 0 : i32
      %dma_wait3A_115 = tpu.memref_slice %arg6[%arg0, %mul3A_107, %dma_wait3A_114] : memref<2x10240x16xf32, #tpu.memory_space<hbm>> -> memref<1x640x16xf32, #tpu.memory_space<hbm>>
      %dma_wait3A_116 = tpu.memref_squeeze %dma_wait3A_115 : memref<1x640x16xf32, #tpu.memory_space<hbm>> -> memref<640x16xf32, #tpu.memory_space<hbm>>
      %dma_wait3A_117 = arith.constant 0 : i32
      %dma_wait3A_118 = tpu.memref_slice %arg17[%mul3A_105, %dma_wait3A_117] : memref<10240x16xf32, #tpu.memory_space<vmem_shared>> -> memref<640x16xf32, #tpu.memory_space<vmem_shared>>
      tpu.wait_dma2 semaphore(%run_scoped3A_108 : memref<!tpu.dma_semaphore, #tpu.memory_space<semaphore_mem>>) src(%dma_wait3A_118 : memref<640x16xf32, #tpu.memory_space<vmem_shared>>) dst(%dma_wait3A_116 : memref<640x16xf32, #tpu.memory_space<hbm>>)
      tpu.yield
    }) : () -> ()
    return
  }
}

module attributes {stable_mosaic.version = 14 : i64} {
  func.func @_tc0_body(%arg0: i32, %arg1: memref<10240x128xf32, #tpu.memory_space<vmem>>, %arg2: memref<128x48xf32, #tpu.memory_space<vmem>>, %arg3: memref<1x48xf32, #tpu.memory_space<vmem>>, %arg4: memref<128x48xf32, #tpu.memory_space<vmem>>, %arg5: memref<10240x48xf32, #tpu.memory_space<vmem>>, %arg6: memref<10240x48xf32, #tpu.memory_space<vmem>>) attributes {dimension_semantics = [#tpu.dimension_semantics<arbitrary>], iteration_bounds = array<i64: 1>, scalar_prefetch = 0 : i64, scratch_operands = 0 : i64, tpu.core_type = #tpu.core_type<tc>, window_params = [{transform_indices = @transform_0, window_bounds = array<i64: 10240, 128>}, {pipeline_mode = #tpu.pipeline_mode<synchronous>, transform_indices = @transform_1, window_bounds = array<i64: 128, 48>}, {pipeline_mode = #tpu.pipeline_mode<synchronous>, transform_indices = @transform_2, window_bounds = array<i64: 1, 48>}, {pipeline_mode = #tpu.pipeline_mode<synchronous>, transform_indices = @transform_3, window_bounds = array<i64: 128, 48>}, {transform_indices = @transform_4, window_bounds = array<i64: 10240, 48>}, {transform_indices = @transform_5, window_bounds = array<i64: 10240, 48>}]} {
    %get3A = arith.constant 0 : index
    %get3A_0 = arith.constant 0 : index
    %get3A_1 = vector.load %arg1[%get3A, %get3A_0] : memref<10240x128xf32, #tpu.memory_space<vmem>>, vector<10240x128xf32>
    %get3A_2 = arith.constant 0 : index
    %get3A_3 = arith.constant 0 : index
    %get3A_4 = vector.load %arg2[%get3A_2, %get3A_3] : memref<128x48xf32, #tpu.memory_space<vmem>>, vector<128x48xf32>
    %dot_general3A = arith.constant dense<0.000000e+00> : vector<10240x48xf32>
    %dot_general3A_5 = tpu.matmul %get3A_1, %get3A_4, %dot_general3A {dimension_numbers = #tpu.dot_dimension_numbers<[1], [0], [0], [1], [0, 0, 1, 1], [], []>, transpose_lhs_hint = false} : vector<10240x128xf32>, vector<128x48xf32>, vector<10240x48xf32> -> vector<10240x48xf32>
    %get3A_6 = arith.constant 0 : index
    %get3A_7 = arith.constant 0 : index
    %get3A_8 = vector.load %arg3[%get3A_6, %get3A_7] : memref<1x48xf32, #tpu.memory_space<vmem>>, vector<1x48xf32>
    %add3A = vector.broadcast %get3A_8 : vector<1x48xf32> to vector<10240x48xf32>
    %add3A_9 = arith.addf %dot_general3A_5, %add3A : vector<10240x48xf32>
    %swap3A = arith.constant 0 : index
    %swap3A_10 = arith.constant 0 : index
    %swap3A_11 = vector.load %arg5[%swap3A, %swap3A_10] : memref<10240x48xf32, #tpu.memory_space<vmem>>, vector<10240x48xf32>
    tpu.vector_store %arg5[%swap3A, %swap3A_10], %add3A_9 {strides = array<i32>} : memref<10240x48xf32, #tpu.memory_space<vmem>>, vector<10240x48xf32>,
    %get3A_12 = arith.constant 0 : index
    %get3A_13 = arith.constant 0 : index
    %get3A_14 = vector.load %arg4[%get3A_12, %get3A_13] : memref<128x48xf32, #tpu.memory_space<vmem>>, vector<128x48xf32>
    %dot_general3A_15 = arith.constant dense<0.000000e+00> : vector<10240x48xf32>
    %dot_general3A_16 = tpu.matmul %get3A_1, %get3A_14, %dot_general3A_15 {dimension_numbers = #tpu.dot_dimension_numbers<[1], [0], [0], [1], [0, 0, 1, 1], [], []>, transpose_lhs_hint = false} : vector<10240x128xf32>, vector<128x48xf32>, vector<10240x48xf32> -> vector<10240x48xf32>
    %swap3A_17 = arith.constant 0 : index
    %swap3A_18 = arith.constant 0 : index
    %swap3A_19 = vector.load %arg6[%swap3A_17, %swap3A_18] : memref<10240x48xf32, #tpu.memory_space<vmem>>, vector<10240x48xf32>
    tpu.vector_store %arg6[%swap3A_17, %swap3A_18], %dot_general3A_16 {strides = array<i32>} : memref<10240x48xf32, #tpu.memory_space<vmem>>, vector<10240x48xf32>,
    return
  }
  func.func @transform_0(%arg0: i32) -> (i32, i32) {
    %c0_i32 = arith.constant 0 : i32
    %c0_i32_0 = arith.constant 0 : i32
    return %arg0, %c0_i32 : i32, i32
  }
  func.func @transform_1(%arg0: i32) -> (i32, i32) {
    %c0_i32 = arith.constant 0 : i32
    %c0_i32_0 = arith.constant 0 : i32
    %c0_i32_1 = arith.constant 0 : i32
    return %c0_i32, %c0_i32_0 : i32, i32
  }
  func.func @transform_2(%arg0: i32) -> (i32, i32) {
    %c0_i32 = arith.constant 0 : i32
    %c0_i32_0 = arith.constant 0 : i32
    %c0_i32_1 = arith.constant 0 : i32
    return %c0_i32, %c0_i32_0 : i32, i32
  }
  func.func @transform_3(%arg0: i32) -> (i32, i32) {
    %c0_i32 = arith.constant 0 : i32
    %c0_i32_0 = arith.constant 0 : i32
    %c0_i32_1 = arith.constant 0 : i32
    return %c0_i32, %c0_i32_0 : i32, i32
  }
  func.func @transform_4(%arg0: i32) -> (i32, i32) {
    %c0_i32 = arith.constant 0 : i32
    %c0_i32_0 = arith.constant 0 : i32
    return %arg0, %c0_i32 : i32, i32
  }
  func.func @transform_5(%arg0: i32) -> (i32, i32) {
    %c0_i32 = arith.constant 0 : i32
    %c0_i32_0 = arith.constant 0 : i32
    return %arg0, %c0_i32 : i32, i32
  }
}

module attributes {stable_mosaic.version = 14 : i64} {
  func.func @_tc1_body(%arg0: i32, %arg1: memref<32x10240xf32, #tpu.memory_space<vmem>>, %arg2: memref<10240x48xf32, #tpu.memory_space<vmem>>, %arg3: memref<10240x1xf32, #tpu.memory_space<vmem>>, %arg4: memref<10240x48xf32, #tpu.memory_space<vmem>>) attributes {dimension_semantics = [#tpu.dimension_semantics<arbitrary>], iteration_bounds = array<i64: 1>, scalar_prefetch = 0 : i64, scratch_operands = 0 : i64, tpu.core_type = #tpu.core_type<tc>, window_params = [{transform_indices = @transform_0, window_bounds = array<i64: 32, 10240>}, {transform_indices = @transform_1, window_bounds = array<i64: 10240, 48>}, {transform_indices = @transform_2, window_bounds = array<i64: 10240, 1>}, {transform_indices = @transform_3, window_bounds = array<i64: 10240, 48>}]} {
    %get3A = arith.constant 0 : index
    %get3A_0 = arith.constant 0 : index
    %get3A_1 = vector.load %arg1[%get3A, %get3A_0] : memref<32x10240xf32, #tpu.memory_space<vmem>>, vector<32x10240xf32>
    %reduce_sum3A = arith.constant dense<0.000000e+00> : vector<10240xf32>
    %reduce_sum3A_2 = vector.multi_reduction <add>, %get3A_1, %reduce_sum3A [0] : vector<32x10240xf32> to vector<10240xf32>
    %gt3A = arith.constant 0.000000e+00 : f32
    %gt3A_3 = vector.broadcast %gt3A : f32 to vector<10240xf32>
    %gt3A_4 = arith.cmpf ogt, %reduce_sum3A_2, %gt3A_3 : vector<10240xf32>
    %rsqrt3A = math.rsqrt %reduce_sum3A_2 : vector<10240xf32>
    %jit3A = arith.constant 0.000000e+00 : f32
    %broadcast_in_dim3A = vector.broadcast %jit3A : f32 to vector<10240xf32>
    %select_n3A = arith.select %gt3A_4, %rsqrt3A, %broadcast_in_dim3A : vector<10240xi1>, vector<10240xf32>
    %broadcast_in_dim3A_5 = vector.shape_cast %select_n3A : vector<10240xf32> to vector<10240x1xf32>
    %swap3A = arith.constant 0 : index
    %swap3A_6 = arith.constant 0 : index
    %swap3A_7 = vector.load %arg3[%swap3A, %swap3A_6] : memref<10240x1xf32, #tpu.memory_space<vmem>>, vector<10240x1xf32>
    tpu.vector_store %arg3[%swap3A, %swap3A_6], %broadcast_in_dim3A_5 {strides = array<i32>} : memref<10240x1xf32, #tpu.memory_space<vmem>>, vector<10240x1xf32>,
    %get3A_8 = arith.constant 0 : index
    %get3A_9 = arith.constant 0 : index
    %get3A_10 = vector.load %arg2[%get3A_8, %get3A_9] : memref<10240x48xf32, #tpu.memory_space<vmem>>, vector<10240x48xf32>
    %mul3A = vector.broadcast %broadcast_in_dim3A_5 : vector<10240x1xf32> to vector<10240x48xf32>
    %mul3A_11 = arith.mulf %mul3A, %get3A_10 : vector<10240x48xf32>
    %swap3A_12 = arith.constant 0 : index
    %swap3A_13 = arith.constant 0 : index
    %swap3A_14 = vector.load %arg4[%swap3A_12, %swap3A_13] : memref<10240x48xf32, #tpu.memory_space<vmem>>, vector<10240x48xf32>
    tpu.vector_store %arg4[%swap3A_12, %swap3A_13], %mul3A_11 {strides = array<i32>} : memref<10240x48xf32, #tpu.memory_space<vmem>>, vector<10240x48xf32>,
    return
  }
  func.func @transform_0(%arg0: i32) -> (i32, i32) {
    %c0_i32 = arith.constant 0 : i32
    %c0_i32_0 = arith.constant 0 : i32
    return %c0_i32, %arg0 : i32, i32
  }
  func.func @transform_1(%arg0: i32) -> (i32, i32) {
    %c0_i32 = arith.constant 0 : i32
    %c0_i32_0 = arith.constant 0 : i32
    return %arg0, %c0_i32 : i32, i32
  }
  func.func @transform_2(%arg0: i32) -> (i32, i32) {
    %c0_i32 = arith.constant 0 : i32
    %c0_i32_0 = arith.constant 0 : i32
    return %arg0, %c0_i32 : i32, i32
  }
  func.func @transform_3(%arg0: i32) -> (i32, i32) {
    %c0_i32 = arith.constant 0 : i32
    %c0_i32_0 = arith.constant 0 : i32
    return %arg0, %c0_i32 : i32, i32
  }
}

module attributes {stable_mosaic.version = 14 : i64} {
  func.func @_tc2_body(%arg0: i32, %arg1: memref<2x10240x48xf32, #tpu.memory_space<vmem>>, %arg2: memref<10240x1xf32, #tpu.memory_space<vmem>>, %arg3: memref<10240x48xf32, #tpu.memory_space<vmem>>, %arg4: memref<48x48xf32, #tpu.memory_space<vmem>>, %arg5: memref<10240x48xf32, #tpu.memory_space<vmem>>) attributes {dimension_semantics = [#tpu.dimension_semantics<arbitrary>], iteration_bounds = array<i64: 1>, scalar_prefetch = 0 : i64, scratch_operands = 0 : i64, tpu.core_type = #tpu.core_type<tc>, window_params = [{transform_indices = @transform_0, window_bounds = array<i64: 2, 10240, 48>}, {transform_indices = @transform_1, window_bounds = array<i64: 10240, 1>}, {transform_indices = @transform_2, window_bounds = array<i64: 10240, 48>}, {pipeline_mode = #tpu.pipeline_mode<synchronous>, transform_indices = @transform_3, window_bounds = array<i64: 48, 48>}, {transform_indices = @transform_4, window_bounds = array<i64: 10240, 48>}]} {
    %get3A = arith.constant 0 : index
    %get3A_0 = arith.constant 0 : index
    %get3A_1 = arith.constant 0 : index
    %get3A_2 = vector.load %arg1[%get3A, %get3A_0, %get3A_1] : memref<2x10240x48xf32, #tpu.memory_space<vmem>>, vector<1x10240x48xf32>
    %get3A_3 = vector.shape_cast %get3A_2 : vector<1x10240x48xf32> to vector<10240x48xf32>
    %get3A_4 = arith.constant 1 : index
    %get3A_5 = arith.constant 0 : index
    %get3A_6 = arith.constant 0 : index
    %get3A_7 = vector.load %arg1[%get3A_4, %get3A_5, %get3A_6] : memref<2x10240x48xf32, #tpu.memory_space<vmem>>, vector<1x10240x48xf32>
    %get3A_8 = vector.shape_cast %get3A_7 : vector<1x10240x48xf32> to vector<10240x48xf32>
    %add3A = arith.addf %get3A_3, %get3A_8 : vector<10240x48xf32>
    %get3A_9 = arith.constant 0 : index
    %get3A_10 = arith.constant 0 : index
    %get3A_11 = vector.load %arg2[%get3A_9, %get3A_10] : memref<10240x1xf32, #tpu.memory_space<vmem>>, vector<10240x1xf32>
    %mul3A = vector.broadcast %get3A_11 : vector<10240x1xf32> to vector<10240x48xf32>
    %mul3A_12 = arith.mulf %mul3A, %add3A : vector<10240x48xf32>
    %get3A_13 = arith.constant 0 : index
    %get3A_14 = arith.constant 0 : index
    %get3A_15 = vector.load %arg3[%get3A_13, %get3A_14] : memref<10240x48xf32, #tpu.memory_space<vmem>>, vector<10240x48xf32>
    %add3A_16 = arith.addf %mul3A_12, %get3A_15 : vector<10240x48xf32>
    %max3A = arith.constant 0.000000e+00 : f32
    %max3A_17 = vector.broadcast %max3A : f32 to vector<10240x48xf32>
    %max3A_18 = arith.maximumf %add3A_16, %max3A_17 : vector<10240x48xf32>
    %get3A_19 = arith.constant 0 : index
    %get3A_20 = arith.constant 0 : index
    %get3A_21 = vector.load %arg2[%get3A_19, %get3A_20] : memref<10240x1xf32, #tpu.memory_space<vmem>>, vector<10240x1xf32>
    %get3A_22 = arith.constant 0 : index
    %get3A_23 = arith.constant 0 : index
    %get3A_24 = vector.load %arg4[%get3A_22, %get3A_23] : memref<48x48xf32, #tpu.memory_space<vmem>>, vector<48x48xf32>
    %dot_general3A = arith.constant dense<0.000000e+00> : vector<10240x48xf32>
    %dot_general3A_25 = tpu.matmul %max3A_18, %get3A_24, %dot_general3A {dimension_numbers = #tpu.dot_dimension_numbers<[1], [0], [0], [1], [0, 0, 1, 1], [], []>, transpose_lhs_hint = false} : vector<10240x48xf32>, vector<48x48xf32>, vector<10240x48xf32> -> vector<10240x48xf32>
    %mul3A_26 = vector.broadcast %get3A_21 : vector<10240x1xf32> to vector<10240x48xf32>
    %mul3A_27 = arith.mulf %mul3A_26, %dot_general3A_25 : vector<10240x48xf32>
    %swap3A = arith.constant 0 : index
    %swap3A_28 = arith.constant 0 : index
    %swap3A_29 = vector.load %arg5[%swap3A, %swap3A_28] : memref<10240x48xf32, #tpu.memory_space<vmem>>, vector<10240x48xf32>
    tpu.vector_store %arg5[%swap3A, %swap3A_28], %mul3A_27 {strides = array<i32>} : memref<10240x48xf32, #tpu.memory_space<vmem>>, vector<10240x48xf32>,
    return
  }
  func.func @transform_0(%arg0: i32) -> (i32, i32, i32) {
    %c0_i32 = arith.constant 0 : i32
    %c0_i32_0 = arith.constant 0 : i32
    %c0_i32_1 = arith.constant 0 : i32
    return %c0_i32, %arg0, %c0_i32_0 : i32, i32, i32
  }
  func.func @transform_1(%arg0: i32) -> (i32, i32) {
    %c0_i32 = arith.constant 0 : i32
    %c0_i32_0 = arith.constant 0 : i32
    return %arg0, %c0_i32 : i32, i32
  }
  func.func @transform_2(%arg0: i32) -> (i32, i32) {
    %c0_i32 = arith.constant 0 : i32
    %c0_i32_0 = arith.constant 0 : i32
    return %arg0, %c0_i32 : i32, i32
  }
  func.func @transform_3(%arg0: i32) -> (i32, i32) {
    %c0_i32 = arith.constant 0 : i32
    %c0_i32_0 = arith.constant 0 : i32
    %c0_i32_1 = arith.constant 0 : i32
    return %c0_i32, %c0_i32_0 : i32, i32
  }
  func.func @transform_4(%arg0: i32) -> (i32, i32) {
    %c0_i32 = arith.constant 0 : i32
    %c0_i32_0 = arith.constant 0 : i32
    return %arg0, %c0_i32 : i32, i32
  }
}

module attributes {stable_mosaic.version = 14 : i64} {
  func.func @_tc3_body(%arg0: i32, %arg1: memref<2x10240x48xf32, #tpu.memory_space<vmem>>, %arg2: memref<10240x1xf32, #tpu.memory_space<vmem>>, %arg3: memref<10240x48xf32, #tpu.memory_space<vmem>>, %arg4: memref<16x16xf32, #tpu.memory_space<vmem>>, %arg5: memref<1x16xf32, #tpu.memory_space<vmem>>, %arg6: memref<16x16xf32, #tpu.memory_space<vmem>>, %arg7: memref<10240x16xf32, #tpu.memory_space<vmem>>, %arg8: memref<10240x16xf32, #tpu.memory_space<vmem>>) attributes {dimension_semantics = [#tpu.dimension_semantics<arbitrary>], iteration_bounds = array<i64: 1>, scalar_prefetch = 0 : i64, scratch_operands = 0 : i64, tpu.core_type = #tpu.core_type<tc>, window_params = [{transform_indices = @transform_0, window_bounds = array<i64: 2, 10240, 48>}, {transform_indices = @transform_1, window_bounds = array<i64: 10240, 1>}, {transform_indices = @transform_2, window_bounds = array<i64: 10240, 48>}, {pipeline_mode = #tpu.pipeline_mode<synchronous>, transform_indices = @transform_3, window_bounds = array<i64: 16, 16>}, {pipeline_mode = #tpu.pipeline_mode<synchronous>, transform_indices = @transform_4, window_bounds = array<i64: 1, 16>}, {pipeline_mode = #tpu.pipeline_mode<synchronous>, transform_indices = @transform_5, window_bounds = array<i64: 16, 16>}, {transform_indices = @transform_6, window_bounds = array<i64: 10240, 16>}, {transform_indices = @transform_7, window_bounds = array<i64: 10240, 16>}]} {
    %get3A = arith.constant 0 : index
    %get3A_0 = arith.constant 0 : index
    %get3A_1 = arith.constant 0 : index
    %get3A_2 = vector.load %arg1[%get3A, %get3A_0, %get3A_1] : memref<2x10240x48xf32, #tpu.memory_space<vmem>>, vector<1x10240x48xf32>
    %get3A_3 = vector.shape_cast %get3A_2 : vector<1x10240x48xf32> to vector<10240x48xf32>
    %get3A_4 = arith.constant 1 : index
    %get3A_5 = arith.constant 0 : index
    %get3A_6 = arith.constant 0 : index
    %get3A_7 = vector.load %arg1[%get3A_4, %get3A_5, %get3A_6] : memref<2x10240x48xf32, #tpu.memory_space<vmem>>, vector<1x10240x48xf32>
    %get3A_8 = vector.shape_cast %get3A_7 : vector<1x10240x48xf32> to vector<10240x48xf32>
    %add3A = arith.addf %get3A_3, %get3A_8 : vector<10240x48xf32>
    %get3A_9 = arith.constant 0 : index
    %get3A_10 = arith.constant 0 : index
    %get3A_11 = vector.load %arg2[%get3A_9, %get3A_10] : memref<10240x1xf32, #tpu.memory_space<vmem>>, vector<10240x1xf32>
    %mul3A = vector.broadcast %get3A_11 : vector<10240x1xf32> to vector<10240x48xf32>
    %mul3A_12 = arith.mulf %mul3A, %add3A : vector<10240x48xf32>
    %get3A_13 = arith.constant 0 : index
    %get3A_14 = arith.constant 0 : index
    %get3A_15 = vector.load %arg3[%get3A_13, %get3A_14] : memref<10240x48xf32, #tpu.memory_space<vmem>>, vector<10240x48xf32>
    %add3A_16 = arith.addf %mul3A_12, %get3A_15 : vector<10240x48xf32>
    %max3A = arith.constant 0.000000e+00 : f32
    %max3A_17 = vector.broadcast %max3A : f32 to vector<10240x48xf32>
    %max3A_18 = arith.maximumf %add3A_16, %max3A_17 : vector<10240x48xf32>
    %slice3A = vector.extract_strided_slice %max3A_18 {offsets = [0, 0], sizes = [10240, 16], strides = [1, 1]} : vector<10240x48xf32> to vector<10240x16xf32>
    %slice3A_19 = vector.extract_strided_slice %max3A_18 {offsets = [0, 16], sizes = [10240, 16], strides = [1, 1]} : vector<10240x48xf32> to vector<10240x16xf32>
    %add3A_20 = arith.addf %slice3A, %slice3A_19 : vector<10240x16xf32>
    %slice3A_21 = vector.extract_strided_slice %max3A_18 {offsets = [0, 32], sizes = [10240, 16], strides = [1, 1]} : vector<10240x48xf32> to vector<10240x16xf32>
    %add3A_22 = arith.addf %add3A_20, %slice3A_21 : vector<10240x16xf32>
    %mul3A_23 = arith.constant 0.333333343 : f32
    %mul3A_24 = vector.broadcast %mul3A_23 : f32 to vector<10240x16xf32>
    %mul3A_25 = arith.mulf %add3A_22, %mul3A_24 : vector<10240x16xf32>
    %max3A_26 = arith.constant 0.000000e+00 : f32
    %max3A_27 = vector.broadcast %max3A_26 : f32 to vector<10240x16xf32>
    %max3A_28 = arith.maximumf %mul3A_25, %max3A_27 : vector<10240x16xf32>
    %get3A_29 = arith.constant 0 : index
    %get3A_30 = arith.constant 0 : index
    %get3A_31 = vector.load %arg4[%get3A_29, %get3A_30] : memref<16x16xf32, #tpu.memory_space<vmem>>, vector<16x16xf32>
    %dot_general3A = arith.constant dense<0.000000e+00> : vector<10240x16xf32>
    %dot_general3A_32 = tpu.matmul %max3A_28, %get3A_31, %dot_general3A {dimension_numbers = #tpu.dot_dimension_numbers<[1], [0], [0], [1], [0, 0, 1, 1], [], []>, transpose_lhs_hint = false} : vector<10240x16xf32>, vector<16x16xf32>, vector<10240x16xf32> -> vector<10240x16xf32>
    %get3A_33 = arith.constant 0 : index
    %get3A_34 = arith.constant 0 : index
    %get3A_35 = vector.load %arg5[%get3A_33, %get3A_34] : memref<1x16xf32, #tpu.memory_space<vmem>>, vector<1x16xf32>
    %add3A_36 = vector.broadcast %get3A_35 : vector<1x16xf32> to vector<10240x16xf32>
    %add3A_37 = arith.addf %dot_general3A_32, %add3A_36 : vector<10240x16xf32>
    %swap3A = arith.constant 0 : index
    %swap3A_38 = arith.constant 0 : index
    %swap3A_39 = vector.load %arg7[%swap3A, %swap3A_38] : memref<10240x16xf32, #tpu.memory_space<vmem>>, vector<10240x16xf32>
    tpu.vector_store %arg7[%swap3A, %swap3A_38], %add3A_37 {strides = array<i32>} : memref<10240x16xf32, #tpu.memory_space<vmem>>, vector<10240x16xf32>,
    %get3A_40 = arith.constant 0 : index
    %get3A_41 = arith.constant 0 : index
    %get3A_42 = vector.load %arg2[%get3A_40, %get3A_41] : memref<10240x1xf32, #tpu.memory_space<vmem>>, vector<10240x1xf32>
    %get3A_43 = arith.constant 0 : index
    %get3A_44 = arith.constant 0 : index
    %get3A_45 = vector.load %arg6[%get3A_43, %get3A_44] : memref<16x16xf32, #tpu.memory_space<vmem>>, vector<16x16xf32>
    %dot_general3A_46 = arith.constant dense<0.000000e+00> : vector<10240x16xf32>
    %dot_general3A_47 = tpu.matmul %max3A_28, %get3A_45, %dot_general3A_46 {dimension_numbers = #tpu.dot_dimension_numbers<[1], [0], [0], [1], [0, 0, 1, 1], [], []>, transpose_lhs_hint = false} : vector<10240x16xf32>, vector<16x16xf32>, vector<10240x16xf32> -> vector<10240x16xf32>
    %mul3A_48 = vector.broadcast %get3A_42 : vector<10240x1xf32> to vector<10240x16xf32>
    %mul3A_49 = arith.mulf %mul3A_48, %dot_general3A_47 : vector<10240x16xf32>
    %swap3A_50 = arith.constant 0 : index
    %swap3A_51 = arith.constant 0 : index
    %swap3A_52 = vector.load %arg8[%swap3A_50, %swap3A_51] : memref<10240x16xf32, #tpu.memory_space<vmem>>, vector<10240x16xf32>
    tpu.vector_store %arg8[%swap3A_50, %swap3A_51], %mul3A_49 {strides = array<i32>} : memref<10240x16xf32, #tpu.memory_space<vmem>>, vector<10240x16xf32>,
    return
  }
  func.func @transform_0(%arg0: i32) -> (i32, i32, i32) {
    %c0_i32 = arith.constant 0 : i32
    %c0_i32_0 = arith.constant 0 : i32
    %c0_i32_1 = arith.constant 0 : i32
    return %c0_i32, %arg0, %c0_i32_0 : i32, i32, i32
  }
  func.func @transform_1(%arg0: i32) -> (i32, i32) {
    %c0_i32 = arith.constant 0 : i32
    %c0_i32_0 = arith.constant 0 : i32
    return %arg0, %c0_i32 : i32, i32
  }
  func.func @transform_2(%arg0: i32) -> (i32, i32) {
    %c0_i32 = arith.constant 0 : i32
    %c0_i32_0 = arith.constant 0 : i32
    return %arg0, %c0_i32 : i32, i32
  }
  func.func @transform_3(%arg0: i32) -> (i32, i32) {
    %c0_i32 = arith.constant 0 : i32
    %c0_i32_0 = arith.constant 0 : i32
    %c0_i32_1 = arith.constant 0 : i32
    return %c0_i32, %c0_i32_0 : i32, i32
  }
  func.func @transform_4(%arg0: i32) -> (i32, i32) {
    %c0_i32 = arith.constant 0 : i32
    %c0_i32_0 = arith.constant 0 : i32
    %c0_i32_1 = arith.constant 0 : i32
    return %c0_i32, %c0_i32_0 : i32, i32
  }
  func.func @transform_5(%arg0: i32) -> (i32, i32) {
    %c0_i32 = arith.constant 0 : i32
    %c0_i32_0 = arith.constant 0 : i32
    %c0_i32_1 = arith.constant 0 : i32
    return %c0_i32, %c0_i32_0 : i32, i32
  }
  func.func @transform_6(%arg0: i32) -> (i32, i32) {
    %c0_i32 = arith.constant 0 : i32
    %c0_i32_0 = arith.constant 0 : i32
    return %arg0, %c0_i32 : i32, i32
  }
  func.func @transform_7(%arg0: i32) -> (i32, i32) {
    %c0_i32 = arith.constant 0 : i32
    %c0_i32_0 = arith.constant 0 : i32
    return %arg0, %c0_i32 : i32, i32
  }
}

module attributes {stable_mosaic.version = 14 : i64} {
  func.func @_tc4_body(%arg0: i32, %arg1: memref<2x10240x16xf32, #tpu.memory_space<vmem>>, %arg2: memref<10240x1xf32, #tpu.memory_space<vmem>>, %arg3: memref<10240x16xf32, #tpu.memory_space<vmem>>, %arg4: memref<16x16xf32, #tpu.memory_space<vmem>>, %arg5: memref<10240x16xf32, #tpu.memory_space<vmem>>) attributes {dimension_semantics = [#tpu.dimension_semantics<arbitrary>], iteration_bounds = array<i64: 1>, scalar_prefetch = 0 : i64, scratch_operands = 0 : i64, tpu.core_type = #tpu.core_type<tc>, window_params = [{transform_indices = @transform_0, window_bounds = array<i64: 2, 10240, 16>}, {transform_indices = @transform_1, window_bounds = array<i64: 10240, 1>}, {transform_indices = @transform_2, window_bounds = array<i64: 10240, 16>}, {pipeline_mode = #tpu.pipeline_mode<synchronous>, transform_indices = @transform_3, window_bounds = array<i64: 16, 16>}, {transform_indices = @transform_4, window_bounds = array<i64: 10240, 16>}]} {
    %get3A = arith.constant 0 : index
    %get3A_0 = arith.constant 0 : index
    %get3A_1 = arith.constant 0 : index
    %get3A_2 = vector.load %arg1[%get3A, %get3A_0, %get3A_1] : memref<2x10240x16xf32, #tpu.memory_space<vmem>>, vector<1x10240x16xf32>
    %get3A_3 = vector.shape_cast %get3A_2 : vector<1x10240x16xf32> to vector<10240x16xf32>
    %get3A_4 = arith.constant 1 : index
    %get3A_5 = arith.constant 0 : index
    %get3A_6 = arith.constant 0 : index
    %get3A_7 = vector.load %arg1[%get3A_4, %get3A_5, %get3A_6] : memref<2x10240x16xf32, #tpu.memory_space<vmem>>, vector<1x10240x16xf32>
    %get3A_8 = vector.shape_cast %get3A_7 : vector<1x10240x16xf32> to vector<10240x16xf32>
    %add3A = arith.addf %get3A_3, %get3A_8 : vector<10240x16xf32>
    %get3A_9 = arith.constant 0 : index
    %get3A_10 = arith.constant 0 : index
    %get3A_11 = vector.load %arg2[%get3A_9, %get3A_10] : memref<10240x1xf32, #tpu.memory_space<vmem>>, vector<10240x1xf32>
    %mul3A = vector.broadcast %get3A_11 : vector<10240x1xf32> to vector<10240x16xf32>
    %mul3A_12 = arith.mulf %mul3A, %add3A : vector<10240x16xf32>
    %get3A_13 = arith.constant 0 : index
    %get3A_14 = arith.constant 0 : index
    %get3A_15 = vector.load %arg3[%get3A_13, %get3A_14] : memref<10240x16xf32, #tpu.memory_space<vmem>>, vector<10240x16xf32>
    %add3A_16 = arith.addf %mul3A_12, %get3A_15 : vector<10240x16xf32>
    %get3A_17 = arith.constant 0 : index
    %get3A_18 = arith.constant 0 : index
    %get3A_19 = vector.load %arg2[%get3A_17, %get3A_18] : memref<10240x1xf32, #tpu.memory_space<vmem>>, vector<10240x1xf32>
    %get3A_20 = arith.constant 0 : index
    %get3A_21 = arith.constant 0 : index
    %get3A_22 = vector.load %arg4[%get3A_20, %get3A_21] : memref<16x16xf32, #tpu.memory_space<vmem>>, vector<16x16xf32>
    %dot_general3A = arith.constant dense<0.000000e+00> : vector<10240x16xf32>
    %dot_general3A_23 = tpu.matmul %add3A_16, %get3A_22, %dot_general3A {dimension_numbers = #tpu.dot_dimension_numbers<[1], [0], [0], [1], [0, 0, 1, 1], [], []>, transpose_lhs_hint = false} : vector<10240x16xf32>, vector<16x16xf32>, vector<10240x16xf32> -> vector<10240x16xf32>
    %mul3A_24 = vector.broadcast %get3A_19 : vector<10240x1xf32> to vector<10240x16xf32>
    %mul3A_25 = arith.mulf %mul3A_24, %dot_general3A_23 : vector<10240x16xf32>
    %swap3A = arith.constant 0 : index
    %swap3A_26 = arith.constant 0 : index
    %swap3A_27 = vector.load %arg5[%swap3A, %swap3A_26] : memref<10240x16xf32, #tpu.memory_space<vmem>>, vector<10240x16xf32>
    tpu.vector_store %arg5[%swap3A, %swap3A_26], %mul3A_25 {strides = array<i32>} : memref<10240x16xf32, #tpu.memory_space<vmem>>, vector<10240x16xf32>,
    return
  }
  func.func @transform_0(%arg0: i32) -> (i32, i32, i32) {
    %c0_i32 = arith.constant 0 : i32
    %c0_i32_0 = arith.constant 0 : i32
    %c0_i32_1 = arith.constant 0 : i32
    return %c0_i32, %arg0, %c0_i32_0 : i32, i32, i32
  }
  func.func @transform_1(%arg0: i32) -> (i32, i32) {
    %c0_i32 = arith.constant 0 : i32
    %c0_i32_0 = arith.constant 0 : i32
    return %arg0, %c0_i32 : i32, i32
  }
  func.func @transform_2(%arg0: i32) -> (i32, i32) {
    %c0_i32 = arith.constant 0 : i32
    %c0_i32_0 = arith.constant 0 : i32
    return %arg0, %c0_i32 : i32, i32
  }
  func.func @transform_3(%arg0: i32) -> (i32, i32) {
    %c0_i32 = arith.constant 0 : i32
    %c0_i32_0 = arith.constant 0 : i32
    %c0_i32_1 = arith.constant 0 : i32
    return %c0_i32, %c0_i32_0 : i32, i32
  }
  func.func @transform_4(%arg0: i32) -> (i32, i32) {
    %c0_i32 = arith.constant 0 : i32
    %c0_i32_0 = arith.constant 0 : i32
    return %arg0, %c0_i32 : i32, i32
  }
}

module attributes {stable_mosaic.version = 14 : i64} {
  func.func @_tc5_body(%arg0: i32, %arg1: memref<2x10240x16xf32, #tpu.memory_space<vmem>>, %arg2: memref<10240x1xf32, #tpu.memory_space<vmem>>, %arg3: memref<10240x16xf32, #tpu.memory_space<vmem>>, %arg4: memref<10240x2xf32, #tpu.memory_space<vmem>>) attributes {dimension_semantics = [#tpu.dimension_semantics<arbitrary>], iteration_bounds = array<i64: 1>, scalar_prefetch = 0 : i64, scratch_operands = 0 : i64, tpu.core_type = #tpu.core_type<tc>, window_params = [{transform_indices = @transform_0, window_bounds = array<i64: 2, 10240, 16>}, {transform_indices = @transform_1, window_bounds = array<i64: 10240, 1>}, {transform_indices = @transform_2, window_bounds = array<i64: 10240, 16>}, {transform_indices = @transform_3, window_bounds = array<i64: 10240, 2>}]} {
    %get3A = arith.constant 0 : index
    %get3A_0 = arith.constant 0 : index
    %get3A_1 = arith.constant 0 : index
    %get3A_2 = vector.load %arg1[%get3A, %get3A_0, %get3A_1] : memref<2x10240x16xf32, #tpu.memory_space<vmem>>, vector<1x10240x16xf32>
    %get3A_3 = vector.shape_cast %get3A_2 : vector<1x10240x16xf32> to vector<10240x16xf32>
    %get3A_4 = arith.constant 1 : index
    %get3A_5 = arith.constant 0 : index
    %get3A_6 = arith.constant 0 : index
    %get3A_7 = vector.load %arg1[%get3A_4, %get3A_5, %get3A_6] : memref<2x10240x16xf32, #tpu.memory_space<vmem>>, vector<1x10240x16xf32>
    %get3A_8 = vector.shape_cast %get3A_7 : vector<1x10240x16xf32> to vector<10240x16xf32>
    %add3A = arith.addf %get3A_3, %get3A_8 : vector<10240x16xf32>
    %get3A_9 = arith.constant 0 : index
    %get3A_10 = arith.constant 0 : index
    %get3A_11 = vector.load %arg2[%get3A_9, %get3A_10] : memref<10240x1xf32, #tpu.memory_space<vmem>>, vector<10240x1xf32>
    %mul3A = vector.broadcast %get3A_11 : vector<10240x1xf32> to vector<10240x16xf32>
    %mul3A_12 = arith.mulf %mul3A, %add3A : vector<10240x16xf32>
    %get3A_13 = arith.constant 0 : index
    %get3A_14 = arith.constant 0 : index
    %get3A_15 = vector.load %arg3[%get3A_13, %get3A_14] : memref<10240x16xf32, #tpu.memory_space<vmem>>, vector<10240x16xf32>
    %add3A_16 = arith.addf %mul3A_12, %get3A_15 : vector<10240x16xf32>
    %slice3A = vector.extract_strided_slice %add3A_16 {offsets = [0, 0], sizes = [10240, 2], strides = [1, 1]} : vector<10240x16xf32> to vector<10240x2xf32>
    %slice3A_17 = vector.extract_strided_slice %add3A_16 {offsets = [0, 2], sizes = [10240, 2], strides = [1, 1]} : vector<10240x16xf32> to vector<10240x2xf32>
    %add3A_18 = arith.addf %slice3A, %slice3A_17 : vector<10240x2xf32>
    %slice3A_19 = vector.extract_strided_slice %add3A_16 {offsets = [0, 4], sizes = [10240, 2], strides = [1, 1]} : vector<10240x16xf32> to vector<10240x2xf32>
    %add3A_20 = arith.addf %add3A_18, %slice3A_19 : vector<10240x2xf32>
    %mul3A_21 = arith.constant 0.333333343 : f32
    %mul3A_22 = vector.broadcast %mul3A_21 : f32 to vector<10240x2xf32>
    %mul3A_23 = arith.mulf %add3A_20, %mul3A_22 : vector<10240x2xf32>
    %reduce_max3A = arith.constant dense<0xFF800000> : vector<10240xf32>
    %reduce_max3A_24 = vector.multi_reduction <maximumf>, %mul3A_23, %reduce_max3A [1] : vector<10240x2xf32> to vector<10240xf32>
    %broadcast_in_dim3A = vector.shape_cast %reduce_max3A_24 : vector<10240xf32> to vector<10240x1xf32>
    %sub3A = vector.broadcast %broadcast_in_dim3A : vector<10240x1xf32> to vector<10240x2xf32>
    %sub3A_25 = arith.subf %mul3A_23, %sub3A : vector<10240x2xf32>
    %exp3A = math.exp %sub3A_25 : vector<10240x2xf32>
    %reduce_sum3A = arith.constant dense<0.000000e+00> : vector<10240xf32>
    %reduce_sum3A_26 = vector.multi_reduction <add>, %exp3A, %reduce_sum3A [1] : vector<10240x2xf32> to vector<10240xf32>
    %broadcast_in_dim3A_27 = vector.shape_cast %reduce_sum3A_26 : vector<10240xf32> to vector<10240x1xf32>
    %log3A = math.log %broadcast_in_dim3A_27 : vector<10240x1xf32>
    %add3A_28 = arith.addf %broadcast_in_dim3A, %log3A : vector<10240x1xf32>
    %sub3A_29 = vector.broadcast %add3A_28 : vector<10240x1xf32> to vector<10240x2xf32>
    %sub3A_30 = arith.subf %mul3A_23, %sub3A_29 : vector<10240x2xf32>
    %swap3A = arith.constant 0 : index
    %swap3A_31 = arith.constant 0 : index
    %swap3A_32 = vector.load %arg4[%swap3A, %swap3A_31] : memref<10240x2xf32, #tpu.memory_space<vmem>>, vector<10240x2xf32>
    tpu.vector_store %arg4[%swap3A, %swap3A_31], %sub3A_30 {strides = array<i32>} : memref<10240x2xf32, #tpu.memory_space<vmem>>, vector<10240x2xf32>,
    return
  }
  func.func @transform_0(%arg0: i32) -> (i32, i32, i32) {
    %c0_i32 = arith.constant 0 : i32
    %c0_i32_0 = arith.constant 0 : i32
    %c0_i32_1 = arith.constant 0 : i32
    return %c0_i32, %arg0, %c0_i32_0 : i32, i32, i32
  }
  func.func @transform_1(%arg0: i32) -> (i32, i32) {
    %c0_i32 = arith.constant 0 : i32
    %c0_i32_0 = arith.constant 0 : i32
    return %arg0, %c0_i32 : i32, i32
  }
  func.func @transform_2(%arg0: i32) -> (i32, i32) {
    %c0_i32 = arith.constant 0 : i32
    %c0_i32_0 = arith.constant 0 : i32
    return %arg0, %c0_i32 : i32, i32
  }
  func.func @transform_3(%arg0: i32) -> (i32, i32) {
    %c0_i32 = arith.constant 0 : i32
    %c0_i32_0 = arith.constant 0 : i32
    return %arg0, %c0_i32 : i32, i32
  }
}

</mosaic_0001>

<sc_bundles>
// kernel: kernel.13.cloned.1.call-start
scs
__scs_entry_jumppad:
0x0: {  	(pc) =	sbr.rel $0x88, $3  }
0x1: {  	(tag) =	ssettag $0x0;
	lr =	simm.s32 $0x1  }
0x2: {  	[smem:$0x3F97] =	sst lr;
	_ =	strace $0xD0000000  }
0x3: {  	_ = 	snop  }
0x4: {  	_ = 	snop  }
0x5: {  	_ = 	snop  }
0x6: {  	_ = 	snop  }
0x7: {  	_ = 	snop  }
__scs_overlays_trampoline_lowered:
0x8: {  	[smem:$0x3FA6] =	sst s0  }
0x9: {  	[smem:$0x3FA7] =	sst s1  }
0xa: {  	[smem:$0x3FA8] =	sst s2  }
0xb: {  	[smem:$0x3FA9] =	sst s3  }
0xc: {  	[smem:$0x3FAA] =	sst s4  }
0xd: {  	[smem:$0x3FAB] =	sst s5  }
0xe: {  	[smem:$0x3FAC] =	sst s6  }
0xf: {  	[smem:$0x3FAD] =	sst s7  }
0x10: {  	[smem:$0x3FAE] =	sst s8  }
0x11: {  	[smem:$0x3FAF] =	sst s9;
	s0 =	simm.s32 @!p0 $0x0  }
0x12: {  	s1 =	sld [smem:$0x3F95];
	s0 =	simm.s32 @p0 $0x1  }
0x13: {  	[smem:$0x3FB0] =	sst s0;
	s0 =	simm.s32 @!p1 $0x0  }
0x14: {  	s2 =	sld [smem:$0x3F94];
	s0 =	simm.s32 @p1 $0x1  }
0x15: {  	[smem:$0x3FB1] =	sst s0;
	s0 =	simm.s32 @!p2 $0x0  }
0x16: {  	s3 =	sld [smem:$0x3FDB];
	s0 =	simm.s32 @p2 $0x1  }
0x17: {  	s4 =	simm.s32 $0x1BF5;
	[smem:$0x3FB3] =	sst s0  }
0x18: {  	s0 =	sld [smem:$0x3F96];
	_ =	swait.ge [sflag:s4], $0x0  }
0x19: {  	s7 =	sld [smem:$0x3F97]  }
0x1a: {  	s8 =	sadd.s32 $0xFFFFE003, lr  }
0x1b: {  	s9 =	sadd.s32 $0xFFFFFEF7, lr;
	s5 =	simm.s32 $0xFFFFFFFF;
	p2 =	slt.u32 s8, $0xFFFFF086  }
0x1c: {  	p1 =	slt.u32 s9, $0xF7A;
	s5 =	simm.s32 @!p2 $0x0  }
0x1d: {  	s5 =	simm.s32 @p1 $0x1;
	p0 =	seq.s32 s7, s2  }
0x1e: {  	s7 =	smul.u32 @!p0 $0xF7A, s2;
	p2 =	seq.s32 @!p0 s5, $0x0  }
0x1f: {  	s9 =	smul.u32 $0xF7A, s1;
	s8 =	simm.s32 @!p0 $0x1BF5;
	p2 =	por !p2, p0  }
0x20: {  	[sflag:s8] =	ssyncset.s32 @!p0 $0xFFFFF086;
	s6 =	sadd.s32 @!p0 s3, s7;
	s7 =	simm.s32 @!p0 $0x108  }
0x21: {  	s3 =	sadd.s32 s3, s9;
	s6 =	sadd.s32 @!p0 $0x88, s6;
	s7 =	simm.s32 @p2 $0x1082  }
0x22: {  	[simem:s7], [sflag:s8] =	dma.local @!p0 [hbm:s6], $0xF7A  }
0x23: {  	s9 =	sor.u32 $0xD0000000, s2;
	s6 =	simm.s32 $0x108;
	_ =	swait.ge @!p0 [sflag:s8], $0x0  }
0x24: {  	s3 =	sadd.s32 $0x88, s3;
	s6 =	simm.s32 @!p1 $0x1082;
	[sflag:s4] =	ssyncset.s32 $0xFFFFF086  }
0x25: {  	[simem:s6], [sflag:s4] =	dma.local [hbm:s3], $0xF7A  }
0x26: {  	[smem:$0x3F97] =	sst s1;
	(tag) =	ssettag s2;
	_ =	strace s9  }
0x27: {  	s1 =	sld [smem:$0x3FA7]  }
0x28: {  	s2 =	sld [smem:$0x3FA8]  }
0x29: {  	s4 =	sld [smem:$0x3FAA]  }
0x2a: {  	p0 =	seq.s32 s5, $0x0;
	s5 =	sld [smem:$0x3FAB]  }
0x2b: {  	s6 =	sld [smem:$0x3FAC]  }
0x2c: {  	s7 =	sld [smem:$0x3FAD]  }
0x2d: {  	s3 =	simm.s32 $0x108;
	s8 =	sld [smem:$0x3FAE]  }
0x2e: {  	s3 =	simm.s32 @!p0 $0x1082;
	s9 =	sld [smem:$0x3FAF]  }
0x2f: {  	lr =	sadd.s32 s0, s3;
	s0 =	sld [smem:$0x3FA6]  }
0x30: {  	s3 =	sld [smem:$0x3FA9]  }
0x31: {  	[smem:$0x3FB2] =	sst s10  }
0x32: {  	s10 =	sld [smem:$0x3FB0];
	_ =	sdelay $0x3  }
0x33: {  	p0 =	seq.s32 s10, $0x1;
	s10 =	sld [smem:$0x3FB2];
	_ =	sdelay $0x3  }
0x34: {  	[smem:$0x3FB2] =	sst s10  }
0x35: {  	s10 =	sld [smem:$0x3FB1];
	_ =	sdelay $0x3  }
0x36: {  	p1 =	seq.s32 s10, $0x1;
	s10 =	sld [smem:$0x3FB2];
	_ =	sdelay $0x3  }
0x37: {  	[smem:$0x3FB2] =	sst s10  }
0x38: {  	s10 =	sld [smem:$0x3FB3]  }
0x39: {  	_ = 	snop;
	(pc) =	sbr.ind lr, $3  }
0x3a: {  	_ = 	snop  }
0x3b: {  	_ = 	snop  }
0x3c: {  	p2 =	seq.s32 s10, $0x1;
	s10 =	sld [smem:$0x3FB2]  }
0x3d: {  	_ =	shalt  }
0x3e: {  	_ =	shalt  }
0x3f: {  	_ =	shalt  }
0x40: {  	_ =	shalt  }
0x41: {  	_ =	shalt  }
0x42: {  	_ =	shalt  }
0x43: {  	_ =	shalt  }
0x44: {  	_ =	shalt  }
0x45: {  	_ =	shalt  }
0x46: {  	_ =	shalt  }
0x47: {  	_ =	shalt  }
0x48: {  	_ =	shalt  }
0x49: {  	_ =	shalt  }
0x4a: {  	_ =	shalt  }
0x4b: {  	_ =	shalt  }
0x4c: {  	_ =	shalt  }
0x4d: {  	_ =	shalt  }
0x4e: {  	_ =	shalt  }
0x4f: {  	_ =	shalt  }
0x50: {  	_ =	shalt  }
0x51: {  	_ =	shalt  }
0x52: {  	_ =	shalt  }
0x53: {  	_ =	shalt  }
0x54: {  	_ =	shalt  }
0x55: {  	_ =	shalt  }
0x56: {  	_ =	shalt  }
0x57: {  	_ =	shalt  }
0x58: {  	_ =	shalt  }
0x59: {  	_ =	shalt  }
0x5a: {  	_ =	shalt  }
0x5b: {  	_ =	shalt  }
0x5c: {  	_ =	shalt  }
0x5d: {  	_ =	shalt  }
0x5e: {  	_ =	shalt  }
0x5f: {  	_ =	shalt  }
0x60: {  	_ =	shalt  }
0x61: {  	_ =	shalt  }
0x62: {  	_ =	shalt  }
0x63: {  	_ =	shalt  }
0x64: {  	_ =	shalt  }
0x65: {  	_ =	shalt  }
0x66: {  	_ =	shalt  }
0x67: {  	_ =	shalt  }
0x68: {  	_ =	shalt  }
0x69: {  	_ =	shalt  }
0x6a: {  	_ =	shalt  }
0x6b: {  	_ =	shalt  }
0x6c: {  	_ =	shalt  }
0x6d: {  	_ =	shalt  }
0x6e: {  	_ =	shalt  }
0x6f: {  	_ =	shalt  }
0x70: {  	_ =	shalt  }
0x71: {  	_ =	shalt  }
0x72: {  	_ =	shalt  }
0x73: {  	_ =	shalt  }
0x74: {  	_ =	shalt  }
0x75: {  	_ =	shalt  }
0x76: {  	_ =	shalt  }
0x77: {  	_ =	shalt  }
0x78: {  	_ =	shalt  }
0x79: {  	_ =	shalt  }
0x7a: {  	_ =	shalt  }
0x7b: {  	_ =	shalt  }
0x7c: {  	_ =	shalt  }
0x7d: {  	_ =	shalt  }
0x7e: {  	_ =	shalt  }
0x7f: {  	_ =	shalt  }
0x80: {  	_ =	shalt  }
0x81: {  	_ =	shalt  }
0x82: {  	_ =	shalt  }
0x83: {  	_ =	shalt  }
0x84: {  	_ =	shalt  }
0x85: {  	_ =	shalt  }
0x86: {  	_ =	shalt  }
0x87: {  	_ =	shalt  }
.Lfunc_end0:
.L_simem_size_0:
called_computation_lowered:
.L_overlay_start_0:
0x88: {  	s2 =	sld [smem:$0x3FD9]  }
0x89: {  	s3 =	sld [smem:$0x3FFE];
	_ =	sdelay $0x1  }
0x8a: {  	s1 =	srdreg.scid  }
0x8b: {  	s0 =	sand.u32 $0x1, s1  }
0x8c: {  	s17 =	sshll.u32 s0, $0xA;
	s2 =	sadd.s32 s3, s2  }
0x8d: {  	s2 =	sadd.s32 s2, s17  }
0x8e: {  	[smem:$0x3FBE] =	sst s2  }
0x8f: {  	_ = 	snop  }
0x90: {  	s2 =	sld [smem:$0x3FD0];
	(tm) =	ssettm $0x1  }
0x91: {  	s18 =	sld [smem:$0x3FFB];
	_ =	sdelay $0x3  }
0x92: {  	_ =	strace s18  }
0x93: {  	s3 =	sld [smem:$0x3FFC];
	_ =	sdelay $0x3  }
0x94: {  	_ =	strace s3  }
0x95: {  	s3 =	sld [smem:$0x3FFD];
	_ =	sdelay $0x3  }
0x96: {  	_ =	strace s3  }
0x97: {  	_ =	strace $0x8FFFFFFF  }
0x98: {  	s19 =	sld [smem:$0x3FDB];
	_ =	sdelay $0x1  }
0x99: {  	s4 =	simm.s32 $_scs_section_size  }
0x9a: {  	s5 =	simm.s32 $_size__tile_overlayer_lowered;
	s6 =	simm.s32 $_tile_overlayer_lowered  }
0x9b: {  	s22 =	simm.s32 $0x1BFF;
	s21 =	sshll.u32 s6, $0x1;
	s3 =	sadd.s32 s4, s19  }
0x9c: {  	s7 =	simm.s32 $0x0;
	s20 =	sshll.u32 s5, $0x1;
	s5 =	sadd.s32 s21, s3  }
0x9d: {  	[timem:s7], [sflag:s22] =	dma.local [hbm:s5], s20  }
0x9e: {  	_ =	swait.ge [sflag:s22], s20  }
0x9f: {  	s4 =	ssub.s32 $0x0, s20;
	[sflag:s22] =	ssyncset.done $0x0  }
0xa0: {  	[sflag:s22] =	ssyncadd.s32 s4;
	_ =	sdelay $0x1  }
0xa1: {  	s23 =	simm.s32 $0x1B8B  }
0xa2: {  	_ =	swait.ge [sflag:s23], $0x1  }
0xa3: {  	[sflag:s23] =	ssyncset.done $0x0  }
0xa4: {  	s25 =	simm.s32 $0x1B8E;
	s24 =	sld [smem:$0x3FFE];
	[sflag:s23] =	ssyncadd.s32 $0xFFFFFFFF  }
0xa5: {  	s26 =	simm.s32 $execute0_lowered;
	[smem:$0x3FD2] =	sst s25  }
0xa6: {  	s5 =	sshll.u32 s26, $0x1;
	_ =	strace $0x80000046;
	[dreg:$0x1] =	wrdreg $0xFFFFFFFF  }
0xa7: {  	s28 =	simm.s32 $_size_execute0_lowered;
	s3 =	sadd.s32 s3, s5;
	[dreg:$0x0] =	wrdreg $0x0  }
0xa8: {  	s5 =	sshll.u32 s28, $0x1;
	[dreg:$0x2] =	wrdreg s3  }
0xa9: {  	[dreg:$0x3] =	wrdreg s5  }
0xaa: {  	[dreg:$0x4] =	wrdreg $0xC0  }
0xab: {  	_ =	task [dreg:s7], $0x5FFFF  }
0xac: {  	[dreg:$0x1] =	wrdreg $0xFFFFFFFF  }
0xad: {  	[dreg:$0x0] =	wrdreg $0x60  }
0xae: {  	[dreg:$0x2] =	wrdreg s24  }
0xaf: {  	[dreg:$0x3] =	wrdreg s2  }
0xb0: {  	[dreg:$0x4] =	wrdreg $0x9  }
0xb1: {  	_ =	task.clear_ibuf [dreg:s7], $0x5FFFF;
	_ =	strace $0x90000046  }
0xb2: {  	s29 =	simm.s32 $0x9;
	_ =	strace $0x80000048  }
0xb3: {  	_ =	swait.ge [sflag:s29], $0x1  }
0xb4: {  	[sflag:s29] =	ssyncadd.s32 $0xFFFFFFFF  }
0xb5: {  	_ =	strace $0x90000048  }
0xb6: {  	_ =	sfence  }
0xb7: {  	s30 =	sld [smem:$0x0];
	_ =	sdelay $0x2  }
0xb8: {  	s31 =	sshll.u32 s1, $0xD;
	s1 =	sshrl.u32 s1, $0x2  }
0xb9: {  	s3 =	sand.u32 $0x4000, s31;
	s1 =	sadd.s32 s1, s30  }
0xba: {  	s0 =	sor.u32 s3, s0;
	s1 =	sshll.u32 s1, $0x11  }
0xbb: {  	s0 =	sor.u32 s1, s0  }
0xbc: {  	s0 =	sadd.s32 $0x8F2B, s0  }
0xbd: {  	[sflag:s0] =	ssyncadd.remote.s32 $0x1  }
0xbe: {  	_ =	sfence.sel $0xFFFF  }
0xbf: {  	[dreg:$0x0] =	wrdreg $0xFFFFFFFF;
	(pc) =	sbr.abs _section_cstart, $3  }
0xc0: {  	[dreg:$0x1] =	wrdreg $0xFFFFFFFF  }
0xc1: {  	_ =	task.clear_ibuf [dreg:s7], $0x2FFFF;
	_ =	strace $0x9FFFFFFF  }
0xc2: {  	(tm) =	ssettm $0x7FFFFFFF  }
0xc3: {  	_ =	shalt  }
tec
execute0_lowered:
.L_overlay_start_1:
0x0: {  	(tag) =	ssettag $0x1  }
0x1: {  	s4 =	rddreg [dreg:$0x0]  }
0x2: {  	s2 =	rddreg [dreg:$0x1]  }
0x3: {  	s0 =	rddreg [dreg:$0x2]  }
0x4: {  	s1 =	stileid.u32;
	s3 =	simm.s32 $0x0;
	s5 =	srdreg.scid  }
0x5: {  	s10 =	simm.s32 $0x4E80;
	s11 =	simm.s32 $0x0;
	s6 =	sshrl.u32 s1, $0x2  }
0x6: {  	s5 =	sand.u32 $0x1, s5;
	s7 =	sshll.u32 s1, $0x8;
	[smem:$0x7FF] =	sst s3  }
0x7: {  	s8 =	smul.u32 $0x27400, s6;
	s9 =	sshll.u32 s5, $0x7;
	s7 =	sand.u32 $0x300, s7  }
0x8: {  	s6 =	smul.u32 $0x14000, s6;
	s5 =	ssub.s32 $0x2, s5;
	s7 =	sor.u32 s9, s7  }
0x9: {  	_ =	strace $0x80000047;
	s30 =	sshrl.u32 s5, $0x1;
	s8 =	sor.u32 s8, s7  }
0xa: {  	s9 =	simm.s32 $0x1;
	s6 =	sor.u32 s6, s7;
	s29 =	sshrl.u32 s8, $0x3  }
0xb: {  	s31 =	ssub.s32 s5, s30;
	s6 =	sshrl.u32 s6, $0x3;
	s7 =	sadd.s32 s29, s4  }
0xc: {  	s8 =	simm.s32 $0x400;
	s6 =	sadd.s32 s6, s4;
	s4 =	sadd.s32 $0x15600, s7  }
0xd: {  	v0 =	vimm.f32 $1.000000000e+00;
	s5 =	sadd.s32 $0x29000, s6;
	s6 =	smax.u32 s31, $0x1;
	s7 =	simm.s32 $0x80  }
.LBB2_1:
0xe: {  	[tilespmem:s3], [sflag:$0x1] =	stream.strided.gather [hbm4b:s4+s7], $0x4E80, s8, s7, $0x38;
	[tilespmem:$0x7680] =	vst v63  }
0xf: {  	_ =	swait.ge [sflag:s9], $0x4E80  }
0x10: {  	[sflag:s9] =	ssyncset.done $0x0  }
0x11: {  	[sflag:s9] =	ssyncadd.s32 $0xFFFFB180  }
0x12: {  	[tilespmem:s10], [sflag:$0x1] =	stream.linear.gather [hbm4b:s2+s3], $0x2800, $0x38;
	[tilespmem:$0x7680] =	vst v63  }
0x13: {  	_ =	swait.ge [sflag:s9], $0x2800  }
0x14: {  	[sflag:s9] =	ssyncset.done $0x0  }
0x15: {  	s13 =	simm.s32 $0x0;
	s12 =	simm.s32 $0x40;
	[sflag:s9] =	ssyncadd.s32 $0xFFFFD800  }
.LBB2_2:
0x16: {  	p0 =	sne.s32 s12, $0x139C0;
	v1 =	vld [tilespmem:s13+$0x0];
	_ =	sdelay $0x3  }
.Ltmp0:
0x17: {  	(pc) =	sbr.rel @p0 .LBB2_2-.Ltmp0, $2  }
0x18: {  	_ =	sdelay $0x2  }
0x19: {  	s13 =	sshra.s32 s12, $0x2;
	s12 =	sadd.s32 $0x40, s12;
	[tilespmem:v1+s10+$0x0] =	vst.idx.add.f32.msk $0xffff, v0  }
0x1a: {  	v1 =	vld [tilespmem:s13+$0x0];
	_ =	sdelay $0x5  }
0x1b: {  	s11 =	sadd.s32 $0x1, s11  }
0x1c: {  	p0 =	sne.s32 s11, s6  }
.Ltmp1:
0x1d: {  	[tilespmem:v1+s10+$0x0] =	vst.idx.add.f32.msk $0xffff, v0;
	(pc) =	sbr.rel @p0 .LBB2_1-.Ltmp1, $4  }
0x1e: {  	[hbm4b:s5+s7] =	stream.strided.scatter [tilespmem:s10], [sflag:$0x1], $0x2800, s8, s7, $0x38;
	[tilespmem:$0x7680] =	vst v63  }
0x1f: {  	_ =	swait.ge [sflag:s9], $0x2800  }
0x20: {  	[sflag:s9] =	ssyncset.done $0x0  }
0x21: {  	[sflag:s9] =	ssyncadd.s32 $0xFFFFD800  }
0x22: {  	_ =	sfence.sel $0x180000  }
0x23: {  	[bflag:$0x0] =	sbarrier.arrive $0xFFFF  }
0x24: {  	p0 =	sne.s32 s1, $0x0;
	_ =	strace $0x90000047  }
0x25: {  	s0 =	sadd.s32 @!p0 $0x100000, s0;
	[bflag:$0x2] =	sbarrier.arrive $0xFFFF  }
0x26: {  	[sflag:s0] =	ssyncadd.tile.s32 @!p0 $0x1;
	_ =	shalt  }
.Lfunc_end2:
_tile_overlayer_lowered:
.L_overlay_start_2:
0x27: {  	(tag) =	ssettag $0x2  }
0x28: {  	s0 =	rddreg [dreg:$0x0];
	s2 =	stileid.u32  }
0x29: {  	s1 =	rddreg [dreg:$0x1];
	p0 =	sne.s32 s2, $0x0  }
0x2a: {  	s3 =	rddreg [dreg:$0x2];
	[bflag:$0x3] =	sbarrier.arrive $0xFFFF;
	s2 =	simm.s32 @!p0 $0x1C01  }
0x2b: {  	[timem:s3], [sflag:s2] =	dma.local @!p0 [hbm:s0], s1  }
0x2c: {  	s0 =	simm.s32 @!p0 $0x1  }
0x2d: {  	_ =	swait.ge @!p0 [sflag:s0], s1  }
0x2e: {  	s1 =	ssub.s32 @!p0 $0x0, s1;
	[sflag:s0] =	ssyncset.done @!p0 $0x0  }
0x2f: {  	[sflag:s0] =	ssyncadd.s32 @!p0 s1  }
0x30: {  	[bflag:$0x3] =	sbarrier.arrive $0xFFFF  }
0x31: {  	_ =	shalt  }

// kernel: kernel.16.cloned.1.call-start
scs
__scs_entry_jumppad:
0x0: {  	(pc) =	sbr.rel $0x88, $3  }
0x1: {  	(tag) =	ssettag $0x0;
	lr =	simm.s32 $0x1  }
0x2: {  	[smem:$0x3F97] =	sst lr;
	_ =	strace $0xD0000000  }
0x3: {  	_ = 	snop  }
0x4: {  	_ = 	snop  }
0x5: {  	_ = 	snop  }
0x6: {  	_ = 	snop  }
0x7: {  	_ = 	snop  }
__scs_overlays_trampoline_lowered:
0x8: {  	[smem:$0x3FA6] =	sst s0  }
0x9: {  	[smem:$0x3FA7] =	sst s1  }
0xa: {  	[smem:$0x3FA8] =	sst s2  }
0xb: {  	[smem:$0x3FA9] =	sst s3  }
0xc: {  	[smem:$0x3FAA] =	sst s4  }
0xd: {  	[smem:$0x3FAB] =	sst s5  }
0xe: {  	[smem:$0x3FAC] =	sst s6  }
0xf: {  	[smem:$0x3FAD] =	sst s7  }
0x10: {  	[smem:$0x3FAE] =	sst s8  }
0x11: {  	[smem:$0x3FAF] =	sst s9;
	s0 =	simm.s32 @!p0 $0x0  }
0x12: {  	s1 =	sld [smem:$0x3F95];
	s0 =	simm.s32 @p0 $0x1  }
0x13: {  	[smem:$0x3FB0] =	sst s0;
	s0 =	simm.s32 @!p1 $0x0  }
0x14: {  	s2 =	sld [smem:$0x3F94];
	s0 =	simm.s32 @p1 $0x1  }
0x15: {  	[smem:$0x3FB1] =	sst s0;
	s0 =	simm.s32 @!p2 $0x0  }
0x16: {  	s3 =	sld [smem:$0x3FDB];
	s0 =	simm.s32 @p2 $0x1  }
0x17: {  	s4 =	simm.s32 $0x1BF5;
	[smem:$0x3FB3] =	sst s0  }
0x18: {  	s0 =	sld [smem:$0x3F96];
	_ =	swait.ge [sflag:s4], $0x0  }
0x19: {  	s7 =	sld [smem:$0x3F97]  }
0x1a: {  	s8 =	sadd.s32 $0xFFFFE003, lr  }
0x1b: {  	s9 =	sadd.s32 $0xFFFFFEF7, lr;
	s5 =	simm.s32 $0xFFFFFFFF;
	p2 =	slt.u32 s8, $0xFFFFF086  }
0x1c: {  	p1 =	slt.u32 s9, $0xF7A;
	s5 =	simm.s32 @!p2 $0x0  }
0x1d: {  	s5 =	simm.s32 @p1 $0x1;
	p0 =	seq.s32 s7, s2  }
0x1e: {  	s7 =	smul.u32 @!p0 $0xF7A, s2;
	p2 =	seq.s32 @!p0 s5, $0x0  }
0x1f: {  	s9 =	smul.u32 $0xF7A, s1;
	s8 =	simm.s32 @!p0 $0x1BF5;
	p2 =	por !p2, p0  }
0x20: {  	[sflag:s8] =	ssyncset.s32 @!p0 $0xFFFFF086;
	s6 =	sadd.s32 @!p0 s3, s7;
	s7 =	simm.s32 @!p0 $0x108  }
0x21: {  	s3 =	sadd.s32 s3, s9;
	s6 =	sadd.s32 @!p0 $0x88, s6;
	s7 =	simm.s32 @p2 $0x1082  }
0x22: {  	[simem:s7], [sflag:s8] =	dma.local @!p0 [hbm:s6], $0xF7A  }
0x23: {  	s9 =	sor.u32 $0xD0000000, s2;
	s6 =	simm.s32 $0x108;
	_ =	swait.ge @!p0 [sflag:s8], $0x0  }
0x24: {  	s3 =	sadd.s32 $0x88, s3;
	s6 =	simm.s32 @!p1 $0x1082;
	[sflag:s4] =	ssyncset.s32 $0xFFFFF086  }
0x25: {  	[simem:s6], [sflag:s4] =	dma.local [hbm:s3], $0xF7A  }
0x26: {  	[smem:$0x3F97] =	sst s1;
	(tag) =	ssettag s2;
	_ =	strace s9  }
0x27: {  	s1 =	sld [smem:$0x3FA7]  }
0x28: {  	s2 =	sld [smem:$0x3FA8]  }
0x29: {  	s4 =	sld [smem:$0x3FAA]  }
0x2a: {  	p0 =	seq.s32 s5, $0x0;
	s5 =	sld [smem:$0x3FAB]  }
0x2b: {  	s6 =	sld [smem:$0x3FAC]  }
0x2c: {  	s7 =	sld [smem:$0x3FAD]  }
0x2d: {  	s3 =	simm.s32 $0x108;
	s8 =	sld [smem:$0x3FAE]  }
0x2e: {  	s3 =	simm.s32 @!p0 $0x1082;
	s9 =	sld [smem:$0x3FAF]  }
0x2f: {  	lr =	sadd.s32 s0, s3;
	s0 =	sld [smem:$0x3FA6]  }
0x30: {  	s3 =	sld [smem:$0x3FA9]  }
0x31: {  	[smem:$0x3FB2] =	sst s10  }
0x32: {  	s10 =	sld [smem:$0x3FB0];
	_ =	sdelay $0x3  }
0x33: {  	p0 =	seq.s32 s10, $0x1;
	s10 =	sld [smem:$0x3FB2];
	_ =	sdelay $0x3  }
0x34: {  	[smem:$0x3FB2] =	sst s10  }
0x35: {  	s10 =	sld [smem:$0x3FB1];
	_ =	sdelay $0x3  }
0x36: {  	p1 =	seq.s32 s10, $0x1;
	s10 =	sld [smem:$0x3FB2];
	_ =	sdelay $0x3  }
0x37: {  	[smem:$0x3FB2] =	sst s10  }
0x38: {  	s10 =	sld [smem:$0x3FB3]  }
0x39: {  	_ = 	snop;
	(pc) =	sbr.ind lr, $3  }
0x3a: {  	_ = 	snop  }
0x3b: {  	_ = 	snop  }
0x3c: {  	p2 =	seq.s32 s10, $0x1;
	s10 =	sld [smem:$0x3FB2]  }
0x3d: {  	_ =	shalt  }
0x3e: {  	_ =	shalt  }
0x3f: {  	_ =	shalt  }
0x40: {  	_ =	shalt  }
0x41: {  	_ =	shalt  }
0x42: {  	_ =	shalt  }
0x43: {  	_ =	shalt  }
0x44: {  	_ =	shalt  }
0x45: {  	_ =	shalt  }
0x46: {  	_ =	shalt  }
0x47: {  	_ =	shalt  }
0x48: {  	_ =	shalt  }
0x49: {  	_ =	shalt  }
0x4a: {  	_ =	shalt  }
0x4b: {  	_ =	shalt  }
0x4c: {  	_ =	shalt  }
0x4d: {  	_ =	shalt  }
0x4e: {  	_ =	shalt  }
0x4f: {  	_ =	shalt  }
0x50: {  	_ =	shalt  }
0x51: {  	_ =	shalt  }
0x52: {  	_ =	shalt  }
0x53: {  	_ =	shalt  }
0x54: {  	_ =	shalt  }
0x55: {  	_ =	shalt  }
0x56: {  	_ =	shalt  }
0x57: {  	_ =	shalt  }
0x58: {  	_ =	shalt  }
0x59: {  	_ =	shalt  }
0x5a: {  	_ =	shalt  }
0x5b: {  	_ =	shalt  }
0x5c: {  	_ =	shalt  }
0x5d: {  	_ =	shalt  }
0x5e: {  	_ =	shalt  }
0x5f: {  	_ =	shalt  }
0x60: {  	_ =	shalt  }
0x61: {  	_ =	shalt  }
0x62: {  	_ =	shalt  }
0x63: {  	_ =	shalt  }
0x64: {  	_ =	shalt  }
0x65: {  	_ =	shalt  }
0x66: {  	_ =	shalt  }
0x67: {  	_ =	shalt  }
0x68: {  	_ =	shalt  }
0x69: {  	_ =	shalt  }
0x6a: {  	_ =	shalt  }
0x6b: {  	_ =	shalt  }
0x6c: {  	_ =	shalt  }
0x6d: {  	_ =	shalt  }
0x6e: {  	_ =	shalt  }
0x6f: {  	_ =	shalt  }
0x70: {  	_ =	shalt  }
0x71: {  	_ =	shalt  }
0x72: {  	_ =	shalt  }
0x73: {  	_ =	shalt  }
0x74: {  	_ =	shalt  }
0x75: {  	_ =	shalt  }
0x76: {  	_ =	shalt  }
0x77: {  	_ =	shalt  }
0x78: {  	_ =	shalt  }
0x79: {  	_ =	shalt  }
0x7a: {  	_ =	shalt  }
0x7b: {  	_ =	shalt  }
0x7c: {  	_ =	shalt  }
0x7d: {  	_ =	shalt  }
0x7e: {  	_ =	shalt  }
0x7f: {  	_ =	shalt  }
0x80: {  	_ =	shalt  }
0x81: {  	_ =	shalt  }
0x82: {  	_ =	shalt  }
0x83: {  	_ =	shalt  }
0x84: {  	_ =	shalt  }
0x85: {  	_ =	shalt  }
0x86: {  	_ =	shalt  }
0x87: {  	_ =	shalt  }
.Lfunc_end0:
.L_simem_size_0:
called_computation.1_lowered:
.L_overlay_start_0:
0x88: {  	s2 =	sld [smem:$0x3FD9]  }
0x89: {  	s3 =	sld [smem:$0x3FFE];
	_ =	sdelay $0x1  }
0x8a: {  	s1 =	srdreg.scid  }
0x8b: {  	s0 =	sand.u32 $0x1, s1  }
0x8c: {  	s16 =	sshll.u32 s0, $0xA;
	s2 =	sadd.s32 s3, s2  }
0x8d: {  	s2 =	sadd.s32 s2, s16  }
0x8e: {  	[smem:$0x3FBE] =	sst s2  }
0x8f: {  	_ = 	snop  }
0x90: {  	(tm) =	ssettm $0x1  }
0x91: {  	s17 =	sld [smem:$0x3FFB];
	_ =	sdelay $0x3  }
0x92: {  	_ =	strace s17  }
0x93: {  	s2 =	sld [smem:$0x3FFC];
	_ =	sdelay $0x3  }
0x94: {  	_ =	strace s2  }
0x95: {  	s2 =	sld [smem:$0x3FFD];
	_ =	sdelay $0x3  }
0x96: {  	_ =	strace s2  }
0x97: {  	_ =	strace $0x8FFFFFFF  }
0x98: {  	s18 =	sld [smem:$0x3FDB];
	_ =	sdelay $0x1  }
0x99: {  	s19 =	simm.s32 $_scs_section_size  }
0x9a: {  	s4 =	simm.s32 $_size__tile_overlayer_lowered;
	s5 =	simm.s32 $_tile_overlayer_lowered  }
0x9b: {  	s22 =	simm.s32 $0x1BFF;
	s21 =	sshll.u32 s5, $0x1;
	s2 =	sadd.s32 s19, s18  }
0x9c: {  	s6 =	simm.s32 $0x0;
	s20 =	sshll.u32 s4, $0x1;
	s4 =	sadd.s32 s21, s2  }
0x9d: {  	[timem:s6], [sflag:s22] =	dma.local [hbm:s4], s20  }
0x9e: {  	_ =	swait.ge [sflag:s22], s20  }
0x9f: {  	s3 =	ssub.s32 $0x0, s20;
	[sflag:s22] =	ssyncset.done $0x0  }
0xa0: {  	[sflag:s22] =	ssyncadd.s32 s3;
	_ =	sdelay $0x1  }
0xa1: {  	s23 =	simm.s32 $0x1B8B  }
0xa2: {  	_ =	swait.ge [sflag:s23], $0x1  }
0xa3: {  	[sflag:s23] =	ssyncset.done $0x0  }
0xa4: {  	s25 =	simm.s32 $0x1B8E;
	s24 =	sld [smem:$0x3FFE];
	[sflag:s23] =	ssyncadd.s32 $0xFFFFFFFF  }
0xa5: {  	s26 =	simm.s32 $execute0_lowered;
	[smem:$0x3FD2] =	sst s25  }
0xa6: {  	s4 =	sshll.u32 s26, $0x1;
	_ =	strace $0x80000049;
	[dreg:$0x1] =	wrdreg $0xFFFFFFFF  }
0xa7: {  	s28 =	simm.s32 $_size_execute0_lowered;
	s2 =	sadd.s32 s2, s4;
	[dreg:$0x0] =	wrdreg $0x0  }
0xa8: {  	s4 =	sshll.u32 s28, $0x1;
	[dreg:$0x2] =	wrdreg s2  }
0xa9: {  	[dreg:$0x3] =	wrdreg s4  }
0xaa: {  	[dreg:$0x4] =	wrdreg $0xC0  }
0xab: {  	_ =	task [dreg:s6], $0x5FFFF  }
0xac: {  	[dreg:$0x1] =	wrdreg $0xFFFFFFFF  }
0xad: {  	[dreg:$0x0] =	wrdreg $0x60  }
0xae: {  	[dreg:$0x2] =	wrdreg s24  }
0xaf: {  	[dreg:$0x3] =	wrdreg $0x15D000  }
0xb0: {  	[dreg:$0x4] =	wrdreg $0x9  }
0xb1: {  	_ =	task.clear_ibuf [dreg:s6], $0x5FFFF;
	_ =	strace $0x90000049  }
0xb2: {  	s29 =	simm.s32 $0x9;
	_ =	strace $0x8000004B  }
0xb3: {  	_ =	swait.ge [sflag:s29], $0x1  }
0xb4: {  	[sflag:s29] =	ssyncadd.s32 $0xFFFFFFFF  }
0xb5: {  	_ =	strace $0x9000004B  }
0xb6: {  	_ =	sfence  }
0xb7: {  	s30 =	sld [smem:$0x0];
	_ =	sdelay $0x2  }
0xb8: {  	s31 =	sshll.u32 s1, $0xD;
	s1 =	sshrl.u32 s1, $0x2  }
0xb9: {  	s3 =	sand.u32 $0x4000, s31;
	s1 =	sadd.s32 s1, s30  }
0xba: {  	s0 =	sor.u32 s3, s0;
	s1 =	sshll.u32 s1, $0x11  }
0xbb: {  	s0 =	sor.u32 s1, s0  }
0xbc: {  	s0 =	sadd.s32 $0x8F2B, s0  }
0xbd: {  	[sflag:s0] =	ssyncadd.remote.s32 $0x1  }
0xbe: {  	_ =	sfence.sel $0xFFFF  }
0xbf: {  	[dreg:$0x0] =	wrdreg $0xFFFFFFFF;
	(pc) =	sbr.abs _section_cstart, $3  }
0xc0: {  	[dreg:$0x1] =	wrdreg $0xFFFFFFFF  }
0xc1: {  	_ =	task.clear_ibuf [dreg:s6], $0x2FFFF;
	_ =	strace $0x9FFFFFFF  }
0xc2: {  	(tm) =	ssettm $0x7FFFFFFF  }
0xc3: {  	_ =	shalt  }
tec
execute0_lowered:
.L_overlay_start_1:
0x0: {  	(tag) =	ssettag $0x1  }
0x1: {  	s0 =	srdreg.scid;
	s5 =	rddreg [dreg:$0x0]  }
0x2: {  	s12 =	stileid.u32;
	s2 =	rddreg [dreg:$0x1]  }
0x3: {  	s3 =	simm.s32 $0x0;
	s14 =	simm.s32 $0x80;
	s15 =	simm.s32 $0x9D00  }
0x4: {  	s16 =	simm.s32 $0xB500;
	s18 =	simm.s32 $0xCD00;
	s20 =	simm.s32 $0xE500  }
0x5: {  	s22 =	simm.s32 $0xFD00;
	s24 =	simm.s32 $0x11500;
	s29 =	simm.s32 $0x14500  }
0x6: {  	s30 =	simm.s32 $0x1;
	s31 =	simm.s32 $0x2;
	s13 =	simm.s32 $0x5  }
0x7: {  	s17 =	simm.s32 $0x6;
	s19 =	simm.s32 $0x8;
	s21 =	simm.s32 $0x0  }
0x8: {  	s0 =	sand.u32 $0x1, s0;
	s1 =	sshll.u32 s12, $0x1;
	s6 =	smul.u32 $0x7800, s12  }
0x9: {  	[smem:$0x7FF] =	sst s3;
	s4 =	sadd.s32 $0x15600, s5;
	s26 =	sshll.u32 s12, $0x6  }
0xa: {  	s12 =	simm.s32 $0x9;
	s1 =	sor.u32 s0, s1;
	s7 =	smul.u32 $0x78000, s0  }
0xb: {  	_ =	strace $0x8000004A;
	s0 =	ssub.s32 $0x2, s0;
	s1 =	smul.u32 $0x9D0, s1  }
0xc: {  	s8 =	sshrl.u32 s6, $0x3;
	s9 =	sshrl.u32 s0, $0x1;
	s11 =	sadd.s32 s6, s2  }
0xd: {  	s7 =	sadd.s32 s6, s7;
	s8 =	sadd.s32 s8, s5;
	s0 =	ssub.s32 s0, s9  }
.Ltmp0:
0xe: {  	s6 =	sor.u32 $0x1C09, s26;
	s11 =	sshrl.u32 s11, $0x3;
	(pc) =	sbr.rel .LBB2_1-.Ltmp0, $4  }
0xf: {  	s1 =	sadd.s32 s1, s5;
	s7 =	sshrl.u32 s7, $0x3;
	s25 =	sadd.s32 $0x46A00, s8  }
0x10: {  	s10 =	sadd.s32 s7, s5;
	[dreg:$0x3] =	wrdreg s25;
	s28 =	sadd.s32 $0x33000, s1  }
0x11: {  	s8 =	sadd.s32 $0x1C00, s1;
	s1 =	simm.s32 $0x3;
	[dreg:$0x4] =	wrdreg s28  }
0x12: {  	s9 =	sadd.s32 $0x55A00, s10;
	s10 =	smax.u32 s0, $0x1;
	s0 =	simm.s32 $0x4  }
.LBB2_4:
0x13: {  	_ =	swait.ge [sflag:s30], $0x1800  }
0x14: {  	[sflag:s30] =	ssyncset.done $0x0  }
0x15: {  	s5 =	simm.s32 $0x9A80;
	[sflag:s30] =	ssyncadd.s32 $0xFFFFE800  }
0x16: {  	[spmem:s2] =	stream.indirect.scatter.add.f32 [tilespmem:s15], [sflag:$0x9], $0x30, s5, s14, $0xb8;
	[tilespmem:$0x1D500] =	vst v63  }
0x17: {  	_ =	swait.ge [sflag:s12], $0x1800  }
0x18: {  	[sflag:s12] =	ssyncset.done $0x0  }
0x19: {  	[sflag:s12] =	ssyncadd.s32 $0xFFFFE800  }
0x1a: {  	_ =	swait.ge [sflag:s31], $0x1800  }
0x1b: {  	[sflag:s31] =	ssyncset.done $0x0  }
0x1c: {  	s23 =	simm.s32 $0x9B00;
	[sflag:s31] =	ssyncadd.s32 $0xFFFFE800  }
0x1d: {  	[spmem:s2] =	stream.indirect.scatter.add.f32 [tilespmem:s16], [sflag:$0x9], $0x30, s23, s14, $0xb8;
	[tilespmem:$0x1D500] =	vst v63  }
0x1e: {  	_ =	swait.ge [sflag:s12], $0x1800  }
0x1f: {  	[sflag:s12] =	ssyncset.done $0x0  }
0x20: {  	[sflag:s12] =	ssyncadd.s32 $0xFFFFE800  }
0x21: {  	_ =	swait.ge [sflag:s1], $0x1800  }
0x22: {  	[sflag:s1] =	ssyncset.done $0x0  }
0x23: {  	s25 =	simm.s32 $0x9B80;
	[sflag:s1] =	ssyncadd.s32 $0xFFFFE800  }
0x24: {  	[spmem:s2] =	stream.indirect.scatter.add.f32 [tilespmem:s18], [sflag:$0x9], $0x30, s25, s14, $0xb8;
	[tilespmem:$0x1D500] =	vst v63  }
0x25: {  	_ =	swait.ge [sflag:s12], $0x1800  }
0x26: {  	[sflag:s12] =	ssyncset.done $0x0  }
0x27: {  	[sflag:s12] =	ssyncadd.s32 $0xFFFFE800  }
0x28: {  	_ =	swait.ge [sflag:s0], $0x1800  }
0x29: {  	[sflag:s0] =	ssyncset.done $0x0  }
0x2a: {  	s26 =	simm.s32 $0x9C00;
	[sflag:s0] =	ssyncadd.s32 $0xFFFFE800  }
0x2b: {  	[spmem:s2] =	stream.indirect.scatter.add.f32 [tilespmem:s20], [sflag:$0x9], $0x30, s26, s14, $0xb8;
	[tilespmem:$0x1D500] =	vst v63  }
0x2c: {  	_ =	swait.ge [sflag:s12], $0x1800  }
0x2d: {  	[sflag:s12] =	ssyncset.done $0x0  }
0x2e: {  	[sflag:s12] =	ssyncadd.s32 $0xFFFFE800  }
0x2f: {  	_ =	swait.ge [sflag:s13], $0x1800  }
0x30: {  	[sflag:s13] =	ssyncset.done $0x0  }
0x31: {  	s28 =	simm.s32 $0x9C80;
	[sflag:s13] =	ssyncadd.s32 $0xFFFFE800  }
0x32: {  	[spmem:s2] =	stream.indirect.scatter.add.f32 [tilespmem:s22], [sflag:$0x9], $0x30, s28, s14, $0xb8;
	[tilespmem:$0x1D500] =	vst v63  }
0x33: {  	_ =	swait.ge [sflag:s12], $0x1800  }
0x34: {  	s21 =	sadd.s32 $0x1, s21;
	[sflag:s12] =	ssyncset.done $0x0  }
0x35: {  	p0 =	sne.s32 s21, s10;
	[sflag:s12] =	ssyncadd.s32 $0xFFFFE800  }
.Ltmp1:
0x36: {  	[bflag:$0x0] =	sbarrier.arrive $0xFFFF;
	(pc) =	sbr.rel @!p0 .LBB2_5-.Ltmp1, $4  }
0x37: {  	[hbm:s9], [sflag:s6] =	dma.local [spmem:s11], $0xF00  }
0x38: {  	_ =	swait.ge [sflag:s12], $0xF00  }
0x39: {  	[sflag:s12] =	ssyncset.done $0x0  }
0x3a: {  	[sflag:s12] =	ssyncadd.s32 $0xFFFFF100  }
.LBB2_1:
0x3b: {  	s5 =	rddreg [dreg:$0x3]  }
0x3c: {  	[spmem:s11], [sflag:s6] =	dma.local [hbm:s5], $0xF00  }
0x3d: {  	_ =	swait.ge [sflag:s12], $0xF00  }
0x3e: {  	[sflag:s12] =	ssyncset.done $0x0  }
0x3f: {  	s25 =	rddreg [dreg:$0x4];
	[sflag:s12] =	ssyncadd.s32 $0xFFFFF100  }
0x40: {  	[tilespmem:s3], [sflag:$0x9] =	stream.linear.gather [hbm4b:s25+s3], $0x4E80, $0x38;
	[tilespmem:$0x1D500] =	vst v63  }
0x41: {  	_ =	swait.ge [sflag:s12], $0x4E80  }
0x42: {  	[sflag:s12] =	ssyncset.done $0x0  }
0x43: {  	s26 =	simm.s32 $0x4E80;
	[sflag:s12] =	ssyncadd.s32 $0xFFFFB180  }
0x44: {  	[tilespmem:s26], [sflag:$0x9] =	stream.linear.gather [hbm4b:s8+s3], $0x4E80, $0x38;
	[tilespmem:$0x1D500] =	vst v63  }
0x45: {  	_ =	swait.ge [sflag:s12], $0x4E80  }
0x46: {  	[sflag:s12] =	ssyncset.done $0x0  }
0x47: {  	[sflag:s12] =	ssyncadd.s32 $0xFFFFB180  }
0x48: {  	[bflag:$0x0] =	sbarrier.arrive $0xFFFF  }
0x49: {  	[tilespmem:s15], [sflag:$0x1] =	stream.indirect.gather [hbm4b:s4+s14], $0x30, s3, s14, $0xb8;
	[tilespmem:$0x1D500] =	vst v63  }
0x4a: {  	_ = 	snop  }
0x4b: {  	[tilespmem:s16], [sflag:$0x2] =	stream.indirect.gather [hbm4b:s4+s14], $0x30, s14, s14, $0xb8;
	[tilespmem:$0x1D500] =	vst v63  }
0x4c: {  	s28 =	simm.s32 $0x100  }
0x4d: {  	[tilespmem:s18], [sflag:$0x3] =	stream.indirect.gather [hbm4b:s4+s14], $0x30, s28, s14, $0xb8;
	[tilespmem:$0x1D500] =	vst v63  }
0x4e: {  	s7 =	simm.s32 $0x180  }
0x4f: {  	[tilespmem:s20], [sflag:$0x4] =	stream.indirect.gather [hbm4b:s4+s14], $0x30, s7, s14, $0xb8;
	[tilespmem:$0x1D500] =	vst v63  }
0x50: {  	s23 =	simm.s32 $0x200  }
0x51: {  	[tilespmem:s22], [sflag:$0x5] =	stream.indirect.gather [hbm4b:s4+s14], $0x30, s23, s14, $0xb8;
	[tilespmem:$0x1D500] =	vst v63  }
0x52: {  	s25 =	simm.s32 $0x280  }
0x53: {  	[tilespmem:s24], [sflag:$0x6] =	stream.indirect.gather [hbm4b:s4+s14], $0x30, s25, s14, $0xb8;
	[tilespmem:$0x1D500] =	vst v63  }
0x54: {  	s26 =	simm.s32 $0x300;
	s7 =	simm.s32 $0x12D00  }
0x55: {  	[tilespmem:s7], [sflag:$0x7] =	stream.indirect.gather [hbm4b:s4+s14], $0x30, s26, s14, $0xb8;
	[tilespmem:$0x1D500] =	vst v63  }
0x56: {  	s28 =	simm.s32 $0x380;
	s23 =	simm.s32 $0x0  }
0x57: {  	[tilespmem:s29], [sflag:$0x8] =	stream.indirect.gather [hbm4b:s4+s14], $0x30, s28, s14, $0xb8;
	[tilespmem:$0x1D500] =	vst v63  }
.LBB2_2:
0x58: {  	_ =	swait.ge [sflag:s30], $0x1800  }
0x59: {  	s25 =	sshra.s32 s23, $0x2;
	[sflag:s30] =	ssyncset.done $0x0  }
0x5a: {  	s26 =	sadd.s32 $0x4E80, s25;
	[sflag:s30] =	ssyncadd.s32 $0xFFFFE800  }
0x5b: {  	[spmem:s2] =	stream.indirect.scatter.add.f32 [tilespmem:s15], [sflag:$0x9], $0x30, s26, s14, $0xb8;
	[tilespmem:$0x1D500] =	vst v63  }
0x5c: {  	_ =	swait.ge [sflag:s12], $0x1800  }
0x5d: {  	[sflag:s12] =	ssyncset.done $0x0  }
0x5e: {  	s7 =	sadd.s32 $0x400, s25;
	[sflag:s12] =	ssyncadd.s32 $0xFFFFE800  }
0x5f: {  	[tilespmem:s15], [sflag:$0x1] =	stream.indirect.gather [hbm4b:s4+s14], $0x30, s7, s14, $0xb8;
	[tilespmem:$0x1D500] =	vst v63  }
0x60: {  	_ =	swait.ge [sflag:s31], $0x1800  }
0x61: {  	[sflag:s31] =	ssyncset.done $0x0  }
0x62: {  	s28 =	sadd.s32 $0x4F00, s25;
	[sflag:s31] =	ssyncadd.s32 $0xFFFFE800  }
0x63: {  	[spmem:s2] =	stream.indirect.scatter.add.f32 [tilespmem:s16], [sflag:$0x9], $0x30, s28, s14, $0xb8;
	[tilespmem:$0x1D500] =	vst v63  }
0x64: {  	_ =	swait.ge [sflag:s12], $0x1800  }
0x65: {  	[sflag:s12] =	ssyncset.done $0x0  }
0x66: {  	s5 =	sadd.s32 $0x480, s25;
	[sflag:s12] =	ssyncadd.s32 $0xFFFFE800  }
0x67: {  	[tilespmem:s16], [sflag:$0x2] =	stream.indirect.gather [hbm4b:s4+s14], $0x30, s5, s14, $0xb8;
	[tilespmem:$0x1D500] =	vst v63  }
0x68: {  	_ =	swait.ge [sflag:s1], $0x1800  }
0x69: {  	[sflag:s1] =	ssyncset.done $0x0  }
0x6a: {  	s7 =	sadd.s32 $0x4F80, s25;
	[sflag:s1] =	ssyncadd.s32 $0xFFFFE800  }
0x6b: {  	[spmem:s2] =	stream.indirect.scatter.add.f32 [tilespmem:s18], [sflag:$0x9], $0x30, s7, s14, $0xb8;
	[tilespmem:$0x1D500] =	vst v63  }
0x6c: {  	_ =	swait.ge [sflag:s12], $0x1800  }
0x6d: {  	[sflag:s12] =	ssyncset.done $0x0  }
0x6e: {  	s28 =	sadd.s32 $0x500, s25;
	[sflag:s12] =	ssyncadd.s32 $0xFFFFE800  }
0x6f: {  	[tilespmem:s18], [sflag:$0x3] =	stream.indirect.gather [hbm4b:s4+s14], $0x30, s28, s14, $0xb8;
	[tilespmem:$0x1D500] =	vst v63  }
0x70: {  	_ =	swait.ge [sflag:s0], $0x1800  }
0x71: {  	[sflag:s0] =	ssyncset.done $0x0  }
0x72: {  	s5 =	sadd.s32 $0x5000, s25;
	[sflag:s0] =	ssyncadd.s32 $0xFFFFE800  }
0x73: {  	[spmem:s2] =	stream.indirect.scatter.add.f32 [tilespmem:s20], [sflag:$0x9], $0x30, s5, s14, $0xb8;
	[tilespmem:$0x1D500] =	vst v63  }
0x74: {  	_ =	swait.ge [sflag:s12], $0x1800  }
0x75: {  	[sflag:s12] =	ssyncset.done $0x0  }
0x76: {  	s7 =	sadd.s32 $0x580, s25;
	[sflag:s12] =	ssyncadd.s32 $0xFFFFE800  }
0x77: {  	[tilespmem:s20], [sflag:$0x4] =	stream.indirect.gather [hbm4b:s4+s14], $0x30, s7, s14, $0xb8;
	[tilespmem:$0x1D500] =	vst v63  }
0x78: {  	_ =	swait.ge [sflag:s13], $0x1800  }
0x79: {  	[sflag:s13] =	ssyncset.done $0x0  }
0x7a: {  	s28 =	sadd.s32 $0x5080, s25;
	[sflag:s13] =	ssyncadd.s32 $0xFFFFE800  }
0x7b: {  	[spmem:s2] =	stream.indirect.scatter.add.f32 [tilespmem:s22], [sflag:$0x9], $0x30, s28, s14, $0xb8;
	[tilespmem:$0x1D500] =	vst v63  }
0x7c: {  	_ =	swait.ge [sflag:s12], $0x1800  }
0x7d: {  	[sflag:s12] =	ssyncset.done $0x0  }
0x7e: {  	s5 =	sadd.s32 $0x600, s25;
	[sflag:s12] =	ssyncadd.s32 $0xFFFFE800  }
0x7f: {  	[tilespmem:s22], [sflag:$0x5] =	stream.indirect.gather [hbm4b:s4+s14], $0x30, s5, s14, $0xb8;
	[tilespmem:$0x1D500] =	vst v63  }
0x80: {  	_ =	swait.ge [sflag:s17], $0x1800  }
0x81: {  	[sflag:s17] =	ssyncset.done $0x0  }
0x82: {  	s7 =	sadd.s32 $0x5100, s25;
	[sflag:s17] =	ssyncadd.s32 $0xFFFFE800  }
0x83: {  	[spmem:s2] =	stream.indirect.scatter.add.f32 [tilespmem:s24], [sflag:$0x9], $0x30, s7, s14, $0xb8;
	[tilespmem:$0x1D500] =	vst v63  }
0x84: {  	_ =	swait.ge [sflag:s12], $0x1800  }
0x85: {  	p0 =	seq.s32 s23, $0x12000;
	[sflag:s12] =	ssyncset.done $0x0  }
0x86: {  	s26 =	simm.s32 @p0 $0x7;
	[sflag:s12] =	ssyncadd.s32 $0xFFFFE800  }
0x87: {  	_ =	swait.ge @p0 [sflag:s26], $0x1800  }
0x88: {  	[sflag:s26] =	ssyncset.done @p0 $0x0  }
0x89: {  	[sflag:s26] =	ssyncadd.s32 @p0 $0xFFFFE800;
	s26 =	sshra.s32 @p0 s23, $0x2  }
0x8a: {  	s28 =	simm.s32 @p0 $0x80;
	s5 =	simm.s32 @p0 $0x12D00;
	s26 =	sadd.s32 @p0 $0x5180, s26  }
0x8b: {  	[spmem:s2] =	stream.indirect.scatter.add.f32 @p0 [tilespmem:s5], [sflag:$0x9], $0x30, s26, s28, $0xb8;
	[tilespmem:$0x1D500] =	vst v63  }
0x8c: {  	s5 =	simm.s32 @p0 $0x9  }
0x8d: {  	_ =	swait.ge @p0 [sflag:s5], $0x1800  }
0x8e: {  	[sflag:s5] =	ssyncset.done @p0 $0x0  }
0x8f: {  	[sflag:s5] =	ssyncadd.s32 @p0 $0xFFFFE800;
	s5 =	sshra.s32 @!p0 s23, $0x2  }
0x90: {  	s7 =	simm.s32 @!p0 $0x11500;
	s28 =	simm.s32 @!p0 $0x80;
	s26 =	sadd.s32 @!p0 $0x680, s5  }
0x91: {  	[tilespmem:s7], [sflag:$0x6] =	stream.indirect.gather @!p0 [hbm4b:s4+s28], $0x30, s26, s28, $0xb8;
	[tilespmem:$0x1D500] =	vst v63  }
0x92: {  	s7 =	simm.s32 @!p0 $0x7  }
0x93: {  	_ =	swait.ge @!p0 [sflag:s7], $0x1800  }
0x94: {  	[sflag:s7] =	ssyncset.done @!p0 $0x0  }
0x95: {  	s26 =	simm.s32 @!p0 $0x12D00;
	[sflag:s7] =	ssyncadd.s32 @!p0 $0xFFFFE800;
	s7 =	sadd.s32 @!p0 $0x5180, s5  }
0x96: {  	[spmem:s2] =	stream.indirect.scatter.add.f32 @!p0 [tilespmem:s26], [sflag:$0x9], $0x30, s7, s28, $0xb8;
	[tilespmem:$0x1D500] =	vst v63  }
0x97: {  	s7 =	simm.s32 @!p0 $0x9  }
0x98: {  	_ =	swait.ge @!p0 [sflag:s7], $0x1800  }
0x99: {  	[sflag:s7] =	ssyncset.done @!p0 $0x0  }
0x9a: {  	s5 =	sadd.s32 @!p0 $0x700, s5;
	[sflag:s7] =	ssyncadd.s32 @!p0 $0xFFFFE800  }
0x9b: {  	[tilespmem:s26], [sflag:$0x7] =	stream.indirect.gather @!p0 [hbm4b:s4+s28], $0x30, s5, s28, $0xb8;
	[tilespmem:$0x1D500] =	vst v63  }
0x9c: {  	_ =	swait.ge [sflag:s19], $0x1800  }
0x9d: {  	[sflag:s19] =	ssyncset.done $0x0  }
.Ltmp2:
0x9e: {  	s28 =	sadd.s32 $0x5200, s25;
	[sflag:s19] =	ssyncadd.s32 $0xFFFFE800;
	(pc) =	sbr.rel @p0 .LBB2_4-.Ltmp2, $4  }
0x9f: {  	[spmem:s2] =	stream.indirect.scatter.add.f32 [tilespmem:s29], [sflag:$0x9], $0x30, s28, s14, $0xb8;
	[tilespmem:$0x1D500] =	vst v63  }
0xa0: {  	_ =	swait.ge [sflag:s12], $0x1800  }
0xa1: {  	[sflag:s12] =	ssyncset.done $0x0  }
0xa2: {  	[sflag:s12] =	ssyncadd.s32 $0xFFFFE800  }
.Ltmp3:
0xa3: {  	(pc) =	sbr.rel .LBB2_2-.Ltmp3, $3  }
0xa4: {  	_ =	sdelay $0x1  }
0xa5: {  	s5 =	sadd.s32 $0x780, s25;
	s23 =	sadd.s32 $0x1000, s23  }
0xa6: {  	[tilespmem:s29], [sflag:$0x8] =	stream.indirect.gather [hbm4b:s4+s14], $0x30, s5, s14, $0xb8;
	[tilespmem:$0x1D500] =	vst v63  }
.LBB2_5:
0xa7: {  	_ =	sfence.sel $0x180000  }
0xa8: {  	[bflag:$0x0] =	sbarrier.arrive $0xFFFF  }
0xa9: {  	_ =	strace $0x9000004A  }
0xaa: {  	s0 =	stileid.u32;
	[bflag:$0x2] =	sbarrier.arrive $0xFFFF  }
0xab: {  	p0 =	sne.s32 s0, $0x0;
	s0 =	rddreg [dreg:$0x2]  }
0xac: {  	s0 =	sadd.s32 @!p0 $0x100000, s0  }
0xad: {  	[sflag:s0] =	ssyncadd.tile.s32 @!p0 $0x1;
	_ =	shalt  }
.Lfunc_end2:
_tile_overlayer_lowered:
.L_overlay_start_2:
0xae: {  	(tag) =	ssettag $0x2  }
0xaf: {  	s0 =	rddreg [dreg:$0x0];
	s2 =	stileid.u32  }
0xb0: {  	s1 =	rddreg [dreg:$0x1];
	p0 =	sne.s32 s2, $0x0  }
0xb1: {  	s3 =	rddreg [dreg:$0x2];
	[bflag:$0x3] =	sbarrier.arrive $0xFFFF;
	s2 =	simm.s32 @!p0 $0x1C09  }
0xb2: {  	[timem:s3], [sflag:s2] =	dma.local @!p0 [hbm:s0], s1  }
0xb3: {  	s0 =	simm.s32 @!p0 $0x9  }
0xb4: {  	_ =	swait.ge @!p0 [sflag:s0], s1  }
0xb5: {  	s1 =	ssub.s32 @!p0 $0x0, s1;
	[sflag:s0] =	ssyncset.done @!p0 $0x0  }
0xb6: {  	[sflag:s0] =	ssyncadd.s32 @!p0 s1  }
0xb7: {  	[bflag:$0x3] =	sbarrier.arrive $0xFFFF  }
0xb8: {  	_ =	shalt  }

// kernel: kernel.19.cloned.1.call-start
scs
__scs_entry_jumppad:
0x0: {  	(pc) =	sbr.rel $0x88, $3  }
0x1: {  	(tag) =	ssettag $0x0;
	lr =	simm.s32 $0x1  }
0x2: {  	[smem:$0x3F97] =	sst lr;
	_ =	strace $0xD0000000  }
0x3: {  	_ = 	snop  }
0x4: {  	_ = 	snop  }
0x5: {  	_ = 	snop  }
0x6: {  	_ = 	snop  }
0x7: {  	_ = 	snop  }
__scs_overlays_trampoline_lowered:
0x8: {  	[smem:$0x3FA6] =	sst s0  }
0x9: {  	[smem:$0x3FA7] =	sst s1  }
0xa: {  	[smem:$0x3FA8] =	sst s2  }
0xb: {  	[smem:$0x3FA9] =	sst s3  }
0xc: {  	[smem:$0x3FAA] =	sst s4  }
0xd: {  	[smem:$0x3FAB] =	sst s5  }
0xe: {  	[smem:$0x3FAC] =	sst s6  }
0xf: {  	[smem:$0x3FAD] =	sst s7  }
0x10: {  	[smem:$0x3FAE] =	sst s8  }
0x11: {  	[smem:$0x3FAF] =	sst s9;
	s0 =	simm.s32 @!p0 $0x0  }
0x12: {  	s1 =	sld [smem:$0x3F95];
	s0 =	simm.s32 @p0 $0x1  }
0x13: {  	[smem:$0x3FB0] =	sst s0;
	s0 =	simm.s32 @!p1 $0x0  }
0x14: {  	s2 =	sld [smem:$0x3F94];
	s0 =	simm.s32 @p1 $0x1  }
0x15: {  	[smem:$0x3FB1] =	sst s0;
	s0 =	simm.s32 @!p2 $0x0  }
0x16: {  	s3 =	sld [smem:$0x3FDB];
	s0 =	simm.s32 @p2 $0x1  }
0x17: {  	s4 =	simm.s32 $0x1BF5;
	[smem:$0x3FB3] =	sst s0  }
0x18: {  	s0 =	sld [smem:$0x3F96];
	_ =	swait.ge [sflag:s4], $0x0  }
0x19: {  	s7 =	sld [smem:$0x3F97]  }
0x1a: {  	s8 =	sadd.s32 $0xFFFFE003, lr  }
0x1b: {  	s9 =	sadd.s32 $0xFFFFFEF7, lr;
	s5 =	simm.s32 $0xFFFFFFFF;
	p2 =	slt.u32 s8, $0xFFFFF086  }
0x1c: {  	p1 =	slt.u32 s9, $0xF7A;
	s5 =	simm.s32 @!p2 $0x0  }
0x1d: {  	s5 =	simm.s32 @p1 $0x1;
	p0 =	seq.s32 s7, s2  }
0x1e: {  	s7 =	smul.u32 @!p0 $0xF7A, s2;
	p2 =	seq.s32 @!p0 s5, $0x0  }
0x1f: {  	s9 =	smul.u32 $0xF7A, s1;
	s8 =	simm.s32 @!p0 $0x1BF5;
	p2 =	por !p2, p0  }
0x20: {  	[sflag:s8] =	ssyncset.s32 @!p0 $0xFFFFF086;
	s6 =	sadd.s32 @!p0 s3, s7;
	s7 =	simm.s32 @!p0 $0x108  }
0x21: {  	s3 =	sadd.s32 s3, s9;
	s6 =	sadd.s32 @!p0 $0x88, s6;
	s7 =	simm.s32 @p2 $0x1082  }
0x22: {  	[simem:s7], [sflag:s8] =	dma.local @!p0 [hbm:s6], $0xF7A  }
0x23: {  	s9 =	sor.u32 $0xD0000000, s2;
	s6 =	simm.s32 $0x108;
	_ =	swait.ge @!p0 [sflag:s8], $0x0  }
0x24: {  	s3 =	sadd.s32 $0x88, s3;
	s6 =	simm.s32 @!p1 $0x1082;
	[sflag:s4] =	ssyncset.s32 $0xFFFFF086  }
0x25: {  	[simem:s6], [sflag:s4] =	dma.local [hbm:s3], $0xF7A  }
0x26: {  	[smem:$0x3F97] =	sst s1;
	(tag) =	ssettag s2;
	_ =	strace s9  }
0x27: {  	s1 =	sld [smem:$0x3FA7]  }
0x28: {  	s2 =	sld [smem:$0x3FA8]  }
0x29: {  	s4 =	sld [smem:$0x3FAA]  }
0x2a: {  	p0 =	seq.s32 s5, $0x0;
	s5 =	sld [smem:$0x3FAB]  }
0x2b: {  	s6 =	sld [smem:$0x3FAC]  }
0x2c: {  	s7 =	sld [smem:$0x3FAD]  }
0x2d: {  	s3 =	simm.s32 $0x108;
	s8 =	sld [smem:$0x3FAE]  }
0x2e: {  	s3 =	simm.s32 @!p0 $0x1082;
	s9 =	sld [smem:$0x3FAF]  }
0x2f: {  	lr =	sadd.s32 s0, s3;
	s0 =	sld [smem:$0x3FA6]  }
0x30: {  	s3 =	sld [smem:$0x3FA9]  }
0x31: {  	[smem:$0x3FB2] =	sst s10  }
0x32: {  	s10 =	sld [smem:$0x3FB0];
	_ =	sdelay $0x3  }
0x33: {  	p0 =	seq.s32 s10, $0x1;
	s10 =	sld [smem:$0x3FB2];
	_ =	sdelay $0x3  }
0x34: {  	[smem:$0x3FB2] =	sst s10  }
0x35: {  	s10 =	sld [smem:$0x3FB1];
	_ =	sdelay $0x3  }
0x36: {  	p1 =	seq.s32 s10, $0x1;
	s10 =	sld [smem:$0x3FB2];
	_ =	sdelay $0x3  }
0x37: {  	[smem:$0x3FB2] =	sst s10  }
0x38: {  	s10 =	sld [smem:$0x3FB3]  }
0x39: {  	_ = 	snop;
	(pc) =	sbr.ind lr, $3  }
0x3a: {  	_ = 	snop  }
0x3b: {  	_ = 	snop  }
0x3c: {  	p2 =	seq.s32 s10, $0x1;
	s10 =	sld [smem:$0x3FB2]  }
0x3d: {  	_ =	shalt  }
0x3e: {  	_ =	shalt  }
0x3f: {  	_ =	shalt  }
0x40: {  	_ =	shalt  }
0x41: {  	_ =	shalt  }
0x42: {  	_ =	shalt  }
0x43: {  	_ =	shalt  }
0x44: {  	_ =	shalt  }
0x45: {  	_ =	shalt  }
0x46: {  	_ =	shalt  }
0x47: {  	_ =	shalt  }
0x48: {  	_ =	shalt  }
0x49: {  	_ =	shalt  }
0x4a: {  	_ =	shalt  }
0x4b: {  	_ =	shalt  }
0x4c: {  	_ =	shalt  }
0x4d: {  	_ =	shalt  }
0x4e: {  	_ =	shalt  }
0x4f: {  	_ =	shalt  }
0x50: {  	_ =	shalt  }
0x51: {  	_ =	shalt  }
0x52: {  	_ =	shalt  }
0x53: {  	_ =	shalt  }
0x54: {  	_ =	shalt  }
0x55: {  	_ =	shalt  }
0x56: {  	_ =	shalt  }
0x57: {  	_ =	shalt  }
0x58: {  	_ =	shalt  }
0x59: {  	_ =	shalt  }
0x5a: {  	_ =	shalt  }
0x5b: {  	_ =	shalt  }
0x5c: {  	_ =	shalt  }
0x5d: {  	_ =	shalt  }
0x5e: {  	_ =	shalt  }
0x5f: {  	_ =	shalt  }
0x60: {  	_ =	shalt  }
0x61: {  	_ =	shalt  }
0x62: {  	_ =	shalt  }
0x63: {  	_ =	shalt  }
0x64: {  	_ =	shalt  }
0x65: {  	_ =	shalt  }
0x66: {  	_ =	shalt  }
0x67: {  	_ =	shalt  }
0x68: {  	_ =	shalt  }
0x69: {  	_ =	shalt  }
0x6a: {  	_ =	shalt  }
0x6b: {  	_ =	shalt  }
0x6c: {  	_ =	shalt  }
0x6d: {  	_ =	shalt  }
0x6e: {  	_ =	shalt  }
0x6f: {  	_ =	shalt  }
0x70: {  	_ =	shalt  }
0x71: {  	_ =	shalt  }
0x72: {  	_ =	shalt  }
0x73: {  	_ =	shalt  }
0x74: {  	_ =	shalt  }
0x75: {  	_ =	shalt  }
0x76: {  	_ =	shalt  }
0x77: {  	_ =	shalt  }
0x78: {  	_ =	shalt  }
0x79: {  	_ =	shalt  }
0x7a: {  	_ =	shalt  }
0x7b: {  	_ =	shalt  }
0x7c: {  	_ =	shalt  }
0x7d: {  	_ =	shalt  }
0x7e: {  	_ =	shalt  }
0x7f: {  	_ =	shalt  }
0x80: {  	_ =	shalt  }
0x81: {  	_ =	shalt  }
0x82: {  	_ =	shalt  }
0x83: {  	_ =	shalt  }
0x84: {  	_ =	shalt  }
0x85: {  	_ =	shalt  }
0x86: {  	_ =	shalt  }
0x87: {  	_ =	shalt  }
.Lfunc_end0:
.L_simem_size_0:
called_computation.2_lowered:
.L_overlay_start_0:
0x88: {  	s2 =	sld [smem:$0x3FD9]  }
0x89: {  	s3 =	sld [smem:$0x3FFE];
	_ =	sdelay $0x1  }
0x8a: {  	s1 =	srdreg.scid  }
0x8b: {  	s0 =	sand.u32 $0x1, s1  }
0x8c: {  	s16 =	sshll.u32 s0, $0xA;
	s2 =	sadd.s32 s3, s2  }
0x8d: {  	s2 =	sadd.s32 s2, s16  }
0x8e: {  	[smem:$0x3FBE] =	sst s2  }
0x8f: {  	_ = 	snop  }
0x90: {  	(tm) =	ssettm $0x1  }
0x91: {  	s17 =	sld [smem:$0x3FFB];
	_ =	sdelay $0x3  }
0x92: {  	_ =	strace s17  }
0x93: {  	s2 =	sld [smem:$0x3FFC];
	_ =	sdelay $0x3  }
0x94: {  	_ =	strace s2  }
0x95: {  	s2 =	sld [smem:$0x3FFD];
	_ =	sdelay $0x3  }
0x96: {  	_ =	strace s2  }
0x97: {  	_ =	strace $0x8FFFFFFF  }
0x98: {  	s18 =	sld [smem:$0x3FDB];
	_ =	sdelay $0x1  }
0x99: {  	s19 =	simm.s32 $_scs_section_size  }
0x9a: {  	s4 =	simm.s32 $_size__tile_overlayer_lowered;
	s5 =	simm.s32 $_tile_overlayer_lowered  }
0x9b: {  	s22 =	simm.s32 $0x1BFF;
	s21 =	sshll.u32 s5, $0x1;
	s2 =	sadd.s32 s19, s18  }
0x9c: {  	s6 =	simm.s32 $0x0;
	s20 =	sshll.u32 s4, $0x1;
	s4 =	sadd.s32 s21, s2  }
0x9d: {  	[timem:s6], [sflag:s22] =	dma.local [hbm:s4], s20  }
0x9e: {  	_ =	swait.ge [sflag:s22], s20  }
0x9f: {  	s3 =	ssub.s32 $0x0, s20;
	[sflag:s22] =	ssyncset.done $0x0  }
0xa0: {  	[sflag:s22] =	ssyncadd.s32 s3;
	_ =	sdelay $0x1  }
0xa1: {  	s23 =	simm.s32 $0x1B8B  }
0xa2: {  	_ =	swait.ge [sflag:s23], $0x1  }
0xa3: {  	[sflag:s23] =	ssyncset.done $0x0  }
0xa4: {  	s25 =	simm.s32 $0x1B8E;
	s24 =	sld [smem:$0x3FFE];
	[sflag:s23] =	ssyncadd.s32 $0xFFFFFFFF  }
0xa5: {  	s26 =	simm.s32 $execute0_lowered;
	[smem:$0x3FD2] =	sst s25  }
0xa6: {  	s4 =	sshll.u32 s26, $0x1;
	_ =	strace $0x8000004C;
	[dreg:$0x1] =	wrdreg $0xFFFFFFFF  }
0xa7: {  	s28 =	simm.s32 $_size_execute0_lowered;
	s2 =	sadd.s32 s2, s4;
	[dreg:$0x0] =	wrdreg $0x0  }
0xa8: {  	s4 =	sshll.u32 s28, $0x1;
	[dreg:$0x2] =	wrdreg s2  }
0xa9: {  	[dreg:$0x3] =	wrdreg s4  }
0xaa: {  	[dreg:$0x4] =	wrdreg $0xC0  }
0xab: {  	_ =	task [dreg:s6], $0x5FFFF  }
0xac: {  	[dreg:$0x1] =	wrdreg $0xFFFFFFFF  }
0xad: {  	[dreg:$0x0] =	wrdreg $0x60  }
0xae: {  	[dreg:$0x2] =	wrdreg s24  }
0xaf: {  	[dreg:$0x3] =	wrdreg $0x15D000  }
0xb0: {  	[dreg:$0x4] =	wrdreg $0x9  }
0xb1: {  	_ =	task.clear_ibuf [dreg:s6], $0x5FFFF;
	_ =	strace $0x9000004C  }
0xb2: {  	s29 =	simm.s32 $0x9;
	_ =	strace $0x8000004E  }
0xb3: {  	_ =	swait.ge [sflag:s29], $0x1  }
0xb4: {  	[sflag:s29] =	ssyncadd.s32 $0xFFFFFFFF  }
0xb5: {  	_ =	strace $0x9000004E  }
0xb6: {  	_ =	sfence  }
0xb7: {  	s30 =	sld [smem:$0x0];
	_ =	sdelay $0x2  }
0xb8: {  	s31 =	sshll.u32 s1, $0xD;
	s1 =	sshrl.u32 s1, $0x2  }
0xb9: {  	s3 =	sand.u32 $0x4000, s31;
	s1 =	sadd.s32 s1, s30  }
0xba: {  	s0 =	sor.u32 s3, s0;
	s1 =	sshll.u32 s1, $0x11  }
0xbb: {  	s0 =	sor.u32 s1, s0  }
0xbc: {  	s0 =	sadd.s32 $0x8F2B, s0  }
0xbd: {  	[sflag:s0] =	ssyncadd.remote.s32 $0x1  }
0xbe: {  	_ =	sfence.sel $0xFFFF  }
0xbf: {  	[dreg:$0x0] =	wrdreg $0xFFFFFFFF;
	(pc) =	sbr.abs _section_cstart, $3  }
0xc0: {  	[dreg:$0x1] =	wrdreg $0xFFFFFFFF  }
0xc1: {  	_ =	task.clear_ibuf [dreg:s6], $0x2FFFF;
	_ =	strace $0x9FFFFFFF  }
0xc2: {  	(tm) =	ssettm $0x7FFFFFFF  }
0xc3: {  	_ =	shalt  }
tec
execute0_lowered:
.L_overlay_start_1:
0x0: {  	(tag) =	ssettag $0x1  }
0x1: {  	s0 =	srdreg.scid;
	s5 =	rddreg [dreg:$0x0]  }
0x2: {  	s12 =	stileid.u32;
	s2 =	rddreg [dreg:$0x1]  }
0x3: {  	s3 =	simm.s32 $0x0;
	s14 =	simm.s32 $0x80;
	s15 =	simm.s32 $0x9D00  }
0x4: {  	s16 =	simm.s32 $0xB500;
	s18 =	simm.s32 $0xCD00;
	s20 =	simm.s32 $0xE500  }
0x5: {  	s22 =	simm.s32 $0xFD00;
	s24 =	simm.s32 $0x11500;
	s29 =	simm.s32 $0x14500  }
0x6: {  	s30 =	simm.s32 $0x1;
	s31 =	simm.s32 $0x2;
	s13 =	simm.s32 $0x5  }
0x7: {  	s17 =	simm.s32 $0x6;
	s19 =	simm.s32 $0x8;
	s21 =	simm.s32 $0x0  }
0x8: {  	s0 =	sand.u32 $0x1, s0;
	s1 =	sshll.u32 s12, $0x1;
	s6 =	smul.u32 $0x7800, s12  }
0x9: {  	[smem:$0x7FF] =	sst s3;
	s4 =	sadd.s32 $0x15600, s5;
	s26 =	sshll.u32 s12, $0x6  }
0xa: {  	s12 =	simm.s32 $0x9;
	s1 =	sor.u32 s0, s1;
	s7 =	smul.u32 $0x78000, s0  }
0xb: {  	_ =	strace $0x8000004D;
	s0 =	ssub.s32 $0x2, s0;
	s1 =	smul.u32 $0x9D0, s1  }
0xc: {  	s8 =	sshrl.u32 s6, $0x3;
	s9 =	sshrl.u32 s0, $0x1;
	s11 =	sadd.s32 s6, s2  }
0xd: {  	s7 =	sadd.s32 s6, s7;
	s8 =	sadd.s32 s8, s5;
	s0 =	ssub.s32 s0, s9  }
.Ltmp0:
0xe: {  	s6 =	sor.u32 $0x1C09, s26;
	s11 =	sshrl.u32 s11, $0x3;
	(pc) =	sbr.rel .LBB2_1-.Ltmp0, $4  }
0xf: {  	s1 =	sadd.s32 s1, s5;
	s7 =	sshrl.u32 s7, $0x3;
	s25 =	sadd.s32 $0x46A00, s8  }
0x10: {  	s10 =	sadd.s32 s7, s5;
	[dreg:$0x3] =	wrdreg s25;
	s28 =	sadd.s32 $0x33000, s1  }
0x11: {  	s8 =	sadd.s32 $0x1C00, s1;
	s1 =	simm.s32 $0x3;
	[dreg:$0x4] =	wrdreg s28  }
0x12: {  	s9 =	sadd.s32 $0x55A00, s10;
	s10 =	smax.u32 s0, $0x1;
	s0 =	simm.s32 $0x4  }
.LBB2_4:
0x13: {  	_ =	swait.ge [sflag:s30], $0x1800  }
0x14: {  	[sflag:s30] =	ssyncset.done $0x0  }
0x15: {  	s5 =	simm.s32 $0x9A80;
	[sflag:s30] =	ssyncadd.s32 $0xFFFFE800  }
0x16: {  	[spmem:s2] =	stream.indirect.scatter.add.f32 [tilespmem:s15], [sflag:$0x9], $0x30, s5, s14, $0xb8;
	[tilespmem:$0x1D500] =	vst v63  }
0x17: {  	_ =	swait.ge [sflag:s12], $0x1800  }
0x18: {  	[sflag:s12] =	ssyncset.done $0x0  }
0x19: {  	[sflag:s12] =	ssyncadd.s32 $0xFFFFE800  }
0x1a: {  	_ =	swait.ge [sflag:s31], $0x1800  }
0x1b: {  	[sflag:s31] =	ssyncset.done $0x0  }
0x1c: {  	s23 =	simm.s32 $0x9B00;
	[sflag:s31] =	ssyncadd.s32 $0xFFFFE800  }
0x1d: {  	[spmem:s2] =	stream.indirect.scatter.add.f32 [tilespmem:s16], [sflag:$0x9], $0x30, s23, s14, $0xb8;
	[tilespmem:$0x1D500] =	vst v63  }
0x1e: {  	_ =	swait.ge [sflag:s12], $0x1800  }
0x1f: {  	[sflag:s12] =	ssyncset.done $0x0  }
0x20: {  	[sflag:s12] =	ssyncadd.s32 $0xFFFFE800  }
0x21: {  	_ =	swait.ge [sflag:s1], $0x1800  }
0x22: {  	[sflag:s1] =	ssyncset.done $0x0  }
0x23: {  	s25 =	simm.s32 $0x9B80;
	[sflag:s1] =	ssyncadd.s32 $0xFFFFE800  }
0x24: {  	[spmem:s2] =	stream.indirect.scatter.add.f32 [tilespmem:s18], [sflag:$0x9], $0x30, s25, s14, $0xb8;
	[tilespmem:$0x1D500] =	vst v63  }
0x25: {  	_ =	swait.ge [sflag:s12], $0x1800  }
0x26: {  	[sflag:s12] =	ssyncset.done $0x0  }
0x27: {  	[sflag:s12] =	ssyncadd.s32 $0xFFFFE800  }
0x28: {  	_ =	swait.ge [sflag:s0], $0x1800  }
0x29: {  	[sflag:s0] =	ssyncset.done $0x0  }
0x2a: {  	s26 =	simm.s32 $0x9C00;
	[sflag:s0] =	ssyncadd.s32 $0xFFFFE800  }
0x2b: {  	[spmem:s2] =	stream.indirect.scatter.add.f32 [tilespmem:s20], [sflag:$0x9], $0x30, s26, s14, $0xb8;
	[tilespmem:$0x1D500] =	vst v63  }
0x2c: {  	_ =	swait.ge [sflag:s12], $0x1800  }
0x2d: {  	[sflag:s12] =	ssyncset.done $0x0  }
0x2e: {  	[sflag:s12] =	ssyncadd.s32 $0xFFFFE800  }
0x2f: {  	_ =	swait.ge [sflag:s13], $0x1800  }
0x30: {  	[sflag:s13] =	ssyncset.done $0x0  }
0x31: {  	s28 =	simm.s32 $0x9C80;
	[sflag:s13] =	ssyncadd.s32 $0xFFFFE800  }
0x32: {  	[spmem:s2] =	stream.indirect.scatter.add.f32 [tilespmem:s22], [sflag:$0x9], $0x30, s28, s14, $0xb8;
	[tilespmem:$0x1D500] =	vst v63  }
0x33: {  	_ =	swait.ge [sflag:s12], $0x1800  }
0x34: {  	s21 =	sadd.s32 $0x1, s21;
	[sflag:s12] =	ssyncset.done $0x0  }
0x35: {  	p0 =	sne.s32 s21, s10;
	[sflag:s12] =	ssyncadd.s32 $0xFFFFE800  }
.Ltmp1:
0x36: {  	[bflag:$0x0] =	sbarrier.arrive $0xFFFF;
	(pc) =	sbr.rel @!p0 .LBB2_5-.Ltmp1, $4  }
0x37: {  	[hbm:s9], [sflag:s6] =	dma.local [spmem:s11], $0xF00  }
0x38: {  	_ =	swait.ge [sflag:s12], $0xF00  }
0x39: {  	[sflag:s12] =	ssyncset.done $0x0  }
0x3a: {  	[sflag:s12] =	ssyncadd.s32 $0xFFFFF100  }
.LBB2_1:
0x3b: {  	s5 =	rddreg [dreg:$0x3]  }
0x3c: {  	[spmem:s11], [sflag:s6] =	dma.local [hbm:s5], $0xF00  }
0x3d: {  	_ =	swait.ge [sflag:s12], $0xF00  }
0x3e: {  	[sflag:s12] =	ssyncset.done $0x0  }
0x3f: {  	s25 =	rddreg [dreg:$0x4];
	[sflag:s12] =	ssyncadd.s32 $0xFFFFF100  }
0x40: {  	[tilespmem:s3], [sflag:$0x9] =	stream.linear.gather [hbm4b:s25+s3], $0x4E80, $0x38;
	[tilespmem:$0x1D500] =	vst v63  }
0x41: {  	_ =	swait.ge [sflag:s12], $0x4E80  }
0x42: {  	[sflag:s12] =	ssyncset.done $0x0  }
0x43: {  	s26 =	simm.s32 $0x4E80;
	[sflag:s12] =	ssyncadd.s32 $0xFFFFB180  }
0x44: {  	[tilespmem:s26], [sflag:$0x9] =	stream.linear.gather [hbm4b:s8+s3], $0x4E80, $0x38;
	[tilespmem:$0x1D500] =	vst v63  }
0x45: {  	_ =	swait.ge [sflag:s12], $0x4E80  }
0x46: {  	[sflag:s12] =	ssyncset.done $0x0  }
0x47: {  	[sflag:s12] =	ssyncadd.s32 $0xFFFFB180  }
0x48: {  	[bflag:$0x0] =	sbarrier.arrive $0xFFFF  }
0x49: {  	[tilespmem:s15], [sflag:$0x1] =	stream.indirect.gather [hbm4b:s4+s14], $0x30, s3, s14, $0xb8;
	[tilespmem:$0x1D500] =	vst v63  }
0x4a: {  	_ = 	snop  }
0x4b: {  	[tilespmem:s16], [sflag:$0x2] =	stream.indirect.gather [hbm4b:s4+s14], $0x30, s14, s14, $0xb8;
	[tilespmem:$0x1D500] =	vst v63  }
0x4c: {  	s28 =	simm.s32 $0x100  }
0x4d: {  	[tilespmem:s18], [sflag:$0x3] =	stream.indirect.gather [hbm4b:s4+s14], $0x30, s28, s14, $0xb8;
	[tilespmem:$0x1D500] =	vst v63  }
0x4e: {  	s7 =	simm.s32 $0x180  }
0x4f: {  	[tilespmem:s20], [sflag:$0x4] =	stream.indirect.gather [hbm4b:s4+s14], $0x30, s7, s14, $0xb8;
	[tilespmem:$0x1D500] =	vst v63  }
0x50: {  	s23 =	simm.s32 $0x200  }
0x51: {  	[tilespmem:s22], [sflag:$0x5] =	stream.indirect.gather [hbm4b:s4+s14], $0x30, s23, s14, $0xb8;
	[tilespmem:$0x1D500] =	vst v63  }
0x52: {  	s25 =	simm.s32 $0x280  }
0x53: {  	[tilespmem:s24], [sflag:$0x6] =	stream.indirect.gather [hbm4b:s4+s14], $0x30, s25, s14, $0xb8;
	[tilespmem:$0x1D500] =	vst v63  }
0x54: {  	s26 =	simm.s32 $0x300;
	s7 =	simm.s32 $0x12D00  }
0x55: {  	[tilespmem:s7], [sflag:$0x7] =	stream.indirect.gather [hbm4b:s4+s14], $0x30, s26, s14, $0xb8;
	[tilespmem:$0x1D500] =	vst v63  }
0x56: {  	s28 =	simm.s32 $0x380;
	s23 =	simm.s32 $0x0  }
0x57: {  	[tilespmem:s29], [sflag:$0x8] =	stream.indirect.gather [hbm4b:s4+s14], $0x30, s28, s14, $0xb8;
	[tilespmem:$0x1D500] =	vst v63  }
.LBB2_2:
0x58: {  	_ =	swait.ge [sflag:s30], $0x1800  }
0x59: {  	s25 =	sshra.s32 s23, $0x2;
	[sflag:s30] =	ssyncset.done $0x0  }
0x5a: {  	s26 =	sadd.s32 $0x4E80, s25;
	[sflag:s30] =	ssyncadd.s32 $0xFFFFE800  }
0x5b: {  	[spmem:s2] =	stream.indirect.scatter.add.f32 [tilespmem:s15], [sflag:$0x9], $0x30, s26, s14, $0xb8;
	[tilespmem:$0x1D500] =	vst v63  }
0x5c: {  	_ =	swait.ge [sflag:s12], $0x1800  }
0x5d: {  	[sflag:s12] =	ssyncset.done $0x0  }
0x5e: {  	s7 =	sadd.s32 $0x400, s25;
	[sflag:s12] =	ssyncadd.s32 $0xFFFFE800  }
0x5f: {  	[tilespmem:s15], [sflag:$0x1] =	stream.indirect.gather [hbm4b:s4+s14], $0x30, s7, s14, $0xb8;
	[tilespmem:$0x1D500] =	vst v63  }
0x60: {  	_ =	swait.ge [sflag:s31], $0x1800  }
0x61: {  	[sflag:s31] =	ssyncset.done $0x0  }
0x62: {  	s28 =	sadd.s32 $0x4F00, s25;
	[sflag:s31] =	ssyncadd.s32 $0xFFFFE800  }
0x63: {  	[spmem:s2] =	stream.indirect.scatter.add.f32 [tilespmem:s16], [sflag:$0x9], $0x30, s28, s14, $0xb8;
	[tilespmem:$0x1D500] =	vst v63  }
0x64: {  	_ =	swait.ge [sflag:s12], $0x1800  }
0x65: {  	[sflag:s12] =	ssyncset.done $0x0  }
0x66: {  	s5 =	sadd.s32 $0x480, s25;
	[sflag:s12] =	ssyncadd.s32 $0xFFFFE800  }
0x67: {  	[tilespmem:s16], [sflag:$0x2] =	stream.indirect.gather [hbm4b:s4+s14], $0x30, s5, s14, $0xb8;
	[tilespmem:$0x1D500] =	vst v63  }
0x68: {  	_ =	swait.ge [sflag:s1], $0x1800  }
0x69: {  	[sflag:s1] =	ssyncset.done $0x0  }
0x6a: {  	s7 =	sadd.s32 $0x4F80, s25;
	[sflag:s1] =	ssyncadd.s32 $0xFFFFE800  }
0x6b: {  	[spmem:s2] =	stream.indirect.scatter.add.f32 [tilespmem:s18], [sflag:$0x9], $0x30, s7, s14, $0xb8;
	[tilespmem:$0x1D500] =	vst v63  }
0x6c: {  	_ =	swait.ge [sflag:s12], $0x1800  }
0x6d: {  	[sflag:s12] =	ssyncset.done $0x0  }
0x6e: {  	s28 =	sadd.s32 $0x500, s25;
	[sflag:s12] =	ssyncadd.s32 $0xFFFFE800  }
0x6f: {  	[tilespmem:s18], [sflag:$0x3] =	stream.indirect.gather [hbm4b:s4+s14], $0x30, s28, s14, $0xb8;
	[tilespmem:$0x1D500] =	vst v63  }
0x70: {  	_ =	swait.ge [sflag:s0], $0x1800  }
0x71: {  	[sflag:s0] =	ssyncset.done $0x0  }
0x72: {  	s5 =	sadd.s32 $0x5000, s25;
	[sflag:s0] =	ssyncadd.s32 $0xFFFFE800  }
0x73: {  	[spmem:s2] =	stream.indirect.scatter.add.f32 [tilespmem:s20], [sflag:$0x9], $0x30, s5, s14, $0xb8;
	[tilespmem:$0x1D500] =	vst v63  }
0x74: {  	_ =	swait.ge [sflag:s12], $0x1800  }
0x75: {  	[sflag:s12] =	ssyncset.done $0x0  }
0x76: {  	s7 =	sadd.s32 $0x580, s25;
	[sflag:s12] =	ssyncadd.s32 $0xFFFFE800  }
0x77: {  	[tilespmem:s20], [sflag:$0x4] =	stream.indirect.gather [hbm4b:s4+s14], $0x30, s7, s14, $0xb8;
	[tilespmem:$0x1D500] =	vst v63  }
0x78: {  	_ =	swait.ge [sflag:s13], $0x1800  }
0x79: {  	[sflag:s13] =	ssyncset.done $0x0  }
0x7a: {  	s28 =	sadd.s32 $0x5080, s25;
	[sflag:s13] =	ssyncadd.s32 $0xFFFFE800  }
0x7b: {  	[spmem:s2] =	stream.indirect.scatter.add.f32 [tilespmem:s22], [sflag:$0x9], $0x30, s28, s14, $0xb8;
	[tilespmem:$0x1D500] =	vst v63  }
0x7c: {  	_ =	swait.ge [sflag:s12], $0x1800  }
0x7d: {  	[sflag:s12] =	ssyncset.done $0x0  }
0x7e: {  	s5 =	sadd.s32 $0x600, s25;
	[sflag:s12] =	ssyncadd.s32 $0xFFFFE800  }
0x7f: {  	[tilespmem:s22], [sflag:$0x5] =	stream.indirect.gather [hbm4b:s4+s14], $0x30, s5, s14, $0xb8;
	[tilespmem:$0x1D500] =	vst v63  }
0x80: {  	_ =	swait.ge [sflag:s17], $0x1800  }
0x81: {  	[sflag:s17] =	ssyncset.done $0x0  }
0x82: {  	s7 =	sadd.s32 $0x5100, s25;
	[sflag:s17] =	ssyncadd.s32 $0xFFFFE800  }
0x83: {  	[spmem:s2] =	stream.indirect.scatter.add.f32 [tilespmem:s24], [sflag:$0x9], $0x30, s7, s14, $0xb8;
	[tilespmem:$0x1D500] =	vst v63  }
0x84: {  	_ =	swait.ge [sflag:s12], $0x1800  }
0x85: {  	p0 =	seq.s32 s23, $0x12000;
	[sflag:s12] =	ssyncset.done $0x0  }
0x86: {  	s26 =	simm.s32 @p0 $0x7;
	[sflag:s12] =	ssyncadd.s32 $0xFFFFE800  }
0x87: {  	_ =	swait.ge @p0 [sflag:s26], $0x1800  }
0x88: {  	[sflag:s26] =	ssyncset.done @p0 $0x0  }
0x89: {  	[sflag:s26] =	ssyncadd.s32 @p0 $0xFFFFE800;
	s26 =	sshra.s32 @p0 s23, $0x2  }
0x8a: {  	s28 =	simm.s32 @p0 $0x80;
	s5 =	simm.s32 @p0 $0x12D00;
	s26 =	sadd.s32 @p0 $0x5180, s26  }
0x8b: {  	[spmem:s2] =	stream.indirect.scatter.add.f32 @p0 [tilespmem:s5], [sflag:$0x9], $0x30, s26, s28, $0xb8;
	[tilespmem:$0x1D500] =	vst v63  }
0x8c: {  	s5 =	simm.s32 @p0 $0x9  }
0x8d: {  	_ =	swait.ge @p0 [sflag:s5], $0x1800  }
0x8e: {  	[sflag:s5] =	ssyncset.done @p0 $0x0  }
0x8f: {  	[sflag:s5] =	ssyncadd.s32 @p0 $0xFFFFE800;
	s5 =	sshra.s32 @!p0 s23, $0x2  }
0x90: {  	s7 =	simm.s32 @!p0 $0x11500;
	s28 =	simm.s32 @!p0 $0x80;
	s26 =	sadd.s32 @!p0 $0x680, s5  }
0x91: {  	[tilespmem:s7], [sflag:$0x6] =	stream.indirect.gather @!p0 [hbm4b:s4+s28], $0x30, s26, s28, $0xb8;
	[tilespmem:$0x1D500] =	vst v63  }
0x92: {  	s7 =	simm.s32 @!p0 $0x7  }
0x93: {  	_ =	swait.ge @!p0 [sflag:s7], $0x1800  }
0x94: {  	[sflag:s7] =	ssyncset.done @!p0 $0x0  }
0x95: {  	s26 =	simm.s32 @!p0 $0x12D00;
	[sflag:s7] =	ssyncadd.s32 @!p0 $0xFFFFE800;
	s7 =	sadd.s32 @!p0 $0x5180, s5  }
0x96: {  	[spmem:s2] =	stream.indirect.scatter.add.f32 @!p0 [tilespmem:s26], [sflag:$0x9], $0x30, s7, s28, $0xb8;
	[tilespmem:$0x1D500] =	vst v63  }
0x97: {  	s7 =	simm.s32 @!p0 $0x9  }
0x98: {  	_ =	swait.ge @!p0 [sflag:s7], $0x1800  }
0x99: {  	[sflag:s7] =	ssyncset.done @!p0 $0x0  }
0x9a: {  	s5 =	sadd.s32 @!p0 $0x700, s5;
	[sflag:s7] =	ssyncadd.s32 @!p0 $0xFFFFE800  }
0x9b: {  	[tilespmem:s26], [sflag:$0x7] =	stream.indirect.gather @!p0 [hbm4b:s4+s28], $0x30, s5, s28, $0xb8;
	[tilespmem:$0x1D500] =	vst v63  }
0x9c: {  	_ =	swait.ge [sflag:s19], $0x1800  }
0x9d: {  	[sflag:s19] =	ssyncset.done $0x0  }
.Ltmp2:
0x9e: {  	s28 =	sadd.s32 $0x5200, s25;
	[sflag:s19] =	ssyncadd.s32 $0xFFFFE800;
	(pc) =	sbr.rel @p0 .LBB2_4-.Ltmp2, $4  }
0x9f: {  	[spmem:s2] =	stream.indirect.scatter.add.f32 [tilespmem:s29], [sflag:$0x9], $0x30, s28, s14, $0xb8;
	[tilespmem:$0x1D500] =	vst v63  }
0xa0: {  	_ =	swait.ge [sflag:s12], $0x1800  }
0xa1: {  	[sflag:s12] =	ssyncset.done $0x0  }
0xa2: {  	[sflag:s12] =	ssyncadd.s32 $0xFFFFE800  }
.Ltmp3:
0xa3: {  	(pc) =	sbr.rel .LBB2_2-.Ltmp3, $3  }
0xa4: {  	_ =	sdelay $0x1  }
0xa5: {  	s5 =	sadd.s32 $0x780, s25;
	s23 =	sadd.s32 $0x1000, s23  }
0xa6: {  	[tilespmem:s29], [sflag:$0x8] =	stream.indirect.gather [hbm4b:s4+s14], $0x30, s5, s14, $0xb8;
	[tilespmem:$0x1D500] =	vst v63  }
.LBB2_5:
0xa7: {  	_ =	sfence.sel $0x180000  }
0xa8: {  	[bflag:$0x0] =	sbarrier.arrive $0xFFFF  }
0xa9: {  	_ =	strace $0x9000004D  }
0xaa: {  	s0 =	stileid.u32;
	[bflag:$0x2] =	sbarrier.arrive $0xFFFF  }
0xab: {  	p0 =	sne.s32 s0, $0x0;
	s0 =	rddreg [dreg:$0x2]  }
0xac: {  	s0 =	sadd.s32 @!p0 $0x100000, s0  }
0xad: {  	[sflag:s0] =	ssyncadd.tile.s32 @!p0 $0x1;
	_ =	shalt  }
.Lfunc_end2:
_tile_overlayer_lowered:
.L_overlay_start_2:
0xae: {  	(tag) =	ssettag $0x2  }
0xaf: {  	s0 =	rddreg [dreg:$0x0];
	s2 =	stileid.u32  }
0xb0: {  	s1 =	rddreg [dreg:$0x1];
	p0 =	sne.s32 s2, $0x0  }
0xb1: {  	s3 =	rddreg [dreg:$0x2];
	[bflag:$0x3] =	sbarrier.arrive $0xFFFF;
	s2 =	simm.s32 @!p0 $0x1C09  }
0xb2: {  	[timem:s3], [sflag:s2] =	dma.local @!p0 [hbm:s0], s1  }
0xb3: {  	s0 =	simm.s32 @!p0 $0x9  }
0xb4: {  	_ =	swait.ge @!p0 [sflag:s0], s1  }
0xb5: {  	s1 =	ssub.s32 @!p0 $0x0, s1;
	[sflag:s0] =	ssyncset.done @!p0 $0x0  }
0xb6: {  	[sflag:s0] =	ssyncadd.s32 @!p0 s1  }
0xb7: {  	[bflag:$0x3] =	sbarrier.arrive $0xFFFF  }
0xb8: {  	_ =	shalt  }

// kernel: kernel.22.cloned.1.call-start
scs
__scs_entry_jumppad:
0x0: {  	(pc) =	sbr.rel $0x88, $3  }
0x1: {  	(tag) =	ssettag $0x0;
	lr =	simm.s32 $0x1  }
0x2: {  	[smem:$0x3F97] =	sst lr;
	_ =	strace $0xD0000000  }
0x3: {  	_ = 	snop  }
0x4: {  	_ = 	snop  }
0x5: {  	_ = 	snop  }
0x6: {  	_ = 	snop  }
0x7: {  	_ = 	snop  }
__scs_overlays_trampoline_lowered:
0x8: {  	[smem:$0x3FA6] =	sst s0  }
0x9: {  	[smem:$0x3FA7] =	sst s1  }
0xa: {  	[smem:$0x3FA8] =	sst s2  }
0xb: {  	[smem:$0x3FA9] =	sst s3  }
0xc: {  	[smem:$0x3FAA] =	sst s4  }
0xd: {  	[smem:$0x3FAB] =	sst s5  }
0xe: {  	[smem:$0x3FAC] =	sst s6  }
0xf: {  	[smem:$0x3FAD] =	sst s7  }
0x10: {  	[smem:$0x3FAE] =	sst s8  }
0x11: {  	[smem:$0x3FAF] =	sst s9;
	s0 =	simm.s32 @!p0 $0x0  }
0x12: {  	s1 =	sld [smem:$0x3F95];
	s0 =	simm.s32 @p0 $0x1  }
0x13: {  	[smem:$0x3FB0] =	sst s0;
	s0 =	simm.s32 @!p1 $0x0  }
0x14: {  	s2 =	sld [smem:$0x3F94];
	s0 =	simm.s32 @p1 $0x1  }
0x15: {  	[smem:$0x3FB1] =	sst s0;
	s0 =	simm.s32 @!p2 $0x0  }
0x16: {  	s3 =	sld [smem:$0x3FDB];
	s0 =	simm.s32 @p2 $0x1  }
0x17: {  	s4 =	simm.s32 $0x1BF5;
	[smem:$0x3FB3] =	sst s0  }
0x18: {  	s0 =	sld [smem:$0x3F96];
	_ =	swait.ge [sflag:s4], $0x0  }
0x19: {  	s7 =	sld [smem:$0x3F97]  }
0x1a: {  	s8 =	sadd.s32 $0xFFFFE003, lr  }
0x1b: {  	s9 =	sadd.s32 $0xFFFFFEF7, lr;
	s5 =	simm.s32 $0xFFFFFFFF;
	p2 =	slt.u32 s8, $0xFFFFF086  }
0x1c: {  	p1 =	slt.u32 s9, $0xF7A;
	s5 =	simm.s32 @!p2 $0x0  }
0x1d: {  	s5 =	simm.s32 @p1 $0x1;
	p0 =	seq.s32 s7, s2  }
0x1e: {  	s7 =	smul.u32 @!p0 $0xF7A, s2;
	p2 =	seq.s32 @!p0 s5, $0x0  }
0x1f: {  	s9 =	smul.u32 $0xF7A, s1;
	s8 =	simm.s32 @!p0 $0x1BF5;
	p2 =	por !p2, p0  }
0x20: {  	[sflag:s8] =	ssyncset.s32 @!p0 $0xFFFFF086;
	s6 =	sadd.s32 @!p0 s3, s7;
	s7 =	simm.s32 @!p0 $0x108  }
0x21: {  	s3 =	sadd.s32 s3, s9;
	s6 =	sadd.s32 @!p0 $0x88, s6;
	s7 =	simm.s32 @p2 $0x1082  }
0x22: {  	[simem:s7], [sflag:s8] =	dma.local @!p0 [hbm:s6], $0xF7A  }
0x23: {  	s9 =	sor.u32 $0xD0000000, s2;
	s6 =	simm.s32 $0x108;
	_ =	swait.ge @!p0 [sflag:s8], $0x0  }
0x24: {  	s3 =	sadd.s32 $0x88, s3;
	s6 =	simm.s32 @!p1 $0x1082;
	[sflag:s4] =	ssyncset.s32 $0xFFFFF086  }
0x25: {  	[simem:s6], [sflag:s4] =	dma.local [hbm:s3], $0xF7A  }
0x26: {  	[smem:$0x3F97] =	sst s1;
	(tag) =	ssettag s2;
	_ =	strace s9  }
0x27: {  	s1 =	sld [smem:$0x3FA7]  }
0x28: {  	s2 =	sld [smem:$0x3FA8]  }
0x29: {  	s4 =	sld [smem:$0x3FAA]  }
0x2a: {  	p0 =	seq.s32 s5, $0x0;
	s5 =	sld [smem:$0x3FAB]  }
0x2b: {  	s6 =	sld [smem:$0x3FAC]  }
0x2c: {  	s7 =	sld [smem:$0x3FAD]  }
0x2d: {  	s3 =	simm.s32 $0x108;
	s8 =	sld [smem:$0x3FAE]  }
0x2e: {  	s3 =	simm.s32 @!p0 $0x1082;
	s9 =	sld [smem:$0x3FAF]  }
0x2f: {  	lr =	sadd.s32 s0, s3;
	s0 =	sld [smem:$0x3FA6]  }
0x30: {  	s3 =	sld [smem:$0x3FA9]  }
0x31: {  	[smem:$0x3FB2] =	sst s10  }
0x32: {  	s10 =	sld [smem:$0x3FB0];
	_ =	sdelay $0x3  }
0x33: {  	p0 =	seq.s32 s10, $0x1;
	s10 =	sld [smem:$0x3FB2];
	_ =	sdelay $0x3  }
0x34: {  	[smem:$0x3FB2] =	sst s10  }
0x35: {  	s10 =	sld [smem:$0x3FB1];
	_ =	sdelay $0x3  }
0x36: {  	p1 =	seq.s32 s10, $0x1;
	s10 =	sld [smem:$0x3FB2];
	_ =	sdelay $0x3  }
0x37: {  	[smem:$0x3FB2] =	sst s10  }
0x38: {  	s10 =	sld [smem:$0x3FB3]  }
0x39: {  	_ = 	snop;
	(pc) =	sbr.ind lr, $3  }
0x3a: {  	_ = 	snop  }
0x3b: {  	_ = 	snop  }
0x3c: {  	p2 =	seq.s32 s10, $0x1;
	s10 =	sld [smem:$0x3FB2]  }
0x3d: {  	_ =	shalt  }
0x3e: {  	_ =	shalt  }
0x3f: {  	_ =	shalt  }
0x40: {  	_ =	shalt  }
0x41: {  	_ =	shalt  }
0x42: {  	_ =	shalt  }
0x43: {  	_ =	shalt  }
0x44: {  	_ =	shalt  }
0x45: {  	_ =	shalt  }
0x46: {  	_ =	shalt  }
0x47: {  	_ =	shalt  }
0x48: {  	_ =	shalt  }
0x49: {  	_ =	shalt  }
0x4a: {  	_ =	shalt  }
0x4b: {  	_ =	shalt  }
0x4c: {  	_ =	shalt  }
0x4d: {  	_ =	shalt  }
0x4e: {  	_ =	shalt  }
0x4f: {  	_ =	shalt  }
0x50: {  	_ =	shalt  }
0x51: {  	_ =	shalt  }
0x52: {  	_ =	shalt  }
0x53: {  	_ =	shalt  }
0x54: {  	_ =	shalt  }
0x55: {  	_ =	shalt  }
0x56: {  	_ =	shalt  }
0x57: {  	_ =	shalt  }
0x58: {  	_ =	shalt  }
0x59: {  	_ =	shalt  }
0x5a: {  	_ =	shalt  }
0x5b: {  	_ =	shalt  }
0x5c: {  	_ =	shalt  }
0x5d: {  	_ =	shalt  }
0x5e: {  	_ =	shalt  }
0x5f: {  	_ =	shalt  }
0x60: {  	_ =	shalt  }
0x61: {  	_ =	shalt  }
0x62: {  	_ =	shalt  }
0x63: {  	_ =	shalt  }
0x64: {  	_ =	shalt  }
0x65: {  	_ =	shalt  }
0x66: {  	_ =	shalt  }
0x67: {  	_ =	shalt  }
0x68: {  	_ =	shalt  }
0x69: {  	_ =	shalt  }
0x6a: {  	_ =	shalt  }
0x6b: {  	_ =	shalt  }
0x6c: {  	_ =	shalt  }
0x6d: {  	_ =	shalt  }
0x6e: {  	_ =	shalt  }
0x6f: {  	_ =	shalt  }
0x70: {  	_ =	shalt  }
0x71: {  	_ =	shalt  }
0x72: {  	_ =	shalt  }
0x73: {  	_ =	shalt  }
0x74: {  	_ =	shalt  }
0x75: {  	_ =	shalt  }
0x76: {  	_ =	shalt  }
0x77: {  	_ =	shalt  }
0x78: {  	_ =	shalt  }
0x79: {  	_ =	shalt  }
0x7a: {  	_ =	shalt  }
0x7b: {  	_ =	shalt  }
0x7c: {  	_ =	shalt  }
0x7d: {  	_ =	shalt  }
0x7e: {  	_ =	shalt  }
0x7f: {  	_ =	shalt  }
0x80: {  	_ =	shalt  }
0x81: {  	_ =	shalt  }
0x82: {  	_ =	shalt  }
0x83: {  	_ =	shalt  }
0x84: {  	_ =	shalt  }
0x85: {  	_ =	shalt  }
0x86: {  	_ =	shalt  }
0x87: {  	_ =	shalt  }
.Lfunc_end0:
.L_simem_size_0:
called_computation.3_lowered:
.L_overlay_start_0:
0x88: {  	s2 =	sld [smem:$0x3FD9]  }
0x89: {  	s3 =	sld [smem:$0x3FFE];
	_ =	sdelay $0x1  }
0x8a: {  	s1 =	srdreg.scid  }
0x8b: {  	s0 =	sand.u32 $0x1, s1  }
0x8c: {  	s16 =	sshll.u32 s0, $0xA;
	s2 =	sadd.s32 s3, s2  }
0x8d: {  	s2 =	sadd.s32 s2, s16  }
0x8e: {  	[smem:$0x3FBE] =	sst s2  }
0x8f: {  	_ = 	snop  }
0x90: {  	(tm) =	ssettm $0x1  }
0x91: {  	s17 =	sld [smem:$0x3FFB];
	_ =	sdelay $0x3  }
0x92: {  	_ =	strace s17  }
0x93: {  	s2 =	sld [smem:$0x3FFC];
	_ =	sdelay $0x3  }
0x94: {  	_ =	strace s2  }
0x95: {  	s2 =	sld [smem:$0x3FFD];
	_ =	sdelay $0x3  }
0x96: {  	_ =	strace s2  }
0x97: {  	_ =	strace $0x8FFFFFFF  }
0x98: {  	s18 =	sld [smem:$0x3FDB];
	_ =	sdelay $0x1  }
0x99: {  	s19 =	simm.s32 $_scs_section_size  }
0x9a: {  	s4 =	simm.s32 $_size__tile_overlayer_lowered;
	s5 =	simm.s32 $_tile_overlayer_lowered  }
0x9b: {  	s22 =	simm.s32 $0x1BFF;
	s21 =	sshll.u32 s5, $0x1;
	s2 =	sadd.s32 s19, s18  }
0x9c: {  	s6 =	simm.s32 $0x0;
	s20 =	sshll.u32 s4, $0x1;
	s4 =	sadd.s32 s21, s2  }
0x9d: {  	[timem:s6], [sflag:s22] =	dma.local [hbm:s4], s20  }
0x9e: {  	_ =	swait.ge [sflag:s22], s20  }
0x9f: {  	s3 =	ssub.s32 $0x0, s20;
	[sflag:s22] =	ssyncset.done $0x0  }
0xa0: {  	[sflag:s22] =	ssyncadd.s32 s3;
	_ =	sdelay $0x1  }
0xa1: {  	s23 =	simm.s32 $0x1B8B  }
0xa2: {  	_ =	swait.ge [sflag:s23], $0x1  }
0xa3: {  	[sflag:s23] =	ssyncset.done $0x0  }
0xa4: {  	s25 =	simm.s32 $0x1B8E;
	s24 =	sld [smem:$0x3FFE];
	[sflag:s23] =	ssyncadd.s32 $0xFFFFFFFF  }
0xa5: {  	s26 =	simm.s32 $execute0_lowered;
	[smem:$0x3FD2] =	sst s25  }
0xa6: {  	s4 =	sshll.u32 s26, $0x1;
	_ =	strace $0x8000004F;
	[dreg:$0x1] =	wrdreg $0xFFFFFFFF  }
0xa7: {  	s28 =	simm.s32 $_size_execute0_lowered;
	s2 =	sadd.s32 s2, s4;
	[dreg:$0x0] =	wrdreg $0x0  }
0xa8: {  	s4 =	sshll.u32 s28, $0x1;
	[dreg:$0x2] =	wrdreg s2  }
0xa9: {  	[dreg:$0x3] =	wrdreg s4  }
0xaa: {  	[dreg:$0x4] =	wrdreg $0xC0  }
0xab: {  	_ =	task [dreg:s6], $0x5FFFF  }
0xac: {  	[dreg:$0x1] =	wrdreg $0xFFFFFFFF  }
0xad: {  	[dreg:$0x0] =	wrdreg $0x60  }
0xae: {  	[dreg:$0x2] =	wrdreg s24  }
0xaf: {  	[dreg:$0x3] =	wrdreg $0xDD000  }
0xb0: {  	[dreg:$0x4] =	wrdreg $0x9  }
0xb1: {  	_ =	task.clear_ibuf [dreg:s6], $0x5FFFF;
	_ =	strace $0x9000004F  }
0xb2: {  	s29 =	simm.s32 $0x9;
	_ =	strace $0x80000051  }
0xb3: {  	_ =	swait.ge [sflag:s29], $0x1  }
0xb4: {  	[sflag:s29] =	ssyncadd.s32 $0xFFFFFFFF  }
0xb5: {  	_ =	strace $0x90000051  }
0xb6: {  	_ =	sfence  }
0xb7: {  	s30 =	sld [smem:$0x0];
	_ =	sdelay $0x2  }
0xb8: {  	s31 =	sshll.u32 s1, $0xD;
	s1 =	sshrl.u32 s1, $0x2  }
0xb9: {  	s3 =	sand.u32 $0x4000, s31;
	s1 =	sadd.s32 s1, s30  }
0xba: {  	s0 =	sor.u32 s3, s0;
	s1 =	sshll.u32 s1, $0x11  }
0xbb: {  	s0 =	sor.u32 s1, s0  }
0xbc: {  	s0 =	sadd.s32 $0x8F2B, s0  }
0xbd: {  	[sflag:s0] =	ssyncadd.remote.s32 $0x1  }
0xbe: {  	_ =	sfence.sel $0xFFFF  }
0xbf: {  	[dreg:$0x0] =	wrdreg $0xFFFFFFFF;
	(pc) =	sbr.abs _section_cstart, $3  }
0xc0: {  	[dreg:$0x1] =	wrdreg $0xFFFFFFFF  }
0xc1: {  	_ =	task.clear_ibuf [dreg:s6], $0x2FFFF;
	_ =	strace $0x9FFFFFFF  }
0xc2: {  	(tm) =	ssettm $0x7FFFFFFF  }
0xc3: {  	_ =	shalt  }
tec
execute0_lowered:
.L_overlay_start_1:
0x0: {  	(tag) =	ssettag $0x1  }
0x1: {  	s0 =	srdreg.scid;
	s5 =	rddreg [dreg:$0x0]  }
0x2: {  	s12 =	stileid.u32;
	s2 =	rddreg [dreg:$0x1]  }
0x3: {  	s3 =	simm.s32 $0x0;
	s14 =	simm.s32 $0x80;
	s15 =	simm.s32 $0x9D00  }
0x4: {  	s16 =	simm.s32 $0xA500;
	s18 =	simm.s32 $0xAD00;
	s20 =	simm.s32 $0xB500  }
0x5: {  	s22 =	simm.s32 $0xBD00;
	s24 =	simm.s32 $0xC500;
	s29 =	simm.s32 $0xD500  }
0x6: {  	s30 =	simm.s32 $0x1;
	s31 =	simm.s32 $0x2;
	s13 =	simm.s32 $0x5  }
0x7: {  	s17 =	simm.s32 $0x6;
	s19 =	simm.s32 $0x8;
	s21 =	simm.s32 $0x0  }
0x8: {  	s0 =	sand.u32 $0x1, s0;
	s1 =	sshll.u32 s12, $0x1;
	s6 =	smul.u32 $0x2800, s12  }
0x9: {  	[smem:$0x7FF] =	sst s3;
	s4 =	sadd.s32 $0x15600, s5;
	s26 =	sshll.u32 s12, $0x6  }
0xa: {  	s12 =	simm.s32 $0x9;
	s1 =	sor.u32 s0, s1;
	s7 =	smul.u32 $0x28000, s0  }
0xb: {  	_ =	strace $0x80000050;
	s0 =	ssub.s32 $0x2, s0;
	s1 =	smul.u32 $0x9D0, s1  }
0xc: {  	s8 =	sshrl.u32 s6, $0x3;
	s9 =	sshrl.u32 s0, $0x1;
	s11 =	sadd.s32 s6, s2  }
0xd: {  	s7 =	sadd.s32 s6, s7;
	s8 =	sadd.s32 s8, s5;
	s0 =	ssub.s32 s0, s9  }
.Ltmp0:
0xe: {  	s6 =	sor.u32 $0x1C09, s26;
	s11 =	sshrl.u32 s11, $0x3;
	(pc) =	sbr.rel .LBB2_1-.Ltmp0, $4  }
0xf: {  	s1 =	sadd.s32 s1, s5;
	s7 =	sshrl.u32 s7, $0x3;
	s25 =	sadd.s32 $0x1A600, s8  }
0x10: {  	s10 =	sadd.s32 s7, s5;
	[dreg:$0x3] =	wrdreg s25;
	s28 =	sadd.s32 $0x33000, s1  }
0x11: {  	s8 =	sadd.s32 $0x1C00, s1;
	s1 =	simm.s32 $0x3;
	[dreg:$0x4] =	wrdreg s28  }
0x12: {  	s9 =	sadd.s32 $0x1F600, s10;
	s10 =	smax.u32 s0, $0x1;
	s0 =	simm.s32 $0x4  }
.LBB2_4:
0x13: {  	_ =	swait.ge [sflag:s30], $0x800  }
0x14: {  	[sflag:s30] =	ssyncset.done $0x0  }
0x15: {  	s5 =	simm.s32 $0x9A80;
	[sflag:s30] =	ssyncadd.s32 $0xFFFFF800  }
0x16: {  	[spmem:s2] =	stream.indirect.scatter.add.f32 [tilespmem:s15], [sflag:$0x9], $0x10, s5, s14, $0xb8;
	[tilespmem:$0x10500] =	vst v63  }
0x17: {  	_ =	swait.ge [sflag:s12], $0x800  }
0x18: {  	[sflag:s12] =	ssyncset.done $0x0  }
0x19: {  	[sflag:s12] =	ssyncadd.s32 $0xFFFFF800  }
0x1a: {  	_ =	swait.ge [sflag:s31], $0x800  }
0x1b: {  	[sflag:s31] =	ssyncset.done $0x0  }
0x1c: {  	s23 =	simm.s32 $0x9B00;
	[sflag:s31] =	ssyncadd.s32 $0xFFFFF800  }
0x1d: {  	[spmem:s2] =	stream.indirect.scatter.add.f32 [tilespmem:s16], [sflag:$0x9], $0x10, s23, s14, $0xb8;
	[tilespmem:$0x10500] =	vst v63  }
0x1e: {  	_ =	swait.ge [sflag:s12], $0x800  }
0x1f: {  	[sflag:s12] =	ssyncset.done $0x0  }
0x20: {  	[sflag:s12] =	ssyncadd.s32 $0xFFFFF800  }
0x21: {  	_ =	swait.ge [sflag:s1], $0x800  }
0x22: {  	[sflag:s1] =	ssyncset.done $0x0  }
0x23: {  	s25 =	simm.s32 $0x9B80;
	[sflag:s1] =	ssyncadd.s32 $0xFFFFF800  }
0x24: {  	[spmem:s2] =	stream.indirect.scatter.add.f32 [tilespmem:s18], [sflag:$0x9], $0x10, s25, s14, $0xb8;
	[tilespmem:$0x10500] =	vst v63  }
0x25: {  	_ =	swait.ge [sflag:s12], $0x800  }
0x26: {  	[sflag:s12] =	ssyncset.done $0x0  }
0x27: {  	[sflag:s12] =	ssyncadd.s32 $0xFFFFF800  }
0x28: {  	_ =	swait.ge [sflag:s0], $0x800  }
0x29: {  	[sflag:s0] =	ssyncset.done $0x0  }
0x2a: {  	s26 =	simm.s32 $0x9C00;
	[sflag:s0] =	ssyncadd.s32 $0xFFFFF800  }
0x2b: {  	[spmem:s2] =	stream.indirect.scatter.add.f32 [tilespmem:s20], [sflag:$0x9], $0x10, s26, s14, $0xb8;
	[tilespmem:$0x10500] =	vst v63  }
0x2c: {  	_ =	swait.ge [sflag:s12], $0x800  }
0x2d: {  	[sflag:s12] =	ssyncset.done $0x0  }
0x2e: {  	[sflag:s12] =	ssyncadd.s32 $0xFFFFF800  }
0x2f: {  	_ =	swait.ge [sflag:s13], $0x800  }
0x30: {  	[sflag:s13] =	ssyncset.done $0x0  }
0x31: {  	s28 =	simm.s32 $0x9C80;
	[sflag:s13] =	ssyncadd.s32 $0xFFFFF800  }
0x32: {  	[spmem:s2] =	stream.indirect.scatter.add.f32 [tilespmem:s22], [sflag:$0x9], $0x10, s28, s14, $0xb8;
	[tilespmem:$0x10500] =	vst v63  }
0x33: {  	_ =	swait.ge [sflag:s12], $0x800  }
0x34: {  	s21 =	sadd.s32 $0x1, s21;
	[sflag:s12] =	ssyncset.done $0x0  }
0x35: {  	p0 =	sne.s32 s21, s10;
	[sflag:s12] =	ssyncadd.s32 $0xFFFFF800  }
.Ltmp1:
0x36: {  	[bflag:$0x0] =	sbarrier.arrive $0xFFFF;
	(pc) =	sbr.rel @!p0 .LBB2_5-.Ltmp1, $4  }
0x37: {  	[hbm:s9], [sflag:s6] =	dma.local [spmem:s11], $0x500  }
0x38: {  	_ =	swait.ge [sflag:s12], $0x500  }
0x39: {  	[sflag:s12] =	ssyncset.done $0x0  }
0x3a: {  	[sflag:s12] =	ssyncadd.s32 $0xFFFFFB00  }
.LBB2_1:
0x3b: {  	s5 =	rddreg [dreg:$0x3]  }
0x3c: {  	[spmem:s11], [sflag:s6] =	dma.local [hbm:s5], $0x500  }
0x3d: {  	_ =	swait.ge [sflag:s12], $0x500  }
0x3e: {  	[sflag:s12] =	ssyncset.done $0x0  }
0x3f: {  	s25 =	rddreg [dreg:$0x4];
	[sflag:s12] =	ssyncadd.s32 $0xFFFFFB00  }
0x40: {  	[tilespmem:s3], [sflag:$0x9] =	stream.linear.gather [hbm4b:s25+s3], $0x4E80, $0x38;
	[tilespmem:$0x10500] =	vst v63  }
0x41: {  	_ =	swait.ge [sflag:s12], $0x4E80  }
0x42: {  	[sflag:s12] =	ssyncset.done $0x0  }
0x43: {  	s26 =	simm.s32 $0x4E80;
	[sflag:s12] =	ssyncadd.s32 $0xFFFFB180  }
0x44: {  	[tilespmem:s26], [sflag:$0x9] =	stream.linear.gather [hbm4b:s8+s3], $0x4E80, $0x38;
	[tilespmem:$0x10500] =	vst v63  }
0x45: {  	_ =	swait.ge [sflag:s12], $0x4E80  }
0x46: {  	[sflag:s12] =	ssyncset.done $0x0  }
0x47: {  	[sflag:s12] =	ssyncadd.s32 $0xFFFFB180  }
0x48: {  	[bflag:$0x0] =	sbarrier.arrive $0xFFFF  }
0x49: {  	[tilespmem:s15], [sflag:$0x1] =	stream.indirect.gather [hbm4b:s4+s14], $0x10, s3, s14, $0xb8;
	[tilespmem:$0x10500] =	vst v63  }
0x4a: {  	_ = 	snop  }
0x4b: {  	[tilespmem:s16], [sflag:$0x2] =	stream.indirect.gather [hbm4b:s4+s14], $0x10, s14, s14, $0xb8;
	[tilespmem:$0x10500] =	vst v63  }
0x4c: {  	s28 =	simm.s32 $0x100  }
0x4d: {  	[tilespmem:s18], [sflag:$0x3] =	stream.indirect.gather [hbm4b:s4+s14], $0x10, s28, s14, $0xb8;
	[tilespmem:$0x10500] =	vst v63  }
0x4e: {  	s7 =	simm.s32 $0x180  }
0x4f: {  	[tilespmem:s20], [sflag:$0x4] =	stream.indirect.gather [hbm4b:s4+s14], $0x10, s7, s14, $0xb8;
	[tilespmem:$0x10500] =	vst v63  }
0x50: {  	s23 =	simm.s32 $0x200  }
0x51: {  	[tilespmem:s22], [sflag:$0x5] =	stream.indirect.gather [hbm4b:s4+s14], $0x10, s23, s14, $0xb8;
	[tilespmem:$0x10500] =	vst v63  }
0x52: {  	s25 =	simm.s32 $0x280  }
0x53: {  	[tilespmem:s24], [sflag:$0x6] =	stream.indirect.gather [hbm4b:s4+s14], $0x10, s25, s14, $0xb8;
	[tilespmem:$0x10500] =	vst v63  }
0x54: {  	s26 =	simm.s32 $0x300;
	s7 =	simm.s32 $0xCD00  }
0x55: {  	[tilespmem:s7], [sflag:$0x7] =	stream.indirect.gather [hbm4b:s4+s14], $0x10, s26, s14, $0xb8;
	[tilespmem:$0x10500] =	vst v63  }
0x56: {  	s28 =	simm.s32 $0x380;
	s23 =	simm.s32 $0x0  }
0x57: {  	[tilespmem:s29], [sflag:$0x8] =	stream.indirect.gather [hbm4b:s4+s14], $0x10, s28, s14, $0xb8;
	[tilespmem:$0x10500] =	vst v63  }
.LBB2_2:
0x58: {  	_ =	swait.ge [sflag:s30], $0x800  }
0x59: {  	s25 =	sshra.s32 s23, $0x2;
	[sflag:s30] =	ssyncset.done $0x0  }
0x5a: {  	s26 =	sadd.s32 $0x4E80, s25;
	[sflag:s30] =	ssyncadd.s32 $0xFFFFF800  }
0x5b: {  	[spmem:s2] =	stream.indirect.scatter.add.f32 [tilespmem:s15], [sflag:$0x9], $0x10, s26, s14, $0xb8;
	[tilespmem:$0x10500] =	vst v63  }
0x5c: {  	_ =	swait.ge [sflag:s12], $0x800  }
0x5d: {  	[sflag:s12] =	ssyncset.done $0x0  }
0x5e: {  	s7 =	sadd.s32 $0x400, s25;
	[sflag:s12] =	ssyncadd.s32 $0xFFFFF800  }
0x5f: {  	[tilespmem:s15], [sflag:$0x1] =	stream.indirect.gather [hbm4b:s4+s14], $0x10, s7, s14, $0xb8;
	[tilespmem:$0x10500] =	vst v63  }
0x60: {  	_ =	swait.ge [sflag:s31], $0x800  }
0x61: {  	[sflag:s31] =	ssyncset.done $0x0  }
0x62: {  	s28 =	sadd.s32 $0x4F00, s25;
	[sflag:s31] =	ssyncadd.s32 $0xFFFFF800  }
0x63: {  	[spmem:s2] =	stream.indirect.scatter.add.f32 [tilespmem:s16], [sflag:$0x9], $0x10, s28, s14, $0xb8;
	[tilespmem:$0x10500] =	vst v63  }
0x64: {  	_ =	swait.ge [sflag:s12], $0x800  }
0x65: {  	[sflag:s12] =	ssyncset.done $0x0  }
0x66: {  	s5 =	sadd.s32 $0x480, s25;
	[sflag:s12] =	ssyncadd.s32 $0xFFFFF800  }
0x67: {  	[tilespmem:s16], [sflag:$0x2] =	stream.indirect.gather [hbm4b:s4+s14], $0x10, s5, s14, $0xb8;
	[tilespmem:$0x10500] =	vst v63  }
0x68: {  	_ =	swait.ge [sflag:s1], $0x800  }
0x69: {  	[sflag:s1] =	ssyncset.done $0x0  }
0x6a: {  	s7 =	sadd.s32 $0x4F80, s25;
	[sflag:s1] =	ssyncadd.s32 $0xFFFFF800  }
0x6b: {  	[spmem:s2] =	stream.indirect.scatter.add.f32 [tilespmem:s18], [sflag:$0x9], $0x10, s7, s14, $0xb8;
	[tilespmem:$0x10500] =	vst v63  }
0x6c: {  	_ =	swait.ge [sflag:s12], $0x800  }
0x6d: {  	[sflag:s12] =	ssyncset.done $0x0  }
0x6e: {  	s28 =	sadd.s32 $0x500, s25;
	[sflag:s12] =	ssyncadd.s32 $0xFFFFF800  }
0x6f: {  	[tilespmem:s18], [sflag:$0x3] =	stream.indirect.gather [hbm4b:s4+s14], $0x10, s28, s14, $0xb8;
	[tilespmem:$0x10500] =	vst v63  }
0x70: {  	_ =	swait.ge [sflag:s0], $0x800  }
0x71: {  	[sflag:s0] =	ssyncset.done $0x0  }
0x72: {  	s5 =	sadd.s32 $0x5000, s25;
	[sflag:s0] =	ssyncadd.s32 $0xFFFFF800  }
0x73: {  	[spmem:s2] =	stream.indirect.scatter.add.f32 [tilespmem:s20], [sflag:$0x9], $0x10, s5, s14, $0xb8;
	[tilespmem:$0x10500] =	vst v63  }
0x74: {  	_ =	swait.ge [sflag:s12], $0x800  }
0x75: {  	[sflag:s12] =	ssyncset.done $0x0  }
0x76: {  	s7 =	sadd.s32 $0x580, s25;
	[sflag:s12] =	ssyncadd.s32 $0xFFFFF800  }
0x77: {  	[tilespmem:s20], [sflag:$0x4] =	stream.indirect.gather [hbm4b:s4+s14], $0x10, s7, s14, $0xb8;
	[tilespmem:$0x10500] =	vst v63  }
0x78: {  	_ =	swait.ge [sflag:s13], $0x800  }
0x79: {  	[sflag:s13] =	ssyncset.done $0x0  }
0x7a: {  	s28 =	sadd.s32 $0x5080, s25;
	[sflag:s13] =	ssyncadd.s32 $0xFFFFF800  }
0x7b: {  	[spmem:s2] =	stream.indirect.scatter.add.f32 [tilespmem:s22], [sflag:$0x9], $0x10, s28, s14, $0xb8;
	[tilespmem:$0x10500] =	vst v63  }
0x7c: {  	_ =	swait.ge [sflag:s12], $0x800  }
0x7d: {  	[sflag:s12] =	ssyncset.done $0x0  }
0x7e: {  	s5 =	sadd.s32 $0x600, s25;
	[sflag:s12] =	ssyncadd.s32 $0xFFFFF800  }
0x7f: {  	[tilespmem:s22], [sflag:$0x5] =	stream.indirect.gather [hbm4b:s4+s14], $0x10, s5, s14, $0xb8;
	[tilespmem:$0x10500] =	vst v63  }
0x80: {  	_ =	swait.ge [sflag:s17], $0x800  }
0x81: {  	[sflag:s17] =	ssyncset.done $0x0  }
0x82: {  	s7 =	sadd.s32 $0x5100, s25;
	[sflag:s17] =	ssyncadd.s32 $0xFFFFF800  }
0x83: {  	[spmem:s2] =	stream.indirect.scatter.add.f32 [tilespmem:s24], [sflag:$0x9], $0x10, s7, s14, $0xb8;
	[tilespmem:$0x10500] =	vst v63  }
0x84: {  	_ =	swait.ge [sflag:s12], $0x800  }
0x85: {  	p0 =	seq.s32 s23, $0x12000;
	[sflag:s12] =	ssyncset.done $0x0  }
0x86: {  	s26 =	simm.s32 @p0 $0x7;
	[sflag:s12] =	ssyncadd.s32 $0xFFFFF800  }
0x87: {  	_ =	swait.ge @p0 [sflag:s26], $0x800  }
0x88: {  	[sflag:s26] =	ssyncset.done @p0 $0x0  }
0x89: {  	[sflag:s26] =	ssyncadd.s32 @p0 $0xFFFFF800;
	s26 =	sshra.s32 @p0 s23, $0x2  }
0x8a: {  	s28 =	simm.s32 @p0 $0x80;
	s5 =	simm.s32 @p0 $0xCD00;
	s26 =	sadd.s32 @p0 $0x5180, s26  }
0x8b: {  	[spmem:s2] =	stream.indirect.scatter.add.f32 @p0 [tilespmem:s5], [sflag:$0x9], $0x10, s26, s28, $0xb8;
	[tilespmem:$0x10500] =	vst v63  }
0x8c: {  	s5 =	simm.s32 @p0 $0x9  }
0x8d: {  	_ =	swait.ge @p0 [sflag:s5], $0x800  }
0x8e: {  	[sflag:s5] =	ssyncset.done @p0 $0x0  }
0x8f: {  	[sflag:s5] =	ssyncadd.s32 @p0 $0xFFFFF800;
	s5 =	sshra.s32 @!p0 s23, $0x2  }
0x90: {  	s7 =	simm.s32 @!p0 $0xC500;
	s28 =	simm.s32 @!p0 $0x80;
	s26 =	sadd.s32 @!p0 $0x680, s5  }
0x91: {  	[tilespmem:s7], [sflag:$0x6] =	stream.indirect.gather @!p0 [hbm4b:s4+s28], $0x10, s26, s28, $0xb8;
	[tilespmem:$0x10500] =	vst v63  }
0x92: {  	s7 =	simm.s32 @!p0 $0x7  }
0x93: {  	_ =	swait.ge @!p0 [sflag:s7], $0x800  }
0x94: {  	[sflag:s7] =	ssyncset.done @!p0 $0x0  }
0x95: {  	s26 =	simm.s32 @!p0 $0xCD00;
	[sflag:s7] =	ssyncadd.s32 @!p0 $0xFFFFF800;
	s7 =	sadd.s32 @!p0 $0x5180, s5  }
0x96: {  	[spmem:s2] =	stream.indirect.scatter.add.f32 @!p0 [tilespmem:s26], [sflag:$0x9], $0x10, s7, s28, $0xb8;
	[tilespmem:$0x10500] =	vst v63  }
0x97: {  	s7 =	simm.s32 @!p0 $0x9  }
0x98: {  	_ =	swait.ge @!p0 [sflag:s7], $0x800  }
0x99: {  	[sflag:s7] =	ssyncset.done @!p0 $0x0  }
0x9a: {  	s5 =	sadd.s32 @!p0 $0x700, s5;
	[sflag:s7] =	ssyncadd.s32 @!p0 $0xFFFFF800  }
0x9b: {  	[tilespmem:s26], [sflag:$0x7] =	stream.indirect.gather @!p0 [hbm4b:s4+s28], $0x10, s5, s28, $0xb8;
	[tilespmem:$0x10500] =	vst v63  }
0x9c: {  	_ =	swait.ge [sflag:s19], $0x800  }
0x9d: {  	[sflag:s19] =	ssyncset.done $0x0  }
.Ltmp2:
0x9e: {  	s28 =	sadd.s32 $0x5200, s25;
	[sflag:s19] =	ssyncadd.s32 $0xFFFFF800;
	(pc) =	sbr.rel @p0 .LBB2_4-.Ltmp2, $4  }
0x9f: {  	[spmem:s2] =	stream.indirect.scatter.add.f32 [tilespmem:s29], [sflag:$0x9], $0x10, s28, s14, $0xb8;
	[tilespmem:$0x10500] =	vst v63  }
0xa0: {  	_ =	swait.ge [sflag:s12], $0x800  }
0xa1: {  	[sflag:s12] =	ssyncset.done $0x0  }
0xa2: {  	[sflag:s12] =	ssyncadd.s32 $0xFFFFF800  }
.Ltmp3:
0xa3: {  	(pc) =	sbr.rel .LBB2_2-.Ltmp3, $3  }
0xa4: {  	_ =	sdelay $0x1  }
0xa5: {  	s5 =	sadd.s32 $0x780, s25;
	s23 =	sadd.s32 $0x1000, s23  }
0xa6: {  	[tilespmem:s29], [sflag:$0x8] =	stream.indirect.gather [hbm4b:s4+s14], $0x10, s5, s14, $0xb8;
	[tilespmem:$0x10500] =	vst v63  }
.LBB2_5:
0xa7: {  	_ =	sfence.sel $0x180000  }
0xa8: {  	[bflag:$0x0] =	sbarrier.arrive $0xFFFF  }
0xa9: {  	_ =	strace $0x90000050  }
0xaa: {  	s0 =	stileid.u32;
	[bflag:$0x2] =	sbarrier.arrive $0xFFFF  }
0xab: {  	p0 =	sne.s32 s0, $0x0;
	s0 =	rddreg [dreg:$0x2]  }
0xac: {  	s0 =	sadd.s32 @!p0 $0x100000, s0  }
0xad: {  	[sflag:s0] =	ssyncadd.tile.s32 @!p0 $0x1;
	_ =	shalt  }
.Lfunc_end2:
_tile_overlayer_lowered:
.L_overlay_start_2:
0xae: {  	(tag) =	ssettag $0x2  }
0xaf: {  	s0 =	rddreg [dreg:$0x0];
	s2 =	stileid.u32  }
0xb0: {  	s1 =	rddreg [dreg:$0x1];
	p0 =	sne.s32 s2, $0x0  }
0xb1: {  	s3 =	rddreg [dreg:$0x2];
	[bflag:$0x3] =	sbarrier.arrive $0xFFFF;
	s2 =	simm.s32 @!p0 $0x1C09  }
0xb2: {  	[timem:s3], [sflag:s2] =	dma.local @!p0 [hbm:s0], s1  }
0xb3: {  	s0 =	simm.s32 @!p0 $0x9  }
0xb4: {  	_ =	swait.ge @!p0 [sflag:s0], s1  }
0xb5: {  	s1 =	ssub.s32 @!p0 $0x0, s1;
	[sflag:s0] =	ssyncset.done @!p0 $0x0  }
0xb6: {  	[sflag:s0] =	ssyncadd.s32 @!p0 s1  }
0xb7: {  	[bflag:$0x3] =	sbarrier.arrive $0xFFFF  }
0xb8: {  	_ =	shalt  }

// kernel: kernel.25.cloned.1.call-start
scs
__scs_entry_jumppad:
0x0: {  	(pc) =	sbr.rel $0x88, $3  }
0x1: {  	(tag) =	ssettag $0x0;
	lr =	simm.s32 $0x1  }
0x2: {  	[smem:$0x3F97] =	sst lr;
	_ =	strace $0xD0000000  }
0x3: {  	_ = 	snop  }
0x4: {  	_ = 	snop  }
0x5: {  	_ = 	snop  }
0x6: {  	_ = 	snop  }
0x7: {  	_ = 	snop  }
__scs_overlays_trampoline_lowered:
0x8: {  	[smem:$0x3FA6] =	sst s0  }
0x9: {  	[smem:$0x3FA7] =	sst s1  }
0xa: {  	[smem:$0x3FA8] =	sst s2  }
0xb: {  	[smem:$0x3FA9] =	sst s3  }
0xc: {  	[smem:$0x3FAA] =	sst s4  }
0xd: {  	[smem:$0x3FAB] =	sst s5  }
0xe: {  	[smem:$0x3FAC] =	sst s6  }
0xf: {  	[smem:$0x3FAD] =	sst s7  }
0x10: {  	[smem:$0x3FAE] =	sst s8  }
0x11: {  	[smem:$0x3FAF] =	sst s9;
	s0 =	simm.s32 @!p0 $0x0  }
0x12: {  	s1 =	sld [smem:$0x3F95];
	s0 =	simm.s32 @p0 $0x1  }
0x13: {  	[smem:$0x3FB0] =	sst s0;
	s0 =	simm.s32 @!p1 $0x0  }
0x14: {  	s2 =	sld [smem:$0x3F94];
	s0 =	simm.s32 @p1 $0x1  }
0x15: {  	[smem:$0x3FB1] =	sst s0;
	s0 =	simm.s32 @!p2 $0x0  }
0x16: {  	s3 =	sld [smem:$0x3FDB];
	s0 =	simm.s32 @p2 $0x1  }
0x17: {  	s4 =	simm.s32 $0x1BF5;
	[smem:$0x3FB3] =	sst s0  }
0x18: {  	s0 =	sld [smem:$0x3F96];
	_ =	swait.ge [sflag:s4], $0x0  }
0x19: {  	s7 =	sld [smem:$0x3F97]  }
0x1a: {  	s8 =	sadd.s32 $0xFFFFE003, lr  }
0x1b: {  	s9 =	sadd.s32 $0xFFFFFEF7, lr;
	s5 =	simm.s32 $0xFFFFFFFF;
	p2 =	slt.u32 s8, $0xFFFFF086  }
0x1c: {  	p1 =	slt.u32 s9, $0xF7A;
	s5 =	simm.s32 @!p2 $0x0  }
0x1d: {  	s5 =	simm.s32 @p1 $0x1;
	p0 =	seq.s32 s7, s2  }
0x1e: {  	s7 =	smul.u32 @!p0 $0xF7A, s2;
	p2 =	seq.s32 @!p0 s5, $0x0  }
0x1f: {  	s9 =	smul.u32 $0xF7A, s1;
	s8 =	simm.s32 @!p0 $0x1BF5;
	p2 =	por !p2, p0  }
0x20: {  	[sflag:s8] =	ssyncset.s32 @!p0 $0xFFFFF086;
	s6 =	sadd.s32 @!p0 s3, s7;
	s7 =	simm.s32 @!p0 $0x108  }
0x21: {  	s3 =	sadd.s32 s3, s9;
	s6 =	sadd.s32 @!p0 $0x88, s6;
	s7 =	simm.s32 @p2 $0x1082  }
0x22: {  	[simem:s7], [sflag:s8] =	dma.local @!p0 [hbm:s6], $0xF7A  }
0x23: {  	s9 =	sor.u32 $0xD0000000, s2;
	s6 =	simm.s32 $0x108;
	_ =	swait.ge @!p0 [sflag:s8], $0x0  }
0x24: {  	s3 =	sadd.s32 $0x88, s3;
	s6 =	simm.s32 @!p1 $0x1082;
	[sflag:s4] =	ssyncset.s32 $0xFFFFF086  }
0x25: {  	[simem:s6], [sflag:s4] =	dma.local [hbm:s3], $0xF7A  }
0x26: {  	[smem:$0x3F97] =	sst s1;
	(tag) =	ssettag s2;
	_ =	strace s9  }
0x27: {  	s1 =	sld [smem:$0x3FA7]  }
0x28: {  	s2 =	sld [smem:$0x3FA8]  }
0x29: {  	s4 =	sld [smem:$0x3FAA]  }
0x2a: {  	p0 =	seq.s32 s5, $0x0;
	s5 =	sld [smem:$0x3FAB]  }
0x2b: {  	s6 =	sld [smem:$0x3FAC]  }
0x2c: {  	s7 =	sld [smem:$0x3FAD]  }
0x2d: {  	s3 =	simm.s32 $0x108;
	s8 =	sld [smem:$0x3FAE]  }
0x2e: {  	s3 =	simm.s32 @!p0 $0x1082;
	s9 =	sld [smem:$0x3FAF]  }
0x2f: {  	lr =	sadd.s32 s0, s3;
	s0 =	sld [smem:$0x3FA6]  }
0x30: {  	s3 =	sld [smem:$0x3FA9]  }
0x31: {  	[smem:$0x3FB2] =	sst s10  }
0x32: {  	s10 =	sld [smem:$0x3FB0];
	_ =	sdelay $0x3  }
0x33: {  	p0 =	seq.s32 s10, $0x1;
	s10 =	sld [smem:$0x3FB2];
	_ =	sdelay $0x3  }
0x34: {  	[smem:$0x3FB2] =	sst s10  }
0x35: {  	s10 =	sld [smem:$0x3FB1];
	_ =	sdelay $0x3  }
0x36: {  	p1 =	seq.s32 s10, $0x1;
	s10 =	sld [smem:$0x3FB2];
	_ =	sdelay $0x3  }
0x37: {  	[smem:$0x3FB2] =	sst s10  }
0x38: {  	s10 =	sld [smem:$0x3FB3]  }
0x39: {  	_ = 	snop;
	(pc) =	sbr.ind lr, $3  }
0x3a: {  	_ = 	snop  }
0x3b: {  	_ = 	snop  }
0x3c: {  	p2 =	seq.s32 s10, $0x1;
	s10 =	sld [smem:$0x3FB2]  }
0x3d: {  	_ =	shalt  }
0x3e: {  	_ =	shalt  }
0x3f: {  	_ =	shalt  }
0x40: {  	_ =	shalt  }
0x41: {  	_ =	shalt  }
0x42: {  	_ =	shalt  }
0x43: {  	_ =	shalt  }
0x44: {  	_ =	shalt  }
0x45: {  	_ =	shalt  }
0x46: {  	_ =	shalt  }
0x47: {  	_ =	shalt  }
0x48: {  	_ =	shalt  }
0x49: {  	_ =	shalt  }
0x4a: {  	_ =	shalt  }
0x4b: {  	_ =	shalt  }
0x4c: {  	_ =	shalt  }
0x4d: {  	_ =	shalt  }
0x4e: {  	_ =	shalt  }
0x4f: {  	_ =	shalt  }
0x50: {  	_ =	shalt  }
0x51: {  	_ =	shalt  }
0x52: {  	_ =	shalt  }
0x53: {  	_ =	shalt  }
0x54: {  	_ =	shalt  }
0x55: {  	_ =	shalt  }
0x56: {  	_ =	shalt  }
0x57: {  	_ =	shalt  }
0x58: {  	_ =	shalt  }
0x59: {  	_ =	shalt  }
0x5a: {  	_ =	shalt  }
0x5b: {  	_ =	shalt  }
0x5c: {  	_ =	shalt  }
0x5d: {  	_ =	shalt  }
0x5e: {  	_ =	shalt  }
0x5f: {  	_ =	shalt  }
0x60: {  	_ =	shalt  }
0x61: {  	_ =	shalt  }
0x62: {  	_ =	shalt  }
0x63: {  	_ =	shalt  }
0x64: {  	_ =	shalt  }
0x65: {  	_ =	shalt  }
0x66: {  	_ =	shalt  }
0x67: {  	_ =	shalt  }
0x68: {  	_ =	shalt  }
0x69: {  	_ =	shalt  }
0x6a: {  	_ =	shalt  }
0x6b: {  	_ =	shalt  }
0x6c: {  	_ =	shalt  }
0x6d: {  	_ =	shalt  }
0x6e: {  	_ =	shalt  }
0x6f: {  	_ =	shalt  }
0x70: {  	_ =	shalt  }
0x71: {  	_ =	shalt  }
0x72: {  	_ =	shalt  }
0x73: {  	_ =	shalt  }
0x74: {  	_ =	shalt  }
0x75: {  	_ =	shalt  }
0x76: {  	_ =	shalt  }
0x77: {  	_ =	shalt  }
0x78: {  	_ =	shalt  }
0x79: {  	_ =	shalt  }
0x7a: {  	_ =	shalt  }
0x7b: {  	_ =	shalt  }
0x7c: {  	_ =	shalt  }
0x7d: {  	_ =	shalt  }
0x7e: {  	_ =	shalt  }
0x7f: {  	_ =	shalt  }
0x80: {  	_ =	shalt  }
0x81: {  	_ =	shalt  }
0x82: {  	_ =	shalt  }
0x83: {  	_ =	shalt  }
0x84: {  	_ =	shalt  }
0x85: {  	_ =	shalt  }
0x86: {  	_ =	shalt  }
0x87: {  	_ =	shalt  }
.Lfunc_end0:
.L_simem_size_0:
called_computation.4_lowered:
.L_overlay_start_0:
0x88: {  	s2 =	sld [smem:$0x3FD9]  }
0x89: {  	s3 =	sld [smem:$0x3FFE];
	_ =	sdelay $0x1  }
0x8a: {  	s1 =	srdreg.scid  }
0x8b: {  	s0 =	sand.u32 $0x1, s1  }
0x8c: {  	s16 =	sshll.u32 s0, $0xA;
	s2 =	sadd.s32 s3, s2  }
0x8d: {  	s2 =	sadd.s32 s2, s16  }
0x8e: {  	[smem:$0x3FBE] =	sst s2  }
0x8f: {  	_ = 	snop  }
0x90: {  	(tm) =	ssettm $0x1  }
0x91: {  	s17 =	sld [smem:$0x3FFB];
	_ =	sdelay $0x3  }
0x92: {  	_ =	strace s17  }
0x93: {  	s2 =	sld [smem:$0x3FFC];
	_ =	sdelay $0x3  }
0x94: {  	_ =	strace s2  }
0x95: {  	s2 =	sld [smem:$0x3FFD];
	_ =	sdelay $0x3  }
0x96: {  	_ =	strace s2  }
0x97: {  	_ =	strace $0x8FFFFFFF  }
0x98: {  	s18 =	sld [smem:$0x3FDB];
	_ =	sdelay $0x1  }
0x99: {  	s19 =	simm.s32 $_scs_section_size  }
0x9a: {  	s4 =	simm.s32 $_size__tile_overlayer_lowered;
	s5 =	simm.s32 $_tile_overlayer_lowered  }
0x9b: {  	s22 =	simm.s32 $0x1BFF;
	s21 =	sshll.u32 s5, $0x1;
	s2 =	sadd.s32 s19, s18  }
0x9c: {  	s6 =	simm.s32 $0x0;
	s20 =	sshll.u32 s4, $0x1;
	s4 =	sadd.s32 s21, s2  }
0x9d: {  	[timem:s6], [sflag:s22] =	dma.local [hbm:s4], s20  }
0x9e: {  	_ =	swait.ge [sflag:s22], s20  }
0x9f: {  	s3 =	ssub.s32 $0x0, s20;
	[sflag:s22] =	ssyncset.done $0x0  }
0xa0: {  	[sflag:s22] =	ssyncadd.s32 s3;
	_ =	sdelay $0x1  }
0xa1: {  	s23 =	simm.s32 $0x1B8B  }
0xa2: {  	_ =	swait.ge [sflag:s23], $0x1  }
0xa3: {  	[sflag:s23] =	ssyncset.done $0x0  }
0xa4: {  	s25 =	simm.s32 $0x1B8E;
	s24 =	sld [smem:$0x3FFE];
	[sflag:s23] =	ssyncadd.s32 $0xFFFFFFFF  }
0xa5: {  	s26 =	simm.s32 $execute0_lowered;
	[smem:$0x3FD2] =	sst s25  }
0xa6: {  	s4 =	sshll.u32 s26, $0x1;
	_ =	strace $0x80000052;
	[dreg:$0x1] =	wrdreg $0xFFFFFFFF  }
0xa7: {  	s28 =	simm.s32 $_size_execute0_lowered;
	s2 =	sadd.s32 s2, s4;
	[dreg:$0x0] =	wrdreg $0x0  }
0xa8: {  	s4 =	sshll.u32 s28, $0x1;
	[dreg:$0x2] =	wrdreg s2  }
0xa9: {  	[dreg:$0x3] =	wrdreg s4  }
0xaa: {  	[dreg:$0x4] =	wrdreg $0xC0  }
0xab: {  	_ =	task [dreg:s6], $0x5FFFF  }
0xac: {  	[dreg:$0x1] =	wrdreg $0xFFFFFFFF  }
0xad: {  	[dreg:$0x0] =	wrdreg $0x60  }
0xae: {  	[dreg:$0x2] =	wrdreg s24  }
0xaf: {  	[dreg:$0x3] =	wrdreg $0xDD000  }
0xb0: {  	[dreg:$0x4] =	wrdreg $0x9  }
0xb1: {  	_ =	task.clear_ibuf [dreg:s6], $0x5FFFF;
	_ =	strace $0x90000052  }
0xb2: {  	s29 =	simm.s32 $0x9;
	_ =	strace $0x80000054  }
0xb3: {  	_ =	swait.ge [sflag:s29], $0x1  }
0xb4: {  	[sflag:s29] =	ssyncadd.s32 $0xFFFFFFFF  }
0xb5: {  	_ =	strace $0x90000054  }
0xb6: {  	_ =	sfence  }
0xb7: {  	s30 =	sld [smem:$0x0];
	_ =	sdelay $0x2  }
0xb8: {  	s31 =	sshll.u32 s1, $0xD;
	s1 =	sshrl.u32 s1, $0x2  }
0xb9: {  	s3 =	sand.u32 $0x4000, s31;
	s1 =	sadd.s32 s1, s30  }
0xba: {  	s0 =	sor.u32 s3, s0;
	s1 =	sshll.u32 s1, $0x11  }
0xbb: {  	s0 =	sor.u32 s1, s0  }
0xbc: {  	s0 =	sadd.s32 $0x8F2B, s0  }
0xbd: {  	[sflag:s0] =	ssyncadd.remote.s32 $0x1  }
0xbe: {  	_ =	sfence.sel $0xFFFF  }
0xbf: {  	[dreg:$0x0] =	wrdreg $0xFFFFFFFF;
	(pc) =	sbr.abs _section_cstart, $3  }
0xc0: {  	[dreg:$0x1] =	wrdreg $0xFFFFFFFF  }
0xc1: {  	_ =	task.clear_ibuf [dreg:s6], $0x2FFFF;
	_ =	strace $0x9FFFFFFF  }
0xc2: {  	(tm) =	ssettm $0x7FFFFFFF  }
0xc3: {  	_ =	shalt  }
tec
execute0_lowered:
.L_overlay_start_1:
0x0: {  	(tag) =	ssettag $0x1  }
0x1: {  	s0 =	srdreg.scid;
	s5 =	rddreg [dreg:$0x0]  }
0x2: {  	s12 =	stileid.u32;
	s2 =	rddreg [dreg:$0x1]  }
0x3: {  	s3 =	simm.s32 $0x0;
	s14 =	simm.s32 $0x80;
	s15 =	simm.s32 $0x9D00  }
0x4: {  	s16 =	simm.s32 $0xA500;
	s18 =	simm.s32 $0xAD00;
	s20 =	simm.s32 $0xB500  }
0x5: {  	s22 =	simm.s32 $0xBD00;
	s24 =	simm.s32 $0xC500;
	s29 =	simm.s32 $0xD500  }
0x6: {  	s30 =	simm.s32 $0x1;
	s31 =	simm.s32 $0x2;
	s13 =	simm.s32 $0x5  }
0x7: {  	s17 =	simm.s32 $0x6;
	s19 =	simm.s32 $0x8;
	s21 =	simm.s32 $0x0  }
0x8: {  	s0 =	sand.u32 $0x1, s0;
	s1 =	sshll.u32 s12, $0x1;
	s6 =	smul.u32 $0x2800, s12  }
0x9: {  	[smem:$0x7FF] =	sst s3;
	s4 =	sadd.s32 $0x15600, s5;
	s26 =	sshll.u32 s12, $0x6  }
0xa: {  	s12 =	simm.s32 $0x9;
	s1 =	sor.u32 s0, s1;
	s7 =	smul.u32 $0x28000, s0  }
0xb: {  	_ =	strace $0x80000053;
	s0 =	ssub.s32 $0x2, s0;
	s1 =	smul.u32 $0x9D0, s1  }
0xc: {  	s8 =	sshrl.u32 s6, $0x3;
	s9 =	sshrl.u32 s0, $0x1;
	s11 =	sadd.s32 s6, s2  }
0xd: {  	s7 =	sadd.s32 s6, s7;
	s8 =	sadd.s32 s8, s5;
	s0 =	ssub.s32 s0, s9  }
.Ltmp0:
0xe: {  	s6 =	sor.u32 $0x1C09, s26;
	s11 =	sshrl.u32 s11, $0x3;
	(pc) =	sbr.rel .LBB2_1-.Ltmp0, $4  }
0xf: {  	s1 =	sadd.s32 s1, s5;
	s7 =	sshrl.u32 s7, $0x3;
	s25 =	sadd.s32 $0x1A600, s8  }
0x10: {  	s10 =	sadd.s32 s7, s5;
	[dreg:$0x3] =	wrdreg s25;
	s28 =	sadd.s32 $0x33000, s1  }
0x11: {  	s8 =	sadd.s32 $0x1C00, s1;
	s1 =	simm.s32 $0x3;
	[dreg:$0x4] =	wrdreg s28  }
0x12: {  	s9 =	sadd.s32 $0x1F600, s10;
	s10 =	smax.u32 s0, $0x1;
	s0 =	simm.s32 $0x4  }
.LBB2_4:
0x13: {  	_ =	swait.ge [sflag:s30], $0x800  }
0x14: {  	[sflag:s30] =	ssyncset.done $0x0  }
0x15: {  	s5 =	simm.s32 $0x9A80;
	[sflag:s30] =	ssyncadd.s32 $0xFFFFF800  }
0x16: {  	[spmem:s2] =	stream.indirect.scatter.add.f32 [tilespmem:s15], [sflag:$0x9], $0x10, s5, s14, $0xb8;
	[tilespmem:$0x10500] =	vst v63  }
0x17: {  	_ =	swait.ge [sflag:s12], $0x800  }
0x18: {  	[sflag:s12] =	ssyncset.done $0x0  }
0x19: {  	[sflag:s12] =	ssyncadd.s32 $0xFFFFF800  }
0x1a: {  	_ =	swait.ge [sflag:s31], $0x800  }
0x1b: {  	[sflag:s31] =	ssyncset.done $0x0  }
0x1c: {  	s23 =	simm.s32 $0x9B00;
	[sflag:s31] =	ssyncadd.s32 $0xFFFFF800  }
0x1d: {  	[spmem:s2] =	stream.indirect.scatter.add.f32 [tilespmem:s16], [sflag:$0x9], $0x10, s23, s14, $0xb8;
	[tilespmem:$0x10500] =	vst v63  }
0x1e: {  	_ =	swait.ge [sflag:s12], $0x800  }
0x1f: {  	[sflag:s12] =	ssyncset.done $0x0  }
0x20: {  	[sflag:s12] =	ssyncadd.s32 $0xFFFFF800  }
0x21: {  	_ =	swait.ge [sflag:s1], $0x800  }
0x22: {  	[sflag:s1] =	ssyncset.done $0x0  }
0x23: {  	s25 =	simm.s32 $0x9B80;
	[sflag:s1] =	ssyncadd.s32 $0xFFFFF800  }
0x24: {  	[spmem:s2] =	stream.indirect.scatter.add.f32 [tilespmem:s18], [sflag:$0x9], $0x10, s25, s14, $0xb8;
	[tilespmem:$0x10500] =	vst v63  }
0x25: {  	_ =	swait.ge [sflag:s12], $0x800  }
0x26: {  	[sflag:s12] =	ssyncset.done $0x0  }
0x27: {  	[sflag:s12] =	ssyncadd.s32 $0xFFFFF800  }
0x28: {  	_ =	swait.ge [sflag:s0], $0x800  }
0x29: {  	[sflag:s0] =	ssyncset.done $0x0  }
0x2a: {  	s26 =	simm.s32 $0x9C00;
	[sflag:s0] =	ssyncadd.s32 $0xFFFFF800  }
0x2b: {  	[spmem:s2] =	stream.indirect.scatter.add.f32 [tilespmem:s20], [sflag:$0x9], $0x10, s26, s14, $0xb8;
	[tilespmem:$0x10500] =	vst v63  }
0x2c: {  	_ =	swait.ge [sflag:s12], $0x800  }
0x2d: {  	[sflag:s12] =	ssyncset.done $0x0  }
0x2e: {  	[sflag:s12] =	ssyncadd.s32 $0xFFFFF800  }
0x2f: {  	_ =	swait.ge [sflag:s13], $0x800  }
0x30: {  	[sflag:s13] =	ssyncset.done $0x0  }
0x31: {  	s28 =	simm.s32 $0x9C80;
	[sflag:s13] =	ssyncadd.s32 $0xFFFFF800  }
0x32: {  	[spmem:s2] =	stream.indirect.scatter.add.f32 [tilespmem:s22], [sflag:$0x9], $0x10, s28, s14, $0xb8;
	[tilespmem:$0x10500] =	vst v63  }
0x33: {  	_ =	swait.ge [sflag:s12], $0x800  }
0x34: {  	s21 =	sadd.s32 $0x1, s21;
	[sflag:s12] =	ssyncset.done $0x0  }
0x35: {  	p0 =	sne.s32 s21, s10;
	[sflag:s12] =	ssyncadd.s32 $0xFFFFF800  }
.Ltmp1:
0x36: {  	[bflag:$0x0] =	sbarrier.arrive $0xFFFF;
	(pc) =	sbr.rel @!p0 .LBB2_5-.Ltmp1, $4  }
0x37: {  	[hbm:s9], [sflag:s6] =	dma.local [spmem:s11], $0x500  }
0x38: {  	_ =	swait.ge [sflag:s12], $0x500  }
0x39: {  	[sflag:s12] =	ssyncset.done $0x0  }
0x3a: {  	[sflag:s12] =	ssyncadd.s32 $0xFFFFFB00  }
.LBB2_1:
0x3b: {  	s5 =	rddreg [dreg:$0x3]  }
0x3c: {  	[spmem:s11], [sflag:s6] =	dma.local [hbm:s5], $0x500  }
0x3d: {  	_ =	swait.ge [sflag:s12], $0x500  }
0x3e: {  	[sflag:s12] =	ssyncset.done $0x0  }
0x3f: {  	s25 =	rddreg [dreg:$0x4];
	[sflag:s12] =	ssyncadd.s32 $0xFFFFFB00  }
0x40: {  	[tilespmem:s3], [sflag:$0x9] =	stream.linear.gather [hbm4b:s25+s3], $0x4E80, $0x38;
	[tilespmem:$0x10500] =	vst v63  }
0x41: {  	_ =	swait.ge [sflag:s12], $0x4E80  }
0x42: {  	[sflag:s12] =	ssyncset.done $0x0  }
0x43: {  	s26 =	simm.s32 $0x4E80;
	[sflag:s12] =	ssyncadd.s32 $0xFFFFB180  }
0x44: {  	[tilespmem:s26], [sflag:$0x9] =	stream.linear.gather [hbm4b:s8+s3], $0x4E80, $0x38;
	[tilespmem:$0x10500] =	vst v63  }
0x45: {  	_ =	swait.ge [sflag:s12], $0x4E80  }
0x46: {  	[sflag:s12] =	ssyncset.done $0x0  }
0x47: {  	[sflag:s12] =	ssyncadd.s32 $0xFFFFB180  }
0x48: {  	[bflag:$0x0] =	sbarrier.arrive $0xFFFF  }
0x49: {  	[tilespmem:s15], [sflag:$0x1] =	stream.indirect.gather [hbm4b:s4+s14], $0x10, s3, s14, $0xb8;
	[tilespmem:$0x10500] =	vst v63  }
0x4a: {  	_ = 	snop  }
0x4b: {  	[tilespmem:s16], [sflag:$0x2] =	stream.indirect.gather [hbm4b:s4+s14], $0x10, s14, s14, $0xb8;
	[tilespmem:$0x10500] =	vst v63  }
0x4c: {  	s28 =	simm.s32 $0x100  }
0x4d: {  	[tilespmem:s18], [sflag:$0x3] =	stream.indirect.gather [hbm4b:s4+s14], $0x10, s28, s14, $0xb8;
	[tilespmem:$0x10500] =	vst v63  }
0x4e: {  	s7 =	simm.s32 $0x180  }
0x4f: {  	[tilespmem:s20], [sflag:$0x4] =	stream.indirect.gather [hbm4b:s4+s14], $0x10, s7, s14, $0xb8;
	[tilespmem:$0x10500] =	vst v63  }
0x50: {  	s23 =	simm.s32 $0x200  }
0x51: {  	[tilespmem:s22], [sflag:$0x5] =	stream.indirect.gather [hbm4b:s4+s14], $0x10, s23, s14, $0xb8;
	[tilespmem:$0x10500] =	vst v63  }
0x52: {  	s25 =	simm.s32 $0x280  }
0x53: {  	[tilespmem:s24], [sflag:$0x6] =	stream.indirect.gather [hbm4b:s4+s14], $0x10, s25, s14, $0xb8;
	[tilespmem:$0x10500] =	vst v63  }
0x54: {  	s26 =	simm.s32 $0x300;
	s7 =	simm.s32 $0xCD00  }
0x55: {  	[tilespmem:s7], [sflag:$0x7] =	stream.indirect.gather [hbm4b:s4+s14], $0x10, s26, s14, $0xb8;
	[tilespmem:$0x10500] =	vst v63  }
0x56: {  	s28 =	simm.s32 $0x380;
	s23 =	simm.s32 $0x0  }
0x57: {  	[tilespmem:s29], [sflag:$0x8] =	stream.indirect.gather [hbm4b:s4+s14], $0x10, s28, s14, $0xb8;
	[tilespmem:$0x10500] =	vst v63  }
.LBB2_2:
0x58: {  	_ =	swait.ge [sflag:s30], $0x800  }
0x59: {  	s25 =	sshra.s32 s23, $0x2;
	[sflag:s30] =	ssyncset.done $0x0  }
0x5a: {  	s26 =	sadd.s32 $0x4E80, s25;
	[sflag:s30] =	ssyncadd.s32 $0xFFFFF800  }
0x5b: {  	[spmem:s2] =	stream.indirect.scatter.add.f32 [tilespmem:s15], [sflag:$0x9], $0x10, s26, s14, $0xb8;
	[tilespmem:$0x10500] =	vst v63  }
0x5c: {  	_ =	swait.ge [sflag:s12], $0x800  }
0x5d: {  	[sflag:s12] =	ssyncset.done $0x0  }
0x5e: {  	s7 =	sadd.s32 $0x400, s25;
	[sflag:s12] =	ssyncadd.s32 $0xFFFFF800  }
0x5f: {  	[tilespmem:s15], [sflag:$0x1] =	stream.indirect.gather [hbm4b:s4+s14], $0x10, s7, s14, $0xb8;
	[tilespmem:$0x10500] =	vst v63  }
0x60: {  	_ =	swait.ge [sflag:s31], $0x800  }
0x61: {  	[sflag:s31] =	ssyncset.done $0x0  }
0x62: {  	s28 =	sadd.s32 $0x4F00, s25;
	[sflag:s31] =	ssyncadd.s32 $0xFFFFF800  }
0x63: {  	[spmem:s2] =	stream.indirect.scatter.add.f32 [tilespmem:s16], [sflag:$0x9], $0x10, s28, s14, $0xb8;
	[tilespmem:$0x10500] =	vst v63  }
0x64: {  	_ =	swait.ge [sflag:s12], $0x800  }
0x65: {  	[sflag:s12] =	ssyncset.done $0x0  }
0x66: {  	s5 =	sadd.s32 $0x480, s25;
	[sflag:s12] =	ssyncadd.s32 $0xFFFFF800  }
0x67: {  	[tilespmem:s16], [sflag:$0x2] =	stream.indirect.gather [hbm4b:s4+s14], $0x10, s5, s14, $0xb8;
	[tilespmem:$0x10500] =	vst v63  }
0x68: {  	_ =	swait.ge [sflag:s1], $0x800  }
0x69: {  	[sflag:s1] =	ssyncset.done $0x0  }
0x6a: {  	s7 =	sadd.s32 $0x4F80, s25;
	[sflag:s1] =	ssyncadd.s32 $0xFFFFF800  }
0x6b: {  	[spmem:s2] =	stream.indirect.scatter.add.f32 [tilespmem:s18], [sflag:$0x9], $0x10, s7, s14, $0xb8;
	[tilespmem:$0x10500] =	vst v63  }
0x6c: {  	_ =	swait.ge [sflag:s12], $0x800  }
0x6d: {  	[sflag:s12] =	ssyncset.done $0x0  }
0x6e: {  	s28 =	sadd.s32 $0x500, s25;
	[sflag:s12] =	ssyncadd.s32 $0xFFFFF800  }
0x6f: {  	[tilespmem:s18], [sflag:$0x3] =	stream.indirect.gather [hbm4b:s4+s14], $0x10, s28, s14, $0xb8;
	[tilespmem:$0x10500] =	vst v63  }
0x70: {  	_ =	swait.ge [sflag:s0], $0x800  }
0x71: {  	[sflag:s0] =	ssyncset.done $0x0  }
0x72: {  	s5 =	sadd.s32 $0x5000, s25;
	[sflag:s0] =	ssyncadd.s32 $0xFFFFF800  }
0x73: {  	[spmem:s2] =	stream.indirect.scatter.add.f32 [tilespmem:s20], [sflag:$0x9], $0x10, s5, s14, $0xb8;
	[tilespmem:$0x10500] =	vst v63  }
0x74: {  	_ =	swait.ge [sflag:s12], $0x800  }
0x75: {  	[sflag:s12] =	ssyncset.done $0x0  }
0x76: {  	s7 =	sadd.s32 $0x580, s25;
	[sflag:s12] =	ssyncadd.s32 $0xFFFFF800  }
0x77: {  	[tilespmem:s20], [sflag:$0x4] =	stream.indirect.gather [hbm4b:s4+s14], $0x10, s7, s14, $0xb8;
	[tilespmem:$0x10500] =	vst v63  }
0x78: {  	_ =	swait.ge [sflag:s13], $0x800  }
0x79: {  	[sflag:s13] =	ssyncset.done $0x0  }
0x7a: {  	s28 =	sadd.s32 $0x5080, s25;
	[sflag:s13] =	ssyncadd.s32 $0xFFFFF800  }
0x7b: {  	[spmem:s2] =	stream.indirect.scatter.add.f32 [tilespmem:s22], [sflag:$0x9], $0x10, s28, s14, $0xb8;
	[tilespmem:$0x10500] =	vst v63  }
0x7c: {  	_ =	swait.ge [sflag:s12], $0x800  }
0x7d: {  	[sflag:s12] =	ssyncset.done $0x0  }
0x7e: {  	s5 =	sadd.s32 $0x600, s25;
	[sflag:s12] =	ssyncadd.s32 $0xFFFFF800  }
0x7f: {  	[tilespmem:s22], [sflag:$0x5] =	stream.indirect.gather [hbm4b:s4+s14], $0x10, s5, s14, $0xb8;
	[tilespmem:$0x10500] =	vst v63  }
0x80: {  	_ =	swait.ge [sflag:s17], $0x800  }
0x81: {  	[sflag:s17] =	ssyncset.done $0x0  }
0x82: {  	s7 =	sadd.s32 $0x5100, s25;
	[sflag:s17] =	ssyncadd.s32 $0xFFFFF800  }
0x83: {  	[spmem:s2] =	stream.indirect.scatter.add.f32 [tilespmem:s24], [sflag:$0x9], $0x10, s7, s14, $0xb8;
	[tilespmem:$0x10500] =	vst v63  }
0x84: {  	_ =	swait.ge [sflag:s12], $0x800  }
0x85: {  	p0 =	seq.s32 s23, $0x12000;
	[sflag:s12] =	ssyncset.done $0x0  }
0x86: {  	s26 =	simm.s32 @p0 $0x7;
	[sflag:s12] =	ssyncadd.s32 $0xFFFFF800  }
0x87: {  	_ =	swait.ge @p0 [sflag:s26], $0x800  }
0x88: {  	[sflag:s26] =	ssyncset.done @p0 $0x0  }
0x89: {  	[sflag:s26] =	ssyncadd.s32 @p0 $0xFFFFF800;
	s26 =	sshra.s32 @p0 s23, $0x2  }
0x8a: {  	s28 =	simm.s32 @p0 $0x80;
	s5 =	simm.s32 @p0 $0xCD00;
	s26 =	sadd.s32 @p0 $0x5180, s26  }
0x8b: {  	[spmem:s2] =	stream.indirect.scatter.add.f32 @p0 [tilespmem:s5], [sflag:$0x9], $0x10, s26, s28, $0xb8;
	[tilespmem:$0x10500] =	vst v63  }
0x8c: {  	s5 =	simm.s32 @p0 $0x9  }
0x8d: {  	_ =	swait.ge @p0 [sflag:s5], $0x800  }
0x8e: {  	[sflag:s5] =	ssyncset.done @p0 $0x0  }
0x8f: {  	[sflag:s5] =	ssyncadd.s32 @p0 $0xFFFFF800;
	s5 =	sshra.s32 @!p0 s23, $0x2  }
0x90: {  	s7 =	simm.s32 @!p0 $0xC500;
	s28 =	simm.s32 @!p0 $0x80;
	s26 =	sadd.s32 @!p0 $0x680, s5  }
0x91: {  	[tilespmem:s7], [sflag:$0x6] =	stream.indirect.gather @!p0 [hbm4b:s4+s28], $0x10, s26, s28, $0xb8;
	[tilespmem:$0x10500] =	vst v63  }
0x92: {  	s7 =	simm.s32 @!p0 $0x7  }
0x93: {  	_ =	swait.ge @!p0 [sflag:s7], $0x800  }
0x94: {  	[sflag:s7] =	ssyncset.done @!p0 $0x0  }
0x95: {  	s26 =	simm.s32 @!p0 $0xCD00;
	[sflag:s7] =	ssyncadd.s32 @!p0 $0xFFFFF800;
	s7 =	sadd.s32 @!p0 $0x5180, s5  }
0x96: {  	[spmem:s2] =	stream.indirect.scatter.add.f32 @!p0 [tilespmem:s26], [sflag:$0x9], $0x10, s7, s28, $0xb8;
	[tilespmem:$0x10500] =	vst v63  }
0x97: {  	s7 =	simm.s32 @!p0 $0x9  }
0x98: {  	_ =	swait.ge @!p0 [sflag:s7], $0x800  }
0x99: {  	[sflag:s7] =	ssyncset.done @!p0 $0x0  }
0x9a: {  	s5 =	sadd.s32 @!p0 $0x700, s5;
	[sflag:s7] =	ssyncadd.s32 @!p0 $0xFFFFF800  }
0x9b: {  	[tilespmem:s26], [sflag:$0x7] =	stream.indirect.gather @!p0 [hbm4b:s4+s28], $0x10, s5, s28, $0xb8;
	[tilespmem:$0x10500] =	vst v63  }
0x9c: {  	_ =	swait.ge [sflag:s19], $0x800  }
0x9d: {  	[sflag:s19] =	ssyncset.done $0x0  }
.Ltmp2:
0x9e: {  	s28 =	sadd.s32 $0x5200, s25;
	[sflag:s19] =	ssyncadd.s32 $0xFFFFF800;
	(pc) =	sbr.rel @p0 .LBB2_4-.Ltmp2, $4  }
0x9f: {  	[spmem:s2] =	stream.indirect.scatter.add.f32 [tilespmem:s29], [sflag:$0x9], $0x10, s28, s14, $0xb8;
	[tilespmem:$0x10500] =	vst v63  }
0xa0: {  	_ =	swait.ge [sflag:s12], $0x800  }
0xa1: {  	[sflag:s12] =	ssyncset.done $0x0  }
0xa2: {  	[sflag:s12] =	ssyncadd.s32 $0xFFFFF800  }
.Ltmp3:
0xa3: {  	(pc) =	sbr.rel .LBB2_2-.Ltmp3, $3  }
0xa4: {  	_ =	sdelay $0x1  }
0xa5: {  	s5 =	sadd.s32 $0x780, s25;
	s23 =	sadd.s32 $0x1000, s23  }
0xa6: {  	[tilespmem:s29], [sflag:$0x8] =	stream.indirect.gather [hbm4b:s4+s14], $0x10, s5, s14, $0xb8;
	[tilespmem:$0x10500] =	vst v63  }
.LBB2_5:
0xa7: {  	_ =	sfence.sel $0x180000  }
0xa8: {  	[bflag:$0x0] =	sbarrier.arrive $0xFFFF  }
0xa9: {  	_ =	strace $0x90000053  }
0xaa: {  	s0 =	stileid.u32;
	[bflag:$0x2] =	sbarrier.arrive $0xFFFF  }
0xab: {  	p0 =	sne.s32 s0, $0x0;
	s0 =	rddreg [dreg:$0x2]  }
0xac: {  	s0 =	sadd.s32 @!p0 $0x100000, s0  }
0xad: {  	[sflag:s0] =	ssyncadd.tile.s32 @!p0 $0x1;
	_ =	shalt  }
.Lfunc_end2:
_tile_overlayer_lowered:
.L_overlay_start_2:
0xae: {  	(tag) =	ssettag $0x2  }
0xaf: {  	s0 =	rddreg [dreg:$0x0];
	s2 =	stileid.u32  }
0xb0: {  	s1 =	rddreg [dreg:$0x1];
	p0 =	sne.s32 s2, $0x0  }
0xb1: {  	s3 =	rddreg [dreg:$0x2];
	[bflag:$0x3] =	sbarrier.arrive $0xFFFF;
	s2 =	simm.s32 @!p0 $0x1C09  }
0xb2: {  	[timem:s3], [sflag:s2] =	dma.local @!p0 [hbm:s0], s1  }
0xb3: {  	s0 =	simm.s32 @!p0 $0x9  }
0xb4: {  	_ =	swait.ge @!p0 [sflag:s0], s1  }
0xb5: {  	s1 =	ssub.s32 @!p0 $0x0, s1;
	[sflag:s0] =	ssyncset.done @!p0 $0x0  }
0xb6: {  	[sflag:s0] =	ssyncadd.s32 @!p0 s1  }
0xb7: {  	[bflag:$0x3] =	sbarrier.arrive $0xFFFF  }
0xb8: {  	_ =	shalt  }

</sc_bundles>
